<compile_context>
chip_gen: v7x
topology: tpu7x:2x2x1
jax: 0.10.2.dev20260603
libtpu: 0.0.44.dev20260713+nightly
codegen_flags: <defaults>
</compile_context>

<pallas_src>
import jax
import jax.numpy as jnp
from jax import lax
from jax.experimental import pallas as pl
from jax.experimental.pallas import tpu as pltpu
from jax.experimental.pallas import tpu_sc as plsc

_N = 10000
_M = 10240
_D = 128
_NT = 32
_CHUNK = 64
_STG = 8
_RPT = _M // 16



def _tc1_body(x_ref, wz_ref, bz_ref, wh_ref, bh_ref, wg1_ref, hgru_ref, g1_ref):
    x = x_ref[...]
    z = jax.nn.sigmoid(
        jnp.dot(x, wz_ref[...], preferred_element_type=jnp.float32) + bz_ref[...])
    ht = jnp.tanh(
        jnp.dot(x, wh_ref[...], preferred_element_type=jnp.float32) + bh_ref[...])
    hg = z * ht
    hgru_ref[...] = hg
    g1_ref[...] = jnp.dot(hg, wg1_ref[...], preferred_element_type=jnp.float32)


def _inv_deg(degp_ref):
    deg = degp_ref[0, :, 0:1] + degp_ref[1, :, 0:1]
    return 1.0 / jnp.maximum(deg, 1.0)


def _tc2_body(p_ref, degp_ref, bg1_ref, wg2_ref, g2_ref):
    inv = _inv_deg(degp_ref)
    h1 = jax.nn.relu((p_ref[0, :, :] + p_ref[1, :, :]) * inv + bg1_ref[...])
    g2_ref[...] = jnp.dot(h1, wg2_ref[...], preferred_element_type=jnp.float32)


def _tc3_body(p_ref, degp_ref, bg2_ref, hgru_ref, wout_ref, bout_ref, out_ref):
    inv = _inv_deg(degp_ref)
    h2 = jax.nn.relu((p_ref[0, :, :] + p_ref[1, :, :]) * inv + bg2_ref[...])
    fused = 0.5 * (hgru_ref[...] + h2)
    out_ref[...] = (
        jnp.dot(fused, wout_ref[...], preferred_element_type=jnp.float32)
        + bout_ref[...])


def _tc1(x, wz, bz, wh, bh, wg1):
    return pl.pallas_call(
        _tc1_body,
        out_shape=(jax.ShapeDtypeStruct((_M, _D), jnp.float32),
                   jax.ShapeDtypeStruct((_M, _D), jnp.float32)),
    )(x, wz, bz, wh, bh, wg1)


def _tc2(parts, degp, bg1, wg2):
    return pl.pallas_call(
        _tc2_body,
        out_shape=jax.ShapeDtypeStruct((_M, _D), jnp.float32),
    )(parts, degp, bg1, wg2)


def _tc3(parts, degp, bg2, hgru, wout, bout):
    return pl.pallas_call(
        _tc3_body,
        out_shape=jax.ShapeDtypeStruct((_M, _D), jnp.float32),
    )(parts, degp, bg2, hgru, wout, bout)



def _sc_mesh():
    return plsc.VectorSubcoreMesh(core_axis_name="c", subcore_axis_name="s")


def _zero_fill(buf, rows):
    zv = jnp.zeros((16,), jnp.float32)

    def zrow(i, carry):
        for j in range(_D // 16):
            buf[i, pl.ds(j * 16, 16)] = zv
        return carry
    lax.fori_loop(0, rows, zrow, 0)


def _make_conv(cpt0: int, cpt1: int):
    assert cpt0 % _STG == 0 and cpt1 % _STG == 0

    scratch = [
        pltpu.VMEM((_STG, _CHUNK), jnp.int32),
        pltpu.VMEM((_STG, _CHUNK), jnp.int32),
        pltpu.VMEM((_CHUNK, _D), jnp.float32),
        pltpu.VMEM((_CHUNK, _D), jnp.float32),
        pltpu.VMEM((_CHUNK, _D), jnp.float32),
        pltpu.VMEM_SHARED((_M, _D), jnp.float32),
        pltpu.SemaphoreType.DMA,
        pltpu.SemaphoreType.DMA,
        pltpu.SemaphoreType.DMA,
        pltpu.SemaphoreType.DMA,
        pltpu.SemaphoreType.DMA,
        pltpu.SemaphoreType.DMA,
    ]

    def body(g_hbm, srcA, dstA, srcB, dstB, part_out, idx_s, idx_d,
             gbuf0, gbuf1, gbuf2, acc,
             gsem0, gsem1, gsem2, ssem0, ssem1, ssem2):
        cid = lax.axis_index("c")
        sid = lax.axis_index("s")
        bufs = (gbuf0, gbuf1, gbuf2)
        gsems = (gsem0, gsem1, gsem2)
        ssems = (ssem0, ssem1, ssem2)

        _zero_fill(gbuf0, _CHUNK)
        base = pl.multiple_of(sid * _RPT, _CHUNK)
        for k in range(_RPT // _CHUNK):
            pltpu.sync_copy(gbuf0, acc.at[pl.ds(base + k * _CHUNK, _CHUNK)])
        plsc.subcore_barrier()

        def run_edges(src_hbm, dst_hbm, nstg):
            def stage_body(s, carry):
                stg = pl.ds(s * _STG, _STG)
                pltpu.sync_copy(src_hbm.at[sid, stg], idx_s)
                pltpu.sync_copy(dst_hbm.at[sid, stg], idx_d)

                g = [None] * _STG
                sc = [None] * _STG
                g[0] = pltpu.async_copy(g_hbm.at[idx_s.at[0]], bufs[0], gsems[0])
                g[1] = pltpu.async_copy(g_hbm.at[idx_s.at[1]], bufs[1], gsems[1])
                for j in range(_STG):
                    p = j % 3
                    g[j].wait()
                    sc[j] = pltpu.async_copy(
                        bufs[p], acc.at[idx_d.at[j]], ssems[p], add=True)
                    if j + 2 < _STG:
                        q = (j + 2) % 3
                        if j >= 1:
                            sc[j - 1].wait()
                        g[j + 2] = pltpu.async_copy(
                            g_hbm.at[idx_s.at[j + 2]], bufs[q], gsems[q])
                sc[_STG - 2].wait()
                sc[_STG - 1].wait()
                return carry
            lax.fori_loop(0, nstg, stage_body, 0)

        @pl.when(cid == 0)
        def _():
            run_edges(srcA, dstA, cpt0 // _STG)

        @pl.when(cid == 1)
        def _():
            run_edges(srcB, dstB, cpt1 // _STG)

        plsc.subcore_barrier()

        for k in range(_RPT // _CHUNK):
            sl = pl.ds(base + k * _CHUNK, _CHUNK)
            pltpu.sync_copy(acc.at[sl], part_out.at[cid, sl])

    return pl.kernel(
        body,
        mesh=_sc_mesh(),
        out_type=jax.ShapeDtypeStruct((2, _M, _D), jnp.float32),
        scratch_types=scratch,
    )


def _make_deg(cpt: int):
    assert cpt % _STG == 0
    nstg = cpt // _STG

    scratch = [
        pltpu.VMEM((_STG, _CHUNK), jnp.int32),
        pltpu.VMEM((_CHUNK, _D), jnp.float32),
        pltpu.VMEM_SHARED((_M, _D), jnp.float32),
        pltpu.SemaphoreType.DMA,
        pltpu.SemaphoreType.DMA,
    ]

    def body(dst_hbm, deg_out, idx_d, obuf, dacc, ssem0, ssem1):
        cid = lax.axis_index("c")
        sid = lax.axis_index("s")
        wid = sid * 2 + cid
        ssems = (ssem0, ssem1)

        _zero_fill(obuf, _CHUNK)
        base = pl.multiple_of(sid * _RPT, _CHUNK)
        for k in range(_RPT // _CHUNK):
            pltpu.sync_copy(obuf, dacc.at[pl.ds(base + k * _CHUNK, _CHUNK)])

        ov = jnp.ones((16,), jnp.float32)

        def orow(i, carry):
            for j in range(_D // 16):
                obuf[i, pl.ds(j * 16, 16)] = ov
            return carry
        lax.fori_loop(0, _CHUNK, orow, 0)
        plsc.subcore_barrier()

        def stage_body(s, carry):
            pltpu.sync_copy(dst_hbm.at[wid, pl.ds(s * _STG, _STG)], idx_d)
            prev = None
            for j in range(_STG):
                cur = pltpu.async_copy(
                    obuf, dacc.at[idx_d.at[j]], ssems[j % 2], add=True)
                if prev is not None:
                    prev.wait()
                prev = cur
            prev.wait()
            return carry
        lax.fori_loop(0, nstg, stage_body, 0)
        plsc.subcore_barrier()

        for k in range(_RPT // _CHUNK):
            sl = pl.ds(base + k * _CHUNK, _CHUNK)
            pltpu.sync_copy(dacc.at[sl], deg_out.at[cid, sl])

    return pl.kernel(
        body,
        mesh=_sc_mesh(),
        out_type=jax.ShapeDtypeStruct((2, _M, _D), jnp.float32),
        scratch_types=scratch,
    )



def kernel(node_features, edge_index, W_r, b_r, W_z, b_z, W_h, b_h,
           W_g1, b_g1, W_g2, b_g2, W_out, b_out):
    E = edge_index.shape[1]
    cpt = -(-E // (_NT * _CHUNK))
    cpt = -(-cpt // _STG) * _STG
    e_pad = _NT * cpt * _CHUNK
    cpt0 = cpt
    cpt1 = cpt

    src = edge_index[0].astype(jnp.int32)
    dst = edge_index[1].astype(jnp.int32)
    pad = e_pad - E
    src_p = jnp.concatenate([src, jnp.zeros((pad,), jnp.int32)])
    dst_p = jnp.concatenate([dst, jnp.full((pad,), _N, jnp.int32)])
    dst3 = dst_p.reshape(_NT, cpt, _CHUNK)
    n0 = 16 * cpt0 * _CHUNK
    srcA = src_p[:n0].reshape(16, cpt0, _CHUNK)
    dstA = dst_p[:n0].reshape(16, cpt0, _CHUNK)
    srcB = src_p[n0:].reshape(16, cpt1, _CHUNK)
    dstB = dst_p[n0:].reshape(16, cpt1, _CHUNK)

    x = jnp.pad(node_features, ((0, _M - _N), (0, 0)))
    wz1 = W_z[:_D]
    wh1 = W_h[:_D]
    bz = b_z.reshape(1, _D)
    bh = b_h.reshape(1, _D)
    bg1 = b_g1.reshape(1, _D)
    bg2 = b_g2.reshape(1, _D)
    bout = b_out.reshape(1, _D)

    conv = _make_conv(cpt0, cpt1)
    deg = _make_deg(cpt)

    degp = deg(dst3)
    h_gru, g1 = _tc1(x, wz1, bz, wh1, bh, W_g1)
    parts1 = conv(g1, srcA, dstA, srcB, dstB)
    g2 = _tc2(parts1, degp, bg1, W_g2)
    parts2 = conv(g2, srcA, dstA, srcB, dstB)
    out_pad = _tc3(parts2, degp, bg2, h_gru, W_out, bout)
    return out_pad[:_N]

# --- scband reference (transcript-rebuilt; emitter-appended) ---
"""Pipeline reference for scband-gru-gnn-90391881711716 (READ-ONLY COPY).

The authoritative reference and input builder live on the scoring server;
editing this copy changes nothing except your own understanding.
"""

import jax, jax.numpy as jnp
import numpy as np

N = 10000
E = 320000
D_IN = 128
D_HID = 128
D_OUT = 128
ALPHA = 0.5


def _linear(x, W, b):
    return x @ W + b


def _gru(x_t, h_prev, W_r, b_r, W_z, b_z, W_h, b_h):
    combined = jnp.concatenate([x_t, h_prev], axis=1)
    r_t = jax.nn.sigmoid(_linear(combined, W_r, b_r))
    z_t = jax.nn.sigmoid(_linear(combined, W_z, b_z))
    combined_reset = jnp.concatenate([x_t, r_t * h_prev], axis=1)
    h_tilde = jnp.tanh(_linear(combined_reset, W_h, b_h))
    h_t = (1.0 - z_t) * h_prev + z_t * h_tilde
    return h_t


def _graph_conv(h, src, dst, W, b):
    # copy_u + mean aggregation over incoming edges (dst side)
    msgs = jnp.take(h, src, axis=0)
    agg = jax.ops.segment_sum(msgs, dst, num_segments=N)
    deg = jax.ops.segment_sum(jnp.ones((msgs.shape[0],), dtype=h.dtype), dst, num_segments=N)
    h_neigh = agg / jnp.maximum(deg, 1.0)[:, None]
    return jax.nn.relu(_linear(h_neigh, W, b))


def setup_inputs(seed: int = 0) -> dict:
    key = jax.random.key(seed)
    ks = jax.random.split(key, 16)
    inp = {}
    inp["node_features"] = jax.random.normal(ks[0], (N, D_IN), dtype=jnp.float32)
    inp["edge_index"] = jax.random.randint(ks[1], (2, E), 0, N, dtype=jnp.int32).astype(jnp.int64)
    s = 0.05
    inp["W_r"] = jax.random.normal(ks[2], (D_IN + D_HID, D_HID), dtype=jnp.float32) * s
    inp["b_r"] = jnp.zeros((D_HID,), dtype=jnp.float32)
    inp["W_z"] = jax.random.normal(ks[3], (D_IN + D_HID, D_HID), dtype=jnp.float32) * s
    inp["b_z"] = jnp.zeros((D_HID,), dtype=jnp.float32)
    inp["W_h"] = jax.random.normal(ks[4], (D_IN + D_HID, D_HID), dtype=jnp.float32) * s
    inp["b_h"] = jnp.zeros((D_HID,), dtype=jnp.float32)
    inp["W_g1"] = jax.random.normal(ks[5], (D_HID, D_HID), dtype=jnp.float32) * s
    inp["b_g1"] = jnp.zeros((D_HID,), dtype=jnp.float32)
    inp["W_g2"] = jax.random.normal(ks[6], (D_HID, D_HID), dtype=jnp.float32) * s
    inp["b_g2"] = jnp.zeros((D_HID,), dtype=jnp.float32)
    inp["W_out"] = jax.random.normal(ks[7], (D_HID, D_OUT), dtype=jnp.float32) * s
    inp["b_out"] = jnp.zeros((D_OUT,), dtype=jnp.float32)
    return inp


def reference(node_features, edge_index, W_r, b_r, W_z, b_z, W_h, b_h,
              W_g1, b_g1, W_g2, b_g2, W_out, b_out):
    src = edge_index[0].astype(jnp.int32)
    dst = edge_index[1].astype(jnp.int32)
    h0 = jnp.zeros((node_features.shape[0], D_HID), dtype=node_features.dtype)
    h_gru = _gru(node_features, h0, W_r, b_r, W_z, b_z, W_h, b_h)
    h_gnn = h_gru
    h_gnn = _graph_conv(h_gnn, src, dst, W_g1, b_g1)
    h_gnn = _graph_conv(h_gnn, src, dst, W_g2, b_g2)
    h_fused = ALPHA * h_gru + (1.0 - ALPHA) * h_gnn
    h_out = _linear(h_fused, W_out, b_out)
    return h_out

if __name__ == "__main__":
    import jax
    _d = setup_inputs()
    print(jax.jit(kernel)(*tuple(_d.values())))

</pallas_src>

<mosaic_0001>
#map = affine_map<(d0, d1) -> (0, 0)>
#map1 = affine_map<(d0, d1) -> (0, 0, 0)>
module attributes {stable_mosaic.version = 14 : i64} {
  func.func @body(%arg0: i32, %arg1: i32, %arg2: memref<10240x128xf32, #tpu.memory_space<hbm>>, %arg3: memref<16x160x64xi32, #tpu.memory_space<hbm>>, %arg4: memref<16x160x64xi32, #tpu.memory_space<hbm>>, %arg5: memref<16x160x64xi32, #tpu.memory_space<hbm>>, %arg6: memref<16x160x64xi32, #tpu.memory_space<hbm>>, %arg7: memref<2x10240x128xf32, #tpu.memory_space<hbm>>, %arg8: memref<8x64xi32, #tpu.memory_space<vmem>>, %arg9: memref<8x64xi32, #tpu.memory_space<vmem>>, %arg10: memref<64x128xf32, #tpu.memory_space<vmem>>, %arg11: memref<64x128xf32, #tpu.memory_space<vmem>>, %arg12: memref<64x128xf32, #tpu.memory_space<vmem>>, %arg13: memref<10240x128xf32, #tpu.memory_space<vmem_shared>>, %arg14: memref<!tpu.dma_semaphore, #tpu.memory_space<semaphore_mem>>, %arg15: memref<!tpu.dma_semaphore, #tpu.memory_space<semaphore_mem>>, %arg16: memref<!tpu.dma_semaphore, #tpu.memory_space<semaphore_mem>>, %arg17: memref<!tpu.dma_semaphore, #tpu.memory_space<semaphore_mem>>, %arg18: memref<!tpu.dma_semaphore, #tpu.memory_space<semaphore_mem>>, %arg19: memref<!tpu.dma_semaphore, #tpu.memory_space<semaphore_mem>>) attributes {dimension_semantics = [#tpu.dimension_semantics<core_parallel>, #tpu.dimension_semantics<subcore_parallel>], iteration_bounds = array<i64: 2, 16>, scalar_prefetch = 0 : i64, scratch_operands = 12 : i64, tpu.core_type = #tpu.core_type<sc_vector_subcore>, window_params = [{transform_indices = #map}, {transform_indices = #map1}, {transform_indices = #map1}, {transform_indices = #map1}, {transform_indices = #map1}, {transform_indices = #map1}]} {
    %broadcast_in_dim3A = arith.constant 0.000000e+00 : f32
    %broadcast_in_dim3A_0 = vector.broadcast %broadcast_in_dim3A : f32 to vector<16xf32>
    %scan3A = arith.constant 0 : i32
    %scan3A_1 = arith.constant 0 : i32
    %scan3A_2 = arith.constant 64 : i32
    %scan3A_3 = arith.addi %scan3A_1, %scan3A_2 : i32
    %scan3A_4 = arith.constant 1 : i32
    scf.for %scan3A_54 = %scan3A_1 to %scan3A_3 step %scan3A_4  : i32 {
      %swap3A = arith.index_cast %scan3A_54 : i32 to index
      %swap3A_55 = arith.constant 0 : index
      %swap3A_56 = tpu.vector_load %arg10[%swap3A, %swap3A_55] {strides = array<i32>} : memref<64x128xf32, #tpu.memory_space<vmem>>, vector<1x16xf32>,
      %swap3A_57 = vector.shape_cast %swap3A_56 : vector<1x16xf32> to vector<16xf32>
      %swap3A_58 = vector.shape_cast %broadcast_in_dim3A_0 : vector<16xf32> to vector<1x16xf32>
      tpu.vector_store %arg10[%swap3A, %swap3A_55], %swap3A_58 {strides = array<i32>} : memref<64x128xf32, #tpu.memory_space<vmem>>, vector<1x16xf32>,
      %swap3A_59 = arith.index_cast %scan3A_54 : i32 to index
      %swap3A_60 = arith.constant 16 : index
      %swap3A_61 = tpu.vector_load %arg10[%swap3A_59, %swap3A_60] {strides = array<i32>} : memref<64x128xf32, #tpu.memory_space<vmem>>, vector<1x16xf32>,
      %swap3A_62 = vector.shape_cast %swap3A_61 : vector<1x16xf32> to vector<16xf32>
      %swap3A_63 = vector.shape_cast %broadcast_in_dim3A_0 : vector<16xf32> to vector<1x16xf32>
      tpu.vector_store %arg10[%swap3A_59, %swap3A_60], %swap3A_63 {strides = array<i32>} : memref<64x128xf32, #tpu.memory_space<vmem>>, vector<1x16xf32>,
      %swap3A_64 = arith.index_cast %scan3A_54 : i32 to index
      %swap3A_65 = arith.constant 32 : index
      %swap3A_66 = tpu.vector_load %arg10[%swap3A_64, %swap3A_65] {strides = array<i32>} : memref<64x128xf32, #tpu.memory_space<vmem>>, vector<1x16xf32>,
      %swap3A_67 = vector.shape_cast %swap3A_66 : vector<1x16xf32> to vector<16xf32>
      %swap3A_68 = vector.shape_cast %broadcast_in_dim3A_0 : vector<16xf32> to vector<1x16xf32>
      tpu.vector_store %arg10[%swap3A_64, %swap3A_65], %swap3A_68 {strides = array<i32>} : memref<64x128xf32, #tpu.memory_space<vmem>>, vector<1x16xf32>,
      %swap3A_69 = arith.index_cast %scan3A_54 : i32 to index
      %swap3A_70 = arith.constant 48 : index
      %swap3A_71 = tpu.vector_load %arg10[%swap3A_69, %swap3A_70] {strides = array<i32>} : memref<64x128xf32, #tpu.memory_space<vmem>>, vector<1x16xf32>,
      %swap3A_72 = vector.shape_cast %swap3A_71 : vector<1x16xf32> to vector<16xf32>
      %swap3A_73 = vector.shape_cast %broadcast_in_dim3A_0 : vector<16xf32> to vector<1x16xf32>
      tpu.vector_store %arg10[%swap3A_69, %swap3A_70], %swap3A_73 {strides = array<i32>} : memref<64x128xf32, #tpu.memory_space<vmem>>, vector<1x16xf32>,
      %swap3A_74 = arith.index_cast %scan3A_54 : i32 to index
      %swap3A_75 = arith.constant 64 : index
      %swap3A_76 = tpu.vector_load %arg10[%swap3A_74, %swap3A_75] {strides = array<i32>} : memref<64x128xf32, #tpu.memory_space<vmem>>, vector<1x16xf32>,
      %swap3A_77 = vector.shape_cast %swap3A_76 : vector<1x16xf32> to vector<16xf32>
      %swap3A_78 = vector.shape_cast %broadcast_in_dim3A_0 : vector<16xf32> to vector<1x16xf32>
      tpu.vector_store %arg10[%swap3A_74, %swap3A_75], %swap3A_78 {strides = array<i32>} : memref<64x128xf32, #tpu.memory_space<vmem>>, vector<1x16xf32>,
      %swap3A_79 = arith.index_cast %scan3A_54 : i32 to index
      %swap3A_80 = arith.constant 80 : index
      %swap3A_81 = tpu.vector_load %arg10[%swap3A_79, %swap3A_80] {strides = array<i32>} : memref<64x128xf32, #tpu.memory_space<vmem>>, vector<1x16xf32>,
      %swap3A_82 = vector.shape_cast %swap3A_81 : vector<1x16xf32> to vector<16xf32>
      %swap3A_83 = vector.shape_cast %broadcast_in_dim3A_0 : vector<16xf32> to vector<1x16xf32>
      tpu.vector_store %arg10[%swap3A_79, %swap3A_80], %swap3A_83 {strides = array<i32>} : memref<64x128xf32, #tpu.memory_space<vmem>>, vector<1x16xf32>,
      %swap3A_84 = arith.index_cast %scan3A_54 : i32 to index
      %swap3A_85 = arith.constant 96 : index
      %swap3A_86 = tpu.vector_load %arg10[%swap3A_84, %swap3A_85] {strides = array<i32>} : memref<64x128xf32, #tpu.memory_space<vmem>>, vector<1x16xf32>,
      %swap3A_87 = vector.shape_cast %swap3A_86 : vector<1x16xf32> to vector<16xf32>
      %swap3A_88 = vector.shape_cast %broadcast_in_dim3A_0 : vector<16xf32> to vector<1x16xf32>
      tpu.vector_store %arg10[%swap3A_84, %swap3A_85], %swap3A_88 {strides = array<i32>} : memref<64x128xf32, #tpu.memory_space<vmem>>, vector<1x16xf32>,
      %swap3A_89 = arith.index_cast %scan3A_54 : i32 to index
      %swap3A_90 = arith.constant 112 : index
      %swap3A_91 = tpu.vector_load %arg10[%swap3A_89, %swap3A_90] {strides = array<i32>} : memref<64x128xf32, #tpu.memory_space<vmem>>, vector<1x16xf32>,
      %swap3A_92 = vector.shape_cast %swap3A_91 : vector<1x16xf32> to vector<16xf32>
      %swap3A_93 = vector.shape_cast %broadcast_in_dim3A_0 : vector<16xf32> to vector<1x16xf32>
      tpu.vector_store %arg10[%swap3A_89, %swap3A_90], %swap3A_93 {strides = array<i32>} : memref<64x128xf32, #tpu.memory_space<vmem>>, vector<1x16xf32>,
    }
    %scan3A_5 = arith.constant 64 : i32
    %mul3A = arith.constant 640 : i32
    %mul3A_6 = arith.muli %arg1, %mul3A : i32
    %multiple_of3A = tpu.assume_multiple %mul3A_6, 64 : i32
    %add3A = arith.constant 0 : i32
    %add3A_7 = arith.addi %multiple_of3A, %add3A : i32
    "tpu.region"() ({
      %run_scoped3A = tpu.sem_alloc : memref<!tpu.dma_semaphore, #tpu.memory_space<semaphore_mem>>
      %dma_start3A = arith.constant 0 : i32
      %dma_start3A_54 = tpu.memref_slice %arg13[%add3A_7, %dma_start3A] : memref<10240x128xf32, #tpu.memory_space<vmem_shared>> -> memref<64x128xf32, #tpu.memory_space<vmem_shared>>
      %dma_start3A_55 = arith.constant 0 : i32
      %dma_start3A_56 = tpu.memref_slice %arg13[%add3A_7, %dma_start3A_55] : memref<10240x128xf32, #tpu.memory_space<vmem_shared>> -> memref<64x128xf32, #tpu.memory_space<vmem_shared>>
      tpu.enqueue_dma source(%arg10 : memref<64x128xf32, #tpu.memory_space<vmem>>) target(%dma_start3A_56 : memref<64x128xf32, #tpu.memory_space<vmem_shared>>) target_semaphore(%run_scoped3A : memref<!tpu.dma_semaphore, #tpu.memory_space<semaphore_mem>>)
      %dma_wait3A = arith.constant 0 : i32
      %dma_wait3A_57 = tpu.memref_slice %arg13[%add3A_7, %dma_wait3A] : memref<10240x128xf32, #tpu.memory_space<vmem_shared>> -> memref<64x128xf32, #tpu.memory_space<vmem_shared>>
      %dma_wait3A_58 = arith.constant 0 : i32
      %dma_wait3A_59 = tpu.memref_slice %arg13[%add3A_7, %dma_wait3A_58] : memref<10240x128xf32, #tpu.memory_space<vmem_shared>> -> memref<64x128xf32, #tpu.memory_space<vmem_shared>>
      tpu.wait_dma2 semaphore(%run_scoped3A : memref<!tpu.dma_semaphore, #tpu.memory_space<semaphore_mem>>) src(%arg10 : memref<64x128xf32, #tpu.memory_space<vmem>>) dst(%dma_wait3A_59 : memref<64x128xf32, #tpu.memory_space<vmem_shared>>)
      tpu.yield
    }) : () -> ()
    %add3A_8 = arith.constant 64 : i32
    %add3A_9 = arith.addi %multiple_of3A, %add3A_8 : i32
    "tpu.region"() ({
      %run_scoped3A = tpu.sem_alloc : memref<!tpu.dma_semaphore, #tpu.memory_space<semaphore_mem>>
      %dma_start3A = arith.constant 0 : i32
      %dma_start3A_54 = tpu.memref_slice %arg13[%add3A_9, %dma_start3A] : memref<10240x128xf32, #tpu.memory_space<vmem_shared>> -> memref<64x128xf32, #tpu.memory_space<vmem_shared>>
      %dma_start3A_55 = arith.constant 0 : i32
      %dma_start3A_56 = tpu.memref_slice %arg13[%add3A_9, %dma_start3A_55] : memref<10240x128xf32, #tpu.memory_space<vmem_shared>> -> memref<64x128xf32, #tpu.memory_space<vmem_shared>>
      tpu.enqueue_dma source(%arg10 : memref<64x128xf32, #tpu.memory_space<vmem>>) target(%dma_start3A_56 : memref<64x128xf32, #tpu.memory_space<vmem_shared>>) target_semaphore(%run_scoped3A : memref<!tpu.dma_semaphore, #tpu.memory_space<semaphore_mem>>)
      %dma_wait3A = arith.constant 0 : i32
      %dma_wait3A_57 = tpu.memref_slice %arg13[%add3A_9, %dma_wait3A] : memref<10240x128xf32, #tpu.memory_space<vmem_shared>> -> memref<64x128xf32, #tpu.memory_space<vmem_shared>>
      %dma_wait3A_58 = arith.constant 0 : i32
      %dma_wait3A_59 = tpu.memref_slice %arg13[%add3A_9, %dma_wait3A_58] : memref<10240x128xf32, #tpu.memory_space<vmem_shared>> -> memref<64x128xf32, #tpu.memory_space<vmem_shared>>
      tpu.wait_dma2 semaphore(%run_scoped3A : memref<!tpu.dma_semaphore, #tpu.memory_space<semaphore_mem>>) src(%arg10 : memref<64x128xf32, #tpu.memory_space<vmem>>) dst(%dma_wait3A_59 : memref<64x128xf32, #tpu.memory_space<vmem_shared>>)
      tpu.yield
    }) : () -> ()
    %add3A_10 = arith.constant 128 : i32
    %add3A_11 = arith.addi %multiple_of3A, %add3A_10 : i32
    "tpu.region"() ({
      %run_scoped3A = tpu.sem_alloc : memref<!tpu.dma_semaphore, #tpu.memory_space<semaphore_mem>>
      %dma_start3A = arith.constant 0 : i32
      %dma_start3A_54 = tpu.memref_slice %arg13[%add3A_11, %dma_start3A] : memref<10240x128xf32, #tpu.memory_space<vmem_shared>> -> memref<64x128xf32, #tpu.memory_space<vmem_shared>>
      %dma_start3A_55 = arith.constant 0 : i32
      %dma_start3A_56 = tpu.memref_slice %arg13[%add3A_11, %dma_start3A_55] : memref<10240x128xf32, #tpu.memory_space<vmem_shared>> -> memref<64x128xf32, #tpu.memory_space<vmem_shared>>
      tpu.enqueue_dma source(%arg10 : memref<64x128xf32, #tpu.memory_space<vmem>>) target(%dma_start3A_56 : memref<64x128xf32, #tpu.memory_space<vmem_shared>>) target_semaphore(%run_scoped3A : memref<!tpu.dma_semaphore, #tpu.memory_space<semaphore_mem>>)
      %dma_wait3A = arith.constant 0 : i32
      %dma_wait3A_57 = tpu.memref_slice %arg13[%add3A_11, %dma_wait3A] : memref<10240x128xf32, #tpu.memory_space<vmem_shared>> -> memref<64x128xf32, #tpu.memory_space<vmem_shared>>
      %dma_wait3A_58 = arith.constant 0 : i32
      %dma_wait3A_59 = tpu.memref_slice %arg13[%add3A_11, %dma_wait3A_58] : memref<10240x128xf32, #tpu.memory_space<vmem_shared>> -> memref<64x128xf32, #tpu.memory_space<vmem_shared>>
      tpu.wait_dma2 semaphore(%run_scoped3A : memref<!tpu.dma_semaphore, #tpu.memory_space<semaphore_mem>>) src(%arg10 : memref<64x128xf32, #tpu.memory_space<vmem>>) dst(%dma_wait3A_59 : memref<64x128xf32, #tpu.memory_space<vmem_shared>>)
      tpu.yield
    }) : () -> ()
    %add3A_12 = arith.constant 192 : i32
    %add3A_13 = arith.addi %multiple_of3A, %add3A_12 : i32
    "tpu.region"() ({
      %run_scoped3A = tpu.sem_alloc : memref<!tpu.dma_semaphore, #tpu.memory_space<semaphore_mem>>
      %dma_start3A = arith.constant 0 : i32
      %dma_start3A_54 = tpu.memref_slice %arg13[%add3A_13, %dma_start3A] : memref<10240x128xf32, #tpu.memory_space<vmem_shared>> -> memref<64x128xf32, #tpu.memory_space<vmem_shared>>
      %dma_start3A_55 = arith.constant 0 : i32
      %dma_start3A_56 = tpu.memref_slice %arg13[%add3A_13, %dma_start3A_55] : memref<10240x128xf32, #tpu.memory_space<vmem_shared>> -> memref<64x128xf32, #tpu.memory_space<vmem_shared>>
      tpu.enqueue_dma source(%arg10 : memref<64x128xf32, #tpu.memory_space<vmem>>) target(%dma_start3A_56 : memref<64x128xf32, #tpu.memory_space<vmem_shared>>) target_semaphore(%run_scoped3A : memref<!tpu.dma_semaphore, #tpu.memory_space<semaphore_mem>>)
      %dma_wait3A = arith.constant 0 : i32
      %dma_wait3A_57 = tpu.memref_slice %arg13[%add3A_13, %dma_wait3A] : memref<10240x128xf32, #tpu.memory_space<vmem_shared>> -> memref<64x128xf32, #tpu.memory_space<vmem_shared>>
      %dma_wait3A_58 = arith.constant 0 : i32
      %dma_wait3A_59 = tpu.memref_slice %arg13[%add3A_13, %dma_wait3A_58] : memref<10240x128xf32, #tpu.memory_space<vmem_shared>> -> memref<64x128xf32, #tpu.memory_space<vmem_shared>>
      tpu.wait_dma2 semaphore(%run_scoped3A : memref<!tpu.dma_semaphore, #tpu.memory_space<semaphore_mem>>) src(%arg10 : memref<64x128xf32, #tpu.memory_space<vmem>>) dst(%dma_wait3A_59 : memref<64x128xf32, #tpu.memory_space<vmem_shared>>)
      tpu.yield
    }) : () -> ()
    %add3A_14 = arith.constant 256 : i32
    %add3A_15 = arith.addi %multiple_of3A, %add3A_14 : i32
    "tpu.region"() ({
      %run_scoped3A = tpu.sem_alloc : memref<!tpu.dma_semaphore, #tpu.memory_space<semaphore_mem>>
      %dma_start3A = arith.constant 0 : i32
      %dma_start3A_54 = tpu.memref_slice %arg13[%add3A_15, %dma_start3A] : memref<10240x128xf32, #tpu.memory_space<vmem_shared>> -> memref<64x128xf32, #tpu.memory_space<vmem_shared>>
      %dma_start3A_55 = arith.constant 0 : i32
      %dma_start3A_56 = tpu.memref_slice %arg13[%add3A_15, %dma_start3A_55] : memref<10240x128xf32, #tpu.memory_space<vmem_shared>> -> memref<64x128xf32, #tpu.memory_space<vmem_shared>>
      tpu.enqueue_dma source(%arg10 : memref<64x128xf32, #tpu.memory_space<vmem>>) target(%dma_start3A_56 : memref<64x128xf32, #tpu.memory_space<vmem_shared>>) target_semaphore(%run_scoped3A : memref<!tpu.dma_semaphore, #tpu.memory_space<semaphore_mem>>)
      %dma_wait3A = arith.constant 0 : i32
      %dma_wait3A_57 = tpu.memref_slice %arg13[%add3A_15, %dma_wait3A] : memref<10240x128xf32, #tpu.memory_space<vmem_shared>> -> memref<64x128xf32, #tpu.memory_space<vmem_shared>>
      %dma_wait3A_58 = arith.constant 0 : i32
      %dma_wait3A_59 = tpu.memref_slice %arg13[%add3A_15, %dma_wait3A_58] : memref<10240x128xf32, #tpu.memory_space<vmem_shared>> -> memref<64x128xf32, #tpu.memory_space<vmem_shared>>
      tpu.wait_dma2 semaphore(%run_scoped3A : memref<!tpu.dma_semaphore, #tpu.memory_space<semaphore_mem>>) src(%arg10 : memref<64x128xf32, #tpu.memory_space<vmem>>) dst(%dma_wait3A_59 : memref<64x128xf32, #tpu.memory_space<vmem_shared>>)
      tpu.yield
    }) : () -> ()
    %add3A_16 = arith.constant 320 : i32
    %add3A_17 = arith.addi %multiple_of3A, %add3A_16 : i32
    "tpu.region"() ({
      %run_scoped3A = tpu.sem_alloc : memref<!tpu.dma_semaphore, #tpu.memory_space<semaphore_mem>>
      %dma_start3A = arith.constant 0 : i32
      %dma_start3A_54 = tpu.memref_slice %arg13[%add3A_17, %dma_start3A] : memref<10240x128xf32, #tpu.memory_space<vmem_shared>> -> memref<64x128xf32, #tpu.memory_space<vmem_shared>>
      %dma_start3A_55 = arith.constant 0 : i32
      %dma_start3A_56 = tpu.memref_slice %arg13[%add3A_17, %dma_start3A_55] : memref<10240x128xf32, #tpu.memory_space<vmem_shared>> -> memref<64x128xf32, #tpu.memory_space<vmem_shared>>
      tpu.enqueue_dma source(%arg10 : memref<64x128xf32, #tpu.memory_space<vmem>>) target(%dma_start3A_56 : memref<64x128xf32, #tpu.memory_space<vmem_shared>>) target_semaphore(%run_scoped3A : memref<!tpu.dma_semaphore, #tpu.memory_space<semaphore_mem>>)
      %dma_wait3A = arith.constant 0 : i32
      %dma_wait3A_57 = tpu.memref_slice %arg13[%add3A_17, %dma_wait3A] : memref<10240x128xf32, #tpu.memory_space<vmem_shared>> -> memref<64x128xf32, #tpu.memory_space<vmem_shared>>
      %dma_wait3A_58 = arith.constant 0 : i32
      %dma_wait3A_59 = tpu.memref_slice %arg13[%add3A_17, %dma_wait3A_58] : memref<10240x128xf32, #tpu.memory_space<vmem_shared>> -> memref<64x128xf32, #tpu.memory_space<vmem_shared>>
      tpu.wait_dma2 semaphore(%run_scoped3A : memref<!tpu.dma_semaphore, #tpu.memory_space<semaphore_mem>>) src(%arg10 : memref<64x128xf32, #tpu.memory_space<vmem>>) dst(%dma_wait3A_59 : memref<64x128xf32, #tpu.memory_space<vmem_shared>>)
      tpu.yield
    }) : () -> ()
    %add3A_18 = arith.constant 384 : i32
    %add3A_19 = arith.addi %multiple_of3A, %add3A_18 : i32
    "tpu.region"() ({
      %run_scoped3A = tpu.sem_alloc : memref<!tpu.dma_semaphore, #tpu.memory_space<semaphore_mem>>
      %dma_start3A = arith.constant 0 : i32
      %dma_start3A_54 = tpu.memref_slice %arg13[%add3A_19, %dma_start3A] : memref<10240x128xf32, #tpu.memory_space<vmem_shared>> -> memref<64x128xf32, #tpu.memory_space<vmem_shared>>
      %dma_start3A_55 = arith.constant 0 : i32
      %dma_start3A_56 = tpu.memref_slice %arg13[%add3A_19, %dma_start3A_55] : memref<10240x128xf32, #tpu.memory_space<vmem_shared>> -> memref<64x128xf32, #tpu.memory_space<vmem_shared>>
      tpu.enqueue_dma source(%arg10 : memref<64x128xf32, #tpu.memory_space<vmem>>) target(%dma_start3A_56 : memref<64x128xf32, #tpu.memory_space<vmem_shared>>) target_semaphore(%run_scoped3A : memref<!tpu.dma_semaphore, #tpu.memory_space<semaphore_mem>>)
      %dma_wait3A = arith.constant 0 : i32
      %dma_wait3A_57 = tpu.memref_slice %arg13[%add3A_19, %dma_wait3A] : memref<10240x128xf32, #tpu.memory_space<vmem_shared>> -> memref<64x128xf32, #tpu.memory_space<vmem_shared>>
      %dma_wait3A_58 = arith.constant 0 : i32
      %dma_wait3A_59 = tpu.memref_slice %arg13[%add3A_19, %dma_wait3A_58] : memref<10240x128xf32, #tpu.memory_space<vmem_shared>> -> memref<64x128xf32, #tpu.memory_space<vmem_shared>>
      tpu.wait_dma2 semaphore(%run_scoped3A : memref<!tpu.dma_semaphore, #tpu.memory_space<semaphore_mem>>) src(%arg10 : memref<64x128xf32, #tpu.memory_space<vmem>>) dst(%dma_wait3A_59 : memref<64x128xf32, #tpu.memory_space<vmem_shared>>)
      tpu.yield
    }) : () -> ()
    %add3A_20 = arith.constant 448 : i32
    %add3A_21 = arith.addi %multiple_of3A, %add3A_20 : i32
    "tpu.region"() ({
      %run_scoped3A = tpu.sem_alloc : memref<!tpu.dma_semaphore, #tpu.memory_space<semaphore_mem>>
      %dma_start3A = arith.constant 0 : i32
      %dma_start3A_54 = tpu.memref_slice %arg13[%add3A_21, %dma_start3A] : memref<10240x128xf32, #tpu.memory_space<vmem_shared>> -> memref<64x128xf32, #tpu.memory_space<vmem_shared>>
      %dma_start3A_55 = arith.constant 0 : i32
      %dma_start3A_56 = tpu.memref_slice %arg13[%add3A_21, %dma_start3A_55] : memref<10240x128xf32, #tpu.memory_space<vmem_shared>> -> memref<64x128xf32, #tpu.memory_space<vmem_shared>>
      tpu.enqueue_dma source(%arg10 : memref<64x128xf32, #tpu.memory_space<vmem>>) target(%dma_start3A_56 : memref<64x128xf32, #tpu.memory_space<vmem_shared>>) target_semaphore(%run_scoped3A : memref<!tpu.dma_semaphore, #tpu.memory_space<semaphore_mem>>)
      %dma_wait3A = arith.constant 0 : i32
      %dma_wait3A_57 = tpu.memref_slice %arg13[%add3A_21, %dma_wait3A] : memref<10240x128xf32, #tpu.memory_space<vmem_shared>> -> memref<64x128xf32, #tpu.memory_space<vmem_shared>>
      %dma_wait3A_58 = arith.constant 0 : i32
      %dma_wait3A_59 = tpu.memref_slice %arg13[%add3A_21, %dma_wait3A_58] : memref<10240x128xf32, #tpu.memory_space<vmem_shared>> -> memref<64x128xf32, #tpu.memory_space<vmem_shared>>
      tpu.wait_dma2 semaphore(%run_scoped3A : memref<!tpu.dma_semaphore, #tpu.memory_space<semaphore_mem>>) src(%arg10 : memref<64x128xf32, #tpu.memory_space<vmem>>) dst(%dma_wait3A_59 : memref<64x128xf32, #tpu.memory_space<vmem_shared>>)
      tpu.yield
    }) : () -> ()
    %add3A_22 = arith.constant 512 : i32
    %add3A_23 = arith.addi %multiple_of3A, %add3A_22 : i32
    "tpu.region"() ({
      %run_scoped3A = tpu.sem_alloc : memref<!tpu.dma_semaphore, #tpu.memory_space<semaphore_mem>>
      %dma_start3A = arith.constant 0 : i32
      %dma_start3A_54 = tpu.memref_slice %arg13[%add3A_23, %dma_start3A] : memref<10240x128xf32, #tpu.memory_space<vmem_shared>> -> memref<64x128xf32, #tpu.memory_space<vmem_shared>>
      %dma_start3A_55 = arith.constant 0 : i32
      %dma_start3A_56 = tpu.memref_slice %arg13[%add3A_23, %dma_start3A_55] : memref<10240x128xf32, #tpu.memory_space<vmem_shared>> -> memref<64x128xf32, #tpu.memory_space<vmem_shared>>
      tpu.enqueue_dma source(%arg10 : memref<64x128xf32, #tpu.memory_space<vmem>>) target(%dma_start3A_56 : memref<64x128xf32, #tpu.memory_space<vmem_shared>>) target_semaphore(%run_scoped3A : memref<!tpu.dma_semaphore, #tpu.memory_space<semaphore_mem>>)
      %dma_wait3A = arith.constant 0 : i32
      %dma_wait3A_57 = tpu.memref_slice %arg13[%add3A_23, %dma_wait3A] : memref<10240x128xf32, #tpu.memory_space<vmem_shared>> -> memref<64x128xf32, #tpu.memory_space<vmem_shared>>
      %dma_wait3A_58 = arith.constant 0 : i32
      %dma_wait3A_59 = tpu.memref_slice %arg13[%add3A_23, %dma_wait3A_58] : memref<10240x128xf32, #tpu.memory_space<vmem_shared>> -> memref<64x128xf32, #tpu.memory_space<vmem_shared>>
      tpu.wait_dma2 semaphore(%run_scoped3A : memref<!tpu.dma_semaphore, #tpu.memory_space<semaphore_mem>>) src(%arg10 : memref<64x128xf32, #tpu.memory_space<vmem>>) dst(%dma_wait3A_59 : memref<64x128xf32, #tpu.memory_space<vmem_shared>>)
      tpu.yield
    }) : () -> ()
    %add3A_24 = arith.constant 576 : i32
    %add3A_25 = arith.addi %multiple_of3A, %add3A_24 : i32
    "tpu.region"() ({
      %run_scoped3A = tpu.sem_alloc : memref<!tpu.dma_semaphore, #tpu.memory_space<semaphore_mem>>
      %dma_start3A = arith.constant 0 : i32
      %dma_start3A_54 = tpu.memref_slice %arg13[%add3A_25, %dma_start3A] : memref<10240x128xf32, #tpu.memory_space<vmem_shared>> -> memref<64x128xf32, #tpu.memory_space<vmem_shared>>
      %dma_start3A_55 = arith.constant 0 : i32
      %dma_start3A_56 = tpu.memref_slice %arg13[%add3A_25, %dma_start3A_55] : memref<10240x128xf32, #tpu.memory_space<vmem_shared>> -> memref<64x128xf32, #tpu.memory_space<vmem_shared>>
      tpu.enqueue_dma source(%arg10 : memref<64x128xf32, #tpu.memory_space<vmem>>) target(%dma_start3A_56 : memref<64x128xf32, #tpu.memory_space<vmem_shared>>) target_semaphore(%run_scoped3A : memref<!tpu.dma_semaphore, #tpu.memory_space<semaphore_mem>>)
      %dma_wait3A = arith.constant 0 : i32
      %dma_wait3A_57 = tpu.memref_slice %arg13[%add3A_25, %dma_wait3A] : memref<10240x128xf32, #tpu.memory_space<vmem_shared>> -> memref<64x128xf32, #tpu.memory_space<vmem_shared>>
      %dma_wait3A_58 = arith.constant 0 : i32
      %dma_wait3A_59 = tpu.memref_slice %arg13[%add3A_25, %dma_wait3A_58] : memref<10240x128xf32, #tpu.memory_space<vmem_shared>> -> memref<64x128xf32, #tpu.memory_space<vmem_shared>>
      tpu.wait_dma2 semaphore(%run_scoped3A : memref<!tpu.dma_semaphore, #tpu.memory_space<semaphore_mem>>) src(%arg10 : memref<64x128xf32, #tpu.memory_space<vmem>>) dst(%dma_wait3A_59 : memref<64x128xf32, #tpu.memory_space<vmem_shared>>)
      tpu.yield
    }) : () -> ()
    %barrier3A = arith.constant 0 : index
    tpu.barrier barrier_id(%barrier3A)
    %eq3A = arith.constant 0 : i32
    %eq3A_26 = arith.cmpi eq, %arg0, %eq3A : i32
    %convert_element_type3A = arith.extui %eq3A_26 : i1 to i32
    %cond3A = arith.constant 0 : i32
    %cond3A_27 = arith.cmpi ne, %convert_element_type3A, %cond3A : i32
    scf.if %cond3A_27 {
      %scan3A_54 = arith.constant 0 : i32
      %scan3A_55 = arith.constant 0 : i32
      %scan3A_56 = arith.constant 20 : i32
      %scan3A_57 = arith.addi %scan3A_55, %scan3A_56 : i32
      %scan3A_58 = arith.constant 1 : i32
      scf.for %scan3A_60 = %scan3A_55 to %scan3A_57 step %scan3A_58  : i32 {
        %mul3A_61 = arith.constant 8 : i32
        %mul3A_62 = arith.muli %scan3A_60, %mul3A_61 : i32
        "tpu.region"() ({
          %run_scoped3A = tpu.sem_alloc : memref<!tpu.dma_semaphore, #tpu.memory_space<semaphore_mem>>
          %dma_start3A_278 = arith.constant 0 : i32
          %dma_start3A_279 = tpu.memref_slice %arg3[%arg1, %mul3A_62, %dma_start3A_278] : memref<16x160x64xi32, #tpu.memory_space<hbm>> -> memref<1x8x64xi32, #tpu.memory_space<hbm>>
          %dma_start3A_280 = tpu.memref_squeeze %dma_start3A_279 : memref<1x8x64xi32, #tpu.memory_space<hbm>> -> memref<8x64xi32, #tpu.memory_space<hbm>>
          %dma_start3A_281 = arith.constant 0 : i32
          %dma_start3A_282 = tpu.memref_slice %arg3[%arg1, %mul3A_62, %dma_start3A_281] : memref<16x160x64xi32, #tpu.memory_space<hbm>> -> memref<1x8x64xi32, #tpu.memory_space<hbm>>
          %dma_start3A_283 = tpu.memref_squeeze %dma_start3A_282 : memref<1x8x64xi32, #tpu.memory_space<hbm>> -> memref<8x64xi32, #tpu.memory_space<hbm>>
          tpu.enqueue_dma source(%dma_start3A_283 : memref<8x64xi32, #tpu.memory_space<hbm>>) target(%arg8 : memref<8x64xi32, #tpu.memory_space<vmem>>) target_semaphore(%run_scoped3A : memref<!tpu.dma_semaphore, #tpu.memory_space<semaphore_mem>>)
          %dma_wait3A_284 = arith.constant 0 : i32
          %dma_wait3A_285 = tpu.memref_slice %arg3[%arg1, %mul3A_62, %dma_wait3A_284] : memref<16x160x64xi32, #tpu.memory_space<hbm>> -> memref<1x8x64xi32, #tpu.memory_space<hbm>>
          %dma_wait3A_286 = tpu.memref_squeeze %dma_wait3A_285 : memref<1x8x64xi32, #tpu.memory_space<hbm>> -> memref<8x64xi32, #tpu.memory_space<hbm>>
          %dma_wait3A_287 = arith.constant 0 : i32
          %dma_wait3A_288 = tpu.memref_slice %arg3[%arg1, %mul3A_62, %dma_wait3A_287] : memref<16x160x64xi32, #tpu.memory_space<hbm>> -> memref<1x8x64xi32, #tpu.memory_space<hbm>>
          %dma_wait3A_289 = tpu.memref_squeeze %dma_wait3A_288 : memref<1x8x64xi32, #tpu.memory_space<hbm>> -> memref<8x64xi32, #tpu.memory_space<hbm>>
          tpu.wait_dma2 semaphore(%run_scoped3A : memref<!tpu.dma_semaphore, #tpu.memory_space<semaphore_mem>>) src(%dma_wait3A_289 : memref<8x64xi32, #tpu.memory_space<hbm>>) dst(%arg8 : memref<8x64xi32, #tpu.memory_space<vmem>>)
          tpu.yield
        }) : () -> ()
        "tpu.region"() ({
          %run_scoped3A = tpu.sem_alloc : memref<!tpu.dma_semaphore, #tpu.memory_space<semaphore_mem>>
          %dma_start3A_278 = arith.constant 0 : i32
          %dma_start3A_279 = tpu.memref_slice %arg4[%arg1, %mul3A_62, %dma_start3A_278] : memref<16x160x64xi32, #tpu.memory_space<hbm>> -> memref<1x8x64xi32, #tpu.memory_space<hbm>>
          %dma_start3A_280 = tpu.memref_squeeze %dma_start3A_279 : memref<1x8x64xi32, #tpu.memory_space<hbm>> -> memref<8x64xi32, #tpu.memory_space<hbm>>
          %dma_start3A_281 = arith.constant 0 : i32
          %dma_start3A_282 = tpu.memref_slice %arg4[%arg1, %mul3A_62, %dma_start3A_281] : memref<16x160x64xi32, #tpu.memory_space<hbm>> -> memref<1x8x64xi32, #tpu.memory_space<hbm>>
          %dma_start3A_283 = tpu.memref_squeeze %dma_start3A_282 : memref<1x8x64xi32, #tpu.memory_space<hbm>> -> memref<8x64xi32, #tpu.memory_space<hbm>>
          tpu.enqueue_dma source(%dma_start3A_283 : memref<8x64xi32, #tpu.memory_space<hbm>>) target(%arg9 : memref<8x64xi32, #tpu.memory_space<vmem>>) target_semaphore(%run_scoped3A : memref<!tpu.dma_semaphore, #tpu.memory_space<semaphore_mem>>)
          %dma_wait3A_284 = arith.constant 0 : i32
          %dma_wait3A_285 = tpu.memref_slice %arg4[%arg1, %mul3A_62, %dma_wait3A_284] : memref<16x160x64xi32, #tpu.memory_space<hbm>> -> memref<1x8x64xi32, #tpu.memory_space<hbm>>
          %dma_wait3A_286 = tpu.memref_squeeze %dma_wait3A_285 : memref<1x8x64xi32, #tpu.memory_space<hbm>> -> memref<8x64xi32, #tpu.memory_space<hbm>>
          %dma_wait3A_287 = arith.constant 0 : i32
          %dma_wait3A_288 = tpu.memref_slice %arg4[%arg1, %mul3A_62, %dma_wait3A_287] : memref<16x160x64xi32, #tpu.memory_space<hbm>> -> memref<1x8x64xi32, #tpu.memory_space<hbm>>
          %dma_wait3A_289 = tpu.memref_squeeze %dma_wait3A_288 : memref<1x8x64xi32, #tpu.memory_space<hbm>> -> memref<8x64xi32, #tpu.memory_space<hbm>>
          tpu.wait_dma2 semaphore(%run_scoped3A : memref<!tpu.dma_semaphore, #tpu.memory_space<semaphore_mem>>) src(%dma_wait3A_289 : memref<8x64xi32, #tpu.memory_space<hbm>>) dst(%arg9 : memref<8x64xi32, #tpu.memory_space<vmem>>)
          tpu.yield
        }) : () -> ()
        %dma_start3A = arith.constant 0 : i32
        %dma_start3A_63 = arith.constant 0 : i32
        %dma_start3A_64 = tpu.memref_slice %arg8[%dma_start3A, %dma_start3A_63] : memref<8x64xi32, #tpu.memory_space<vmem>> -> memref<1x64xi32, #tpu.memory_space<vmem>>
        %dma_start3A_65 = tpu.memref_squeeze %dma_start3A_64 : memref<1x64xi32, #tpu.memory_space<vmem>> -> memref<64xi32, #tpu.memory_space<vmem>>
        %dma_start3A_66 = arith.constant 0 : i32
        %dma_start3A_67 = arith.constant 0 : i32
        %dma_start3A_68 = tpu.memref_slice %arg2[%dma_start3A_66, %dma_start3A_67] : memref<10240x128xf32, #tpu.memory_space<hbm>> -> memref<10240x128xf32, #tpu.memory_space<hbm>>
        tpu.enqueue_indirect_dma source(%dma_start3A_68 : memref<10240x128xf32, #tpu.memory_space<hbm>>) target(%arg10 : memref<64x128xf32, #tpu.memory_space<vmem>>) offsets(%dma_start3A_65 : memref<64xi32, #tpu.memory_space<vmem>>) semaphore(%arg14 : memref<!tpu.dma_semaphore, #tpu.memory_space<semaphore_mem>>)
        %dma_start3A_69 = arith.constant 1 : i32
        %dma_start3A_70 = arith.constant 0 : i32
        %dma_start3A_71 = tpu.memref_slice %arg8[%dma_start3A_69, %dma_start3A_70] : memref<8x64xi32, #tpu.memory_space<vmem>> -> memref<1x64xi32, #tpu.memory_space<vmem>>
        %dma_start3A_72 = tpu.memref_squeeze %dma_start3A_71 : memref<1x64xi32, #tpu.memory_space<vmem>> -> memref<64xi32, #tpu.memory_space<vmem>>
        %dma_start3A_73 = arith.constant 0 : i32
        %dma_start3A_74 = arith.constant 0 : i32
        %dma_start3A_75 = tpu.memref_slice %arg2[%dma_start3A_73, %dma_start3A_74] : memref<10240x128xf32, #tpu.memory_space<hbm>> -> memref<10240x128xf32, #tpu.memory_space<hbm>>
        tpu.enqueue_indirect_dma source(%dma_start3A_75 : memref<10240x128xf32, #tpu.memory_space<hbm>>) target(%arg11 : memref<64x128xf32, #tpu.memory_space<vmem>>) offsets(%dma_start3A_72 : memref<64xi32, #tpu.memory_space<vmem>>) semaphore(%arg15 : memref<!tpu.dma_semaphore, #tpu.memory_space<semaphore_mem>>)
        %dma_wait3A = arith.constant 0 : i32
        %dma_wait3A_76 = arith.constant 0 : i32
        %dma_wait3A_77 = tpu.memref_slice %arg8[%dma_wait3A, %dma_wait3A_76] : memref<8x64xi32, #tpu.memory_space<vmem>> -> memref<1x64xi32, #tpu.memory_space<vmem>>
        %dma_wait3A_78 = tpu.memref_squeeze %dma_wait3A_77 : memref<1x64xi32, #tpu.memory_space<vmem>> -> memref<64xi32, #tpu.memory_space<vmem>>
        %dma_wait3A_79 = arith.constant 0 : i32
        %dma_wait3A_80 = arith.constant 0 : i32
        %dma_wait3A_81 = tpu.memref_slice %arg2[%dma_wait3A_79, %dma_wait3A_80] : memref<10240x128xf32, #tpu.memory_space<hbm>> -> memref<10240x128xf32, #tpu.memory_space<hbm>>
        tpu.wait_indirect_dma semaphore(%arg14 : memref<!tpu.dma_semaphore, #tpu.memory_space<semaphore_mem>>) src(%dma_wait3A_81 : memref<10240x128xf32, #tpu.memory_space<hbm>>) dst(%arg10 : memref<64x128xf32, #tpu.memory_space<vmem>>)
        %dma_start3A_82 = arith.constant 0 : i32
        %dma_start3A_83 = arith.constant 0 : i32
        %dma_start3A_84 = tpu.memref_slice %arg9[%dma_start3A_82, %dma_start3A_83] : memref<8x64xi32, #tpu.memory_space<vmem>> -> memref<1x64xi32, #tpu.memory_space<vmem>>
        %dma_start3A_85 = tpu.memref_squeeze %dma_start3A_84 : memref<1x64xi32, #tpu.memory_space<vmem>> -> memref<64xi32, #tpu.memory_space<vmem>>
        %dma_start3A_86 = arith.constant 0 : i32
        %dma_start3A_87 = arith.constant 0 : i32
        %dma_start3A_88 = tpu.memref_slice %arg13[%dma_start3A_86, %dma_start3A_87] : memref<10240x128xf32, #tpu.memory_space<vmem_shared>> -> memref<10240x128xf32, #tpu.memory_space<vmem_shared>>
        tpu.enqueue_indirect_dma source(%arg10 : memref<64x128xf32, #tpu.memory_space<vmem>>) target(%dma_start3A_88 : memref<10240x128xf32, #tpu.memory_space<vmem_shared>>) offsets(%dma_start3A_85 : memref<64xi32, #tpu.memory_space<vmem>>) semaphore(%arg17 : memref<!tpu.dma_semaphore, #tpu.memory_space<semaphore_mem>>) {add = true}
        %dma_start3A_89 = arith.constant 2 : i32
        %dma_start3A_90 = arith.constant 0 : i32
        %dma_start3A_91 = tpu.memref_slice %arg8[%dma_start3A_89, %dma_start3A_90] : memref<8x64xi32, #tpu.memory_space<vmem>> -> memref<1x64xi32, #tpu.memory_space<vmem>>
        %dma_start3A_92 = tpu.memref_squeeze %dma_start3A_91 : memref<1x64xi32, #tpu.memory_space<vmem>> -> memref<64xi32, #tpu.memory_space<vmem>>
        %dma_start3A_93 = arith.constant 0 : i32
        %dma_start3A_94 = arith.constant 0 : i32
        %dma_start3A_95 = tpu.memref_slice %arg2[%dma_start3A_93, %dma_start3A_94] : memref<10240x128xf32, #tpu.memory_space<hbm>> -> memref<10240x128xf32, #tpu.memory_space<hbm>>
        tpu.enqueue_indirect_dma source(%dma_start3A_95 : memref<10240x128xf32, #tpu.memory_space<hbm>>) target(%arg12 : memref<64x128xf32, #tpu.memory_space<vmem>>) offsets(%dma_start3A_92 : memref<64xi32, #tpu.memory_space<vmem>>) semaphore(%arg16 : memref<!tpu.dma_semaphore, #tpu.memory_space<semaphore_mem>>)
        %dma_wait3A_96 = arith.constant 1 : i32
        %dma_wait3A_97 = arith.constant 0 : i32
        %dma_wait3A_98 = tpu.memref_slice %arg8[%dma_wait3A_96, %dma_wait3A_97] : memref<8x64xi32, #tpu.memory_space<vmem>> -> memref<1x64xi32, #tpu.memory_space<vmem>>
        %dma_wait3A_99 = tpu.memref_squeeze %dma_wait3A_98 : memref<1x64xi32, #tpu.memory_space<vmem>> -> memref<64xi32, #tpu.memory_space<vmem>>
        %dma_wait3A_100 = arith.constant 0 : i32
        %dma_wait3A_101 = arith.constant 0 : i32
        %dma_wait3A_102 = tpu.memref_slice %arg2[%dma_wait3A_100, %dma_wait3A_101] : memref<10240x128xf32, #tpu.memory_space<hbm>> -> memref<10240x128xf32, #tpu.memory_space<hbm>>
        tpu.wait_indirect_dma semaphore(%arg15 : memref<!tpu.dma_semaphore, #tpu.memory_space<semaphore_mem>>) src(%dma_wait3A_102 : memref<10240x128xf32, #tpu.memory_space<hbm>>) dst(%arg11 : memref<64x128xf32, #tpu.memory_space<vmem>>)
        %dma_start3A_103 = arith.constant 1 : i32
        %dma_start3A_104 = arith.constant 0 : i32
        %dma_start3A_105 = tpu.memref_slice %arg9[%dma_start3A_103, %dma_start3A_104] : memref<8x64xi32, #tpu.memory_space<vmem>> -> memref<1x64xi32, #tpu.memory_space<vmem>>
        %dma_start3A_106 = tpu.memref_squeeze %dma_start3A_105 : memref<1x64xi32, #tpu.memory_space<vmem>> -> memref<64xi32, #tpu.memory_space<vmem>>
        %dma_start3A_107 = arith.constant 0 : i32
        %dma_start3A_108 = arith.constant 0 : i32
        %dma_start3A_109 = tpu.memref_slice %arg13[%dma_start3A_107, %dma_start3A_108] : memref<10240x128xf32, #tpu.memory_space<vmem_shared>> -> memref<10240x128xf32, #tpu.memory_space<vmem_shared>>
        tpu.enqueue_indirect_dma source(%arg11 : memref<64x128xf32, #tpu.memory_space<vmem>>) target(%dma_start3A_109 : memref<10240x128xf32, #tpu.memory_space<vmem_shared>>) offsets(%dma_start3A_106 : memref<64xi32, #tpu.memory_space<vmem>>) semaphore(%arg18 : memref<!tpu.dma_semaphore, #tpu.memory_space<semaphore_mem>>) {add = true}
        %dma_wait3A_110 = arith.constant 0 : i32
        %dma_wait3A_111 = arith.constant 0 : i32
        %dma_wait3A_112 = tpu.memref_slice %arg9[%dma_wait3A_110, %dma_wait3A_111] : memref<8x64xi32, #tpu.memory_space<vmem>> -> memref<1x64xi32, #tpu.memory_space<vmem>>
        %dma_wait3A_113 = tpu.memref_squeeze %dma_wait3A_112 : memref<1x64xi32, #tpu.memory_space<vmem>> -> memref<64xi32, #tpu.memory_space<vmem>>
        %dma_wait3A_114 = arith.constant 0 : i32
        %dma_wait3A_115 = arith.constant 0 : i32
        %dma_wait3A_116 = tpu.memref_slice %arg13[%dma_wait3A_114, %dma_wait3A_115] : memref<10240x128xf32, #tpu.memory_space<vmem_shared>> -> memref<10240x128xf32, #tpu.memory_space<vmem_shared>>
        tpu.wait_indirect_dma semaphore(%arg17 : memref<!tpu.dma_semaphore, #tpu.memory_space<semaphore_mem>>) src(%arg10 : memref<64x128xf32, #tpu.memory_space<vmem>>) dst(%dma_wait3A_116 : memref<10240x128xf32, #tpu.memory_space<vmem_shared>>)
        %dma_start3A_117 = arith.constant 3 : i32
        %dma_start3A_118 = arith.constant 0 : i32
        %dma_start3A_119 = tpu.memref_slice %arg8[%dma_start3A_117, %dma_start3A_118] : memref<8x64xi32, #tpu.memory_space<vmem>> -> memref<1x64xi32, #tpu.memory_space<vmem>>
        %dma_start3A_120 = tpu.memref_squeeze %dma_start3A_119 : memref<1x64xi32, #tpu.memory_space<vmem>> -> memref<64xi32, #tpu.memory_space<vmem>>
        %dma_start3A_121 = arith.constant 0 : i32
        %dma_start3A_122 = arith.constant 0 : i32
        %dma_start3A_123 = tpu.memref_slice %arg2[%dma_start3A_121, %dma_start3A_122] : memref<10240x128xf32, #tpu.memory_space<hbm>> -> memref<10240x128xf32, #tpu.memory_space<hbm>>
        tpu.enqueue_indirect_dma source(%dma_start3A_123 : memref<10240x128xf32, #tpu.memory_space<hbm>>) target(%arg10 : memref<64x128xf32, #tpu.memory_space<vmem>>) offsets(%dma_start3A_120 : memref<64xi32, #tpu.memory_space<vmem>>) semaphore(%arg14 : memref<!tpu.dma_semaphore, #tpu.memory_space<semaphore_mem>>)
        %dma_wait3A_124 = arith.constant 2 : i32
        %dma_wait3A_125 = arith.constant 0 : i32
        %dma_wait3A_126 = tpu.memref_slice %arg8[%dma_wait3A_124, %dma_wait3A_125] : memref<8x64xi32, #tpu.memory_space<vmem>> -> memref<1x64xi32, #tpu.memory_space<vmem>>
        %dma_wait3A_127 = tpu.memref_squeeze %dma_wait3A_126 : memref<1x64xi32, #tpu.memory_space<vmem>> -> memref<64xi32, #tpu.memory_space<vmem>>
        %dma_wait3A_128 = arith.constant 0 : i32
        %dma_wait3A_129 = arith.constant 0 : i32
        %dma_wait3A_130 = tpu.memref_slice %arg2[%dma_wait3A_128, %dma_wait3A_129] : memref<10240x128xf32, #tpu.memory_space<hbm>> -> memref<10240x128xf32, #tpu.memory_space<hbm>>
        tpu.wait_indirect_dma semaphore(%arg16 : memref<!tpu.dma_semaphore, #tpu.memory_space<semaphore_mem>>) src(%dma_wait3A_130 : memref<10240x128xf32, #tpu.memory_space<hbm>>) dst(%arg12 : memref<64x128xf32, #tpu.memory_space<vmem>>)
        %dma_start3A_131 = arith.constant 2 : i32
        %dma_start3A_132 = arith.constant 0 : i32
        %dma_start3A_133 = tpu.memref_slice %arg9[%dma_start3A_131, %dma_start3A_132] : memref<8x64xi32, #tpu.memory_space<vmem>> -> memref<1x64xi32, #tpu.memory_space<vmem>>
        %dma_start3A_134 = tpu.memref_squeeze %dma_start3A_133 : memref<1x64xi32, #tpu.memory_space<vmem>> -> memref<64xi32, #tpu.memory_space<vmem>>
        %dma_start3A_135 = arith.constant 0 : i32
        %dma_start3A_136 = arith.constant 0 : i32
        %dma_start3A_137 = tpu.memref_slice %arg13[%dma_start3A_135, %dma_start3A_136] : memref<10240x128xf32, #tpu.memory_space<vmem_shared>> -> memref<10240x128xf32, #tpu.memory_space<vmem_shared>>
        tpu.enqueue_indirect_dma source(%arg12 : memref<64x128xf32, #tpu.memory_space<vmem>>) target(%dma_start3A_137 : memref<10240x128xf32, #tpu.memory_space<vmem_shared>>) offsets(%dma_start3A_134 : memref<64xi32, #tpu.memory_space<vmem>>) semaphore(%arg19 : memref<!tpu.dma_semaphore, #tpu.memory_space<semaphore_mem>>) {add = true}
        %dma_wait3A_138 = arith.constant 1 : i32
        %dma_wait3A_139 = arith.constant 0 : i32
        %dma_wait3A_140 = tpu.memref_slice %arg9[%dma_wait3A_138, %dma_wait3A_139] : memref<8x64xi32, #tpu.memory_space<vmem>> -> memref<1x64xi32, #tpu.memory_space<vmem>>
        %dma_wait3A_141 = tpu.memref_squeeze %dma_wait3A_140 : memref<1x64xi32, #tpu.memory_space<vmem>> -> memref<64xi32, #tpu.memory_space<vmem>>
        %dma_wait3A_142 = arith.constant 0 : i32
        %dma_wait3A_143 = arith.constant 0 : i32
        %dma_wait3A_144 = tpu.memref_slice %arg13[%dma_wait3A_142, %dma_wait3A_143] : memref<10240x128xf32, #tpu.memory_space<vmem_shared>> -> memref<10240x128xf32, #tpu.memory_space<vmem_shared>>
        tpu.wait_indirect_dma semaphore(%arg18 : memref<!tpu.dma_semaphore, #tpu.memory_space<semaphore_mem>>) src(%arg11 : memref<64x128xf32, #tpu.memory_space<vmem>>) dst(%dma_wait3A_144 : memref<10240x128xf32, #tpu.memory_space<vmem_shared>>)
        %dma_start3A_145 = arith.constant 4 : i32
        %dma_start3A_146 = arith.constant 0 : i32
        %dma_start3A_147 = tpu.memref_slice %arg8[%dma_start3A_145, %dma_start3A_146] : memref<8x64xi32, #tpu.memory_space<vmem>> -> memref<1x64xi32, #tpu.memory_space<vmem>>
        %dma_start3A_148 = tpu.memref_squeeze %dma_start3A_147 : memref<1x64xi32, #tpu.memory_space<vmem>> -> memref<64xi32, #tpu.memory_space<vmem>>
        %dma_start3A_149 = arith.constant 0 : i32
        %dma_start3A_150 = arith.constant 0 : i32
        %dma_start3A_151 = tpu.memref_slice %arg2[%dma_start3A_149, %dma_start3A_150] : memref<10240x128xf32, #tpu.memory_space<hbm>> -> memref<10240x128xf32, #tpu.memory_space<hbm>>
        tpu.enqueue_indirect_dma source(%dma_start3A_151 : memref<10240x128xf32, #tpu.memory_space<hbm>>) target(%arg11 : memref<64x128xf32, #tpu.memory_space<vmem>>) offsets(%dma_start3A_148 : memref<64xi32, #tpu.memory_space<vmem>>) semaphore(%arg15 : memref<!tpu.dma_semaphore, #tpu.memory_space<semaphore_mem>>)
        %dma_wait3A_152 = arith.constant 3 : i32
        %dma_wait3A_153 = arith.constant 0 : i32
        %dma_wait3A_154 = tpu.memref_slice %arg8[%dma_wait3A_152, %dma_wait3A_153] : memref<8x64xi32, #tpu.memory_space<vmem>> -> memref<1x64xi32, #tpu.memory_space<vmem>>
        %dma_wait3A_155 = tpu.memref_squeeze %dma_wait3A_154 : memref<1x64xi32, #tpu.memory_space<vmem>> -> memref<64xi32, #tpu.memory_space<vmem>>
        %dma_wait3A_156 = arith.constant 0 : i32
        %dma_wait3A_157 = arith.constant 0 : i32
        %dma_wait3A_158 = tpu.memref_slice %arg2[%dma_wait3A_156, %dma_wait3A_157] : memref<10240x128xf32, #tpu.memory_space<hbm>> -> memref<10240x128xf32, #tpu.memory_space<hbm>>
        tpu.wait_indirect_dma semaphore(%arg14 : memref<!tpu.dma_semaphore, #tpu.memory_space<semaphore_mem>>) src(%dma_wait3A_158 : memref<10240x128xf32, #tpu.memory_space<hbm>>) dst(%arg10 : memref<64x128xf32, #tpu.memory_space<vmem>>)
        %dma_start3A_159 = arith.constant 3 : i32
        %dma_start3A_160 = arith.constant 0 : i32
        %dma_start3A_161 = tpu.memref_slice %arg9[%dma_start3A_159, %dma_start3A_160] : memref<8x64xi32, #tpu.memory_space<vmem>> -> memref<1x64xi32, #tpu.memory_space<vmem>>
        %dma_start3A_162 = tpu.memref_squeeze %dma_start3A_161 : memref<1x64xi32, #tpu.memory_space<vmem>> -> memref<64xi32, #tpu.memory_space<vmem>>
        %dma_start3A_163 = arith.constant 0 : i32
        %dma_start3A_164 = arith.constant 0 : i32
        %dma_start3A_165 = tpu.memref_slice %arg13[%dma_start3A_163, %dma_start3A_164] : memref<10240x128xf32, #tpu.memory_space<vmem_shared>> -> memref<10240x128xf32, #tpu.memory_space<vmem_shared>>
        tpu.enqueue_indirect_dma source(%arg10 : memref<64x128xf32, #tpu.memory_space<vmem>>) target(%dma_start3A_165 : memref<10240x128xf32, #tpu.memory_space<vmem_shared>>) offsets(%dma_start3A_162 : memref<64xi32, #tpu.memory_space<vmem>>) semaphore(%arg17 : memref<!tpu.dma_semaphore, #tpu.memory_space<semaphore_mem>>) {add = true}
        %dma_wait3A_166 = arith.constant 2 : i32
        %dma_wait3A_167 = arith.constant 0 : i32
        %dma_wait3A_168 = tpu.memref_slice %arg9[%dma_wait3A_166, %dma_wait3A_167] : memref<8x64xi32, #tpu.memory_space<vmem>> -> memref<1x64xi32, #tpu.memory_space<vmem>>
        %dma_wait3A_169 = tpu.memref_squeeze %dma_wait3A_168 : memref<1x64xi32, #tpu.memory_space<vmem>> -> memref<64xi32, #tpu.memory_space<vmem>>
        %dma_wait3A_170 = arith.constant 0 : i32
        %dma_wait3A_171 = arith.constant 0 : i32
        %dma_wait3A_172 = tpu.memref_slice %arg13[%dma_wait3A_170, %dma_wait3A_171] : memref<10240x128xf32, #tpu.memory_space<vmem_shared>> -> memref<10240x128xf32, #tpu.memory_space<vmem_shared>>
        tpu.wait_indirect_dma semaphore(%arg19 : memref<!tpu.dma_semaphore, #tpu.memory_space<semaphore_mem>>) src(%arg12 : memref<64x128xf32, #tpu.memory_space<vmem>>) dst(%dma_wait3A_172 : memref<10240x128xf32, #tpu.memory_space<vmem_shared>>)
        %dma_start3A_173 = arith.constant 5 : i32
        %dma_start3A_174 = arith.constant 0 : i32
        %dma_start3A_175 = tpu.memref_slice %arg8[%dma_start3A_173, %dma_start3A_174] : memref<8x64xi32, #tpu.memory_space<vmem>> -> memref<1x64xi32, #tpu.memory_space<vmem>>
        %dma_start3A_176 = tpu.memref_squeeze %dma_start3A_175 : memref<1x64xi32, #tpu.memory_space<vmem>> -> memref<64xi32, #tpu.memory_space<vmem>>
        %dma_start3A_177 = arith.constant 0 : i32
        %dma_start3A_178 = arith.constant 0 : i32
        %dma_start3A_179 = tpu.memref_slice %arg2[%dma_start3A_177, %dma_start3A_178] : memref<10240x128xf32, #tpu.memory_space<hbm>> -> memref<10240x128xf32, #tpu.memory_space<hbm>>
        tpu.enqueue_indirect_dma source(%dma_start3A_179 : memref<10240x128xf32, #tpu.memory_space<hbm>>) target(%arg12 : memref<64x128xf32, #tpu.memory_space<vmem>>) offsets(%dma_start3A_176 : memref<64xi32, #tpu.memory_space<vmem>>) semaphore(%arg16 : memref<!tpu.dma_semaphore, #tpu.memory_space<semaphore_mem>>)
        %dma_wait3A_180 = arith.constant 4 : i32
        %dma_wait3A_181 = arith.constant 0 : i32
        %dma_wait3A_182 = tpu.memref_slice %arg8[%dma_wait3A_180, %dma_wait3A_181] : memref<8x64xi32, #tpu.memory_space<vmem>> -> memref<1x64xi32, #tpu.memory_space<vmem>>
        %dma_wait3A_183 = tpu.memref_squeeze %dma_wait3A_182 : memref<1x64xi32, #tpu.memory_space<vmem>> -> memref<64xi32, #tpu.memory_space<vmem>>
        %dma_wait3A_184 = arith.constant 0 : i32
        %dma_wait3A_185 = arith.constant 0 : i32
        %dma_wait3A_186 = tpu.memref_slice %arg2[%dma_wait3A_184, %dma_wait3A_185] : memref<10240x128xf32, #tpu.memory_space<hbm>> -> memref<10240x128xf32, #tpu.memory_space<hbm>>
        tpu.wait_indirect_dma semaphore(%arg15 : memref<!tpu.dma_semaphore, #tpu.memory_space<semaphore_mem>>) src(%dma_wait3A_186 : memref<10240x128xf32, #tpu.memory_space<hbm>>) dst(%arg11 : memref<64x128xf32, #tpu.memory_space<vmem>>)
        %dma_start3A_187 = arith.constant 4 : i32
        %dma_start3A_188 = arith.constant 0 : i32
        %dma_start3A_189 = tpu.memref_slice %arg9[%dma_start3A_187, %dma_start3A_188] : memref<8x64xi32, #tpu.memory_space<vmem>> -> memref<1x64xi32, #tpu.memory_space<vmem>>
        %dma_start3A_190 = tpu.memref_squeeze %dma_start3A_189 : memref<1x64xi32, #tpu.memory_space<vmem>> -> memref<64xi32, #tpu.memory_space<vmem>>
        %dma_start3A_191 = arith.constant 0 : i32
        %dma_start3A_192 = arith.constant 0 : i32
        %dma_start3A_193 = tpu.memref_slice %arg13[%dma_start3A_191, %dma_start3A_192] : memref<10240x128xf32, #tpu.memory_space<vmem_shared>> -> memref<10240x128xf32, #tpu.memory_space<vmem_shared>>
        tpu.enqueue_indirect_dma source(%arg11 : memref<64x128xf32, #tpu.memory_space<vmem>>) target(%dma_start3A_193 : memref<10240x128xf32, #tpu.memory_space<vmem_shared>>) offsets(%dma_start3A_190 : memref<64xi32, #tpu.memory_space<vmem>>) semaphore(%arg18 : memref<!tpu.dma_semaphore, #tpu.memory_space<semaphore_mem>>) {add = true}
        %dma_wait3A_194 = arith.constant 3 : i32
        %dma_wait3A_195 = arith.constant 0 : i32
        %dma_wait3A_196 = tpu.memref_slice %arg9[%dma_wait3A_194, %dma_wait3A_195] : memref<8x64xi32, #tpu.memory_space<vmem>> -> memref<1x64xi32, #tpu.memory_space<vmem>>
        %dma_wait3A_197 = tpu.memref_squeeze %dma_wait3A_196 : memref<1x64xi32, #tpu.memory_space<vmem>> -> memref<64xi32, #tpu.memory_space<vmem>>
        %dma_wait3A_198 = arith.constant 0 : i32
        %dma_wait3A_199 = arith.constant 0 : i32
        %dma_wait3A_200 = tpu.memref_slice %arg13[%dma_wait3A_198, %dma_wait3A_199] : memref<10240x128xf32, #tpu.memory_space<vmem_shared>> -> memref<10240x128xf32, #tpu.memory_space<vmem_shared>>
        tpu.wait_indirect_dma semaphore(%arg17 : memref<!tpu.dma_semaphore, #tpu.memory_space<semaphore_mem>>) src(%arg10 : memref<64x128xf32, #tpu.memory_space<vmem>>) dst(%dma_wait3A_200 : memref<10240x128xf32, #tpu.memory_space<vmem_shared>>)
        %dma_start3A_201 = arith.constant 6 : i32
        %dma_start3A_202 = arith.constant 0 : i32
        %dma_start3A_203 = tpu.memref_slice %arg8[%dma_start3A_201, %dma_start3A_202] : memref<8x64xi32, #tpu.memory_space<vmem>> -> memref<1x64xi32, #tpu.memory_space<vmem>>
        %dma_start3A_204 = tpu.memref_squeeze %dma_start3A_203 : memref<1x64xi32, #tpu.memory_space<vmem>> -> memref<64xi32, #tpu.memory_space<vmem>>
        %dma_start3A_205 = arith.constant 0 : i32
        %dma_start3A_206 = arith.constant 0 : i32
        %dma_start3A_207 = tpu.memref_slice %arg2[%dma_start3A_205, %dma_start3A_206] : memref<10240x128xf32, #tpu.memory_space<hbm>> -> memref<10240x128xf32, #tpu.memory_space<hbm>>
        tpu.enqueue_indirect_dma source(%dma_start3A_207 : memref<10240x128xf32, #tpu.memory_space<hbm>>) target(%arg10 : memref<64x128xf32, #tpu.memory_space<vmem>>) offsets(%dma_start3A_204 : memref<64xi32, #tpu.memory_space<vmem>>) semaphore(%arg14 : memref<!tpu.dma_semaphore, #tpu.memory_space<semaphore_mem>>)
        %dma_wait3A_208 = arith.constant 5 : i32
        %dma_wait3A_209 = arith.constant 0 : i32
        %dma_wait3A_210 = tpu.memref_slice %arg8[%dma_wait3A_208, %dma_wait3A_209] : memref<8x64xi32, #tpu.memory_space<vmem>> -> memref<1x64xi32, #tpu.memory_space<vmem>>
        %dma_wait3A_211 = tpu.memref_squeeze %dma_wait3A_210 : memref<1x64xi32, #tpu.memory_space<vmem>> -> memref<64xi32, #tpu.memory_space<vmem>>
        %dma_wait3A_212 = arith.constant 0 : i32
        %dma_wait3A_213 = arith.constant 0 : i32
        %dma_wait3A_214 = tpu.memref_slice %arg2[%dma_wait3A_212, %dma_wait3A_213] : memref<10240x128xf32, #tpu.memory_space<hbm>> -> memref<10240x128xf32, #tpu.memory_space<hbm>>
        tpu.wait_indirect_dma semaphore(%arg16 : memref<!tpu.dma_semaphore, #tpu.memory_space<semaphore_mem>>) src(%dma_wait3A_214 : memref<10240x128xf32, #tpu.memory_space<hbm>>) dst(%arg12 : memref<64x128xf32, #tpu.memory_space<vmem>>)
        %dma_start3A_215 = arith.constant 5 : i32
        %dma_start3A_216 = arith.constant 0 : i32
        %dma_start3A_217 = tpu.memref_slice %arg9[%dma_start3A_215, %dma_start3A_216] : memref<8x64xi32, #tpu.memory_space<vmem>> -> memref<1x64xi32, #tpu.memory_space<vmem>>
        %dma_start3A_218 = tpu.memref_squeeze %dma_start3A_217 : memref<1x64xi32, #tpu.memory_space<vmem>> -> memref<64xi32, #tpu.memory_space<vmem>>
        %dma_start3A_219 = arith.constant 0 : i32
        %dma_start3A_220 = arith.constant 0 : i32
        %dma_start3A_221 = tpu.memref_slice %arg13[%dma_start3A_219, %dma_start3A_220] : memref<10240x128xf32, #tpu.memory_space<vmem_shared>> -> memref<10240x128xf32, #tpu.memory_space<vmem_shared>>
        tpu.enqueue_indirect_dma source(%arg12 : memref<64x128xf32, #tpu.memory_space<vmem>>) target(%dma_start3A_221 : memref<10240x128xf32, #tpu.memory_space<vmem_shared>>) offsets(%dma_start3A_218 : memref<64xi32, #tpu.memory_space<vmem>>) semaphore(%arg19 : memref<!tpu.dma_semaphore, #tpu.memory_space<semaphore_mem>>) {add = true}
        %dma_wait3A_222 = arith.constant 4 : i32
        %dma_wait3A_223 = arith.constant 0 : i32
        %dma_wait3A_224 = tpu.memref_slice %arg9[%dma_wait3A_222, %dma_wait3A_223] : memref<8x64xi32, #tpu.memory_space<vmem>> -> memref<1x64xi32, #tpu.memory_space<vmem>>
        %dma_wait3A_225 = tpu.memref_squeeze %dma_wait3A_224 : memref<1x64xi32, #tpu.memory_space<vmem>> -> memref<64xi32, #tpu.memory_space<vmem>>
        %dma_wait3A_226 = arith.constant 0 : i32
        %dma_wait3A_227 = arith.constant 0 : i32
        %dma_wait3A_228 = tpu.memref_slice %arg13[%dma_wait3A_226, %dma_wait3A_227] : memref<10240x128xf32, #tpu.memory_space<vmem_shared>> -> memref<10240x128xf32, #tpu.memory_space<vmem_shared>>
        tpu.wait_indirect_dma semaphore(%arg18 : memref<!tpu.dma_semaphore, #tpu.memory_space<semaphore_mem>>) src(%arg11 : memref<64x128xf32, #tpu.memory_space<vmem>>) dst(%dma_wait3A_228 : memref<10240x128xf32, #tpu.memory_space<vmem_shared>>)
        %dma_start3A_229 = arith.constant 7 : i32
        %dma_start3A_230 = arith.constant 0 : i32
        %dma_start3A_231 = tpu.memref_slice %arg8[%dma_start3A_229, %dma_start3A_230] : memref<8x64xi32, #tpu.memory_space<vmem>> -> memref<1x64xi32, #tpu.memory_space<vmem>>
        %dma_start3A_232 = tpu.memref_squeeze %dma_start3A_231 : memref<1x64xi32, #tpu.memory_space<vmem>> -> memref<64xi32, #tpu.memory_space<vmem>>
        %dma_start3A_233 = arith.constant 0 : i32
        %dma_start3A_234 = arith.constant 0 : i32
        %dma_start3A_235 = tpu.memref_slice %arg2[%dma_start3A_233, %dma_start3A_234] : memref<10240x128xf32, #tpu.memory_space<hbm>> -> memref<10240x128xf32, #tpu.memory_space<hbm>>
        tpu.enqueue_indirect_dma source(%dma_start3A_235 : memref<10240x128xf32, #tpu.memory_space<hbm>>) target(%arg11 : memref<64x128xf32, #tpu.memory_space<vmem>>) offsets(%dma_start3A_232 : memref<64xi32, #tpu.memory_space<vmem>>) semaphore(%arg15 : memref<!tpu.dma_semaphore, #tpu.memory_space<semaphore_mem>>)
        %dma_wait3A_236 = arith.constant 6 : i32
        %dma_wait3A_237 = arith.constant 0 : i32
        %dma_wait3A_238 = tpu.memref_slice %arg8[%dma_wait3A_236, %dma_wait3A_237] : memref<8x64xi32, #tpu.memory_space<vmem>> -> memref<1x64xi32, #tpu.memory_space<vmem>>
        %dma_wait3A_239 = tpu.memref_squeeze %dma_wait3A_238 : memref<1x64xi32, #tpu.memory_space<vmem>> -> memref<64xi32, #tpu.memory_space<vmem>>
        %dma_wait3A_240 = arith.constant 0 : i32
        %dma_wait3A_241 = arith.constant 0 : i32
        %dma_wait3A_242 = tpu.memref_slice %arg2[%dma_wait3A_240, %dma_wait3A_241] : memref<10240x128xf32, #tpu.memory_space<hbm>> -> memref<10240x128xf32, #tpu.memory_space<hbm>>
        tpu.wait_indirect_dma semaphore(%arg14 : memref<!tpu.dma_semaphore, #tpu.memory_space<semaphore_mem>>) src(%dma_wait3A_242 : memref<10240x128xf32, #tpu.memory_space<hbm>>) dst(%arg10 : memref<64x128xf32, #tpu.memory_space<vmem>>)
        %dma_start3A_243 = arith.constant 6 : i32
        %dma_start3A_244 = arith.constant 0 : i32
        %dma_start3A_245 = tpu.memref_slice %arg9[%dma_start3A_243, %dma_start3A_244] : memref<8x64xi32, #tpu.memory_space<vmem>> -> memref<1x64xi32, #tpu.memory_space<vmem>>
        %dma_start3A_246 = tpu.memref_squeeze %dma_start3A_245 : memref<1x64xi32, #tpu.memory_space<vmem>> -> memref<64xi32, #tpu.memory_space<vmem>>
        %dma_start3A_247 = arith.constant 0 : i32
        %dma_start3A_248 = arith.constant 0 : i32
        %dma_start3A_249 = tpu.memref_slice %arg13[%dma_start3A_247, %dma_start3A_248] : memref<10240x128xf32, #tpu.memory_space<vmem_shared>> -> memref<10240x128xf32, #tpu.memory_space<vmem_shared>>
        tpu.enqueue_indirect_dma source(%arg10 : memref<64x128xf32, #tpu.memory_space<vmem>>) target(%dma_start3A_249 : memref<10240x128xf32, #tpu.memory_space<vmem_shared>>) offsets(%dma_start3A_246 : memref<64xi32, #tpu.memory_space<vmem>>) semaphore(%arg17 : memref<!tpu.dma_semaphore, #tpu.memory_space<semaphore_mem>>) {add = true}
        %dma_wait3A_250 = arith.constant 7 : i32
        %dma_wait3A_251 = arith.constant 0 : i32
        %dma_wait3A_252 = tpu.memref_slice %arg8[%dma_wait3A_250, %dma_wait3A_251] : memref<8x64xi32, #tpu.memory_space<vmem>> -> memref<1x64xi32, #tpu.memory_space<vmem>>
        %dma_wait3A_253 = tpu.memref_squeeze %dma_wait3A_252 : memref<1x64xi32, #tpu.memory_space<vmem>> -> memref<64xi32, #tpu.memory_space<vmem>>
        %dma_wait3A_254 = arith.constant 0 : i32
        %dma_wait3A_255 = arith.constant 0 : i32
        %dma_wait3A_256 = tpu.memref_slice %arg2[%dma_wait3A_254, %dma_wait3A_255] : memref<10240x128xf32, #tpu.memory_space<hbm>> -> memref<10240x128xf32, #tpu.memory_space<hbm>>
        tpu.wait_indirect_dma semaphore(%arg15 : memref<!tpu.dma_semaphore, #tpu.memory_space<semaphore_mem>>) src(%dma_wait3A_256 : memref<10240x128xf32, #tpu.memory_space<hbm>>) dst(%arg11 : memref<64x128xf32, #tpu.memory_space<vmem>>)
        %dma_start3A_257 = arith.constant 7 : i32
        %dma_start3A_258 = arith.constant 0 : i32
        %dma_start3A_259 = tpu.memref_slice %arg9[%dma_start3A_257, %dma_start3A_258] : memref<8x64xi32, #tpu.memory_space<vmem>> -> memref<1x64xi32, #tpu.memory_space<vmem>>
        %dma_start3A_260 = tpu.memref_squeeze %dma_start3A_259 : memref<1x64xi32, #tpu.memory_space<vmem>> -> memref<64xi32, #tpu.memory_space<vmem>>
        %dma_start3A_261 = arith.constant 0 : i32
        %dma_start3A_262 = arith.constant 0 : i32
        %dma_start3A_263 = tpu.memref_slice %arg13[%dma_start3A_261, %dma_start3A_262] : memref<10240x128xf32, #tpu.memory_space<vmem_shared>> -> memref<10240x128xf32, #tpu.memory_space<vmem_shared>>
        tpu.enqueue_indirect_dma source(%arg11 : memref<64x128xf32, #tpu.memory_space<vmem>>) target(%dma_start3A_263 : memref<10240x128xf32, #tpu.memory_space<vmem_shared>>) offsets(%dma_start3A_260 : memref<64xi32, #tpu.memory_space<vmem>>) semaphore(%arg18 : memref<!tpu.dma_semaphore, #tpu.memory_space<semaphore_mem>>) {add = true}
        %dma_wait3A_264 = arith.constant 6 : i32
        %dma_wait3A_265 = arith.constant 0 : i32
        %dma_wait3A_266 = tpu.memref_slice %arg9[%dma_wait3A_264, %dma_wait3A_265] : memref<8x64xi32, #tpu.memory_space<vmem>> -> memref<1x64xi32, #tpu.memory_space<vmem>>
        %dma_wait3A_267 = tpu.memref_squeeze %dma_wait3A_266 : memref<1x64xi32, #tpu.memory_space<vmem>> -> memref<64xi32, #tpu.memory_space<vmem>>
        %dma_wait3A_268 = arith.constant 0 : i32
        %dma_wait3A_269 = arith.constant 0 : i32
        %dma_wait3A_270 = tpu.memref_slice %arg13[%dma_wait3A_268, %dma_wait3A_269] : memref<10240x128xf32, #tpu.memory_space<vmem_shared>> -> memref<10240x128xf32, #tpu.memory_space<vmem_shared>>
        tpu.wait_indirect_dma semaphore(%arg17 : memref<!tpu.dma_semaphore, #tpu.memory_space<semaphore_mem>>) src(%arg10 : memref<64x128xf32, #tpu.memory_space<vmem>>) dst(%dma_wait3A_270 : memref<10240x128xf32, #tpu.memory_space<vmem_shared>>)
        %dma_wait3A_271 = arith.constant 7 : i32
        %dma_wait3A_272 = arith.constant 0 : i32
        %dma_wait3A_273 = tpu.memref_slice %arg9[%dma_wait3A_271, %dma_wait3A_272] : memref<8x64xi32, #tpu.memory_space<vmem>> -> memref<1x64xi32, #tpu.memory_space<vmem>>
        %dma_wait3A_274 = tpu.memref_squeeze %dma_wait3A_273 : memref<1x64xi32, #tpu.memory_space<vmem>> -> memref<64xi32, #tpu.memory_space<vmem>>
        %dma_wait3A_275 = arith.constant 0 : i32
        %dma_wait3A_276 = arith.constant 0 : i32
        %dma_wait3A_277 = tpu.memref_slice %arg13[%dma_wait3A_275, %dma_wait3A_276] : memref<10240x128xf32, #tpu.memory_space<vmem_shared>> -> memref<10240x128xf32, #tpu.memory_space<vmem_shared>>
        tpu.wait_indirect_dma semaphore(%arg18 : memref<!tpu.dma_semaphore, #tpu.memory_space<semaphore_mem>>) src(%arg11 : memref<64x128xf32, #tpu.memory_space<vmem>>) dst(%dma_wait3A_277 : memref<10240x128xf32, #tpu.memory_space<vmem_shared>>)
      }
      %scan3A_59 = arith.constant 20 : i32
    } else {
    }
    %eq3A_28 = arith.constant 1 : i32
    %eq3A_29 = arith.cmpi eq, %arg0, %eq3A_28 : i32
    %convert_element_type3A_30 = arith.extui %eq3A_29 : i1 to i32
    %cond3A_31 = arith.constant 0 : i32
    %cond3A_32 = arith.cmpi ne, %convert_element_type3A_30, %cond3A_31 : i32
    scf.if %cond3A_32 {
      %scan3A_54 = arith.constant 0 : i32
      %scan3A_55 = arith.constant 0 : i32
      %scan3A_56 = arith.constant 20 : i32
      %scan3A_57 = arith.addi %scan3A_55, %scan3A_56 : i32
      %scan3A_58 = arith.constant 1 : i32
      scf.for %scan3A_60 = %scan3A_55 to %scan3A_57 step %scan3A_58  : i32 {
        %mul3A_61 = arith.constant 8 : i32
        %mul3A_62 = arith.muli %scan3A_60, %mul3A_61 : i32
        "tpu.region"() ({
          %run_scoped3A = tpu.sem_alloc : memref<!tpu.dma_semaphore, #tpu.memory_space<semaphore_mem>>
          %dma_start3A_278 = arith.constant 0 : i32
          %dma_start3A_279 = tpu.memref_slice %arg5[%arg1, %mul3A_62, %dma_start3A_278] : memref<16x160x64xi32, #tpu.memory_space<hbm>> -> memref<1x8x64xi32, #tpu.memory_space<hbm>>
          %dma_start3A_280 = tpu.memref_squeeze %dma_start3A_279 : memref<1x8x64xi32, #tpu.memory_space<hbm>> -> memref<8x64xi32, #tpu.memory_space<hbm>>
          %dma_start3A_281 = arith.constant 0 : i32
          %dma_start3A_282 = tpu.memref_slice %arg5[%arg1, %mul3A_62, %dma_start3A_281] : memref<16x160x64xi32, #tpu.memory_space<hbm>> -> memref<1x8x64xi32, #tpu.memory_space<hbm>>
          %dma_start3A_283 = tpu.memref_squeeze %dma_start3A_282 : memref<1x8x64xi32, #tpu.memory_space<hbm>> -> memref<8x64xi32, #tpu.memory_space<hbm>>
          tpu.enqueue_dma source(%dma_start3A_283 : memref<8x64xi32, #tpu.memory_space<hbm>>) target(%arg8 : memref<8x64xi32, #tpu.memory_space<vmem>>) target_semaphore(%run_scoped3A : memref<!tpu.dma_semaphore, #tpu.memory_space<semaphore_mem>>)
          %dma_wait3A_284 = arith.constant 0 : i32
          %dma_wait3A_285 = tpu.memref_slice %arg5[%arg1, %mul3A_62, %dma_wait3A_284] : memref<16x160x64xi32, #tpu.memory_space<hbm>> -> memref<1x8x64xi32, #tpu.memory_space<hbm>>
          %dma_wait3A_286 = tpu.memref_squeeze %dma_wait3A_285 : memref<1x8x64xi32, #tpu.memory_space<hbm>> -> memref<8x64xi32, #tpu.memory_space<hbm>>
          %dma_wait3A_287 = arith.constant 0 : i32
          %dma_wait3A_288 = tpu.memref_slice %arg5[%arg1, %mul3A_62, %dma_wait3A_287] : memref<16x160x64xi32, #tpu.memory_space<hbm>> -> memref<1x8x64xi32, #tpu.memory_space<hbm>>
          %dma_wait3A_289 = tpu.memref_squeeze %dma_wait3A_288 : memref<1x8x64xi32, #tpu.memory_space<hbm>> -> memref<8x64xi32, #tpu.memory_space<hbm>>
          tpu.wait_dma2 semaphore(%run_scoped3A : memref<!tpu.dma_semaphore, #tpu.memory_space<semaphore_mem>>) src(%dma_wait3A_289 : memref<8x64xi32, #tpu.memory_space<hbm>>) dst(%arg8 : memref<8x64xi32, #tpu.memory_space<vmem>>)
          tpu.yield
        }) : () -> ()
        "tpu.region"() ({
          %run_scoped3A = tpu.sem_alloc : memref<!tpu.dma_semaphore, #tpu.memory_space<semaphore_mem>>
          %dma_start3A_278 = arith.constant 0 : i32
          %dma_start3A_279 = tpu.memref_slice %arg6[%arg1, %mul3A_62, %dma_start3A_278] : memref<16x160x64xi32, #tpu.memory_space<hbm>> -> memref<1x8x64xi32, #tpu.memory_space<hbm>>
          %dma_start3A_280 = tpu.memref_squeeze %dma_start3A_279 : memref<1x8x64xi32, #tpu.memory_space<hbm>> -> memref<8x64xi32, #tpu.memory_space<hbm>>
          %dma_start3A_281 = arith.constant 0 : i32
          %dma_start3A_282 = tpu.memref_slice %arg6[%arg1, %mul3A_62, %dma_start3A_281] : memref<16x160x64xi32, #tpu.memory_space<hbm>> -> memref<1x8x64xi32, #tpu.memory_space<hbm>>
          %dma_start3A_283 = tpu.memref_squeeze %dma_start3A_282 : memref<1x8x64xi32, #tpu.memory_space<hbm>> -> memref<8x64xi32, #tpu.memory_space<hbm>>
          tpu.enqueue_dma source(%dma_start3A_283 : memref<8x64xi32, #tpu.memory_space<hbm>>) target(%arg9 : memref<8x64xi32, #tpu.memory_space<vmem>>) target_semaphore(%run_scoped3A : memref<!tpu.dma_semaphore, #tpu.memory_space<semaphore_mem>>)
          %dma_wait3A_284 = arith.constant 0 : i32
          %dma_wait3A_285 = tpu.memref_slice %arg6[%arg1, %mul3A_62, %dma_wait3A_284] : memref<16x160x64xi32, #tpu.memory_space<hbm>> -> memref<1x8x64xi32, #tpu.memory_space<hbm>>
          %dma_wait3A_286 = tpu.memref_squeeze %dma_wait3A_285 : memref<1x8x64xi32, #tpu.memory_space<hbm>> -> memref<8x64xi32, #tpu.memory_space<hbm>>
          %dma_wait3A_287 = arith.constant 0 : i32
          %dma_wait3A_288 = tpu.memref_slice %arg6[%arg1, %mul3A_62, %dma_wait3A_287] : memref<16x160x64xi32, #tpu.memory_space<hbm>> -> memref<1x8x64xi32, #tpu.memory_space<hbm>>
          %dma_wait3A_289 = tpu.memref_squeeze %dma_wait3A_288 : memref<1x8x64xi32, #tpu.memory_space<hbm>> -> memref<8x64xi32, #tpu.memory_space<hbm>>
          tpu.wait_dma2 semaphore(%run_scoped3A : memref<!tpu.dma_semaphore, #tpu.memory_space<semaphore_mem>>) src(%dma_wait3A_289 : memref<8x64xi32, #tpu.memory_space<hbm>>) dst(%arg9 : memref<8x64xi32, #tpu.memory_space<vmem>>)
          tpu.yield
        }) : () -> ()
        %dma_start3A = arith.constant 0 : i32
        %dma_start3A_63 = arith.constant 0 : i32
        %dma_start3A_64 = tpu.memref_slice %arg8[%dma_start3A, %dma_start3A_63] : memref<8x64xi32, #tpu.memory_space<vmem>> -> memref<1x64xi32, #tpu.memory_space<vmem>>
        %dma_start3A_65 = tpu.memref_squeeze %dma_start3A_64 : memref<1x64xi32, #tpu.memory_space<vmem>> -> memref<64xi32, #tpu.memory_space<vmem>>
        %dma_start3A_66 = arith.constant 0 : i32
        %dma_start3A_67 = arith.constant 0 : i32
        %dma_start3A_68 = tpu.memref_slice %arg2[%dma_start3A_66, %dma_start3A_67] : memref<10240x128xf32, #tpu.memory_space<hbm>> -> memref<10240x128xf32, #tpu.memory_space<hbm>>
        tpu.enqueue_indirect_dma source(%dma_start3A_68 : memref<10240x128xf32, #tpu.memory_space<hbm>>) target(%arg10 : memref<64x128xf32, #tpu.memory_space<vmem>>) offsets(%dma_start3A_65 : memref<64xi32, #tpu.memory_space<vmem>>) semaphore(%arg14 : memref<!tpu.dma_semaphore, #tpu.memory_space<semaphore_mem>>)
        %dma_start3A_69 = arith.constant 1 : i32
        %dma_start3A_70 = arith.constant 0 : i32
        %dma_start3A_71 = tpu.memref_slice %arg8[%dma_start3A_69, %dma_start3A_70] : memref<8x64xi32, #tpu.memory_space<vmem>> -> memref<1x64xi32, #tpu.memory_space<vmem>>
        %dma_start3A_72 = tpu.memref_squeeze %dma_start3A_71 : memref<1x64xi32, #tpu.memory_space<vmem>> -> memref<64xi32, #tpu.memory_space<vmem>>
        %dma_start3A_73 = arith.constant 0 : i32
        %dma_start3A_74 = arith.constant 0 : i32
        %dma_start3A_75 = tpu.memref_slice %arg2[%dma_start3A_73, %dma_start3A_74] : memref<10240x128xf32, #tpu.memory_space<hbm>> -> memref<10240x128xf32, #tpu.memory_space<hbm>>
        tpu.enqueue_indirect_dma source(%dma_start3A_75 : memref<10240x128xf32, #tpu.memory_space<hbm>>) target(%arg11 : memref<64x128xf32, #tpu.memory_space<vmem>>) offsets(%dma_start3A_72 : memref<64xi32, #tpu.memory_space<vmem>>) semaphore(%arg15 : memref<!tpu.dma_semaphore, #tpu.memory_space<semaphore_mem>>)
        %dma_wait3A = arith.constant 0 : i32
        %dma_wait3A_76 = arith.constant 0 : i32
        %dma_wait3A_77 = tpu.memref_slice %arg8[%dma_wait3A, %dma_wait3A_76] : memref<8x64xi32, #tpu.memory_space<vmem>> -> memref<1x64xi32, #tpu.memory_space<vmem>>
        %dma_wait3A_78 = tpu.memref_squeeze %dma_wait3A_77 : memref<1x64xi32, #tpu.memory_space<vmem>> -> memref<64xi32, #tpu.memory_space<vmem>>
        %dma_wait3A_79 = arith.constant 0 : i32
        %dma_wait3A_80 = arith.constant 0 : i32
        %dma_wait3A_81 = tpu.memref_slice %arg2[%dma_wait3A_79, %dma_wait3A_80] : memref<10240x128xf32, #tpu.memory_space<hbm>> -> memref<10240x128xf32, #tpu.memory_space<hbm>>
        tpu.wait_indirect_dma semaphore(%arg14 : memref<!tpu.dma_semaphore, #tpu.memory_space<semaphore_mem>>) src(%dma_wait3A_81 : memref<10240x128xf32, #tpu.memory_space<hbm>>) dst(%arg10 : memref<64x128xf32, #tpu.memory_space<vmem>>)
        %dma_start3A_82 = arith.constant 0 : i32
        %dma_start3A_83 = arith.constant 0 : i32
        %dma_start3A_84 = tpu.memref_slice %arg9[%dma_start3A_82, %dma_start3A_83] : memref<8x64xi32, #tpu.memory_space<vmem>> -> memref<1x64xi32, #tpu.memory_space<vmem>>
        %dma_start3A_85 = tpu.memref_squeeze %dma_start3A_84 : memref<1x64xi32, #tpu.memory_space<vmem>> -> memref<64xi32, #tpu.memory_space<vmem>>
        %dma_start3A_86 = arith.constant 0 : i32
        %dma_start3A_87 = arith.constant 0 : i32
        %dma_start3A_88 = tpu.memref_slice %arg13[%dma_start3A_86, %dma_start3A_87] : memref<10240x128xf32, #tpu.memory_space<vmem_shared>> -> memref<10240x128xf32, #tpu.memory_space<vmem_shared>>
        tpu.enqueue_indirect_dma source(%arg10 : memref<64x128xf32, #tpu.memory_space<vmem>>) target(%dma_start3A_88 : memref<10240x128xf32, #tpu.memory_space<vmem_shared>>) offsets(%dma_start3A_85 : memref<64xi32, #tpu.memory_space<vmem>>) semaphore(%arg17 : memref<!tpu.dma_semaphore, #tpu.memory_space<semaphore_mem>>) {add = true}
        %dma_start3A_89 = arith.constant 2 : i32
        %dma_start3A_90 = arith.constant 0 : i32
        %dma_start3A_91 = tpu.memref_slice %arg8[%dma_start3A_89, %dma_start3A_90] : memref<8x64xi32, #tpu.memory_space<vmem>> -> memref<1x64xi32, #tpu.memory_space<vmem>>
        %dma_start3A_92 = tpu.memref_squeeze %dma_start3A_91 : memref<1x64xi32, #tpu.memory_space<vmem>> -> memref<64xi32, #tpu.memory_space<vmem>>
        %dma_start3A_93 = arith.constant 0 : i32
        %dma_start3A_94 = arith.constant 0 : i32
        %dma_start3A_95 = tpu.memref_slice %arg2[%dma_start3A_93, %dma_start3A_94] : memref<10240x128xf32, #tpu.memory_space<hbm>> -> memref<10240x128xf32, #tpu.memory_space<hbm>>
        tpu.enqueue_indirect_dma source(%dma_start3A_95 : memref<10240x128xf32, #tpu.memory_space<hbm>>) target(%arg12 : memref<64x128xf32, #tpu.memory_space<vmem>>) offsets(%dma_start3A_92 : memref<64xi32, #tpu.memory_space<vmem>>) semaphore(%arg16 : memref<!tpu.dma_semaphore, #tpu.memory_space<semaphore_mem>>)
        %dma_wait3A_96 = arith.constant 1 : i32
        %dma_wait3A_97 = arith.constant 0 : i32
        %dma_wait3A_98 = tpu.memref_slice %arg8[%dma_wait3A_96, %dma_wait3A_97] : memref<8x64xi32, #tpu.memory_space<vmem>> -> memref<1x64xi32, #tpu.memory_space<vmem>>
        %dma_wait3A_99 = tpu.memref_squeeze %dma_wait3A_98 : memref<1x64xi32, #tpu.memory_space<vmem>> -> memref<64xi32, #tpu.memory_space<vmem>>
        %dma_wait3A_100 = arith.constant 0 : i32
        %dma_wait3A_101 = arith.constant 0 : i32
        %dma_wait3A_102 = tpu.memref_slice %arg2[%dma_wait3A_100, %dma_wait3A_101] : memref<10240x128xf32, #tpu.memory_space<hbm>> -> memref<10240x128xf32, #tpu.memory_space<hbm>>
        tpu.wait_indirect_dma semaphore(%arg15 : memref<!tpu.dma_semaphore, #tpu.memory_space<semaphore_mem>>) src(%dma_wait3A_102 : memref<10240x128xf32, #tpu.memory_space<hbm>>) dst(%arg11 : memref<64x128xf32, #tpu.memory_space<vmem>>)
        %dma_start3A_103 = arith.constant 1 : i32
        %dma_start3A_104 = arith.constant 0 : i32
        %dma_start3A_105 = tpu.memref_slice %arg9[%dma_start3A_103, %dma_start3A_104] : memref<8x64xi32, #tpu.memory_space<vmem>> -> memref<1x64xi32, #tpu.memory_space<vmem>>
        %dma_start3A_106 = tpu.memref_squeeze %dma_start3A_105 : memref<1x64xi32, #tpu.memory_space<vmem>> -> memref<64xi32, #tpu.memory_space<vmem>>
        %dma_start3A_107 = arith.constant 0 : i32
        %dma_start3A_108 = arith.constant 0 : i32
        %dma_start3A_109 = tpu.memref_slice %arg13[%dma_start3A_107, %dma_start3A_108] : memref<10240x128xf32, #tpu.memory_space<vmem_shared>> -> memref<10240x128xf32, #tpu.memory_space<vmem_shared>>
        tpu.enqueue_indirect_dma source(%arg11 : memref<64x128xf32, #tpu.memory_space<vmem>>) target(%dma_start3A_109 : memref<10240x128xf32, #tpu.memory_space<vmem_shared>>) offsets(%dma_start3A_106 : memref<64xi32, #tpu.memory_space<vmem>>) semaphore(%arg18 : memref<!tpu.dma_semaphore, #tpu.memory_space<semaphore_mem>>) {add = true}
        %dma_wait3A_110 = arith.constant 0 : i32
        %dma_wait3A_111 = arith.constant 0 : i32
        %dma_wait3A_112 = tpu.memref_slice %arg9[%dma_wait3A_110, %dma_wait3A_111] : memref<8x64xi32, #tpu.memory_space<vmem>> -> memref<1x64xi32, #tpu.memory_space<vmem>>
        %dma_wait3A_113 = tpu.memref_squeeze %dma_wait3A_112 : memref<1x64xi32, #tpu.memory_space<vmem>> -> memref<64xi32, #tpu.memory_space<vmem>>
        %dma_wait3A_114 = arith.constant 0 : i32
        %dma_wait3A_115 = arith.constant 0 : i32
        %dma_wait3A_116 = tpu.memref_slice %arg13[%dma_wait3A_114, %dma_wait3A_115] : memref<10240x128xf32, #tpu.memory_space<vmem_shared>> -> memref<10240x128xf32, #tpu.memory_space<vmem_shared>>
        tpu.wait_indirect_dma semaphore(%arg17 : memref<!tpu.dma_semaphore, #tpu.memory_space<semaphore_mem>>) src(%arg10 : memref<64x128xf32, #tpu.memory_space<vmem>>) dst(%dma_wait3A_116 : memref<10240x128xf32, #tpu.memory_space<vmem_shared>>)
        %dma_start3A_117 = arith.constant 3 : i32
        %dma_start3A_118 = arith.constant 0 : i32
        %dma_start3A_119 = tpu.memref_slice %arg8[%dma_start3A_117, %dma_start3A_118] : memref<8x64xi32, #tpu.memory_space<vmem>> -> memref<1x64xi32, #tpu.memory_space<vmem>>
        %dma_start3A_120 = tpu.memref_squeeze %dma_start3A_119 : memref<1x64xi32, #tpu.memory_space<vmem>> -> memref<64xi32, #tpu.memory_space<vmem>>
        %dma_start3A_121 = arith.constant 0 : i32
        %dma_start3A_122 = arith.constant 0 : i32
        %dma_start3A_123 = tpu.memref_slice %arg2[%dma_start3A_121, %dma_start3A_122] : memref<10240x128xf32, #tpu.memory_space<hbm>> -> memref<10240x128xf32, #tpu.memory_space<hbm>>
        tpu.enqueue_indirect_dma source(%dma_start3A_123 : memref<10240x128xf32, #tpu.memory_space<hbm>>) target(%arg10 : memref<64x128xf32, #tpu.memory_space<vmem>>) offsets(%dma_start3A_120 : memref<64xi32, #tpu.memory_space<vmem>>) semaphore(%arg14 : memref<!tpu.dma_semaphore, #tpu.memory_space<semaphore_mem>>)
        %dma_wait3A_124 = arith.constant 2 : i32
        %dma_wait3A_125 = arith.constant 0 : i32
        %dma_wait3A_126 = tpu.memref_slice %arg8[%dma_wait3A_124, %dma_wait3A_125] : memref<8x64xi32, #tpu.memory_space<vmem>> -> memref<1x64xi32, #tpu.memory_space<vmem>>
        %dma_wait3A_127 = tpu.memref_squeeze %dma_wait3A_126 : memref<1x64xi32, #tpu.memory_space<vmem>> -> memref<64xi32, #tpu.memory_space<vmem>>
        %dma_wait3A_128 = arith.constant 0 : i32
        %dma_wait3A_129 = arith.constant 0 : i32
        %dma_wait3A_130 = tpu.memref_slice %arg2[%dma_wait3A_128, %dma_wait3A_129] : memref<10240x128xf32, #tpu.memory_space<hbm>> -> memref<10240x128xf32, #tpu.memory_space<hbm>>
        tpu.wait_indirect_dma semaphore(%arg16 : memref<!tpu.dma_semaphore, #tpu.memory_space<semaphore_mem>>) src(%dma_wait3A_130 : memref<10240x128xf32, #tpu.memory_space<hbm>>) dst(%arg12 : memref<64x128xf32, #tpu.memory_space<vmem>>)
        %dma_start3A_131 = arith.constant 2 : i32
        %dma_start3A_132 = arith.constant 0 : i32
        %dma_start3A_133 = tpu.memref_slice %arg9[%dma_start3A_131, %dma_start3A_132] : memref<8x64xi32, #tpu.memory_space<vmem>> -> memref<1x64xi32, #tpu.memory_space<vmem>>
        %dma_start3A_134 = tpu.memref_squeeze %dma_start3A_133 : memref<1x64xi32, #tpu.memory_space<vmem>> -> memref<64xi32, #tpu.memory_space<vmem>>
        %dma_start3A_135 = arith.constant 0 : i32
        %dma_start3A_136 = arith.constant 0 : i32
        %dma_start3A_137 = tpu.memref_slice %arg13[%dma_start3A_135, %dma_start3A_136] : memref<10240x128xf32, #tpu.memory_space<vmem_shared>> -> memref<10240x128xf32, #tpu.memory_space<vmem_shared>>
        tpu.enqueue_indirect_dma source(%arg12 : memref<64x128xf32, #tpu.memory_space<vmem>>) target(%dma_start3A_137 : memref<10240x128xf32, #tpu.memory_space<vmem_shared>>) offsets(%dma_start3A_134 : memref<64xi32, #tpu.memory_space<vmem>>) semaphore(%arg19 : memref<!tpu.dma_semaphore, #tpu.memory_space<semaphore_mem>>) {add = true}
        %dma_wait3A_138 = arith.constant 1 : i32
        %dma_wait3A_139 = arith.constant 0 : i32
        %dma_wait3A_140 = tpu.memref_slice %arg9[%dma_wait3A_138, %dma_wait3A_139] : memref<8x64xi32, #tpu.memory_space<vmem>> -> memref<1x64xi32, #tpu.memory_space<vmem>>
        %dma_wait3A_141 = tpu.memref_squeeze %dma_wait3A_140 : memref<1x64xi32, #tpu.memory_space<vmem>> -> memref<64xi32, #tpu.memory_space<vmem>>
        %dma_wait3A_142 = arith.constant 0 : i32
        %dma_wait3A_143 = arith.constant 0 : i32
        %dma_wait3A_144 = tpu.memref_slice %arg13[%dma_wait3A_142, %dma_wait3A_143] : memref<10240x128xf32, #tpu.memory_space<vmem_shared>> -> memref<10240x128xf32, #tpu.memory_space<vmem_shared>>
        tpu.wait_indirect_dma semaphore(%arg18 : memref<!tpu.dma_semaphore, #tpu.memory_space<semaphore_mem>>) src(%arg11 : memref<64x128xf32, #tpu.memory_space<vmem>>) dst(%dma_wait3A_144 : memref<10240x128xf32, #tpu.memory_space<vmem_shared>>)
        %dma_start3A_145 = arith.constant 4 : i32
        %dma_start3A_146 = arith.constant 0 : i32
        %dma_start3A_147 = tpu.memref_slice %arg8[%dma_start3A_145, %dma_start3A_146] : memref<8x64xi32, #tpu.memory_space<vmem>> -> memref<1x64xi32, #tpu.memory_space<vmem>>
        %dma_start3A_148 = tpu.memref_squeeze %dma_start3A_147 : memref<1x64xi32, #tpu.memory_space<vmem>> -> memref<64xi32, #tpu.memory_space<vmem>>
        %dma_start3A_149 = arith.constant 0 : i32
        %dma_start3A_150 = arith.constant 0 : i32
        %dma_start3A_151 = tpu.memref_slice %arg2[%dma_start3A_149, %dma_start3A_150] : memref<10240x128xf32, #tpu.memory_space<hbm>> -> memref<10240x128xf32, #tpu.memory_space<hbm>>
        tpu.enqueue_indirect_dma source(%dma_start3A_151 : memref<10240x128xf32, #tpu.memory_space<hbm>>) target(%arg11 : memref<64x128xf32, #tpu.memory_space<vmem>>) offsets(%dma_start3A_148 : memref<64xi32, #tpu.memory_space<vmem>>) semaphore(%arg15 : memref<!tpu.dma_semaphore, #tpu.memory_space<semaphore_mem>>)
        %dma_wait3A_152 = arith.constant 3 : i32
        %dma_wait3A_153 = arith.constant 0 : i32
        %dma_wait3A_154 = tpu.memref_slice %arg8[%dma_wait3A_152, %dma_wait3A_153] : memref<8x64xi32, #tpu.memory_space<vmem>> -> memref<1x64xi32, #tpu.memory_space<vmem>>
        %dma_wait3A_155 = tpu.memref_squeeze %dma_wait3A_154 : memref<1x64xi32, #tpu.memory_space<vmem>> -> memref<64xi32, #tpu.memory_space<vmem>>
        %dma_wait3A_156 = arith.constant 0 : i32
        %dma_wait3A_157 = arith.constant 0 : i32
        %dma_wait3A_158 = tpu.memref_slice %arg2[%dma_wait3A_156, %dma_wait3A_157] : memref<10240x128xf32, #tpu.memory_space<hbm>> -> memref<10240x128xf32, #tpu.memory_space<hbm>>
        tpu.wait_indirect_dma semaphore(%arg14 : memref<!tpu.dma_semaphore, #tpu.memory_space<semaphore_mem>>) src(%dma_wait3A_158 : memref<10240x128xf32, #tpu.memory_space<hbm>>) dst(%arg10 : memref<64x128xf32, #tpu.memory_space<vmem>>)
        %dma_start3A_159 = arith.constant 3 : i32
        %dma_start3A_160 = arith.constant 0 : i32
        %dma_start3A_161 = tpu.memref_slice %arg9[%dma_start3A_159, %dma_start3A_160] : memref<8x64xi32, #tpu.memory_space<vmem>> -> memref<1x64xi32, #tpu.memory_space<vmem>>
        %dma_start3A_162 = tpu.memref_squeeze %dma_start3A_161 : memref<1x64xi32, #tpu.memory_space<vmem>> -> memref<64xi32, #tpu.memory_space<vmem>>
        %dma_start3A_163 = arith.constant 0 : i32
        %dma_start3A_164 = arith.constant 0 : i32
        %dma_start3A_165 = tpu.memref_slice %arg13[%dma_start3A_163, %dma_start3A_164] : memref<10240x128xf32, #tpu.memory_space<vmem_shared>> -> memref<10240x128xf32, #tpu.memory_space<vmem_shared>>
        tpu.enqueue_indirect_dma source(%arg10 : memref<64x128xf32, #tpu.memory_space<vmem>>) target(%dma_start3A_165 : memref<10240x128xf32, #tpu.memory_space<vmem_shared>>) offsets(%dma_start3A_162 : memref<64xi32, #tpu.memory_space<vmem>>) semaphore(%arg17 : memref<!tpu.dma_semaphore, #tpu.memory_space<semaphore_mem>>) {add = true}
        %dma_wait3A_166 = arith.constant 2 : i32
        %dma_wait3A_167 = arith.constant 0 : i32
        %dma_wait3A_168 = tpu.memref_slice %arg9[%dma_wait3A_166, %dma_wait3A_167] : memref<8x64xi32, #tpu.memory_space<vmem>> -> memref<1x64xi32, #tpu.memory_space<vmem>>
        %dma_wait3A_169 = tpu.memref_squeeze %dma_wait3A_168 : memref<1x64xi32, #tpu.memory_space<vmem>> -> memref<64xi32, #tpu.memory_space<vmem>>
        %dma_wait3A_170 = arith.constant 0 : i32
        %dma_wait3A_171 = arith.constant 0 : i32
        %dma_wait3A_172 = tpu.memref_slice %arg13[%dma_wait3A_170, %dma_wait3A_171] : memref<10240x128xf32, #tpu.memory_space<vmem_shared>> -> memref<10240x128xf32, #tpu.memory_space<vmem_shared>>
        tpu.wait_indirect_dma semaphore(%arg19 : memref<!tpu.dma_semaphore, #tpu.memory_space<semaphore_mem>>) src(%arg12 : memref<64x128xf32, #tpu.memory_space<vmem>>) dst(%dma_wait3A_172 : memref<10240x128xf32, #tpu.memory_space<vmem_shared>>)
        %dma_start3A_173 = arith.constant 5 : i32
        %dma_start3A_174 = arith.constant 0 : i32
        %dma_start3A_175 = tpu.memref_slice %arg8[%dma_start3A_173, %dma_start3A_174] : memref<8x64xi32, #tpu.memory_space<vmem>> -> memref<1x64xi32, #tpu.memory_space<vmem>>
        %dma_start3A_176 = tpu.memref_squeeze %dma_start3A_175 : memref<1x64xi32, #tpu.memory_space<vmem>> -> memref<64xi32, #tpu.memory_space<vmem>>
        %dma_start3A_177 = arith.constant 0 : i32
        %dma_start3A_178 = arith.constant 0 : i32
        %dma_start3A_179 = tpu.memref_slice %arg2[%dma_start3A_177, %dma_start3A_178] : memref<10240x128xf32, #tpu.memory_space<hbm>> -> memref<10240x128xf32, #tpu.memory_space<hbm>>
        tpu.enqueue_indirect_dma source(%dma_start3A_179 : memref<10240x128xf32, #tpu.memory_space<hbm>>) target(%arg12 : memref<64x128xf32, #tpu.memory_space<vmem>>) offsets(%dma_start3A_176 : memref<64xi32, #tpu.memory_space<vmem>>) semaphore(%arg16 : memref<!tpu.dma_semaphore, #tpu.memory_space<semaphore_mem>>)
        %dma_wait3A_180 = arith.constant 4 : i32
        %dma_wait3A_181 = arith.constant 0 : i32
        %dma_wait3A_182 = tpu.memref_slice %arg8[%dma_wait3A_180, %dma_wait3A_181] : memref<8x64xi32, #tpu.memory_space<vmem>> -> memref<1x64xi32, #tpu.memory_space<vmem>>
        %dma_wait3A_183 = tpu.memref_squeeze %dma_wait3A_182 : memref<1x64xi32, #tpu.memory_space<vmem>> -> memref<64xi32, #tpu.memory_space<vmem>>
        %dma_wait3A_184 = arith.constant 0 : i32
        %dma_wait3A_185 = arith.constant 0 : i32
        %dma_wait3A_186 = tpu.memref_slice %arg2[%dma_wait3A_184, %dma_wait3A_185] : memref<10240x128xf32, #tpu.memory_space<hbm>> -> memref<10240x128xf32, #tpu.memory_space<hbm>>
        tpu.wait_indirect_dma semaphore(%arg15 : memref<!tpu.dma_semaphore, #tpu.memory_space<semaphore_mem>>) src(%dma_wait3A_186 : memref<10240x128xf32, #tpu.memory_space<hbm>>) dst(%arg11 : memref<64x128xf32, #tpu.memory_space<vmem>>)
        %dma_start3A_187 = arith.constant 4 : i32
        %dma_start3A_188 = arith.constant 0 : i32
        %dma_start3A_189 = tpu.memref_slice %arg9[%dma_start3A_187, %dma_start3A_188] : memref<8x64xi32, #tpu.memory_space<vmem>> -> memref<1x64xi32, #tpu.memory_space<vmem>>
        %dma_start3A_190 = tpu.memref_squeeze %dma_start3A_189 : memref<1x64xi32, #tpu.memory_space<vmem>> -> memref<64xi32, #tpu.memory_space<vmem>>
        %dma_start3A_191 = arith.constant 0 : i32
        %dma_start3A_192 = arith.constant 0 : i32
        %dma_start3A_193 = tpu.memref_slice %arg13[%dma_start3A_191, %dma_start3A_192] : memref<10240x128xf32, #tpu.memory_space<vmem_shared>> -> memref<10240x128xf32, #tpu.memory_space<vmem_shared>>
        tpu.enqueue_indirect_dma source(%arg11 : memref<64x128xf32, #tpu.memory_space<vmem>>) target(%dma_start3A_193 : memref<10240x128xf32, #tpu.memory_space<vmem_shared>>) offsets(%dma_start3A_190 : memref<64xi32, #tpu.memory_space<vmem>>) semaphore(%arg18 : memref<!tpu.dma_semaphore, #tpu.memory_space<semaphore_mem>>) {add = true}
        %dma_wait3A_194 = arith.constant 3 : i32
        %dma_wait3A_195 = arith.constant 0 : i32
        %dma_wait3A_196 = tpu.memref_slice %arg9[%dma_wait3A_194, %dma_wait3A_195] : memref<8x64xi32, #tpu.memory_space<vmem>> -> memref<1x64xi32, #tpu.memory_space<vmem>>
        %dma_wait3A_197 = tpu.memref_squeeze %dma_wait3A_196 : memref<1x64xi32, #tpu.memory_space<vmem>> -> memref<64xi32, #tpu.memory_space<vmem>>
        %dma_wait3A_198 = arith.constant 0 : i32
        %dma_wait3A_199 = arith.constant 0 : i32
        %dma_wait3A_200 = tpu.memref_slice %arg13[%dma_wait3A_198, %dma_wait3A_199] : memref<10240x128xf32, #tpu.memory_space<vmem_shared>> -> memref<10240x128xf32, #tpu.memory_space<vmem_shared>>
        tpu.wait_indirect_dma semaphore(%arg17 : memref<!tpu.dma_semaphore, #tpu.memory_space<semaphore_mem>>) src(%arg10 : memref<64x128xf32, #tpu.memory_space<vmem>>) dst(%dma_wait3A_200 : memref<10240x128xf32, #tpu.memory_space<vmem_shared>>)
        %dma_start3A_201 = arith.constant 6 : i32
        %dma_start3A_202 = arith.constant 0 : i32
        %dma_start3A_203 = tpu.memref_slice %arg8[%dma_start3A_201, %dma_start3A_202] : memref<8x64xi32, #tpu.memory_space<vmem>> -> memref<1x64xi32, #tpu.memory_space<vmem>>
        %dma_start3A_204 = tpu.memref_squeeze %dma_start3A_203 : memref<1x64xi32, #tpu.memory_space<vmem>> -> memref<64xi32, #tpu.memory_space<vmem>>
        %dma_start3A_205 = arith.constant 0 : i32
        %dma_start3A_206 = arith.constant 0 : i32
        %dma_start3A_207 = tpu.memref_slice %arg2[%dma_start3A_205, %dma_start3A_206] : memref<10240x128xf32, #tpu.memory_space<hbm>> -> memref<10240x128xf32, #tpu.memory_space<hbm>>
        tpu.enqueue_indirect_dma source(%dma_start3A_207 : memref<10240x128xf32, #tpu.memory_space<hbm>>) target(%arg10 : memref<64x128xf32, #tpu.memory_space<vmem>>) offsets(%dma_start3A_204 : memref<64xi32, #tpu.memory_space<vmem>>) semaphore(%arg14 : memref<!tpu.dma_semaphore, #tpu.memory_space<semaphore_mem>>)
        %dma_wait3A_208 = arith.constant 5 : i32
        %dma_wait3A_209 = arith.constant 0 : i32
        %dma_wait3A_210 = tpu.memref_slice %arg8[%dma_wait3A_208, %dma_wait3A_209] : memref<8x64xi32, #tpu.memory_space<vmem>> -> memref<1x64xi32, #tpu.memory_space<vmem>>
        %dma_wait3A_211 = tpu.memref_squeeze %dma_wait3A_210 : memref<1x64xi32, #tpu.memory_space<vmem>> -> memref<64xi32, #tpu.memory_space<vmem>>
        %dma_wait3A_212 = arith.constant 0 : i32
        %dma_wait3A_213 = arith.constant 0 : i32
        %dma_wait3A_214 = tpu.memref_slice %arg2[%dma_wait3A_212, %dma_wait3A_213] : memref<10240x128xf32, #tpu.memory_space<hbm>> -> memref<10240x128xf32, #tpu.memory_space<hbm>>
        tpu.wait_indirect_dma semaphore(%arg16 : memref<!tpu.dma_semaphore, #tpu.memory_space<semaphore_mem>>) src(%dma_wait3A_214 : memref<10240x128xf32, #tpu.memory_space<hbm>>) dst(%arg12 : memref<64x128xf32, #tpu.memory_space<vmem>>)
        %dma_start3A_215 = arith.constant 5 : i32
        %dma_start3A_216 = arith.constant 0 : i32
        %dma_start3A_217 = tpu.memref_slice %arg9[%dma_start3A_215, %dma_start3A_216] : memref<8x64xi32, #tpu.memory_space<vmem>> -> memref<1x64xi32, #tpu.memory_space<vmem>>
        %dma_start3A_218 = tpu.memref_squeeze %dma_start3A_217 : memref<1x64xi32, #tpu.memory_space<vmem>> -> memref<64xi32, #tpu.memory_space<vmem>>
        %dma_start3A_219 = arith.constant 0 : i32
        %dma_start3A_220 = arith.constant 0 : i32
        %dma_start3A_221 = tpu.memref_slice %arg13[%dma_start3A_219, %dma_start3A_220] : memref<10240x128xf32, #tpu.memory_space<vmem_shared>> -> memref<10240x128xf32, #tpu.memory_space<vmem_shared>>
        tpu.enqueue_indirect_dma source(%arg12 : memref<64x128xf32, #tpu.memory_space<vmem>>) target(%dma_start3A_221 : memref<10240x128xf32, #tpu.memory_space<vmem_shared>>) offsets(%dma_start3A_218 : memref<64xi32, #tpu.memory_space<vmem>>) semaphore(%arg19 : memref<!tpu.dma_semaphore, #tpu.memory_space<semaphore_mem>>) {add = true}
        %dma_wait3A_222 = arith.constant 4 : i32
        %dma_wait3A_223 = arith.constant 0 : i32
        %dma_wait3A_224 = tpu.memref_slice %arg9[%dma_wait3A_222, %dma_wait3A_223] : memref<8x64xi32, #tpu.memory_space<vmem>> -> memref<1x64xi32, #tpu.memory_space<vmem>>
        %dma_wait3A_225 = tpu.memref_squeeze %dma_wait3A_224 : memref<1x64xi32, #tpu.memory_space<vmem>> -> memref<64xi32, #tpu.memory_space<vmem>>
        %dma_wait3A_226 = arith.constant 0 : i32
        %dma_wait3A_227 = arith.constant 0 : i32
        %dma_wait3A_228 = tpu.memref_slice %arg13[%dma_wait3A_226, %dma_wait3A_227] : memref<10240x128xf32, #tpu.memory_space<vmem_shared>> -> memref<10240x128xf32, #tpu.memory_space<vmem_shared>>
        tpu.wait_indirect_dma semaphore(%arg18 : memref<!tpu.dma_semaphore, #tpu.memory_space<semaphore_mem>>) src(%arg11 : memref<64x128xf32, #tpu.memory_space<vmem>>) dst(%dma_wait3A_228 : memref<10240x128xf32, #tpu.memory_space<vmem_shared>>)
        %dma_start3A_229 = arith.constant 7 : i32
        %dma_start3A_230 = arith.constant 0 : i32
        %dma_start3A_231 = tpu.memref_slice %arg8[%dma_start3A_229, %dma_start3A_230] : memref<8x64xi32, #tpu.memory_space<vmem>> -> memref<1x64xi32, #tpu.memory_space<vmem>>
        %dma_start3A_232 = tpu.memref_squeeze %dma_start3A_231 : memref<1x64xi32, #tpu.memory_space<vmem>> -> memref<64xi32, #tpu.memory_space<vmem>>
        %dma_start3A_233 = arith.constant 0 : i32
        %dma_start3A_234 = arith.constant 0 : i32
        %dma_start3A_235 = tpu.memref_slice %arg2[%dma_start3A_233, %dma_start3A_234] : memref<10240x128xf32, #tpu.memory_space<hbm>> -> memref<10240x128xf32, #tpu.memory_space<hbm>>
        tpu.enqueue_indirect_dma source(%dma_start3A_235 : memref<10240x128xf32, #tpu.memory_space<hbm>>) target(%arg11 : memref<64x128xf32, #tpu.memory_space<vmem>>) offsets(%dma_start3A_232 : memref<64xi32, #tpu.memory_space<vmem>>) semaphore(%arg15 : memref<!tpu.dma_semaphore, #tpu.memory_space<semaphore_mem>>)
        %dma_wait3A_236 = arith.constant 6 : i32
        %dma_wait3A_237 = arith.constant 0 : i32
        %dma_wait3A_238 = tpu.memref_slice %arg8[%dma_wait3A_236, %dma_wait3A_237] : memref<8x64xi32, #tpu.memory_space<vmem>> -> memref<1x64xi32, #tpu.memory_space<vmem>>
        %dma_wait3A_239 = tpu.memref_squeeze %dma_wait3A_238 : memref<1x64xi32, #tpu.memory_space<vmem>> -> memref<64xi32, #tpu.memory_space<vmem>>
        %dma_wait3A_240 = arith.constant 0 : i32
        %dma_wait3A_241 = arith.constant 0 : i32
        %dma_wait3A_242 = tpu.memref_slice %arg2[%dma_wait3A_240, %dma_wait3A_241] : memref<10240x128xf32, #tpu.memory_space<hbm>> -> memref<10240x128xf32, #tpu.memory_space<hbm>>
        tpu.wait_indirect_dma semaphore(%arg14 : memref<!tpu.dma_semaphore, #tpu.memory_space<semaphore_mem>>) src(%dma_wait3A_242 : memref<10240x128xf32, #tpu.memory_space<hbm>>) dst(%arg10 : memref<64x128xf32, #tpu.memory_space<vmem>>)
        %dma_start3A_243 = arith.constant 6 : i32
        %dma_start3A_244 = arith.constant 0 : i32
        %dma_start3A_245 = tpu.memref_slice %arg9[%dma_start3A_243, %dma_start3A_244] : memref<8x64xi32, #tpu.memory_space<vmem>> -> memref<1x64xi32, #tpu.memory_space<vmem>>
        %dma_start3A_246 = tpu.memref_squeeze %dma_start3A_245 : memref<1x64xi32, #tpu.memory_space<vmem>> -> memref<64xi32, #tpu.memory_space<vmem>>
        %dma_start3A_247 = arith.constant 0 : i32
        %dma_start3A_248 = arith.constant 0 : i32
        %dma_start3A_249 = tpu.memref_slice %arg13[%dma_start3A_247, %dma_start3A_248] : memref<10240x128xf32, #tpu.memory_space<vmem_shared>> -> memref<10240x128xf32, #tpu.memory_space<vmem_shared>>
        tpu.enqueue_indirect_dma source(%arg10 : memref<64x128xf32, #tpu.memory_space<vmem>>) target(%dma_start3A_249 : memref<10240x128xf32, #tpu.memory_space<vmem_shared>>) offsets(%dma_start3A_246 : memref<64xi32, #tpu.memory_space<vmem>>) semaphore(%arg17 : memref<!tpu.dma_semaphore, #tpu.memory_space<semaphore_mem>>) {add = true}
        %dma_wait3A_250 = arith.constant 7 : i32
        %dma_wait3A_251 = arith.constant 0 : i32
        %dma_wait3A_252 = tpu.memref_slice %arg8[%dma_wait3A_250, %dma_wait3A_251] : memref<8x64xi32, #tpu.memory_space<vmem>> -> memref<1x64xi32, #tpu.memory_space<vmem>>
        %dma_wait3A_253 = tpu.memref_squeeze %dma_wait3A_252 : memref<1x64xi32, #tpu.memory_space<vmem>> -> memref<64xi32, #tpu.memory_space<vmem>>
        %dma_wait3A_254 = arith.constant 0 : i32
        %dma_wait3A_255 = arith.constant 0 : i32
        %dma_wait3A_256 = tpu.memref_slice %arg2[%dma_wait3A_254, %dma_wait3A_255] : memref<10240x128xf32, #tpu.memory_space<hbm>> -> memref<10240x128xf32, #tpu.memory_space<hbm>>
        tpu.wait_indirect_dma semaphore(%arg15 : memref<!tpu.dma_semaphore, #tpu.memory_space<semaphore_mem>>) src(%dma_wait3A_256 : memref<10240x128xf32, #tpu.memory_space<hbm>>) dst(%arg11 : memref<64x128xf32, #tpu.memory_space<vmem>>)
        %dma_start3A_257 = arith.constant 7 : i32
        %dma_start3A_258 = arith.constant 0 : i32
        %dma_start3A_259 = tpu.memref_slice %arg9[%dma_start3A_257, %dma_start3A_258] : memref<8x64xi32, #tpu.memory_space<vmem>> -> memref<1x64xi32, #tpu.memory_space<vmem>>
        %dma_start3A_260 = tpu.memref_squeeze %dma_start3A_259 : memref<1x64xi32, #tpu.memory_space<vmem>> -> memref<64xi32, #tpu.memory_space<vmem>>
        %dma_start3A_261 = arith.constant 0 : i32
        %dma_start3A_262 = arith.constant 0 : i32
        %dma_start3A_263 = tpu.memref_slice %arg13[%dma_start3A_261, %dma_start3A_262] : memref<10240x128xf32, #tpu.memory_space<vmem_shared>> -> memref<10240x128xf32, #tpu.memory_space<vmem_shared>>
        tpu.enqueue_indirect_dma source(%arg11 : memref<64x128xf32, #tpu.memory_space<vmem>>) target(%dma_start3A_263 : memref<10240x128xf32, #tpu.memory_space<vmem_shared>>) offsets(%dma_start3A_260 : memref<64xi32, #tpu.memory_space<vmem>>) semaphore(%arg18 : memref<!tpu.dma_semaphore, #tpu.memory_space<semaphore_mem>>) {add = true}
        %dma_wait3A_264 = arith.constant 6 : i32
        %dma_wait3A_265 = arith.constant 0 : i32
        %dma_wait3A_266 = tpu.memref_slice %arg9[%dma_wait3A_264, %dma_wait3A_265] : memref<8x64xi32, #tpu.memory_space<vmem>> -> memref<1x64xi32, #tpu.memory_space<vmem>>
        %dma_wait3A_267 = tpu.memref_squeeze %dma_wait3A_266 : memref<1x64xi32, #tpu.memory_space<vmem>> -> memref<64xi32, #tpu.memory_space<vmem>>
        %dma_wait3A_268 = arith.constant 0 : i32
        %dma_wait3A_269 = arith.constant 0 : i32
        %dma_wait3A_270 = tpu.memref_slice %arg13[%dma_wait3A_268, %dma_wait3A_269] : memref<10240x128xf32, #tpu.memory_space<vmem_shared>> -> memref<10240x128xf32, #tpu.memory_space<vmem_shared>>
        tpu.wait_indirect_dma semaphore(%arg17 : memref<!tpu.dma_semaphore, #tpu.memory_space<semaphore_mem>>) src(%arg10 : memref<64x128xf32, #tpu.memory_space<vmem>>) dst(%dma_wait3A_270 : memref<10240x128xf32, #tpu.memory_space<vmem_shared>>)
        %dma_wait3A_271 = arith.constant 7 : i32
        %dma_wait3A_272 = arith.constant 0 : i32
        %dma_wait3A_273 = tpu.memref_slice %arg9[%dma_wait3A_271, %dma_wait3A_272] : memref<8x64xi32, #tpu.memory_space<vmem>> -> memref<1x64xi32, #tpu.memory_space<vmem>>
        %dma_wait3A_274 = tpu.memref_squeeze %dma_wait3A_273 : memref<1x64xi32, #tpu.memory_space<vmem>> -> memref<64xi32, #tpu.memory_space<vmem>>
        %dma_wait3A_275 = arith.constant 0 : i32
        %dma_wait3A_276 = arith.constant 0 : i32
        %dma_wait3A_277 = tpu.memref_slice %arg13[%dma_wait3A_275, %dma_wait3A_276] : memref<10240x128xf32, #tpu.memory_space<vmem_shared>> -> memref<10240x128xf32, #tpu.memory_space<vmem_shared>>
        tpu.wait_indirect_dma semaphore(%arg18 : memref<!tpu.dma_semaphore, #tpu.memory_space<semaphore_mem>>) src(%arg11 : memref<64x128xf32, #tpu.memory_space<vmem>>) dst(%dma_wait3A_277 : memref<10240x128xf32, #tpu.memory_space<vmem_shared>>)
      }
      %scan3A_59 = arith.constant 20 : i32
    } else {
    }
    %barrier3A_33 = arith.constant 0 : index
    tpu.barrier barrier_id(%barrier3A_33)
    %add3A_34 = arith.constant 0 : i32
    %add3A_35 = arith.addi %multiple_of3A, %add3A_34 : i32
    "tpu.region"() ({
      %run_scoped3A = tpu.sem_alloc : memref<!tpu.dma_semaphore, #tpu.memory_space<semaphore_mem>>
      %dma_start3A = arith.constant 0 : i32
      %dma_start3A_54 = tpu.memref_slice %arg7[%arg0, %add3A_35, %dma_start3A] : memref<2x10240x128xf32, #tpu.memory_space<hbm>> -> memref<1x64x128xf32, #tpu.memory_space<hbm>>
      %dma_start3A_55 = tpu.memref_squeeze %dma_start3A_54 : memref<1x64x128xf32, #tpu.memory_space<hbm>> -> memref<64x128xf32, #tpu.memory_space<hbm>>
      %dma_start3A_56 = arith.constant 0 : i32
      %dma_start3A_57 = tpu.memref_slice %arg13[%add3A_35, %dma_start3A_56] : memref<10240x128xf32, #tpu.memory_space<vmem_shared>> -> memref<64x128xf32, #tpu.memory_space<vmem_shared>>
      tpu.enqueue_dma source(%dma_start3A_57 : memref<64x128xf32, #tpu.memory_space<vmem_shared>>) target(%dma_start3A_55 : memref<64x128xf32, #tpu.memory_space<hbm>>) target_semaphore(%run_scoped3A : memref<!tpu.dma_semaphore, #tpu.memory_space<semaphore_mem>>)
      %dma_wait3A = arith.constant 0 : i32
      %dma_wait3A_58 = tpu.memref_slice %arg7[%arg0, %add3A_35, %dma_wait3A] : memref<2x10240x128xf32, #tpu.memory_space<hbm>> -> memref<1x64x128xf32, #tpu.memory_space<hbm>>
      %dma_wait3A_59 = tpu.memref_squeeze %dma_wait3A_58 : memref<1x64x128xf32, #tpu.memory_space<hbm>> -> memref<64x128xf32, #tpu.memory_space<hbm>>
      %dma_wait3A_60 = arith.constant 0 : i32
      %dma_wait3A_61 = tpu.memref_slice %arg13[%add3A_35, %dma_wait3A_60] : memref<10240x128xf32, #tpu.memory_space<vmem_shared>> -> memref<64x128xf32, #tpu.memory_space<vmem_shared>>
      tpu.wait_dma2 semaphore(%run_scoped3A : memref<!tpu.dma_semaphore, #tpu.memory_space<semaphore_mem>>) src(%dma_wait3A_61 : memref<64x128xf32, #tpu.memory_space<vmem_shared>>) dst(%dma_wait3A_59 : memref<64x128xf32, #tpu.memory_space<hbm>>)
      tpu.yield
    }) : () -> ()
    %add3A_36 = arith.constant 64 : i32
    %add3A_37 = arith.addi %multiple_of3A, %add3A_36 : i32
    "tpu.region"() ({
      %run_scoped3A = tpu.sem_alloc : memref<!tpu.dma_semaphore, #tpu.memory_space<semaphore_mem>>
      %dma_start3A = arith.constant 0 : i32
      %dma_start3A_54 = tpu.memref_slice %arg7[%arg0, %add3A_37, %dma_start3A] : memref<2x10240x128xf32, #tpu.memory_space<hbm>> -> memref<1x64x128xf32, #tpu.memory_space<hbm>>
      %dma_start3A_55 = tpu.memref_squeeze %dma_start3A_54 : memref<1x64x128xf32, #tpu.memory_space<hbm>> -> memref<64x128xf32, #tpu.memory_space<hbm>>
      %dma_start3A_56 = arith.constant 0 : i32
      %dma_start3A_57 = tpu.memref_slice %arg13[%add3A_37, %dma_start3A_56] : memref<10240x128xf32, #tpu.memory_space<vmem_shared>> -> memref<64x128xf32, #tpu.memory_space<vmem_shared>>
      tpu.enqueue_dma source(%dma_start3A_57 : memref<64x128xf32, #tpu.memory_space<vmem_shared>>) target(%dma_start3A_55 : memref<64x128xf32, #tpu.memory_space<hbm>>) target_semaphore(%run_scoped3A : memref<!tpu.dma_semaphore, #tpu.memory_space<semaphore_mem>>)
      %dma_wait3A = arith.constant 0 : i32
      %dma_wait3A_58 = tpu.memref_slice %arg7[%arg0, %add3A_37, %dma_wait3A] : memref<2x10240x128xf32, #tpu.memory_space<hbm>> -> memref<1x64x128xf32, #tpu.memory_space<hbm>>
      %dma_wait3A_59 = tpu.memref_squeeze %dma_wait3A_58 : memref<1x64x128xf32, #tpu.memory_space<hbm>> -> memref<64x128xf32, #tpu.memory_space<hbm>>
      %dma_wait3A_60 = arith.constant 0 : i32
      %dma_wait3A_61 = tpu.memref_slice %arg13[%add3A_37, %dma_wait3A_60] : memref<10240x128xf32, #tpu.memory_space<vmem_shared>> -> memref<64x128xf32, #tpu.memory_space<vmem_shared>>
      tpu.wait_dma2 semaphore(%run_scoped3A : memref<!tpu.dma_semaphore, #tpu.memory_space<semaphore_mem>>) src(%dma_wait3A_61 : memref<64x128xf32, #tpu.memory_space<vmem_shared>>) dst(%dma_wait3A_59 : memref<64x128xf32, #tpu.memory_space<hbm>>)
      tpu.yield
    }) : () -> ()
    %add3A_38 = arith.constant 128 : i32
    %add3A_39 = arith.addi %multiple_of3A, %add3A_38 : i32
    "tpu.region"() ({
      %run_scoped3A = tpu.sem_alloc : memref<!tpu.dma_semaphore, #tpu.memory_space<semaphore_mem>>
      %dma_start3A = arith.constant 0 : i32
      %dma_start3A_54 = tpu.memref_slice %arg7[%arg0, %add3A_39, %dma_start3A] : memref<2x10240x128xf32, #tpu.memory_space<hbm>> -> memref<1x64x128xf32, #tpu.memory_space<hbm>>
      %dma_start3A_55 = tpu.memref_squeeze %dma_start3A_54 : memref<1x64x128xf32, #tpu.memory_space<hbm>> -> memref<64x128xf32, #tpu.memory_space<hbm>>
      %dma_start3A_56 = arith.constant 0 : i32
      %dma_start3A_57 = tpu.memref_slice %arg13[%add3A_39, %dma_start3A_56] : memref<10240x128xf32, #tpu.memory_space<vmem_shared>> -> memref<64x128xf32, #tpu.memory_space<vmem_shared>>
      tpu.enqueue_dma source(%dma_start3A_57 : memref<64x128xf32, #tpu.memory_space<vmem_shared>>) target(%dma_start3A_55 : memref<64x128xf32, #tpu.memory_space<hbm>>) target_semaphore(%run_scoped3A : memref<!tpu.dma_semaphore, #tpu.memory_space<semaphore_mem>>)
      %dma_wait3A = arith.constant 0 : i32
      %dma_wait3A_58 = tpu.memref_slice %arg7[%arg0, %add3A_39, %dma_wait3A] : memref<2x10240x128xf32, #tpu.memory_space<hbm>> -> memref<1x64x128xf32, #tpu.memory_space<hbm>>
      %dma_wait3A_59 = tpu.memref_squeeze %dma_wait3A_58 : memref<1x64x128xf32, #tpu.memory_space<hbm>> -> memref<64x128xf32, #tpu.memory_space<hbm>>
      %dma_wait3A_60 = arith.constant 0 : i32
      %dma_wait3A_61 = tpu.memref_slice %arg13[%add3A_39, %dma_wait3A_60] : memref<10240x128xf32, #tpu.memory_space<vmem_shared>> -> memref<64x128xf32, #tpu.memory_space<vmem_shared>>
      tpu.wait_dma2 semaphore(%run_scoped3A : memref<!tpu.dma_semaphore, #tpu.memory_space<semaphore_mem>>) src(%dma_wait3A_61 : memref<64x128xf32, #tpu.memory_space<vmem_shared>>) dst(%dma_wait3A_59 : memref<64x128xf32, #tpu.memory_space<hbm>>)
      tpu.yield
    }) : () -> ()
    %add3A_40 = arith.constant 192 : i32
    %add3A_41 = arith.addi %multiple_of3A, %add3A_40 : i32
    "tpu.region"() ({
      %run_scoped3A = tpu.sem_alloc : memref<!tpu.dma_semaphore, #tpu.memory_space<semaphore_mem>>
      %dma_start3A = arith.constant 0 : i32
      %dma_start3A_54 = tpu.memref_slice %arg7[%arg0, %add3A_41, %dma_start3A] : memref<2x10240x128xf32, #tpu.memory_space<hbm>> -> memref<1x64x128xf32, #tpu.memory_space<hbm>>
      %dma_start3A_55 = tpu.memref_squeeze %dma_start3A_54 : memref<1x64x128xf32, #tpu.memory_space<hbm>> -> memref<64x128xf32, #tpu.memory_space<hbm>>
      %dma_start3A_56 = arith.constant 0 : i32
      %dma_start3A_57 = tpu.memref_slice %arg13[%add3A_41, %dma_start3A_56] : memref<10240x128xf32, #tpu.memory_space<vmem_shared>> -> memref<64x128xf32, #tpu.memory_space<vmem_shared>>
      tpu.enqueue_dma source(%dma_start3A_57 : memref<64x128xf32, #tpu.memory_space<vmem_shared>>) target(%dma_start3A_55 : memref<64x128xf32, #tpu.memory_space<hbm>>) target_semaphore(%run_scoped3A : memref<!tpu.dma_semaphore, #tpu.memory_space<semaphore_mem>>)
      %dma_wait3A = arith.constant 0 : i32
      %dma_wait3A_58 = tpu.memref_slice %arg7[%arg0, %add3A_41, %dma_wait3A] : memref<2x10240x128xf32, #tpu.memory_space<hbm>> -> memref<1x64x128xf32, #tpu.memory_space<hbm>>
      %dma_wait3A_59 = tpu.memref_squeeze %dma_wait3A_58 : memref<1x64x128xf32, #tpu.memory_space<hbm>> -> memref<64x128xf32, #tpu.memory_space<hbm>>
      %dma_wait3A_60 = arith.constant 0 : i32
      %dma_wait3A_61 = tpu.memref_slice %arg13[%add3A_41, %dma_wait3A_60] : memref<10240x128xf32, #tpu.memory_space<vmem_shared>> -> memref<64x128xf32, #tpu.memory_space<vmem_shared>>
      tpu.wait_dma2 semaphore(%run_scoped3A : memref<!tpu.dma_semaphore, #tpu.memory_space<semaphore_mem>>) src(%dma_wait3A_61 : memref<64x128xf32, #tpu.memory_space<vmem_shared>>) dst(%dma_wait3A_59 : memref<64x128xf32, #tpu.memory_space<hbm>>)
      tpu.yield
    }) : () -> ()
    %add3A_42 = arith.constant 256 : i32
    %add3A_43 = arith.addi %multiple_of3A, %add3A_42 : i32
    "tpu.region"() ({
      %run_scoped3A = tpu.sem_alloc : memref<!tpu.dma_semaphore, #tpu.memory_space<semaphore_mem>>
      %dma_start3A = arith.constant 0 : i32
      %dma_start3A_54 = tpu.memref_slice %arg7[%arg0, %add3A_43, %dma_start3A] : memref<2x10240x128xf32, #tpu.memory_space<hbm>> -> memref<1x64x128xf32, #tpu.memory_space<hbm>>
      %dma_start3A_55 = tpu.memref_squeeze %dma_start3A_54 : memref<1x64x128xf32, #tpu.memory_space<hbm>> -> memref<64x128xf32, #tpu.memory_space<hbm>>
      %dma_start3A_56 = arith.constant 0 : i32
      %dma_start3A_57 = tpu.memref_slice %arg13[%add3A_43, %dma_start3A_56] : memref<10240x128xf32, #tpu.memory_space<vmem_shared>> -> memref<64x128xf32, #tpu.memory_space<vmem_shared>>
      tpu.enqueue_dma source(%dma_start3A_57 : memref<64x128xf32, #tpu.memory_space<vmem_shared>>) target(%dma_start3A_55 : memref<64x128xf32, #tpu.memory_space<hbm>>) target_semaphore(%run_scoped3A : memref<!tpu.dma_semaphore, #tpu.memory_space<semaphore_mem>>)
      %dma_wait3A = arith.constant 0 : i32
      %dma_wait3A_58 = tpu.memref_slice %arg7[%arg0, %add3A_43, %dma_wait3A] : memref<2x10240x128xf32, #tpu.memory_space<hbm>> -> memref<1x64x128xf32, #tpu.memory_space<hbm>>
      %dma_wait3A_59 = tpu.memref_squeeze %dma_wait3A_58 : memref<1x64x128xf32, #tpu.memory_space<hbm>> -> memref<64x128xf32, #tpu.memory_space<hbm>>
      %dma_wait3A_60 = arith.constant 0 : i32
      %dma_wait3A_61 = tpu.memref_slice %arg13[%add3A_43, %dma_wait3A_60] : memref<10240x128xf32, #tpu.memory_space<vmem_shared>> -> memref<64x128xf32, #tpu.memory_space<vmem_shared>>
      tpu.wait_dma2 semaphore(%run_scoped3A : memref<!tpu.dma_semaphore, #tpu.memory_space<semaphore_mem>>) src(%dma_wait3A_61 : memref<64x128xf32, #tpu.memory_space<vmem_shared>>) dst(%dma_wait3A_59 : memref<64x128xf32, #tpu.memory_space<hbm>>)
      tpu.yield
    }) : () -> ()
    %add3A_44 = arith.constant 320 : i32
    %add3A_45 = arith.addi %multiple_of3A, %add3A_44 : i32
    "tpu.region"() ({
      %run_scoped3A = tpu.sem_alloc : memref<!tpu.dma_semaphore, #tpu.memory_space<semaphore_mem>>
      %dma_start3A = arith.constant 0 : i32
      %dma_start3A_54 = tpu.memref_slice %arg7[%arg0, %add3A_45, %dma_start3A] : memref<2x10240x128xf32, #tpu.memory_space<hbm>> -> memref<1x64x128xf32, #tpu.memory_space<hbm>>
      %dma_start3A_55 = tpu.memref_squeeze %dma_start3A_54 : memref<1x64x128xf32, #tpu.memory_space<hbm>> -> memref<64x128xf32, #tpu.memory_space<hbm>>
      %dma_start3A_56 = arith.constant 0 : i32
      %dma_start3A_57 = tpu.memref_slice %arg13[%add3A_45, %dma_start3A_56] : memref<10240x128xf32, #tpu.memory_space<vmem_shared>> -> memref<64x128xf32, #tpu.memory_space<vmem_shared>>
      tpu.enqueue_dma source(%dma_start3A_57 : memref<64x128xf32, #tpu.memory_space<vmem_shared>>) target(%dma_start3A_55 : memref<64x128xf32, #tpu.memory_space<hbm>>) target_semaphore(%run_scoped3A : memref<!tpu.dma_semaphore, #tpu.memory_space<semaphore_mem>>)
      %dma_wait3A = arith.constant 0 : i32
      %dma_wait3A_58 = tpu.memref_slice %arg7[%arg0, %add3A_45, %dma_wait3A] : memref<2x10240x128xf32, #tpu.memory_space<hbm>> -> memref<1x64x128xf32, #tpu.memory_space<hbm>>
      %dma_wait3A_59 = tpu.memref_squeeze %dma_wait3A_58 : memref<1x64x128xf32, #tpu.memory_space<hbm>> -> memref<64x128xf32, #tpu.memory_space<hbm>>
      %dma_wait3A_60 = arith.constant 0 : i32
      %dma_wait3A_61 = tpu.memref_slice %arg13[%add3A_45, %dma_wait3A_60] : memref<10240x128xf32, #tpu.memory_space<vmem_shared>> -> memref<64x128xf32, #tpu.memory_space<vmem_shared>>
      tpu.wait_dma2 semaphore(%run_scoped3A : memref<!tpu.dma_semaphore, #tpu.memory_space<semaphore_mem>>) src(%dma_wait3A_61 : memref<64x128xf32, #tpu.memory_space<vmem_shared>>) dst(%dma_wait3A_59 : memref<64x128xf32, #tpu.memory_space<hbm>>)
      tpu.yield
    }) : () -> ()
    %add3A_46 = arith.constant 384 : i32
    %add3A_47 = arith.addi %multiple_of3A, %add3A_46 : i32
    "tpu.region"() ({
      %run_scoped3A = tpu.sem_alloc : memref<!tpu.dma_semaphore, #tpu.memory_space<semaphore_mem>>
      %dma_start3A = arith.constant 0 : i32
      %dma_start3A_54 = tpu.memref_slice %arg7[%arg0, %add3A_47, %dma_start3A] : memref<2x10240x128xf32, #tpu.memory_space<hbm>> -> memref<1x64x128xf32, #tpu.memory_space<hbm>>
      %dma_start3A_55 = tpu.memref_squeeze %dma_start3A_54 : memref<1x64x128xf32, #tpu.memory_space<hbm>> -> memref<64x128xf32, #tpu.memory_space<hbm>>
      %dma_start3A_56 = arith.constant 0 : i32
      %dma_start3A_57 = tpu.memref_slice %arg13[%add3A_47, %dma_start3A_56] : memref<10240x128xf32, #tpu.memory_space<vmem_shared>> -> memref<64x128xf32, #tpu.memory_space<vmem_shared>>
      tpu.enqueue_dma source(%dma_start3A_57 : memref<64x128xf32, #tpu.memory_space<vmem_shared>>) target(%dma_start3A_55 : memref<64x128xf32, #tpu.memory_space<hbm>>) target_semaphore(%run_scoped3A : memref<!tpu.dma_semaphore, #tpu.memory_space<semaphore_mem>>)
      %dma_wait3A = arith.constant 0 : i32
      %dma_wait3A_58 = tpu.memref_slice %arg7[%arg0, %add3A_47, %dma_wait3A] : memref<2x10240x128xf32, #tpu.memory_space<hbm>> -> memref<1x64x128xf32, #tpu.memory_space<hbm>>
      %dma_wait3A_59 = tpu.memref_squeeze %dma_wait3A_58 : memref<1x64x128xf32, #tpu.memory_space<hbm>> -> memref<64x128xf32, #tpu.memory_space<hbm>>
      %dma_wait3A_60 = arith.constant 0 : i32
      %dma_wait3A_61 = tpu.memref_slice %arg13[%add3A_47, %dma_wait3A_60] : memref<10240x128xf32, #tpu.memory_space<vmem_shared>> -> memref<64x128xf32, #tpu.memory_space<vmem_shared>>
      tpu.wait_dma2 semaphore(%run_scoped3A : memref<!tpu.dma_semaphore, #tpu.memory_space<semaphore_mem>>) src(%dma_wait3A_61 : memref<64x128xf32, #tpu.memory_space<vmem_shared>>) dst(%dma_wait3A_59 : memref<64x128xf32, #tpu.memory_space<hbm>>)
      tpu.yield
    }) : () -> ()
    %add3A_48 = arith.constant 448 : i32
    %add3A_49 = arith.addi %multiple_of3A, %add3A_48 : i32
    "tpu.region"() ({
      %run_scoped3A = tpu.sem_alloc : memref<!tpu.dma_semaphore, #tpu.memory_space<semaphore_mem>>
      %dma_start3A = arith.constant 0 : i32
      %dma_start3A_54 = tpu.memref_slice %arg7[%arg0, %add3A_49, %dma_start3A] : memref<2x10240x128xf32, #tpu.memory_space<hbm>> -> memref<1x64x128xf32, #tpu.memory_space<hbm>>
      %dma_start3A_55 = tpu.memref_squeeze %dma_start3A_54 : memref<1x64x128xf32, #tpu.memory_space<hbm>> -> memref<64x128xf32, #tpu.memory_space<hbm>>
      %dma_start3A_56 = arith.constant 0 : i32
      %dma_start3A_57 = tpu.memref_slice %arg13[%add3A_49, %dma_start3A_56] : memref<10240x128xf32, #tpu.memory_space<vmem_shared>> -> memref<64x128xf32, #tpu.memory_space<vmem_shared>>
      tpu.enqueue_dma source(%dma_start3A_57 : memref<64x128xf32, #tpu.memory_space<vmem_shared>>) target(%dma_start3A_55 : memref<64x128xf32, #tpu.memory_space<hbm>>) target_semaphore(%run_scoped3A : memref<!tpu.dma_semaphore, #tpu.memory_space<semaphore_mem>>)
      %dma_wait3A = arith.constant 0 : i32
      %dma_wait3A_58 = tpu.memref_slice %arg7[%arg0, %add3A_49, %dma_wait3A] : memref<2x10240x128xf32, #tpu.memory_space<hbm>> -> memref<1x64x128xf32, #tpu.memory_space<hbm>>
      %dma_wait3A_59 = tpu.memref_squeeze %dma_wait3A_58 : memref<1x64x128xf32, #tpu.memory_space<hbm>> -> memref<64x128xf32, #tpu.memory_space<hbm>>
      %dma_wait3A_60 = arith.constant 0 : i32
      %dma_wait3A_61 = tpu.memref_slice %arg13[%add3A_49, %dma_wait3A_60] : memref<10240x128xf32, #tpu.memory_space<vmem_shared>> -> memref<64x128xf32, #tpu.memory_space<vmem_shared>>
      tpu.wait_dma2 semaphore(%run_scoped3A : memref<!tpu.dma_semaphore, #tpu.memory_space<semaphore_mem>>) src(%dma_wait3A_61 : memref<64x128xf32, #tpu.memory_space<vmem_shared>>) dst(%dma_wait3A_59 : memref<64x128xf32, #tpu.memory_space<hbm>>)
      tpu.yield
    }) : () -> ()
    %add3A_50 = arith.constant 512 : i32
    %add3A_51 = arith.addi %multiple_of3A, %add3A_50 : i32
    "tpu.region"() ({
      %run_scoped3A = tpu.sem_alloc : memref<!tpu.dma_semaphore, #tpu.memory_space<semaphore_mem>>
      %dma_start3A = arith.constant 0 : i32
      %dma_start3A_54 = tpu.memref_slice %arg7[%arg0, %add3A_51, %dma_start3A] : memref<2x10240x128xf32, #tpu.memory_space<hbm>> -> memref<1x64x128xf32, #tpu.memory_space<hbm>>
      %dma_start3A_55 = tpu.memref_squeeze %dma_start3A_54 : memref<1x64x128xf32, #tpu.memory_space<hbm>> -> memref<64x128xf32, #tpu.memory_space<hbm>>
      %dma_start3A_56 = arith.constant 0 : i32
      %dma_start3A_57 = tpu.memref_slice %arg13[%add3A_51, %dma_start3A_56] : memref<10240x128xf32, #tpu.memory_space<vmem_shared>> -> memref<64x128xf32, #tpu.memory_space<vmem_shared>>
      tpu.enqueue_dma source(%dma_start3A_57 : memref<64x128xf32, #tpu.memory_space<vmem_shared>>) target(%dma_start3A_55 : memref<64x128xf32, #tpu.memory_space<hbm>>) target_semaphore(%run_scoped3A : memref<!tpu.dma_semaphore, #tpu.memory_space<semaphore_mem>>)
      %dma_wait3A = arith.constant 0 : i32
      %dma_wait3A_58 = tpu.memref_slice %arg7[%arg0, %add3A_51, %dma_wait3A] : memref<2x10240x128xf32, #tpu.memory_space<hbm>> -> memref<1x64x128xf32, #tpu.memory_space<hbm>>
      %dma_wait3A_59 = tpu.memref_squeeze %dma_wait3A_58 : memref<1x64x128xf32, #tpu.memory_space<hbm>> -> memref<64x128xf32, #tpu.memory_space<hbm>>
      %dma_wait3A_60 = arith.constant 0 : i32
      %dma_wait3A_61 = tpu.memref_slice %arg13[%add3A_51, %dma_wait3A_60] : memref<10240x128xf32, #tpu.memory_space<vmem_shared>> -> memref<64x128xf32, #tpu.memory_space<vmem_shared>>
      tpu.wait_dma2 semaphore(%run_scoped3A : memref<!tpu.dma_semaphore, #tpu.memory_space<semaphore_mem>>) src(%dma_wait3A_61 : memref<64x128xf32, #tpu.memory_space<vmem_shared>>) dst(%dma_wait3A_59 : memref<64x128xf32, #tpu.memory_space<hbm>>)
      tpu.yield
    }) : () -> ()
    %add3A_52 = arith.constant 576 : i32
    %add3A_53 = arith.addi %multiple_of3A, %add3A_52 : i32
    "tpu.region"() ({
      %run_scoped3A = tpu.sem_alloc : memref<!tpu.dma_semaphore, #tpu.memory_space<semaphore_mem>>
      %dma_start3A = arith.constant 0 : i32
      %dma_start3A_54 = tpu.memref_slice %arg7[%arg0, %add3A_53, %dma_start3A] : memref<2x10240x128xf32, #tpu.memory_space<hbm>> -> memref<1x64x128xf32, #tpu.memory_space<hbm>>
      %dma_start3A_55 = tpu.memref_squeeze %dma_start3A_54 : memref<1x64x128xf32, #tpu.memory_space<hbm>> -> memref<64x128xf32, #tpu.memory_space<hbm>>
      %dma_start3A_56 = arith.constant 0 : i32
      %dma_start3A_57 = tpu.memref_slice %arg13[%add3A_53, %dma_start3A_56] : memref<10240x128xf32, #tpu.memory_space<vmem_shared>> -> memref<64x128xf32, #tpu.memory_space<vmem_shared>>
      tpu.enqueue_dma source(%dma_start3A_57 : memref<64x128xf32, #tpu.memory_space<vmem_shared>>) target(%dma_start3A_55 : memref<64x128xf32, #tpu.memory_space<hbm>>) target_semaphore(%run_scoped3A : memref<!tpu.dma_semaphore, #tpu.memory_space<semaphore_mem>>)
      %dma_wait3A = arith.constant 0 : i32
      %dma_wait3A_58 = tpu.memref_slice %arg7[%arg0, %add3A_53, %dma_wait3A] : memref<2x10240x128xf32, #tpu.memory_space<hbm>> -> memref<1x64x128xf32, #tpu.memory_space<hbm>>
      %dma_wait3A_59 = tpu.memref_squeeze %dma_wait3A_58 : memref<1x64x128xf32, #tpu.memory_space<hbm>> -> memref<64x128xf32, #tpu.memory_space<hbm>>
      %dma_wait3A_60 = arith.constant 0 : i32
      %dma_wait3A_61 = tpu.memref_slice %arg13[%add3A_53, %dma_wait3A_60] : memref<10240x128xf32, #tpu.memory_space<vmem_shared>> -> memref<64x128xf32, #tpu.memory_space<vmem_shared>>
      tpu.wait_dma2 semaphore(%run_scoped3A : memref<!tpu.dma_semaphore, #tpu.memory_space<semaphore_mem>>) src(%dma_wait3A_61 : memref<64x128xf32, #tpu.memory_space<vmem_shared>>) dst(%dma_wait3A_59 : memref<64x128xf32, #tpu.memory_space<hbm>>)
      tpu.yield
    }) : () -> ()
    return
  }
}

#map = affine_map<(d0, d1) -> (0, 0)>
#map1 = affine_map<(d0, d1) -> (0, 0, 0)>
module attributes {stable_mosaic.version = 14 : i64} {
  func.func @body(%arg0: i32, %arg1: i32, %arg2: memref<10240x128xf32, #tpu.memory_space<hbm>>, %arg3: memref<16x160x64xi32, #tpu.memory_space<hbm>>, %arg4: memref<16x160x64xi32, #tpu.memory_space<hbm>>, %arg5: memref<16x160x64xi32, #tpu.memory_space<hbm>>, %arg6: memref<16x160x64xi32, #tpu.memory_space<hbm>>, %arg7: memref<2x10240x128xf32, #tpu.memory_space<hbm>>, %arg8: memref<8x64xi32, #tpu.memory_space<vmem>>, %arg9: memref<8x64xi32, #tpu.memory_space<vmem>>, %arg10: memref<64x128xf32, #tpu.memory_space<vmem>>, %arg11: memref<64x128xf32, #tpu.memory_space<vmem>>, %arg12: memref<64x128xf32, #tpu.memory_space<vmem>>, %arg13: memref<10240x128xf32, #tpu.memory_space<vmem_shared>>, %arg14: memref<!tpu.dma_semaphore, #tpu.memory_space<semaphore_mem>>, %arg15: memref<!tpu.dma_semaphore, #tpu.memory_space<semaphore_mem>>, %arg16: memref<!tpu.dma_semaphore, #tpu.memory_space<semaphore_mem>>, %arg17: memref<!tpu.dma_semaphore, #tpu.memory_space<semaphore_mem>>, %arg18: memref<!tpu.dma_semaphore, #tpu.memory_space<semaphore_mem>>, %arg19: memref<!tpu.dma_semaphore, #tpu.memory_space<semaphore_mem>>) attributes {dimension_semantics = [#tpu.dimension_semantics<core_parallel>, #tpu.dimension_semantics<subcore_parallel>], iteration_bounds = array<i64: 2, 16>, scalar_prefetch = 0 : i64, scratch_operands = 12 : i64, tpu.core_type = #tpu.core_type<sc_vector_subcore>, window_params = [{transform_indices = #map}, {transform_indices = #map1}, {transform_indices = #map1}, {transform_indices = #map1}, {transform_indices = #map1}, {transform_indices = #map1}]} {
    %broadcast_in_dim3A = arith.constant 0.000000e+00 : f32
    %broadcast_in_dim3A_0 = vector.broadcast %broadcast_in_dim3A : f32 to vector<16xf32>
    %scan3A = arith.constant 0 : i32
    %scan3A_1 = arith.constant 0 : i32
    %scan3A_2 = arith.constant 64 : i32
    %scan3A_3 = arith.addi %scan3A_1, %scan3A_2 : i32
    %scan3A_4 = arith.constant 1 : i32
    scf.for %scan3A_54 = %scan3A_1 to %scan3A_3 step %scan3A_4  : i32 {
      %swap3A = arith.index_cast %scan3A_54 : i32 to index
      %swap3A_55 = arith.constant 0 : index
      %swap3A_56 = tpu.vector_load %arg10[%swap3A, %swap3A_55] {strides = array<i32>} : memref<64x128xf32, #tpu.memory_space<vmem>>, vector<1x16xf32>,
      %swap3A_57 = vector.shape_cast %swap3A_56 : vector<1x16xf32> to vector<16xf32>
      %swap3A_58 = vector.shape_cast %broadcast_in_dim3A_0 : vector<16xf32> to vector<1x16xf32>
      tpu.vector_store %arg10[%swap3A, %swap3A_55], %swap3A_58 {strides = array<i32>} : memref<64x128xf32, #tpu.memory_space<vmem>>, vector<1x16xf32>,
      %swap3A_59 = arith.index_cast %scan3A_54 : i32 to index
      %swap3A_60 = arith.constant 16 : index
      %swap3A_61 = tpu.vector_load %arg10[%swap3A_59, %swap3A_60] {strides = array<i32>} : memref<64x128xf32, #tpu.memory_space<vmem>>, vector<1x16xf32>,
      %swap3A_62 = vector.shape_cast %swap3A_61 : vector<1x16xf32> to vector<16xf32>
      %swap3A_63 = vector.shape_cast %broadcast_in_dim3A_0 : vector<16xf32> to vector<1x16xf32>
      tpu.vector_store %arg10[%swap3A_59, %swap3A_60], %swap3A_63 {strides = array<i32>} : memref<64x128xf32, #tpu.memory_space<vmem>>, vector<1x16xf32>,
      %swap3A_64 = arith.index_cast %scan3A_54 : i32 to index
      %swap3A_65 = arith.constant 32 : index
      %swap3A_66 = tpu.vector_load %arg10[%swap3A_64, %swap3A_65] {strides = array<i32>} : memref<64x128xf32, #tpu.memory_space<vmem>>, vector<1x16xf32>,
      %swap3A_67 = vector.shape_cast %swap3A_66 : vector<1x16xf32> to vector<16xf32>
      %swap3A_68 = vector.shape_cast %broadcast_in_dim3A_0 : vector<16xf32> to vector<1x16xf32>
      tpu.vector_store %arg10[%swap3A_64, %swap3A_65], %swap3A_68 {strides = array<i32>} : memref<64x128xf32, #tpu.memory_space<vmem>>, vector<1x16xf32>,
      %swap3A_69 = arith.index_cast %scan3A_54 : i32 to index
      %swap3A_70 = arith.constant 48 : index
      %swap3A_71 = tpu.vector_load %arg10[%swap3A_69, %swap3A_70] {strides = array<i32>} : memref<64x128xf32, #tpu.memory_space<vmem>>, vector<1x16xf32>,
      %swap3A_72 = vector.shape_cast %swap3A_71 : vector<1x16xf32> to vector<16xf32>
      %swap3A_73 = vector.shape_cast %broadcast_in_dim3A_0 : vector<16xf32> to vector<1x16xf32>
      tpu.vector_store %arg10[%swap3A_69, %swap3A_70], %swap3A_73 {strides = array<i32>} : memref<64x128xf32, #tpu.memory_space<vmem>>, vector<1x16xf32>,
      %swap3A_74 = arith.index_cast %scan3A_54 : i32 to index
      %swap3A_75 = arith.constant 64 : index
      %swap3A_76 = tpu.vector_load %arg10[%swap3A_74, %swap3A_75] {strides = array<i32>} : memref<64x128xf32, #tpu.memory_space<vmem>>, vector<1x16xf32>,
      %swap3A_77 = vector.shape_cast %swap3A_76 : vector<1x16xf32> to vector<16xf32>
      %swap3A_78 = vector.shape_cast %broadcast_in_dim3A_0 : vector<16xf32> to vector<1x16xf32>
      tpu.vector_store %arg10[%swap3A_74, %swap3A_75], %swap3A_78 {strides = array<i32>} : memref<64x128xf32, #tpu.memory_space<vmem>>, vector<1x16xf32>,
      %swap3A_79 = arith.index_cast %scan3A_54 : i32 to index
      %swap3A_80 = arith.constant 80 : index
      %swap3A_81 = tpu.vector_load %arg10[%swap3A_79, %swap3A_80] {strides = array<i32>} : memref<64x128xf32, #tpu.memory_space<vmem>>, vector<1x16xf32>,
      %swap3A_82 = vector.shape_cast %swap3A_81 : vector<1x16xf32> to vector<16xf32>
      %swap3A_83 = vector.shape_cast %broadcast_in_dim3A_0 : vector<16xf32> to vector<1x16xf32>
      tpu.vector_store %arg10[%swap3A_79, %swap3A_80], %swap3A_83 {strides = array<i32>} : memref<64x128xf32, #tpu.memory_space<vmem>>, vector<1x16xf32>,
      %swap3A_84 = arith.index_cast %scan3A_54 : i32 to index
      %swap3A_85 = arith.constant 96 : index
      %swap3A_86 = tpu.vector_load %arg10[%swap3A_84, %swap3A_85] {strides = array<i32>} : memref<64x128xf32, #tpu.memory_space<vmem>>, vector<1x16xf32>,
      %swap3A_87 = vector.shape_cast %swap3A_86 : vector<1x16xf32> to vector<16xf32>
      %swap3A_88 = vector.shape_cast %broadcast_in_dim3A_0 : vector<16xf32> to vector<1x16xf32>
      tpu.vector_store %arg10[%swap3A_84, %swap3A_85], %swap3A_88 {strides = array<i32>} : memref<64x128xf32, #tpu.memory_space<vmem>>, vector<1x16xf32>,
      %swap3A_89 = arith.index_cast %scan3A_54 : i32 to index
      %swap3A_90 = arith.constant 112 : index
      %swap3A_91 = tpu.vector_load %arg10[%swap3A_89, %swap3A_90] {strides = array<i32>} : memref<64x128xf32, #tpu.memory_space<vmem>>, vector<1x16xf32>,
      %swap3A_92 = vector.shape_cast %swap3A_91 : vector<1x16xf32> to vector<16xf32>
      %swap3A_93 = vector.shape_cast %broadcast_in_dim3A_0 : vector<16xf32> to vector<1x16xf32>
      tpu.vector_store %arg10[%swap3A_89, %swap3A_90], %swap3A_93 {strides = array<i32>} : memref<64x128xf32, #tpu.memory_space<vmem>>, vector<1x16xf32>,
    }
    %scan3A_5 = arith.constant 64 : i32
    %mul3A = arith.constant 640 : i32
    %mul3A_6 = arith.muli %arg1, %mul3A : i32
    %multiple_of3A = tpu.assume_multiple %mul3A_6, 64 : i32
    %add3A = arith.constant 0 : i32
    %add3A_7 = arith.addi %multiple_of3A, %add3A : i32
    "tpu.region"() ({
      %run_scoped3A = tpu.sem_alloc : memref<!tpu.dma_semaphore, #tpu.memory_space<semaphore_mem>>
      %dma_start3A = arith.constant 0 : i32
      %dma_start3A_54 = tpu.memref_slice %arg13[%add3A_7, %dma_start3A] : memref<10240x128xf32, #tpu.memory_space<vmem_shared>> -> memref<64x128xf32, #tpu.memory_space<vmem_shared>>
      %dma_start3A_55 = arith.constant 0 : i32
      %dma_start3A_56 = tpu.memref_slice %arg13[%add3A_7, %dma_start3A_55] : memref<10240x128xf32, #tpu.memory_space<vmem_shared>> -> memref<64x128xf32, #tpu.memory_space<vmem_shared>>
      tpu.enqueue_dma source(%arg10 : memref<64x128xf32, #tpu.memory_space<vmem>>) target(%dma_start3A_56 : memref<64x128xf32, #tpu.memory_space<vmem_shared>>) target_semaphore(%run_scoped3A : memref<!tpu.dma_semaphore, #tpu.memory_space<semaphore_mem>>)
      %dma_wait3A = arith.constant 0 : i32
      %dma_wait3A_57 = tpu.memref_slice %arg13[%add3A_7, %dma_wait3A] : memref<10240x128xf32, #tpu.memory_space<vmem_shared>> -> memref<64x128xf32, #tpu.memory_space<vmem_shared>>
      %dma_wait3A_58 = arith.constant 0 : i32
      %dma_wait3A_59 = tpu.memref_slice %arg13[%add3A_7, %dma_wait3A_58] : memref<10240x128xf32, #tpu.memory_space<vmem_shared>> -> memref<64x128xf32, #tpu.memory_space<vmem_shared>>
      tpu.wait_dma2 semaphore(%run_scoped3A : memref<!tpu.dma_semaphore, #tpu.memory_space<semaphore_mem>>) src(%arg10 : memref<64x128xf32, #tpu.memory_space<vmem>>) dst(%dma_wait3A_59 : memref<64x128xf32, #tpu.memory_space<vmem_shared>>)
      tpu.yield
    }) : () -> ()
    %add3A_8 = arith.constant 64 : i32
    %add3A_9 = arith.addi %multiple_of3A, %add3A_8 : i32
    "tpu.region"() ({
      %run_scoped3A = tpu.sem_alloc : memref<!tpu.dma_semaphore, #tpu.memory_space<semaphore_mem>>
      %dma_start3A = arith.constant 0 : i32
      %dma_start3A_54 = tpu.memref_slice %arg13[%add3A_9, %dma_start3A] : memref<10240x128xf32, #tpu.memory_space<vmem_shared>> -> memref<64x128xf32, #tpu.memory_space<vmem_shared>>
      %dma_start3A_55 = arith.constant 0 : i32
      %dma_start3A_56 = tpu.memref_slice %arg13[%add3A_9, %dma_start3A_55] : memref<10240x128xf32, #tpu.memory_space<vmem_shared>> -> memref<64x128xf32, #tpu.memory_space<vmem_shared>>
      tpu.enqueue_dma source(%arg10 : memref<64x128xf32, #tpu.memory_space<vmem>>) target(%dma_start3A_56 : memref<64x128xf32, #tpu.memory_space<vmem_shared>>) target_semaphore(%run_scoped3A : memref<!tpu.dma_semaphore, #tpu.memory_space<semaphore_mem>>)
      %dma_wait3A = arith.constant 0 : i32
      %dma_wait3A_57 = tpu.memref_slice %arg13[%add3A_9, %dma_wait3A] : memref<10240x128xf32, #tpu.memory_space<vmem_shared>> -> memref<64x128xf32, #tpu.memory_space<vmem_shared>>
      %dma_wait3A_58 = arith.constant 0 : i32
      %dma_wait3A_59 = tpu.memref_slice %arg13[%add3A_9, %dma_wait3A_58] : memref<10240x128xf32, #tpu.memory_space<vmem_shared>> -> memref<64x128xf32, #tpu.memory_space<vmem_shared>>
      tpu.wait_dma2 semaphore(%run_scoped3A : memref<!tpu.dma_semaphore, #tpu.memory_space<semaphore_mem>>) src(%arg10 : memref<64x128xf32, #tpu.memory_space<vmem>>) dst(%dma_wait3A_59 : memref<64x128xf32, #tpu.memory_space<vmem_shared>>)
      tpu.yield
    }) : () -> ()
    %add3A_10 = arith.constant 128 : i32
    %add3A_11 = arith.addi %multiple_of3A, %add3A_10 : i32
    "tpu.region"() ({
      %run_scoped3A = tpu.sem_alloc : memref<!tpu.dma_semaphore, #tpu.memory_space<semaphore_mem>>
      %dma_start3A = arith.constant 0 : i32
      %dma_start3A_54 = tpu.memref_slice %arg13[%add3A_11, %dma_start3A] : memref<10240x128xf32, #tpu.memory_space<vmem_shared>> -> memref<64x128xf32, #tpu.memory_space<vmem_shared>>
      %dma_start3A_55 = arith.constant 0 : i32
      %dma_start3A_56 = tpu.memref_slice %arg13[%add3A_11, %dma_start3A_55] : memref<10240x128xf32, #tpu.memory_space<vmem_shared>> -> memref<64x128xf32, #tpu.memory_space<vmem_shared>>
      tpu.enqueue_dma source(%arg10 : memref<64x128xf32, #tpu.memory_space<vmem>>) target(%dma_start3A_56 : memref<64x128xf32, #tpu.memory_space<vmem_shared>>) target_semaphore(%run_scoped3A : memref<!tpu.dma_semaphore, #tpu.memory_space<semaphore_mem>>)
      %dma_wait3A = arith.constant 0 : i32
      %dma_wait3A_57 = tpu.memref_slice %arg13[%add3A_11, %dma_wait3A] : memref<10240x128xf32, #tpu.memory_space<vmem_shared>> -> memref<64x128xf32, #tpu.memory_space<vmem_shared>>
      %dma_wait3A_58 = arith.constant 0 : i32
      %dma_wait3A_59 = tpu.memref_slice %arg13[%add3A_11, %dma_wait3A_58] : memref<10240x128xf32, #tpu.memory_space<vmem_shared>> -> memref<64x128xf32, #tpu.memory_space<vmem_shared>>
      tpu.wait_dma2 semaphore(%run_scoped3A : memref<!tpu.dma_semaphore, #tpu.memory_space<semaphore_mem>>) src(%arg10 : memref<64x128xf32, #tpu.memory_space<vmem>>) dst(%dma_wait3A_59 : memref<64x128xf32, #tpu.memory_space<vmem_shared>>)
      tpu.yield
    }) : () -> ()
    %add3A_12 = arith.constant 192 : i32
    %add3A_13 = arith.addi %multiple_of3A, %add3A_12 : i32
    "tpu.region"() ({
      %run_scoped3A = tpu.sem_alloc : memref<!tpu.dma_semaphore, #tpu.memory_space<semaphore_mem>>
      %dma_start3A = arith.constant 0 : i32
      %dma_start3A_54 = tpu.memref_slice %arg13[%add3A_13, %dma_start3A] : memref<10240x128xf32, #tpu.memory_space<vmem_shared>> -> memref<64x128xf32, #tpu.memory_space<vmem_shared>>
      %dma_start3A_55 = arith.constant 0 : i32
      %dma_start3A_56 = tpu.memref_slice %arg13[%add3A_13, %dma_start3A_55] : memref<10240x128xf32, #tpu.memory_space<vmem_shared>> -> memref<64x128xf32, #tpu.memory_space<vmem_shared>>
      tpu.enqueue_dma source(%arg10 : memref<64x128xf32, #tpu.memory_space<vmem>>) target(%dma_start3A_56 : memref<64x128xf32, #tpu.memory_space<vmem_shared>>) target_semaphore(%run_scoped3A : memref<!tpu.dma_semaphore, #tpu.memory_space<semaphore_mem>>)
      %dma_wait3A = arith.constant 0 : i32
      %dma_wait3A_57 = tpu.memref_slice %arg13[%add3A_13, %dma_wait3A] : memref<10240x128xf32, #tpu.memory_space<vmem_shared>> -> memref<64x128xf32, #tpu.memory_space<vmem_shared>>
      %dma_wait3A_58 = arith.constant 0 : i32
      %dma_wait3A_59 = tpu.memref_slice %arg13[%add3A_13, %dma_wait3A_58] : memref<10240x128xf32, #tpu.memory_space<vmem_shared>> -> memref<64x128xf32, #tpu.memory_space<vmem_shared>>
      tpu.wait_dma2 semaphore(%run_scoped3A : memref<!tpu.dma_semaphore, #tpu.memory_space<semaphore_mem>>) src(%arg10 : memref<64x128xf32, #tpu.memory_space<vmem>>) dst(%dma_wait3A_59 : memref<64x128xf32, #tpu.memory_space<vmem_shared>>)
      tpu.yield
    }) : () -> ()
    %add3A_14 = arith.constant 256 : i32
    %add3A_15 = arith.addi %multiple_of3A, %add3A_14 : i32
    "tpu.region"() ({
      %run_scoped3A = tpu.sem_alloc : memref<!tpu.dma_semaphore, #tpu.memory_space<semaphore_mem>>
      %dma_start3A = arith.constant 0 : i32
      %dma_start3A_54 = tpu.memref_slice %arg13[%add3A_15, %dma_start3A] : memref<10240x128xf32, #tpu.memory_space<vmem_shared>> -> memref<64x128xf32, #tpu.memory_space<vmem_shared>>
      %dma_start3A_55 = arith.constant 0 : i32
      %dma_start3A_56 = tpu.memref_slice %arg13[%add3A_15, %dma_start3A_55] : memref<10240x128xf32, #tpu.memory_space<vmem_shared>> -> memref<64x128xf32, #tpu.memory_space<vmem_shared>>
      tpu.enqueue_dma source(%arg10 : memref<64x128xf32, #tpu.memory_space<vmem>>) target(%dma_start3A_56 : memref<64x128xf32, #tpu.memory_space<vmem_shared>>) target_semaphore(%run_scoped3A : memref<!tpu.dma_semaphore, #tpu.memory_space<semaphore_mem>>)
      %dma_wait3A = arith.constant 0 : i32
      %dma_wait3A_57 = tpu.memref_slice %arg13[%add3A_15, %dma_wait3A] : memref<10240x128xf32, #tpu.memory_space<vmem_shared>> -> memref<64x128xf32, #tpu.memory_space<vmem_shared>>
      %dma_wait3A_58 = arith.constant 0 : i32
      %dma_wait3A_59 = tpu.memref_slice %arg13[%add3A_15, %dma_wait3A_58] : memref<10240x128xf32, #tpu.memory_space<vmem_shared>> -> memref<64x128xf32, #tpu.memory_space<vmem_shared>>
      tpu.wait_dma2 semaphore(%run_scoped3A : memref<!tpu.dma_semaphore, #tpu.memory_space<semaphore_mem>>) src(%arg10 : memref<64x128xf32, #tpu.memory_space<vmem>>) dst(%dma_wait3A_59 : memref<64x128xf32, #tpu.memory_space<vmem_shared>>)
      tpu.yield
    }) : () -> ()
    %add3A_16 = arith.constant 320 : i32
    %add3A_17 = arith.addi %multiple_of3A, %add3A_16 : i32
    "tpu.region"() ({
      %run_scoped3A = tpu.sem_alloc : memref<!tpu.dma_semaphore, #tpu.memory_space<semaphore_mem>>
      %dma_start3A = arith.constant 0 : i32
      %dma_start3A_54 = tpu.memref_slice %arg13[%add3A_17, %dma_start3A] : memref<10240x128xf32, #tpu.memory_space<vmem_shared>> -> memref<64x128xf32, #tpu.memory_space<vmem_shared>>
      %dma_start3A_55 = arith.constant 0 : i32
      %dma_start3A_56 = tpu.memref_slice %arg13[%add3A_17, %dma_start3A_55] : memref<10240x128xf32, #tpu.memory_space<vmem_shared>> -> memref<64x128xf32, #tpu.memory_space<vmem_shared>>
      tpu.enqueue_dma source(%arg10 : memref<64x128xf32, #tpu.memory_space<vmem>>) target(%dma_start3A_56 : memref<64x128xf32, #tpu.memory_space<vmem_shared>>) target_semaphore(%run_scoped3A : memref<!tpu.dma_semaphore, #tpu.memory_space<semaphore_mem>>)
      %dma_wait3A = arith.constant 0 : i32
      %dma_wait3A_57 = tpu.memref_slice %arg13[%add3A_17, %dma_wait3A] : memref<10240x128xf32, #tpu.memory_space<vmem_shared>> -> memref<64x128xf32, #tpu.memory_space<vmem_shared>>
      %dma_wait3A_58 = arith.constant 0 : i32
      %dma_wait3A_59 = tpu.memref_slice %arg13[%add3A_17, %dma_wait3A_58] : memref<10240x128xf32, #tpu.memory_space<vmem_shared>> -> memref<64x128xf32, #tpu.memory_space<vmem_shared>>
      tpu.wait_dma2 semaphore(%run_scoped3A : memref<!tpu.dma_semaphore, #tpu.memory_space<semaphore_mem>>) src(%arg10 : memref<64x128xf32, #tpu.memory_space<vmem>>) dst(%dma_wait3A_59 : memref<64x128xf32, #tpu.memory_space<vmem_shared>>)
      tpu.yield
    }) : () -> ()
    %add3A_18 = arith.constant 384 : i32
    %add3A_19 = arith.addi %multiple_of3A, %add3A_18 : i32
    "tpu.region"() ({
      %run_scoped3A = tpu.sem_alloc : memref<!tpu.dma_semaphore, #tpu.memory_space<semaphore_mem>>
      %dma_start3A = arith.constant 0 : i32
      %dma_start3A_54 = tpu.memref_slice %arg13[%add3A_19, %dma_start3A] : memref<10240x128xf32, #tpu.memory_space<vmem_shared>> -> memref<64x128xf32, #tpu.memory_space<vmem_shared>>
      %dma_start3A_55 = arith.constant 0 : i32
      %dma_start3A_56 = tpu.memref_slice %arg13[%add3A_19, %dma_start3A_55] : memref<10240x128xf32, #tpu.memory_space<vmem_shared>> -> memref<64x128xf32, #tpu.memory_space<vmem_shared>>
      tpu.enqueue_dma source(%arg10 : memref<64x128xf32, #tpu.memory_space<vmem>>) target(%dma_start3A_56 : memref<64x128xf32, #tpu.memory_space<vmem_shared>>) target_semaphore(%run_scoped3A : memref<!tpu.dma_semaphore, #tpu.memory_space<semaphore_mem>>)
      %dma_wait3A = arith.constant 0 : i32
      %dma_wait3A_57 = tpu.memref_slice %arg13[%add3A_19, %dma_wait3A] : memref<10240x128xf32, #tpu.memory_space<vmem_shared>> -> memref<64x128xf32, #tpu.memory_space<vmem_shared>>
      %dma_wait3A_58 = arith.constant 0 : i32
      %dma_wait3A_59 = tpu.memref_slice %arg13[%add3A_19, %dma_wait3A_58] : memref<10240x128xf32, #tpu.memory_space<vmem_shared>> -> memref<64x128xf32, #tpu.memory_space<vmem_shared>>
      tpu.wait_dma2 semaphore(%run_scoped3A : memref<!tpu.dma_semaphore, #tpu.memory_space<semaphore_mem>>) src(%arg10 : memref<64x128xf32, #tpu.memory_space<vmem>>) dst(%dma_wait3A_59 : memref<64x128xf32, #tpu.memory_space<vmem_shared>>)
      tpu.yield
    }) : () -> ()
    %add3A_20 = arith.constant 448 : i32
    %add3A_21 = arith.addi %multiple_of3A, %add3A_20 : i32
    "tpu.region"() ({
      %run_scoped3A = tpu.sem_alloc : memref<!tpu.dma_semaphore, #tpu.memory_space<semaphore_mem>>
      %dma_start3A = arith.constant 0 : i32
      %dma_start3A_54 = tpu.memref_slice %arg13[%add3A_21, %dma_start3A] : memref<10240x128xf32, #tpu.memory_space<vmem_shared>> -> memref<64x128xf32, #tpu.memory_space<vmem_shared>>
      %dma_start3A_55 = arith.constant 0 : i32
      %dma_start3A_56 = tpu.memref_slice %arg13[%add3A_21, %dma_start3A_55] : memref<10240x128xf32, #tpu.memory_space<vmem_shared>> -> memref<64x128xf32, #tpu.memory_space<vmem_shared>>
      tpu.enqueue_dma source(%arg10 : memref<64x128xf32, #tpu.memory_space<vmem>>) target(%dma_start3A_56 : memref<64x128xf32, #tpu.memory_space<vmem_shared>>) target_semaphore(%run_scoped3A : memref<!tpu.dma_semaphore, #tpu.memory_space<semaphore_mem>>)
      %dma_wait3A = arith.constant 0 : i32
      %dma_wait3A_57 = tpu.memref_slice %arg13[%add3A_21, %dma_wait3A] : memref<10240x128xf32, #tpu.memory_space<vmem_shared>> -> memref<64x128xf32, #tpu.memory_space<vmem_shared>>
      %dma_wait3A_58 = arith.constant 0 : i32
      %dma_wait3A_59 = tpu.memref_slice %arg13[%add3A_21, %dma_wait3A_58] : memref<10240x128xf32, #tpu.memory_space<vmem_shared>> -> memref<64x128xf32, #tpu.memory_space<vmem_shared>>
      tpu.wait_dma2 semaphore(%run_scoped3A : memref<!tpu.dma_semaphore, #tpu.memory_space<semaphore_mem>>) src(%arg10 : memref<64x128xf32, #tpu.memory_space<vmem>>) dst(%dma_wait3A_59 : memref<64x128xf32, #tpu.memory_space<vmem_shared>>)
      tpu.yield
    }) : () -> ()
    %add3A_22 = arith.constant 512 : i32
    %add3A_23 = arith.addi %multiple_of3A, %add3A_22 : i32
    "tpu.region"() ({
      %run_scoped3A = tpu.sem_alloc : memref<!tpu.dma_semaphore, #tpu.memory_space<semaphore_mem>>
      %dma_start3A = arith.constant 0 : i32
      %dma_start3A_54 = tpu.memref_slice %arg13[%add3A_23, %dma_start3A] : memref<10240x128xf32, #tpu.memory_space<vmem_shared>> -> memref<64x128xf32, #tpu.memory_space<vmem_shared>>
      %dma_start3A_55 = arith.constant 0 : i32
      %dma_start3A_56 = tpu.memref_slice %arg13[%add3A_23, %dma_start3A_55] : memref<10240x128xf32, #tpu.memory_space<vmem_shared>> -> memref<64x128xf32, #tpu.memory_space<vmem_shared>>
      tpu.enqueue_dma source(%arg10 : memref<64x128xf32, #tpu.memory_space<vmem>>) target(%dma_start3A_56 : memref<64x128xf32, #tpu.memory_space<vmem_shared>>) target_semaphore(%run_scoped3A : memref<!tpu.dma_semaphore, #tpu.memory_space<semaphore_mem>>)
      %dma_wait3A = arith.constant 0 : i32
      %dma_wait3A_57 = tpu.memref_slice %arg13[%add3A_23, %dma_wait3A] : memref<10240x128xf32, #tpu.memory_space<vmem_shared>> -> memref<64x128xf32, #tpu.memory_space<vmem_shared>>
      %dma_wait3A_58 = arith.constant 0 : i32
      %dma_wait3A_59 = tpu.memref_slice %arg13[%add3A_23, %dma_wait3A_58] : memref<10240x128xf32, #tpu.memory_space<vmem_shared>> -> memref<64x128xf32, #tpu.memory_space<vmem_shared>>
      tpu.wait_dma2 semaphore(%run_scoped3A : memref<!tpu.dma_semaphore, #tpu.memory_space<semaphore_mem>>) src(%arg10 : memref<64x128xf32, #tpu.memory_space<vmem>>) dst(%dma_wait3A_59 : memref<64x128xf32, #tpu.memory_space<vmem_shared>>)
      tpu.yield
    }) : () -> ()
    %add3A_24 = arith.constant 576 : i32
    %add3A_25 = arith.addi %multiple_of3A, %add3A_24 : i32
    "tpu.region"() ({
      %run_scoped3A = tpu.sem_alloc : memref<!tpu.dma_semaphore, #tpu.memory_space<semaphore_mem>>
      %dma_start3A = arith.constant 0 : i32
      %dma_start3A_54 = tpu.memref_slice %arg13[%add3A_25, %dma_start3A] : memref<10240x128xf32, #tpu.memory_space<vmem_shared>> -> memref<64x128xf32, #tpu.memory_space<vmem_shared>>
      %dma_start3A_55 = arith.constant 0 : i32
      %dma_start3A_56 = tpu.memref_slice %arg13[%add3A_25, %dma_start3A_55] : memref<10240x128xf32, #tpu.memory_space<vmem_shared>> -> memref<64x128xf32, #tpu.memory_space<vmem_shared>>
      tpu.enqueue_dma source(%arg10 : memref<64x128xf32, #tpu.memory_space<vmem>>) target(%dma_start3A_56 : memref<64x128xf32, #tpu.memory_space<vmem_shared>>) target_semaphore(%run_scoped3A : memref<!tpu.dma_semaphore, #tpu.memory_space<semaphore_mem>>)
      %dma_wait3A = arith.constant 0 : i32
      %dma_wait3A_57 = tpu.memref_slice %arg13[%add3A_25, %dma_wait3A] : memref<10240x128xf32, #tpu.memory_space<vmem_shared>> -> memref<64x128xf32, #tpu.memory_space<vmem_shared>>
      %dma_wait3A_58 = arith.constant 0 : i32
      %dma_wait3A_59 = tpu.memref_slice %arg13[%add3A_25, %dma_wait3A_58] : memref<10240x128xf32, #tpu.memory_space<vmem_shared>> -> memref<64x128xf32, #tpu.memory_space<vmem_shared>>
      tpu.wait_dma2 semaphore(%run_scoped3A : memref<!tpu.dma_semaphore, #tpu.memory_space<semaphore_mem>>) src(%arg10 : memref<64x128xf32, #tpu.memory_space<vmem>>) dst(%dma_wait3A_59 : memref<64x128xf32, #tpu.memory_space<vmem_shared>>)
      tpu.yield
    }) : () -> ()
    %barrier3A = arith.constant 0 : index
    tpu.barrier barrier_id(%barrier3A)
    %eq3A = arith.constant 0 : i32
    %eq3A_26 = arith.cmpi eq, %arg0, %eq3A : i32
    %convert_element_type3A = arith.extui %eq3A_26 : i1 to i32
    %cond3A = arith.constant 0 : i32
    %cond3A_27 = arith.cmpi ne, %convert_element_type3A, %cond3A : i32
    scf.if %cond3A_27 {
      %scan3A_54 = arith.constant 0 : i32
      %scan3A_55 = arith.constant 0 : i32
      %scan3A_56 = arith.constant 20 : i32
      %scan3A_57 = arith.addi %scan3A_55, %scan3A_56 : i32
      %scan3A_58 = arith.constant 1 : i32
      scf.for %scan3A_60 = %scan3A_55 to %scan3A_57 step %scan3A_58  : i32 {
        %mul3A_61 = arith.constant 8 : i32
        %mul3A_62 = arith.muli %scan3A_60, %mul3A_61 : i32
        "tpu.region"() ({
          %run_scoped3A = tpu.sem_alloc : memref<!tpu.dma_semaphore, #tpu.memory_space<semaphore_mem>>
          %dma_start3A_278 = arith.constant 0 : i32
          %dma_start3A_279 = tpu.memref_slice %arg3[%arg1, %mul3A_62, %dma_start3A_278] : memref<16x160x64xi32, #tpu.memory_space<hbm>> -> memref<1x8x64xi32, #tpu.memory_space<hbm>>
          %dma_start3A_280 = tpu.memref_squeeze %dma_start3A_279 : memref<1x8x64xi32, #tpu.memory_space<hbm>> -> memref<8x64xi32, #tpu.memory_space<hbm>>
          %dma_start3A_281 = arith.constant 0 : i32
          %dma_start3A_282 = tpu.memref_slice %arg3[%arg1, %mul3A_62, %dma_start3A_281] : memref<16x160x64xi32, #tpu.memory_space<hbm>> -> memref<1x8x64xi32, #tpu.memory_space<hbm>>
          %dma_start3A_283 = tpu.memref_squeeze %dma_start3A_282 : memref<1x8x64xi32, #tpu.memory_space<hbm>> -> memref<8x64xi32, #tpu.memory_space<hbm>>
          tpu.enqueue_dma source(%dma_start3A_283 : memref<8x64xi32, #tpu.memory_space<hbm>>) target(%arg8 : memref<8x64xi32, #tpu.memory_space<vmem>>) target_semaphore(%run_scoped3A : memref<!tpu.dma_semaphore, #tpu.memory_space<semaphore_mem>>)
          %dma_wait3A_284 = arith.constant 0 : i32
          %dma_wait3A_285 = tpu.memref_slice %arg3[%arg1, %mul3A_62, %dma_wait3A_284] : memref<16x160x64xi32, #tpu.memory_space<hbm>> -> memref<1x8x64xi32, #tpu.memory_space<hbm>>
          %dma_wait3A_286 = tpu.memref_squeeze %dma_wait3A_285 : memref<1x8x64xi32, #tpu.memory_space<hbm>> -> memref<8x64xi32, #tpu.memory_space<hbm>>
          %dma_wait3A_287 = arith.constant 0 : i32
          %dma_wait3A_288 = tpu.memref_slice %arg3[%arg1, %mul3A_62, %dma_wait3A_287] : memref<16x160x64xi32, #tpu.memory_space<hbm>> -> memref<1x8x64xi32, #tpu.memory_space<hbm>>
          %dma_wait3A_289 = tpu.memref_squeeze %dma_wait3A_288 : memref<1x8x64xi32, #tpu.memory_space<hbm>> -> memref<8x64xi32, #tpu.memory_space<hbm>>
          tpu.wait_dma2 semaphore(%run_scoped3A : memref<!tpu.dma_semaphore, #tpu.memory_space<semaphore_mem>>) src(%dma_wait3A_289 : memref<8x64xi32, #tpu.memory_space<hbm>>) dst(%arg8 : memref<8x64xi32, #tpu.memory_space<vmem>>)
          tpu.yield
        }) : () -> ()
        "tpu.region"() ({
          %run_scoped3A = tpu.sem_alloc : memref<!tpu.dma_semaphore, #tpu.memory_space<semaphore_mem>>
          %dma_start3A_278 = arith.constant 0 : i32
          %dma_start3A_279 = tpu.memref_slice %arg4[%arg1, %mul3A_62, %dma_start3A_278] : memref<16x160x64xi32, #tpu.memory_space<hbm>> -> memref<1x8x64xi32, #tpu.memory_space<hbm>>
          %dma_start3A_280 = tpu.memref_squeeze %dma_start3A_279 : memref<1x8x64xi32, #tpu.memory_space<hbm>> -> memref<8x64xi32, #tpu.memory_space<hbm>>
          %dma_start3A_281 = arith.constant 0 : i32
          %dma_start3A_282 = tpu.memref_slice %arg4[%arg1, %mul3A_62, %dma_start3A_281] : memref<16x160x64xi32, #tpu.memory_space<hbm>> -> memref<1x8x64xi32, #tpu.memory_space<hbm>>
          %dma_start3A_283 = tpu.memref_squeeze %dma_start3A_282 : memref<1x8x64xi32, #tpu.memory_space<hbm>> -> memref<8x64xi32, #tpu.memory_space<hbm>>
          tpu.enqueue_dma source(%dma_start3A_283 : memref<8x64xi32, #tpu.memory_space<hbm>>) target(%arg9 : memref<8x64xi32, #tpu.memory_space<vmem>>) target_semaphore(%run_scoped3A : memref<!tpu.dma_semaphore, #tpu.memory_space<semaphore_mem>>)
          %dma_wait3A_284 = arith.constant 0 : i32
          %dma_wait3A_285 = tpu.memref_slice %arg4[%arg1, %mul3A_62, %dma_wait3A_284] : memref<16x160x64xi32, #tpu.memory_space<hbm>> -> memref<1x8x64xi32, #tpu.memory_space<hbm>>
          %dma_wait3A_286 = tpu.memref_squeeze %dma_wait3A_285 : memref<1x8x64xi32, #tpu.memory_space<hbm>> -> memref<8x64xi32, #tpu.memory_space<hbm>>
          %dma_wait3A_287 = arith.constant 0 : i32
          %dma_wait3A_288 = tpu.memref_slice %arg4[%arg1, %mul3A_62, %dma_wait3A_287] : memref<16x160x64xi32, #tpu.memory_space<hbm>> -> memref<1x8x64xi32, #tpu.memory_space<hbm>>
          %dma_wait3A_289 = tpu.memref_squeeze %dma_wait3A_288 : memref<1x8x64xi32, #tpu.memory_space<hbm>> -> memref<8x64xi32, #tpu.memory_space<hbm>>
          tpu.wait_dma2 semaphore(%run_scoped3A : memref<!tpu.dma_semaphore, #tpu.memory_space<semaphore_mem>>) src(%dma_wait3A_289 : memref<8x64xi32, #tpu.memory_space<hbm>>) dst(%arg9 : memref<8x64xi32, #tpu.memory_space<vmem>>)
          tpu.yield
        }) : () -> ()
        %dma_start3A = arith.constant 0 : i32
        %dma_start3A_63 = arith.constant 0 : i32
        %dma_start3A_64 = tpu.memref_slice %arg8[%dma_start3A, %dma_start3A_63] : memref<8x64xi32, #tpu.memory_space<vmem>> -> memref<1x64xi32, #tpu.memory_space<vmem>>
        %dma_start3A_65 = tpu.memref_squeeze %dma_start3A_64 : memref<1x64xi32, #tpu.memory_space<vmem>> -> memref<64xi32, #tpu.memory_space<vmem>>
        %dma_start3A_66 = arith.constant 0 : i32
        %dma_start3A_67 = arith.constant 0 : i32
        %dma_start3A_68 = tpu.memref_slice %arg2[%dma_start3A_66, %dma_start3A_67] : memref<10240x128xf32, #tpu.memory_space<hbm>> -> memref<10240x128xf32, #tpu.memory_space<hbm>>
        tpu.enqueue_indirect_dma source(%dma_start3A_68 : memref<10240x128xf32, #tpu.memory_space<hbm>>) target(%arg10 : memref<64x128xf32, #tpu.memory_space<vmem>>) offsets(%dma_start3A_65 : memref<64xi32, #tpu.memory_space<vmem>>) semaphore(%arg14 : memref<!tpu.dma_semaphore, #tpu.memory_space<semaphore_mem>>)
        %dma_start3A_69 = arith.constant 1 : i32
        %dma_start3A_70 = arith.constant 0 : i32
        %dma_start3A_71 = tpu.memref_slice %arg8[%dma_start3A_69, %dma_start3A_70] : memref<8x64xi32, #tpu.memory_space<vmem>> -> memref<1x64xi32, #tpu.memory_space<vmem>>
        %dma_start3A_72 = tpu.memref_squeeze %dma_start3A_71 : memref<1x64xi32, #tpu.memory_space<vmem>> -> memref<64xi32, #tpu.memory_space<vmem>>
        %dma_start3A_73 = arith.constant 0 : i32
        %dma_start3A_74 = arith.constant 0 : i32
        %dma_start3A_75 = tpu.memref_slice %arg2[%dma_start3A_73, %dma_start3A_74] : memref<10240x128xf32, #tpu.memory_space<hbm>> -> memref<10240x128xf32, #tpu.memory_space<hbm>>
        tpu.enqueue_indirect_dma source(%dma_start3A_75 : memref<10240x128xf32, #tpu.memory_space<hbm>>) target(%arg11 : memref<64x128xf32, #tpu.memory_space<vmem>>) offsets(%dma_start3A_72 : memref<64xi32, #tpu.memory_space<vmem>>) semaphore(%arg15 : memref<!tpu.dma_semaphore, #tpu.memory_space<semaphore_mem>>)
        %dma_wait3A = arith.constant 0 : i32
        %dma_wait3A_76 = arith.constant 0 : i32
        %dma_wait3A_77 = tpu.memref_slice %arg8[%dma_wait3A, %dma_wait3A_76] : memref<8x64xi32, #tpu.memory_space<vmem>> -> memref<1x64xi32, #tpu.memory_space<vmem>>
        %dma_wait3A_78 = tpu.memref_squeeze %dma_wait3A_77 : memref<1x64xi32, #tpu.memory_space<vmem>> -> memref<64xi32, #tpu.memory_space<vmem>>
        %dma_wait3A_79 = arith.constant 0 : i32
        %dma_wait3A_80 = arith.constant 0 : i32
        %dma_wait3A_81 = tpu.memref_slice %arg2[%dma_wait3A_79, %dma_wait3A_80] : memref<10240x128xf32, #tpu.memory_space<hbm>> -> memref<10240x128xf32, #tpu.memory_space<hbm>>
        tpu.wait_indirect_dma semaphore(%arg14 : memref<!tpu.dma_semaphore, #tpu.memory_space<semaphore_mem>>) src(%dma_wait3A_81 : memref<10240x128xf32, #tpu.memory_space<hbm>>) dst(%arg10 : memref<64x128xf32, #tpu.memory_space<vmem>>)
        %dma_start3A_82 = arith.constant 0 : i32
        %dma_start3A_83 = arith.constant 0 : i32
        %dma_start3A_84 = tpu.memref_slice %arg9[%dma_start3A_82, %dma_start3A_83] : memref<8x64xi32, #tpu.memory_space<vmem>> -> memref<1x64xi32, #tpu.memory_space<vmem>>
        %dma_start3A_85 = tpu.memref_squeeze %dma_start3A_84 : memref<1x64xi32, #tpu.memory_space<vmem>> -> memref<64xi32, #tpu.memory_space<vmem>>
        %dma_start3A_86 = arith.constant 0 : i32
        %dma_start3A_87 = arith.constant 0 : i32
        %dma_start3A_88 = tpu.memref_slice %arg13[%dma_start3A_86, %dma_start3A_87] : memref<10240x128xf32, #tpu.memory_space<vmem_shared>> -> memref<10240x128xf32, #tpu.memory_space<vmem_shared>>
        tpu.enqueue_indirect_dma source(%arg10 : memref<64x128xf32, #tpu.memory_space<vmem>>) target(%dma_start3A_88 : memref<10240x128xf32, #tpu.memory_space<vmem_shared>>) offsets(%dma_start3A_85 : memref<64xi32, #tpu.memory_space<vmem>>) semaphore(%arg17 : memref<!tpu.dma_semaphore, #tpu.memory_space<semaphore_mem>>) {add = true}
        %dma_start3A_89 = arith.constant 2 : i32
        %dma_start3A_90 = arith.constant 0 : i32
        %dma_start3A_91 = tpu.memref_slice %arg8[%dma_start3A_89, %dma_start3A_90] : memref<8x64xi32, #tpu.memory_space<vmem>> -> memref<1x64xi32, #tpu.memory_space<vmem>>
        %dma_start3A_92 = tpu.memref_squeeze %dma_start3A_91 : memref<1x64xi32, #tpu.memory_space<vmem>> -> memref<64xi32, #tpu.memory_space<vmem>>
        %dma_start3A_93 = arith.constant 0 : i32
        %dma_start3A_94 = arith.constant 0 : i32
        %dma_start3A_95 = tpu.memref_slice %arg2[%dma_start3A_93, %dma_start3A_94] : memref<10240x128xf32, #tpu.memory_space<hbm>> -> memref<10240x128xf32, #tpu.memory_space<hbm>>
        tpu.enqueue_indirect_dma source(%dma_start3A_95 : memref<10240x128xf32, #tpu.memory_space<hbm>>) target(%arg12 : memref<64x128xf32, #tpu.memory_space<vmem>>) offsets(%dma_start3A_92 : memref<64xi32, #tpu.memory_space<vmem>>) semaphore(%arg16 : memref<!tpu.dma_semaphore, #tpu.memory_space<semaphore_mem>>)
        %dma_wait3A_96 = arith.constant 1 : i32
        %dma_wait3A_97 = arith.constant 0 : i32
        %dma_wait3A_98 = tpu.memref_slice %arg8[%dma_wait3A_96, %dma_wait3A_97] : memref<8x64xi32, #tpu.memory_space<vmem>> -> memref<1x64xi32, #tpu.memory_space<vmem>>
        %dma_wait3A_99 = tpu.memref_squeeze %dma_wait3A_98 : memref<1x64xi32, #tpu.memory_space<vmem>> -> memref<64xi32, #tpu.memory_space<vmem>>
        %dma_wait3A_100 = arith.constant 0 : i32
        %dma_wait3A_101 = arith.constant 0 : i32
        %dma_wait3A_102 = tpu.memref_slice %arg2[%dma_wait3A_100, %dma_wait3A_101] : memref<10240x128xf32, #tpu.memory_space<hbm>> -> memref<10240x128xf32, #tpu.memory_space<hbm>>
        tpu.wait_indirect_dma semaphore(%arg15 : memref<!tpu.dma_semaphore, #tpu.memory_space<semaphore_mem>>) src(%dma_wait3A_102 : memref<10240x128xf32, #tpu.memory_space<hbm>>) dst(%arg11 : memref<64x128xf32, #tpu.memory_space<vmem>>)
        %dma_start3A_103 = arith.constant 1 : i32
        %dma_start3A_104 = arith.constant 0 : i32
        %dma_start3A_105 = tpu.memref_slice %arg9[%dma_start3A_103, %dma_start3A_104] : memref<8x64xi32, #tpu.memory_space<vmem>> -> memref<1x64xi32, #tpu.memory_space<vmem>>
        %dma_start3A_106 = tpu.memref_squeeze %dma_start3A_105 : memref<1x64xi32, #tpu.memory_space<vmem>> -> memref<64xi32, #tpu.memory_space<vmem>>
        %dma_start3A_107 = arith.constant 0 : i32
        %dma_start3A_108 = arith.constant 0 : i32
        %dma_start3A_109 = tpu.memref_slice %arg13[%dma_start3A_107, %dma_start3A_108] : memref<10240x128xf32, #tpu.memory_space<vmem_shared>> -> memref<10240x128xf32, #tpu.memory_space<vmem_shared>>
        tpu.enqueue_indirect_dma source(%arg11 : memref<64x128xf32, #tpu.memory_space<vmem>>) target(%dma_start3A_109 : memref<10240x128xf32, #tpu.memory_space<vmem_shared>>) offsets(%dma_start3A_106 : memref<64xi32, #tpu.memory_space<vmem>>) semaphore(%arg18 : memref<!tpu.dma_semaphore, #tpu.memory_space<semaphore_mem>>) {add = true}
        %dma_wait3A_110 = arith.constant 0 : i32
        %dma_wait3A_111 = arith.constant 0 : i32
        %dma_wait3A_112 = tpu.memref_slice %arg9[%dma_wait3A_110, %dma_wait3A_111] : memref<8x64xi32, #tpu.memory_space<vmem>> -> memref<1x64xi32, #tpu.memory_space<vmem>>
        %dma_wait3A_113 = tpu.memref_squeeze %dma_wait3A_112 : memref<1x64xi32, #tpu.memory_space<vmem>> -> memref<64xi32, #tpu.memory_space<vmem>>
        %dma_wait3A_114 = arith.constant 0 : i32
        %dma_wait3A_115 = arith.constant 0 : i32
        %dma_wait3A_116 = tpu.memref_slice %arg13[%dma_wait3A_114, %dma_wait3A_115] : memref<10240x128xf32, #tpu.memory_space<vmem_shared>> -> memref<10240x128xf32, #tpu.memory_space<vmem_shared>>
        tpu.wait_indirect_dma semaphore(%arg17 : memref<!tpu.dma_semaphore, #tpu.memory_space<semaphore_mem>>) src(%arg10 : memref<64x128xf32, #tpu.memory_space<vmem>>) dst(%dma_wait3A_116 : memref<10240x128xf32, #tpu.memory_space<vmem_shared>>)
        %dma_start3A_117 = arith.constant 3 : i32
        %dma_start3A_118 = arith.constant 0 : i32
        %dma_start3A_119 = tpu.memref_slice %arg8[%dma_start3A_117, %dma_start3A_118] : memref<8x64xi32, #tpu.memory_space<vmem>> -> memref<1x64xi32, #tpu.memory_space<vmem>>
        %dma_start3A_120 = tpu.memref_squeeze %dma_start3A_119 : memref<1x64xi32, #tpu.memory_space<vmem>> -> memref<64xi32, #tpu.memory_space<vmem>>
        %dma_start3A_121 = arith.constant 0 : i32
        %dma_start3A_122 = arith.constant 0 : i32
        %dma_start3A_123 = tpu.memref_slice %arg2[%dma_start3A_121, %dma_start3A_122] : memref<10240x128xf32, #tpu.memory_space<hbm>> -> memref<10240x128xf32, #tpu.memory_space<hbm>>
        tpu.enqueue_indirect_dma source(%dma_start3A_123 : memref<10240x128xf32, #tpu.memory_space<hbm>>) target(%arg10 : memref<64x128xf32, #tpu.memory_space<vmem>>) offsets(%dma_start3A_120 : memref<64xi32, #tpu.memory_space<vmem>>) semaphore(%arg14 : memref<!tpu.dma_semaphore, #tpu.memory_space<semaphore_mem>>)
        %dma_wait3A_124 = arith.constant 2 : i32
        %dma_wait3A_125 = arith.constant 0 : i32
        %dma_wait3A_126 = tpu.memref_slice %arg8[%dma_wait3A_124, %dma_wait3A_125] : memref<8x64xi32, #tpu.memory_space<vmem>> -> memref<1x64xi32, #tpu.memory_space<vmem>>
        %dma_wait3A_127 = tpu.memref_squeeze %dma_wait3A_126 : memref<1x64xi32, #tpu.memory_space<vmem>> -> memref<64xi32, #tpu.memory_space<vmem>>
        %dma_wait3A_128 = arith.constant 0 : i32
        %dma_wait3A_129 = arith.constant 0 : i32
        %dma_wait3A_130 = tpu.memref_slice %arg2[%dma_wait3A_128, %dma_wait3A_129] : memref<10240x128xf32, #tpu.memory_space<hbm>> -> memref<10240x128xf32, #tpu.memory_space<hbm>>
        tpu.wait_indirect_dma semaphore(%arg16 : memref<!tpu.dma_semaphore, #tpu.memory_space<semaphore_mem>>) src(%dma_wait3A_130 : memref<10240x128xf32, #tpu.memory_space<hbm>>) dst(%arg12 : memref<64x128xf32, #tpu.memory_space<vmem>>)
        %dma_start3A_131 = arith.constant 2 : i32
        %dma_start3A_132 = arith.constant 0 : i32
        %dma_start3A_133 = tpu.memref_slice %arg9[%dma_start3A_131, %dma_start3A_132] : memref<8x64xi32, #tpu.memory_space<vmem>> -> memref<1x64xi32, #tpu.memory_space<vmem>>
        %dma_start3A_134 = tpu.memref_squeeze %dma_start3A_133 : memref<1x64xi32, #tpu.memory_space<vmem>> -> memref<64xi32, #tpu.memory_space<vmem>>
        %dma_start3A_135 = arith.constant 0 : i32
        %dma_start3A_136 = arith.constant 0 : i32
        %dma_start3A_137 = tpu.memref_slice %arg13[%dma_start3A_135, %dma_start3A_136] : memref<10240x128xf32, #tpu.memory_space<vmem_shared>> -> memref<10240x128xf32, #tpu.memory_space<vmem_shared>>
        tpu.enqueue_indirect_dma source(%arg12 : memref<64x128xf32, #tpu.memory_space<vmem>>) target(%dma_start3A_137 : memref<10240x128xf32, #tpu.memory_space<vmem_shared>>) offsets(%dma_start3A_134 : memref<64xi32, #tpu.memory_space<vmem>>) semaphore(%arg19 : memref<!tpu.dma_semaphore, #tpu.memory_space<semaphore_mem>>) {add = true}
        %dma_wait3A_138 = arith.constant 1 : i32
        %dma_wait3A_139 = arith.constant 0 : i32
        %dma_wait3A_140 = tpu.memref_slice %arg9[%dma_wait3A_138, %dma_wait3A_139] : memref<8x64xi32, #tpu.memory_space<vmem>> -> memref<1x64xi32, #tpu.memory_space<vmem>>
        %dma_wait3A_141 = tpu.memref_squeeze %dma_wait3A_140 : memref<1x64xi32, #tpu.memory_space<vmem>> -> memref<64xi32, #tpu.memory_space<vmem>>
        %dma_wait3A_142 = arith.constant 0 : i32
        %dma_wait3A_143 = arith.constant 0 : i32
        %dma_wait3A_144 = tpu.memref_slice %arg13[%dma_wait3A_142, %dma_wait3A_143] : memref<10240x128xf32, #tpu.memory_space<vmem_shared>> -> memref<10240x128xf32, #tpu.memory_space<vmem_shared>>
        tpu.wait_indirect_dma semaphore(%arg18 : memref<!tpu.dma_semaphore, #tpu.memory_space<semaphore_mem>>) src(%arg11 : memref<64x128xf32, #tpu.memory_space<vmem>>) dst(%dma_wait3A_144 : memref<10240x128xf32, #tpu.memory_space<vmem_shared>>)
        %dma_start3A_145 = arith.constant 4 : i32
        %dma_start3A_146 = arith.constant 0 : i32
        %dma_start3A_147 = tpu.memref_slice %arg8[%dma_start3A_145, %dma_start3A_146] : memref<8x64xi32, #tpu.memory_space<vmem>> -> memref<1x64xi32, #tpu.memory_space<vmem>>
        %dma_start3A_148 = tpu.memref_squeeze %dma_start3A_147 : memref<1x64xi32, #tpu.memory_space<vmem>> -> memref<64xi32, #tpu.memory_space<vmem>>
        %dma_start3A_149 = arith.constant 0 : i32
        %dma_start3A_150 = arith.constant 0 : i32
        %dma_start3A_151 = tpu.memref_slice %arg2[%dma_start3A_149, %dma_start3A_150] : memref<10240x128xf32, #tpu.memory_space<hbm>> -> memref<10240x128xf32, #tpu.memory_space<hbm>>
        tpu.enqueue_indirect_dma source(%dma_start3A_151 : memref<10240x128xf32, #tpu.memory_space<hbm>>) target(%arg11 : memref<64x128xf32, #tpu.memory_space<vmem>>) offsets(%dma_start3A_148 : memref<64xi32, #tpu.memory_space<vmem>>) semaphore(%arg15 : memref<!tpu.dma_semaphore, #tpu.memory_space<semaphore_mem>>)
        %dma_wait3A_152 = arith.constant 3 : i32
        %dma_wait3A_153 = arith.constant 0 : i32
        %dma_wait3A_154 = tpu.memref_slice %arg8[%dma_wait3A_152, %dma_wait3A_153] : memref<8x64xi32, #tpu.memory_space<vmem>> -> memref<1x64xi32, #tpu.memory_space<vmem>>
        %dma_wait3A_155 = tpu.memref_squeeze %dma_wait3A_154 : memref<1x64xi32, #tpu.memory_space<vmem>> -> memref<64xi32, #tpu.memory_space<vmem>>
        %dma_wait3A_156 = arith.constant 0 : i32
        %dma_wait3A_157 = arith.constant 0 : i32
        %dma_wait3A_158 = tpu.memref_slice %arg2[%dma_wait3A_156, %dma_wait3A_157] : memref<10240x128xf32, #tpu.memory_space<hbm>> -> memref<10240x128xf32, #tpu.memory_space<hbm>>
        tpu.wait_indirect_dma semaphore(%arg14 : memref<!tpu.dma_semaphore, #tpu.memory_space<semaphore_mem>>) src(%dma_wait3A_158 : memref<10240x128xf32, #tpu.memory_space<hbm>>) dst(%arg10 : memref<64x128xf32, #tpu.memory_space<vmem>>)
        %dma_start3A_159 = arith.constant 3 : i32
        %dma_start3A_160 = arith.constant 0 : i32
        %dma_start3A_161 = tpu.memref_slice %arg9[%dma_start3A_159, %dma_start3A_160] : memref<8x64xi32, #tpu.memory_space<vmem>> -> memref<1x64xi32, #tpu.memory_space<vmem>>
        %dma_start3A_162 = tpu.memref_squeeze %dma_start3A_161 : memref<1x64xi32, #tpu.memory_space<vmem>> -> memref<64xi32, #tpu.memory_space<vmem>>
        %dma_start3A_163 = arith.constant 0 : i32
        %dma_start3A_164 = arith.constant 0 : i32
        %dma_start3A_165 = tpu.memref_slice %arg13[%dma_start3A_163, %dma_start3A_164] : memref<10240x128xf32, #tpu.memory_space<vmem_shared>> -> memref<10240x128xf32, #tpu.memory_space<vmem_shared>>
        tpu.enqueue_indirect_dma source(%arg10 : memref<64x128xf32, #tpu.memory_space<vmem>>) target(%dma_start3A_165 : memref<10240x128xf32, #tpu.memory_space<vmem_shared>>) offsets(%dma_start3A_162 : memref<64xi32, #tpu.memory_space<vmem>>) semaphore(%arg17 : memref<!tpu.dma_semaphore, #tpu.memory_space<semaphore_mem>>) {add = true}
        %dma_wait3A_166 = arith.constant 2 : i32
        %dma_wait3A_167 = arith.constant 0 : i32
        %dma_wait3A_168 = tpu.memref_slice %arg9[%dma_wait3A_166, %dma_wait3A_167] : memref<8x64xi32, #tpu.memory_space<vmem>> -> memref<1x64xi32, #tpu.memory_space<vmem>>
        %dma_wait3A_169 = tpu.memref_squeeze %dma_wait3A_168 : memref<1x64xi32, #tpu.memory_space<vmem>> -> memref<64xi32, #tpu.memory_space<vmem>>
        %dma_wait3A_170 = arith.constant 0 : i32
        %dma_wait3A_171 = arith.constant 0 : i32
        %dma_wait3A_172 = tpu.memref_slice %arg13[%dma_wait3A_170, %dma_wait3A_171] : memref<10240x128xf32, #tpu.memory_space<vmem_shared>> -> memref<10240x128xf32, #tpu.memory_space<vmem_shared>>
        tpu.wait_indirect_dma semaphore(%arg19 : memref<!tpu.dma_semaphore, #tpu.memory_space<semaphore_mem>>) src(%arg12 : memref<64x128xf32, #tpu.memory_space<vmem>>) dst(%dma_wait3A_172 : memref<10240x128xf32, #tpu.memory_space<vmem_shared>>)
        %dma_start3A_173 = arith.constant 5 : i32
        %dma_start3A_174 = arith.constant 0 : i32
        %dma_start3A_175 = tpu.memref_slice %arg8[%dma_start3A_173, %dma_start3A_174] : memref<8x64xi32, #tpu.memory_space<vmem>> -> memref<1x64xi32, #tpu.memory_space<vmem>>
        %dma_start3A_176 = tpu.memref_squeeze %dma_start3A_175 : memref<1x64xi32, #tpu.memory_space<vmem>> -> memref<64xi32, #tpu.memory_space<vmem>>
        %dma_start3A_177 = arith.constant 0 : i32
        %dma_start3A_178 = arith.constant 0 : i32
        %dma_start3A_179 = tpu.memref_slice %arg2[%dma_start3A_177, %dma_start3A_178] : memref<10240x128xf32, #tpu.memory_space<hbm>> -> memref<10240x128xf32, #tpu.memory_space<hbm>>
        tpu.enqueue_indirect_dma source(%dma_start3A_179 : memref<10240x128xf32, #tpu.memory_space<hbm>>) target(%arg12 : memref<64x128xf32, #tpu.memory_space<vmem>>) offsets(%dma_start3A_176 : memref<64xi32, #tpu.memory_space<vmem>>) semaphore(%arg16 : memref<!tpu.dma_semaphore, #tpu.memory_space<semaphore_mem>>)
        %dma_wait3A_180 = arith.constant 4 : i32
        %dma_wait3A_181 = arith.constant 0 : i32
        %dma_wait3A_182 = tpu.memref_slice %arg8[%dma_wait3A_180, %dma_wait3A_181] : memref<8x64xi32, #tpu.memory_space<vmem>> -> memref<1x64xi32, #tpu.memory_space<vmem>>
        %dma_wait3A_183 = tpu.memref_squeeze %dma_wait3A_182 : memref<1x64xi32, #tpu.memory_space<vmem>> -> memref<64xi32, #tpu.memory_space<vmem>>
        %dma_wait3A_184 = arith.constant 0 : i32
        %dma_wait3A_185 = arith.constant 0 : i32
        %dma_wait3A_186 = tpu.memref_slice %arg2[%dma_wait3A_184, %dma_wait3A_185] : memref<10240x128xf32, #tpu.memory_space<hbm>> -> memref<10240x128xf32, #tpu.memory_space<hbm>>
        tpu.wait_indirect_dma semaphore(%arg15 : memref<!tpu.dma_semaphore, #tpu.memory_space<semaphore_mem>>) src(%dma_wait3A_186 : memref<10240x128xf32, #tpu.memory_space<hbm>>) dst(%arg11 : memref<64x128xf32, #tpu.memory_space<vmem>>)
        %dma_start3A_187 = arith.constant 4 : i32
        %dma_start3A_188 = arith.constant 0 : i32
        %dma_start3A_189 = tpu.memref_slice %arg9[%dma_start3A_187, %dma_start3A_188] : memref<8x64xi32, #tpu.memory_space<vmem>> -> memref<1x64xi32, #tpu.memory_space<vmem>>
        %dma_start3A_190 = tpu.memref_squeeze %dma_start3A_189 : memref<1x64xi32, #tpu.memory_space<vmem>> -> memref<64xi32, #tpu.memory_space<vmem>>
        %dma_start3A_191 = arith.constant 0 : i32
        %dma_start3A_192 = arith.constant 0 : i32
        %dma_start3A_193 = tpu.memref_slice %arg13[%dma_start3A_191, %dma_start3A_192] : memref<10240x128xf32, #tpu.memory_space<vmem_shared>> -> memref<10240x128xf32, #tpu.memory_space<vmem_shared>>
        tpu.enqueue_indirect_dma source(%arg11 : memref<64x128xf32, #tpu.memory_space<vmem>>) target(%dma_start3A_193 : memref<10240x128xf32, #tpu.memory_space<vmem_shared>>) offsets(%dma_start3A_190 : memref<64xi32, #tpu.memory_space<vmem>>) semaphore(%arg18 : memref<!tpu.dma_semaphore, #tpu.memory_space<semaphore_mem>>) {add = true}
        %dma_wait3A_194 = arith.constant 3 : i32
        %dma_wait3A_195 = arith.constant 0 : i32
        %dma_wait3A_196 = tpu.memref_slice %arg9[%dma_wait3A_194, %dma_wait3A_195] : memref<8x64xi32, #tpu.memory_space<vmem>> -> memref<1x64xi32, #tpu.memory_space<vmem>>
        %dma_wait3A_197 = tpu.memref_squeeze %dma_wait3A_196 : memref<1x64xi32, #tpu.memory_space<vmem>> -> memref<64xi32, #tpu.memory_space<vmem>>
        %dma_wait3A_198 = arith.constant 0 : i32
        %dma_wait3A_199 = arith.constant 0 : i32
        %dma_wait3A_200 = tpu.memref_slice %arg13[%dma_wait3A_198, %dma_wait3A_199] : memref<10240x128xf32, #tpu.memory_space<vmem_shared>> -> memref<10240x128xf32, #tpu.memory_space<vmem_shared>>
        tpu.wait_indirect_dma semaphore(%arg17 : memref<!tpu.dma_semaphore, #tpu.memory_space<semaphore_mem>>) src(%arg10 : memref<64x128xf32, #tpu.memory_space<vmem>>) dst(%dma_wait3A_200 : memref<10240x128xf32, #tpu.memory_space<vmem_shared>>)
        %dma_start3A_201 = arith.constant 6 : i32
        %dma_start3A_202 = arith.constant 0 : i32
        %dma_start3A_203 = tpu.memref_slice %arg8[%dma_start3A_201, %dma_start3A_202] : memref<8x64xi32, #tpu.memory_space<vmem>> -> memref<1x64xi32, #tpu.memory_space<vmem>>
        %dma_start3A_204 = tpu.memref_squeeze %dma_start3A_203 : memref<1x64xi32, #tpu.memory_space<vmem>> -> memref<64xi32, #tpu.memory_space<vmem>>
        %dma_start3A_205 = arith.constant 0 : i32
        %dma_start3A_206 = arith.constant 0 : i32
        %dma_start3A_207 = tpu.memref_slice %arg2[%dma_start3A_205, %dma_start3A_206] : memref<10240x128xf32, #tpu.memory_space<hbm>> -> memref<10240x128xf32, #tpu.memory_space<hbm>>
        tpu.enqueue_indirect_dma source(%dma_start3A_207 : memref<10240x128xf32, #tpu.memory_space<hbm>>) target(%arg10 : memref<64x128xf32, #tpu.memory_space<vmem>>) offsets(%dma_start3A_204 : memref<64xi32, #tpu.memory_space<vmem>>) semaphore(%arg14 : memref<!tpu.dma_semaphore, #tpu.memory_space<semaphore_mem>>)
        %dma_wait3A_208 = arith.constant 5 : i32
        %dma_wait3A_209 = arith.constant 0 : i32
        %dma_wait3A_210 = tpu.memref_slice %arg8[%dma_wait3A_208, %dma_wait3A_209] : memref<8x64xi32, #tpu.memory_space<vmem>> -> memref<1x64xi32, #tpu.memory_space<vmem>>
        %dma_wait3A_211 = tpu.memref_squeeze %dma_wait3A_210 : memref<1x64xi32, #tpu.memory_space<vmem>> -> memref<64xi32, #tpu.memory_space<vmem>>
        %dma_wait3A_212 = arith.constant 0 : i32
        %dma_wait3A_213 = arith.constant 0 : i32
        %dma_wait3A_214 = tpu.memref_slice %arg2[%dma_wait3A_212, %dma_wait3A_213] : memref<10240x128xf32, #tpu.memory_space<hbm>> -> memref<10240x128xf32, #tpu.memory_space<hbm>>
        tpu.wait_indirect_dma semaphore(%arg16 : memref<!tpu.dma_semaphore, #tpu.memory_space<semaphore_mem>>) src(%dma_wait3A_214 : memref<10240x128xf32, #tpu.memory_space<hbm>>) dst(%arg12 : memref<64x128xf32, #tpu.memory_space<vmem>>)
        %dma_start3A_215 = arith.constant 5 : i32
        %dma_start3A_216 = arith.constant 0 : i32
        %dma_start3A_217 = tpu.memref_slice %arg9[%dma_start3A_215, %dma_start3A_216] : memref<8x64xi32, #tpu.memory_space<vmem>> -> memref<1x64xi32, #tpu.memory_space<vmem>>
        %dma_start3A_218 = tpu.memref_squeeze %dma_start3A_217 : memref<1x64xi32, #tpu.memory_space<vmem>> -> memref<64xi32, #tpu.memory_space<vmem>>
        %dma_start3A_219 = arith.constant 0 : i32
        %dma_start3A_220 = arith.constant 0 : i32
        %dma_start3A_221 = tpu.memref_slice %arg13[%dma_start3A_219, %dma_start3A_220] : memref<10240x128xf32, #tpu.memory_space<vmem_shared>> -> memref<10240x128xf32, #tpu.memory_space<vmem_shared>>
        tpu.enqueue_indirect_dma source(%arg12 : memref<64x128xf32, #tpu.memory_space<vmem>>) target(%dma_start3A_221 : memref<10240x128xf32, #tpu.memory_space<vmem_shared>>) offsets(%dma_start3A_218 : memref<64xi32, #tpu.memory_space<vmem>>) semaphore(%arg19 : memref<!tpu.dma_semaphore, #tpu.memory_space<semaphore_mem>>) {add = true}
        %dma_wait3A_222 = arith.constant 4 : i32
        %dma_wait3A_223 = arith.constant 0 : i32
        %dma_wait3A_224 = tpu.memref_slice %arg9[%dma_wait3A_222, %dma_wait3A_223] : memref<8x64xi32, #tpu.memory_space<vmem>> -> memref<1x64xi32, #tpu.memory_space<vmem>>
        %dma_wait3A_225 = tpu.memref_squeeze %dma_wait3A_224 : memref<1x64xi32, #tpu.memory_space<vmem>> -> memref<64xi32, #tpu.memory_space<vmem>>
        %dma_wait3A_226 = arith.constant 0 : i32
        %dma_wait3A_227 = arith.constant 0 : i32
        %dma_wait3A_228 = tpu.memref_slice %arg13[%dma_wait3A_226, %dma_wait3A_227] : memref<10240x128xf32, #tpu.memory_space<vmem_shared>> -> memref<10240x128xf32, #tpu.memory_space<vmem_shared>>
        tpu.wait_indirect_dma semaphore(%arg18 : memref<!tpu.dma_semaphore, #tpu.memory_space<semaphore_mem>>) src(%arg11 : memref<64x128xf32, #tpu.memory_space<vmem>>) dst(%dma_wait3A_228 : memref<10240x128xf32, #tpu.memory_space<vmem_shared>>)
        %dma_start3A_229 = arith.constant 7 : i32
        %dma_start3A_230 = arith.constant 0 : i32
        %dma_start3A_231 = tpu.memref_slice %arg8[%dma_start3A_229, %dma_start3A_230] : memref<8x64xi32, #tpu.memory_space<vmem>> -> memref<1x64xi32, #tpu.memory_space<vmem>>
        %dma_start3A_232 = tpu.memref_squeeze %dma_start3A_231 : memref<1x64xi32, #tpu.memory_space<vmem>> -> memref<64xi32, #tpu.memory_space<vmem>>
        %dma_start3A_233 = arith.constant 0 : i32
        %dma_start3A_234 = arith.constant 0 : i32
        %dma_start3A_235 = tpu.memref_slice %arg2[%dma_start3A_233, %dma_start3A_234] : memref<10240x128xf32, #tpu.memory_space<hbm>> -> memref<10240x128xf32, #tpu.memory_space<hbm>>
        tpu.enqueue_indirect_dma source(%dma_start3A_235 : memref<10240x128xf32, #tpu.memory_space<hbm>>) target(%arg11 : memref<64x128xf32, #tpu.memory_space<vmem>>) offsets(%dma_start3A_232 : memref<64xi32, #tpu.memory_space<vmem>>) semaphore(%arg15 : memref<!tpu.dma_semaphore, #tpu.memory_space<semaphore_mem>>)
        %dma_wait3A_236 = arith.constant 6 : i32
        %dma_wait3A_237 = arith.constant 0 : i32
        %dma_wait3A_238 = tpu.memref_slice %arg8[%dma_wait3A_236, %dma_wait3A_237] : memref<8x64xi32, #tpu.memory_space<vmem>> -> memref<1x64xi32, #tpu.memory_space<vmem>>
        %dma_wait3A_239 = tpu.memref_squeeze %dma_wait3A_238 : memref<1x64xi32, #tpu.memory_space<vmem>> -> memref<64xi32, #tpu.memory_space<vmem>>
        %dma_wait3A_240 = arith.constant 0 : i32
        %dma_wait3A_241 = arith.constant 0 : i32
        %dma_wait3A_242 = tpu.memref_slice %arg2[%dma_wait3A_240, %dma_wait3A_241] : memref<10240x128xf32, #tpu.memory_space<hbm>> -> memref<10240x128xf32, #tpu.memory_space<hbm>>
        tpu.wait_indirect_dma semaphore(%arg14 : memref<!tpu.dma_semaphore, #tpu.memory_space<semaphore_mem>>) src(%dma_wait3A_242 : memref<10240x128xf32, #tpu.memory_space<hbm>>) dst(%arg10 : memref<64x128xf32, #tpu.memory_space<vmem>>)
        %dma_start3A_243 = arith.constant 6 : i32
        %dma_start3A_244 = arith.constant 0 : i32
        %dma_start3A_245 = tpu.memref_slice %arg9[%dma_start3A_243, %dma_start3A_244] : memref<8x64xi32, #tpu.memory_space<vmem>> -> memref<1x64xi32, #tpu.memory_space<vmem>>
        %dma_start3A_246 = tpu.memref_squeeze %dma_start3A_245 : memref<1x64xi32, #tpu.memory_space<vmem>> -> memref<64xi32, #tpu.memory_space<vmem>>
        %dma_start3A_247 = arith.constant 0 : i32
        %dma_start3A_248 = arith.constant 0 : i32
        %dma_start3A_249 = tpu.memref_slice %arg13[%dma_start3A_247, %dma_start3A_248] : memref<10240x128xf32, #tpu.memory_space<vmem_shared>> -> memref<10240x128xf32, #tpu.memory_space<vmem_shared>>
        tpu.enqueue_indirect_dma source(%arg10 : memref<64x128xf32, #tpu.memory_space<vmem>>) target(%dma_start3A_249 : memref<10240x128xf32, #tpu.memory_space<vmem_shared>>) offsets(%dma_start3A_246 : memref<64xi32, #tpu.memory_space<vmem>>) semaphore(%arg17 : memref<!tpu.dma_semaphore, #tpu.memory_space<semaphore_mem>>) {add = true}
        %dma_wait3A_250 = arith.constant 7 : i32
        %dma_wait3A_251 = arith.constant 0 : i32
        %dma_wait3A_252 = tpu.memref_slice %arg8[%dma_wait3A_250, %dma_wait3A_251] : memref<8x64xi32, #tpu.memory_space<vmem>> -> memref<1x64xi32, #tpu.memory_space<vmem>>
        %dma_wait3A_253 = tpu.memref_squeeze %dma_wait3A_252 : memref<1x64xi32, #tpu.memory_space<vmem>> -> memref<64xi32, #tpu.memory_space<vmem>>
        %dma_wait3A_254 = arith.constant 0 : i32
        %dma_wait3A_255 = arith.constant 0 : i32
        %dma_wait3A_256 = tpu.memref_slice %arg2[%dma_wait3A_254, %dma_wait3A_255] : memref<10240x128xf32, #tpu.memory_space<hbm>> -> memref<10240x128xf32, #tpu.memory_space<hbm>>
        tpu.wait_indirect_dma semaphore(%arg15 : memref<!tpu.dma_semaphore, #tpu.memory_space<semaphore_mem>>) src(%dma_wait3A_256 : memref<10240x128xf32, #tpu.memory_space<hbm>>) dst(%arg11 : memref<64x128xf32, #tpu.memory_space<vmem>>)
        %dma_start3A_257 = arith.constant 7 : i32
        %dma_start3A_258 = arith.constant 0 : i32
        %dma_start3A_259 = tpu.memref_slice %arg9[%dma_start3A_257, %dma_start3A_258] : memref<8x64xi32, #tpu.memory_space<vmem>> -> memref<1x64xi32, #tpu.memory_space<vmem>>
        %dma_start3A_260 = tpu.memref_squeeze %dma_start3A_259 : memref<1x64xi32, #tpu.memory_space<vmem>> -> memref<64xi32, #tpu.memory_space<vmem>>
        %dma_start3A_261 = arith.constant 0 : i32
        %dma_start3A_262 = arith.constant 0 : i32
        %dma_start3A_263 = tpu.memref_slice %arg13[%dma_start3A_261, %dma_start3A_262] : memref<10240x128xf32, #tpu.memory_space<vmem_shared>> -> memref<10240x128xf32, #tpu.memory_space<vmem_shared>>
        tpu.enqueue_indirect_dma source(%arg11 : memref<64x128xf32, #tpu.memory_space<vmem>>) target(%dma_start3A_263 : memref<10240x128xf32, #tpu.memory_space<vmem_shared>>) offsets(%dma_start3A_260 : memref<64xi32, #tpu.memory_space<vmem>>) semaphore(%arg18 : memref<!tpu.dma_semaphore, #tpu.memory_space<semaphore_mem>>) {add = true}
        %dma_wait3A_264 = arith.constant 6 : i32
        %dma_wait3A_265 = arith.constant 0 : i32
        %dma_wait3A_266 = tpu.memref_slice %arg9[%dma_wait3A_264, %dma_wait3A_265] : memref<8x64xi32, #tpu.memory_space<vmem>> -> memref<1x64xi32, #tpu.memory_space<vmem>>
        %dma_wait3A_267 = tpu.memref_squeeze %dma_wait3A_266 : memref<1x64xi32, #tpu.memory_space<vmem>> -> memref<64xi32, #tpu.memory_space<vmem>>
        %dma_wait3A_268 = arith.constant 0 : i32
        %dma_wait3A_269 = arith.constant 0 : i32
        %dma_wait3A_270 = tpu.memref_slice %arg13[%dma_wait3A_268, %dma_wait3A_269] : memref<10240x128xf32, #tpu.memory_space<vmem_shared>> -> memref<10240x128xf32, #tpu.memory_space<vmem_shared>>
        tpu.wait_indirect_dma semaphore(%arg17 : memref<!tpu.dma_semaphore, #tpu.memory_space<semaphore_mem>>) src(%arg10 : memref<64x128xf32, #tpu.memory_space<vmem>>) dst(%dma_wait3A_270 : memref<10240x128xf32, #tpu.memory_space<vmem_shared>>)
        %dma_wait3A_271 = arith.constant 7 : i32
        %dma_wait3A_272 = arith.constant 0 : i32
        %dma_wait3A_273 = tpu.memref_slice %arg9[%dma_wait3A_271, %dma_wait3A_272] : memref<8x64xi32, #tpu.memory_space<vmem>> -> memref<1x64xi32, #tpu.memory_space<vmem>>
        %dma_wait3A_274 = tpu.memref_squeeze %dma_wait3A_273 : memref<1x64xi32, #tpu.memory_space<vmem>> -> memref<64xi32, #tpu.memory_space<vmem>>
        %dma_wait3A_275 = arith.constant 0 : i32
        %dma_wait3A_276 = arith.constant 0 : i32
        %dma_wait3A_277 = tpu.memref_slice %arg13[%dma_wait3A_275, %dma_wait3A_276] : memref<10240x128xf32, #tpu.memory_space<vmem_shared>> -> memref<10240x128xf32, #tpu.memory_space<vmem_shared>>
        tpu.wait_indirect_dma semaphore(%arg18 : memref<!tpu.dma_semaphore, #tpu.memory_space<semaphore_mem>>) src(%arg11 : memref<64x128xf32, #tpu.memory_space<vmem>>) dst(%dma_wait3A_277 : memref<10240x128xf32, #tpu.memory_space<vmem_shared>>)
      }
      %scan3A_59 = arith.constant 20 : i32
    } else {
    }
    %eq3A_28 = arith.constant 1 : i32
    %eq3A_29 = arith.cmpi eq, %arg0, %eq3A_28 : i32
    %convert_element_type3A_30 = arith.extui %eq3A_29 : i1 to i32
    %cond3A_31 = arith.constant 0 : i32
    %cond3A_32 = arith.cmpi ne, %convert_element_type3A_30, %cond3A_31 : i32
    scf.if %cond3A_32 {
      %scan3A_54 = arith.constant 0 : i32
      %scan3A_55 = arith.constant 0 : i32
      %scan3A_56 = arith.constant 20 : i32
      %scan3A_57 = arith.addi %scan3A_55, %scan3A_56 : i32
      %scan3A_58 = arith.constant 1 : i32
      scf.for %scan3A_60 = %scan3A_55 to %scan3A_57 step %scan3A_58  : i32 {
        %mul3A_61 = arith.constant 8 : i32
        %mul3A_62 = arith.muli %scan3A_60, %mul3A_61 : i32
        "tpu.region"() ({
          %run_scoped3A = tpu.sem_alloc : memref<!tpu.dma_semaphore, #tpu.memory_space<semaphore_mem>>
          %dma_start3A_278 = arith.constant 0 : i32
          %dma_start3A_279 = tpu.memref_slice %arg5[%arg1, %mul3A_62, %dma_start3A_278] : memref<16x160x64xi32, #tpu.memory_space<hbm>> -> memref<1x8x64xi32, #tpu.memory_space<hbm>>
          %dma_start3A_280 = tpu.memref_squeeze %dma_start3A_279 : memref<1x8x64xi32, #tpu.memory_space<hbm>> -> memref<8x64xi32, #tpu.memory_space<hbm>>
          %dma_start3A_281 = arith.constant 0 : i32
          %dma_start3A_282 = tpu.memref_slice %arg5[%arg1, %mul3A_62, %dma_start3A_281] : memref<16x160x64xi32, #tpu.memory_space<hbm>> -> memref<1x8x64xi32, #tpu.memory_space<hbm>>
          %dma_start3A_283 = tpu.memref_squeeze %dma_start3A_282 : memref<1x8x64xi32, #tpu.memory_space<hbm>> -> memref<8x64xi32, #tpu.memory_space<hbm>>
          tpu.enqueue_dma source(%dma_start3A_283 : memref<8x64xi32, #tpu.memory_space<hbm>>) target(%arg8 : memref<8x64xi32, #tpu.memory_space<vmem>>) target_semaphore(%run_scoped3A : memref<!tpu.dma_semaphore, #tpu.memory_space<semaphore_mem>>)
          %dma_wait3A_284 = arith.constant 0 : i32
          %dma_wait3A_285 = tpu.memref_slice %arg5[%arg1, %mul3A_62, %dma_wait3A_284] : memref<16x160x64xi32, #tpu.memory_space<hbm>> -> memref<1x8x64xi32, #tpu.memory_space<hbm>>
          %dma_wait3A_286 = tpu.memref_squeeze %dma_wait3A_285 : memref<1x8x64xi32, #tpu.memory_space<hbm>> -> memref<8x64xi32, #tpu.memory_space<hbm>>
          %dma_wait3A_287 = arith.constant 0 : i32
          %dma_wait3A_288 = tpu.memref_slice %arg5[%arg1, %mul3A_62, %dma_wait3A_287] : memref<16x160x64xi32, #tpu.memory_space<hbm>> -> memref<1x8x64xi32, #tpu.memory_space<hbm>>
          %dma_wait3A_289 = tpu.memref_squeeze %dma_wait3A_288 : memref<1x8x64xi32, #tpu.memory_space<hbm>> -> memref<8x64xi32, #tpu.memory_space<hbm>>
          tpu.wait_dma2 semaphore(%run_scoped3A : memref<!tpu.dma_semaphore, #tpu.memory_space<semaphore_mem>>) src(%dma_wait3A_289 : memref<8x64xi32, #tpu.memory_space<hbm>>) dst(%arg8 : memref<8x64xi32, #tpu.memory_space<vmem>>)
          tpu.yield
        }) : () -> ()
        "tpu.region"() ({
          %run_scoped3A = tpu.sem_alloc : memref<!tpu.dma_semaphore, #tpu.memory_space<semaphore_mem>>
          %dma_start3A_278 = arith.constant 0 : i32
          %dma_start3A_279 = tpu.memref_slice %arg6[%arg1, %mul3A_62, %dma_start3A_278] : memref<16x160x64xi32, #tpu.memory_space<hbm>> -> memref<1x8x64xi32, #tpu.memory_space<hbm>>
          %dma_start3A_280 = tpu.memref_squeeze %dma_start3A_279 : memref<1x8x64xi32, #tpu.memory_space<hbm>> -> memref<8x64xi32, #tpu.memory_space<hbm>>
          %dma_start3A_281 = arith.constant 0 : i32
          %dma_start3A_282 = tpu.memref_slice %arg6[%arg1, %mul3A_62, %dma_start3A_281] : memref<16x160x64xi32, #tpu.memory_space<hbm>> -> memref<1x8x64xi32, #tpu.memory_space<hbm>>
          %dma_start3A_283 = tpu.memref_squeeze %dma_start3A_282 : memref<1x8x64xi32, #tpu.memory_space<hbm>> -> memref<8x64xi32, #tpu.memory_space<hbm>>
          tpu.enqueue_dma source(%dma_start3A_283 : memref<8x64xi32, #tpu.memory_space<hbm>>) target(%arg9 : memref<8x64xi32, #tpu.memory_space<vmem>>) target_semaphore(%run_scoped3A : memref<!tpu.dma_semaphore, #tpu.memory_space<semaphore_mem>>)
          %dma_wait3A_284 = arith.constant 0 : i32
          %dma_wait3A_285 = tpu.memref_slice %arg6[%arg1, %mul3A_62, %dma_wait3A_284] : memref<16x160x64xi32, #tpu.memory_space<hbm>> -> memref<1x8x64xi32, #tpu.memory_space<hbm>>
          %dma_wait3A_286 = tpu.memref_squeeze %dma_wait3A_285 : memref<1x8x64xi32, #tpu.memory_space<hbm>> -> memref<8x64xi32, #tpu.memory_space<hbm>>
          %dma_wait3A_287 = arith.constant 0 : i32
          %dma_wait3A_288 = tpu.memref_slice %arg6[%arg1, %mul3A_62, %dma_wait3A_287] : memref<16x160x64xi32, #tpu.memory_space<hbm>> -> memref<1x8x64xi32, #tpu.memory_space<hbm>>
          %dma_wait3A_289 = tpu.memref_squeeze %dma_wait3A_288 : memref<1x8x64xi32, #tpu.memory_space<hbm>> -> memref<8x64xi32, #tpu.memory_space<hbm>>
          tpu.wait_dma2 semaphore(%run_scoped3A : memref<!tpu.dma_semaphore, #tpu.memory_space<semaphore_mem>>) src(%dma_wait3A_289 : memref<8x64xi32, #tpu.memory_space<hbm>>) dst(%arg9 : memref<8x64xi32, #tpu.memory_space<vmem>>)
          tpu.yield
        }) : () -> ()
        %dma_start3A = arith.constant 0 : i32
        %dma_start3A_63 = arith.constant 0 : i32
        %dma_start3A_64 = tpu.memref_slice %arg8[%dma_start3A, %dma_start3A_63] : memref<8x64xi32, #tpu.memory_space<vmem>> -> memref<1x64xi32, #tpu.memory_space<vmem>>
        %dma_start3A_65 = tpu.memref_squeeze %dma_start3A_64 : memref<1x64xi32, #tpu.memory_space<vmem>> -> memref<64xi32, #tpu.memory_space<vmem>>
        %dma_start3A_66 = arith.constant 0 : i32
        %dma_start3A_67 = arith.constant 0 : i32
        %dma_start3A_68 = tpu.memref_slice %arg2[%dma_start3A_66, %dma_start3A_67] : memref<10240x128xf32, #tpu.memory_space<hbm>> -> memref<10240x128xf32, #tpu.memory_space<hbm>>
        tpu.enqueue_indirect_dma source(%dma_start3A_68 : memref<10240x128xf32, #tpu.memory_space<hbm>>) target(%arg10 : memref<64x128xf32, #tpu.memory_space<vmem>>) offsets(%dma_start3A_65 : memref<64xi32, #tpu.memory_space<vmem>>) semaphore(%arg14 : memref<!tpu.dma_semaphore, #tpu.memory_space<semaphore_mem>>)
        %dma_start3A_69 = arith.constant 1 : i32
        %dma_start3A_70 = arith.constant 0 : i32
        %dma_start3A_71 = tpu.memref_slice %arg8[%dma_start3A_69, %dma_start3A_70] : memref<8x64xi32, #tpu.memory_space<vmem>> -> memref<1x64xi32, #tpu.memory_space<vmem>>
        %dma_start3A_72 = tpu.memref_squeeze %dma_start3A_71 : memref<1x64xi32, #tpu.memory_space<vmem>> -> memref<64xi32, #tpu.memory_space<vmem>>
        %dma_start3A_73 = arith.constant 0 : i32
        %dma_start3A_74 = arith.constant 0 : i32
        %dma_start3A_75 = tpu.memref_slice %arg2[%dma_start3A_73, %dma_start3A_74] : memref<10240x128xf32, #tpu.memory_space<hbm>> -> memref<10240x128xf32, #tpu.memory_space<hbm>>
        tpu.enqueue_indirect_dma source(%dma_start3A_75 : memref<10240x128xf32, #tpu.memory_space<hbm>>) target(%arg11 : memref<64x128xf32, #tpu.memory_space<vmem>>) offsets(%dma_start3A_72 : memref<64xi32, #tpu.memory_space<vmem>>) semaphore(%arg15 : memref<!tpu.dma_semaphore, #tpu.memory_space<semaphore_mem>>)
        %dma_wait3A = arith.constant 0 : i32
        %dma_wait3A_76 = arith.constant 0 : i32
        %dma_wait3A_77 = tpu.memref_slice %arg8[%dma_wait3A, %dma_wait3A_76] : memref<8x64xi32, #tpu.memory_space<vmem>> -> memref<1x64xi32, #tpu.memory_space<vmem>>
        %dma_wait3A_78 = tpu.memref_squeeze %dma_wait3A_77 : memref<1x64xi32, #tpu.memory_space<vmem>> -> memref<64xi32, #tpu.memory_space<vmem>>
        %dma_wait3A_79 = arith.constant 0 : i32
        %dma_wait3A_80 = arith.constant 0 : i32
        %dma_wait3A_81 = tpu.memref_slice %arg2[%dma_wait3A_79, %dma_wait3A_80] : memref<10240x128xf32, #tpu.memory_space<hbm>> -> memref<10240x128xf32, #tpu.memory_space<hbm>>
        tpu.wait_indirect_dma semaphore(%arg14 : memref<!tpu.dma_semaphore, #tpu.memory_space<semaphore_mem>>) src(%dma_wait3A_81 : memref<10240x128xf32, #tpu.memory_space<hbm>>) dst(%arg10 : memref<64x128xf32, #tpu.memory_space<vmem>>)
        %dma_start3A_82 = arith.constant 0 : i32
        %dma_start3A_83 = arith.constant 0 : i32
        %dma_start3A_84 = tpu.memref_slice %arg9[%dma_start3A_82, %dma_start3A_83] : memref<8x64xi32, #tpu.memory_space<vmem>> -> memref<1x64xi32, #tpu.memory_space<vmem>>
        %dma_start3A_85 = tpu.memref_squeeze %dma_start3A_84 : memref<1x64xi32, #tpu.memory_space<vmem>> -> memref<64xi32, #tpu.memory_space<vmem>>
        %dma_start3A_86 = arith.constant 0 : i32
        %dma_start3A_87 = arith.constant 0 : i32
        %dma_start3A_88 = tpu.memref_slice %arg13[%dma_start3A_86, %dma_start3A_87] : memref<10240x128xf32, #tpu.memory_space<vmem_shared>> -> memref<10240x128xf32, #tpu.memory_space<vmem_shared>>
        tpu.enqueue_indirect_dma source(%arg10 : memref<64x128xf32, #tpu.memory_space<vmem>>) target(%dma_start3A_88 : memref<10240x128xf32, #tpu.memory_space<vmem_shared>>) offsets(%dma_start3A_85 : memref<64xi32, #tpu.memory_space<vmem>>) semaphore(%arg17 : memref<!tpu.dma_semaphore, #tpu.memory_space<semaphore_mem>>) {add = true}
        %dma_start3A_89 = arith.constant 2 : i32
        %dma_start3A_90 = arith.constant 0 : i32
        %dma_start3A_91 = tpu.memref_slice %arg8[%dma_start3A_89, %dma_start3A_90] : memref<8x64xi32, #tpu.memory_space<vmem>> -> memref<1x64xi32, #tpu.memory_space<vmem>>
        %dma_start3A_92 = tpu.memref_squeeze %dma_start3A_91 : memref<1x64xi32, #tpu.memory_space<vmem>> -> memref<64xi32, #tpu.memory_space<vmem>>
        %dma_start3A_93 = arith.constant 0 : i32
        %dma_start3A_94 = arith.constant 0 : i32
        %dma_start3A_95 = tpu.memref_slice %arg2[%dma_start3A_93, %dma_start3A_94] : memref<10240x128xf32, #tpu.memory_space<hbm>> -> memref<10240x128xf32, #tpu.memory_space<hbm>>
        tpu.enqueue_indirect_dma source(%dma_start3A_95 : memref<10240x128xf32, #tpu.memory_space<hbm>>) target(%arg12 : memref<64x128xf32, #tpu.memory_space<vmem>>) offsets(%dma_start3A_92 : memref<64xi32, #tpu.memory_space<vmem>>) semaphore(%arg16 : memref<!tpu.dma_semaphore, #tpu.memory_space<semaphore_mem>>)
        %dma_wait3A_96 = arith.constant 1 : i32
        %dma_wait3A_97 = arith.constant 0 : i32
        %dma_wait3A_98 = tpu.memref_slice %arg8[%dma_wait3A_96, %dma_wait3A_97] : memref<8x64xi32, #tpu.memory_space<vmem>> -> memref<1x64xi32, #tpu.memory_space<vmem>>
        %dma_wait3A_99 = tpu.memref_squeeze %dma_wait3A_98 : memref<1x64xi32, #tpu.memory_space<vmem>> -> memref<64xi32, #tpu.memory_space<vmem>>
        %dma_wait3A_100 = arith.constant 0 : i32
        %dma_wait3A_101 = arith.constant 0 : i32
        %dma_wait3A_102 = tpu.memref_slice %arg2[%dma_wait3A_100, %dma_wait3A_101] : memref<10240x128xf32, #tpu.memory_space<hbm>> -> memref<10240x128xf32, #tpu.memory_space<hbm>>
        tpu.wait_indirect_dma semaphore(%arg15 : memref<!tpu.dma_semaphore, #tpu.memory_space<semaphore_mem>>) src(%dma_wait3A_102 : memref<10240x128xf32, #tpu.memory_space<hbm>>) dst(%arg11 : memref<64x128xf32, #tpu.memory_space<vmem>>)
        %dma_start3A_103 = arith.constant 1 : i32
        %dma_start3A_104 = arith.constant 0 : i32
        %dma_start3A_105 = tpu.memref_slice %arg9[%dma_start3A_103, %dma_start3A_104] : memref<8x64xi32, #tpu.memory_space<vmem>> -> memref<1x64xi32, #tpu.memory_space<vmem>>
        %dma_start3A_106 = tpu.memref_squeeze %dma_start3A_105 : memref<1x64xi32, #tpu.memory_space<vmem>> -> memref<64xi32, #tpu.memory_space<vmem>>
        %dma_start3A_107 = arith.constant 0 : i32
        %dma_start3A_108 = arith.constant 0 : i32
        %dma_start3A_109 = tpu.memref_slice %arg13[%dma_start3A_107, %dma_start3A_108] : memref<10240x128xf32, #tpu.memory_space<vmem_shared>> -> memref<10240x128xf32, #tpu.memory_space<vmem_shared>>
        tpu.enqueue_indirect_dma source(%arg11 : memref<64x128xf32, #tpu.memory_space<vmem>>) target(%dma_start3A_109 : memref<10240x128xf32, #tpu.memory_space<vmem_shared>>) offsets(%dma_start3A_106 : memref<64xi32, #tpu.memory_space<vmem>>) semaphore(%arg18 : memref<!tpu.dma_semaphore, #tpu.memory_space<semaphore_mem>>) {add = true}
        %dma_wait3A_110 = arith.constant 0 : i32
        %dma_wait3A_111 = arith.constant 0 : i32
        %dma_wait3A_112 = tpu.memref_slice %arg9[%dma_wait3A_110, %dma_wait3A_111] : memref<8x64xi32, #tpu.memory_space<vmem>> -> memref<1x64xi32, #tpu.memory_space<vmem>>
        %dma_wait3A_113 = tpu.memref_squeeze %dma_wait3A_112 : memref<1x64xi32, #tpu.memory_space<vmem>> -> memref<64xi32, #tpu.memory_space<vmem>>
        %dma_wait3A_114 = arith.constant 0 : i32
        %dma_wait3A_115 = arith.constant 0 : i32
        %dma_wait3A_116 = tpu.memref_slice %arg13[%dma_wait3A_114, %dma_wait3A_115] : memref<10240x128xf32, #tpu.memory_space<vmem_shared>> -> memref<10240x128xf32, #tpu.memory_space<vmem_shared>>
        tpu.wait_indirect_dma semaphore(%arg17 : memref<!tpu.dma_semaphore, #tpu.memory_space<semaphore_mem>>) src(%arg10 : memref<64x128xf32, #tpu.memory_space<vmem>>) dst(%dma_wait3A_116 : memref<10240x128xf32, #tpu.memory_space<vmem_shared>>)
        %dma_start3A_117 = arith.constant 3 : i32
        %dma_start3A_118 = arith.constant 0 : i32
        %dma_start3A_119 = tpu.memref_slice %arg8[%dma_start3A_117, %dma_start3A_118] : memref<8x64xi32, #tpu.memory_space<vmem>> -> memref<1x64xi32, #tpu.memory_space<vmem>>
        %dma_start3A_120 = tpu.memref_squeeze %dma_start3A_119 : memref<1x64xi32, #tpu.memory_space<vmem>> -> memref<64xi32, #tpu.memory_space<vmem>>
        %dma_start3A_121 = arith.constant 0 : i32
        %dma_start3A_122 = arith.constant 0 : i32
        %dma_start3A_123 = tpu.memref_slice %arg2[%dma_start3A_121, %dma_start3A_122] : memref<10240x128xf32, #tpu.memory_space<hbm>> -> memref<10240x128xf32, #tpu.memory_space<hbm>>
        tpu.enqueue_indirect_dma source(%dma_start3A_123 : memref<10240x128xf32, #tpu.memory_space<hbm>>) target(%arg10 : memref<64x128xf32, #tpu.memory_space<vmem>>) offsets(%dma_start3A_120 : memref<64xi32, #tpu.memory_space<vmem>>) semaphore(%arg14 : memref<!tpu.dma_semaphore, #tpu.memory_space<semaphore_mem>>)
        %dma_wait3A_124 = arith.constant 2 : i32
        %dma_wait3A_125 = arith.constant 0 : i32
        %dma_wait3A_126 = tpu.memref_slice %arg8[%dma_wait3A_124, %dma_wait3A_125] : memref<8x64xi32, #tpu.memory_space<vmem>> -> memref<1x64xi32, #tpu.memory_space<vmem>>
        %dma_wait3A_127 = tpu.memref_squeeze %dma_wait3A_126 : memref<1x64xi32, #tpu.memory_space<vmem>> -> memref<64xi32, #tpu.memory_space<vmem>>
        %dma_wait3A_128 = arith.constant 0 : i32
        %dma_wait3A_129 = arith.constant 0 : i32
        %dma_wait3A_130 = tpu.memref_slice %arg2[%dma_wait3A_128, %dma_wait3A_129] : memref<10240x128xf32, #tpu.memory_space<hbm>> -> memref<10240x128xf32, #tpu.memory_space<hbm>>
        tpu.wait_indirect_dma semaphore(%arg16 : memref<!tpu.dma_semaphore, #tpu.memory_space<semaphore_mem>>) src(%dma_wait3A_130 : memref<10240x128xf32, #tpu.memory_space<hbm>>) dst(%arg12 : memref<64x128xf32, #tpu.memory_space<vmem>>)
        %dma_start3A_131 = arith.constant 2 : i32
        %dma_start3A_132 = arith.constant 0 : i32
        %dma_start3A_133 = tpu.memref_slice %arg9[%dma_start3A_131, %dma_start3A_132] : memref<8x64xi32, #tpu.memory_space<vmem>> -> memref<1x64xi32, #tpu.memory_space<vmem>>
        %dma_start3A_134 = tpu.memref_squeeze %dma_start3A_133 : memref<1x64xi32, #tpu.memory_space<vmem>> -> memref<64xi32, #tpu.memory_space<vmem>>
        %dma_start3A_135 = arith.constant 0 : i32
        %dma_start3A_136 = arith.constant 0 : i32
        %dma_start3A_137 = tpu.memref_slice %arg13[%dma_start3A_135, %dma_start3A_136] : memref<10240x128xf32, #tpu.memory_space<vmem_shared>> -> memref<10240x128xf32, #tpu.memory_space<vmem_shared>>
        tpu.enqueue_indirect_dma source(%arg12 : memref<64x128xf32, #tpu.memory_space<vmem>>) target(%dma_start3A_137 : memref<10240x128xf32, #tpu.memory_space<vmem_shared>>) offsets(%dma_start3A_134 : memref<64xi32, #tpu.memory_space<vmem>>) semaphore(%arg19 : memref<!tpu.dma_semaphore, #tpu.memory_space<semaphore_mem>>) {add = true}
        %dma_wait3A_138 = arith.constant 1 : i32
        %dma_wait3A_139 = arith.constant 0 : i32
        %dma_wait3A_140 = tpu.memref_slice %arg9[%dma_wait3A_138, %dma_wait3A_139] : memref<8x64xi32, #tpu.memory_space<vmem>> -> memref<1x64xi32, #tpu.memory_space<vmem>>
        %dma_wait3A_141 = tpu.memref_squeeze %dma_wait3A_140 : memref<1x64xi32, #tpu.memory_space<vmem>> -> memref<64xi32, #tpu.memory_space<vmem>>
        %dma_wait3A_142 = arith.constant 0 : i32
        %dma_wait3A_143 = arith.constant 0 : i32
        %dma_wait3A_144 = tpu.memref_slice %arg13[%dma_wait3A_142, %dma_wait3A_143] : memref<10240x128xf32, #tpu.memory_space<vmem_shared>> -> memref<10240x128xf32, #tpu.memory_space<vmem_shared>>
        tpu.wait_indirect_dma semaphore(%arg18 : memref<!tpu.dma_semaphore, #tpu.memory_space<semaphore_mem>>) src(%arg11 : memref<64x128xf32, #tpu.memory_space<vmem>>) dst(%dma_wait3A_144 : memref<10240x128xf32, #tpu.memory_space<vmem_shared>>)
        %dma_start3A_145 = arith.constant 4 : i32
        %dma_start3A_146 = arith.constant 0 : i32
        %dma_start3A_147 = tpu.memref_slice %arg8[%dma_start3A_145, %dma_start3A_146] : memref<8x64xi32, #tpu.memory_space<vmem>> -> memref<1x64xi32, #tpu.memory_space<vmem>>
        %dma_start3A_148 = tpu.memref_squeeze %dma_start3A_147 : memref<1x64xi32, #tpu.memory_space<vmem>> -> memref<64xi32, #tpu.memory_space<vmem>>
        %dma_start3A_149 = arith.constant 0 : i32
        %dma_start3A_150 = arith.constant 0 : i32
        %dma_start3A_151 = tpu.memref_slice %arg2[%dma_start3A_149, %dma_start3A_150] : memref<10240x128xf32, #tpu.memory_space<hbm>> -> memref<10240x128xf32, #tpu.memory_space<hbm>>
        tpu.enqueue_indirect_dma source(%dma_start3A_151 : memref<10240x128xf32, #tpu.memory_space<hbm>>) target(%arg11 : memref<64x128xf32, #tpu.memory_space<vmem>>) offsets(%dma_start3A_148 : memref<64xi32, #tpu.memory_space<vmem>>) semaphore(%arg15 : memref<!tpu.dma_semaphore, #tpu.memory_space<semaphore_mem>>)
        %dma_wait3A_152 = arith.constant 3 : i32
        %dma_wait3A_153 = arith.constant 0 : i32
        %dma_wait3A_154 = tpu.memref_slice %arg8[%dma_wait3A_152, %dma_wait3A_153] : memref<8x64xi32, #tpu.memory_space<vmem>> -> memref<1x64xi32, #tpu.memory_space<vmem>>
        %dma_wait3A_155 = tpu.memref_squeeze %dma_wait3A_154 : memref<1x64xi32, #tpu.memory_space<vmem>> -> memref<64xi32, #tpu.memory_space<vmem>>
        %dma_wait3A_156 = arith.constant 0 : i32
        %dma_wait3A_157 = arith.constant 0 : i32
        %dma_wait3A_158 = tpu.memref_slice %arg2[%dma_wait3A_156, %dma_wait3A_157] : memref<10240x128xf32, #tpu.memory_space<hbm>> -> memref<10240x128xf32, #tpu.memory_space<hbm>>
        tpu.wait_indirect_dma semaphore(%arg14 : memref<!tpu.dma_semaphore, #tpu.memory_space<semaphore_mem>>) src(%dma_wait3A_158 : memref<10240x128xf32, #tpu.memory_space<hbm>>) dst(%arg10 : memref<64x128xf32, #tpu.memory_space<vmem>>)
        %dma_start3A_159 = arith.constant 3 : i32
        %dma_start3A_160 = arith.constant 0 : i32
        %dma_start3A_161 = tpu.memref_slice %arg9[%dma_start3A_159, %dma_start3A_160] : memref<8x64xi32, #tpu.memory_space<vmem>> -> memref<1x64xi32, #tpu.memory_space<vmem>>
        %dma_start3A_162 = tpu.memref_squeeze %dma_start3A_161 : memref<1x64xi32, #tpu.memory_space<vmem>> -> memref<64xi32, #tpu.memory_space<vmem>>
        %dma_start3A_163 = arith.constant 0 : i32
        %dma_start3A_164 = arith.constant 0 : i32
        %dma_start3A_165 = tpu.memref_slice %arg13[%dma_start3A_163, %dma_start3A_164] : memref<10240x128xf32, #tpu.memory_space<vmem_shared>> -> memref<10240x128xf32, #tpu.memory_space<vmem_shared>>
        tpu.enqueue_indirect_dma source(%arg10 : memref<64x128xf32, #tpu.memory_space<vmem>>) target(%dma_start3A_165 : memref<10240x128xf32, #tpu.memory_space<vmem_shared>>) offsets(%dma_start3A_162 : memref<64xi32, #tpu.memory_space<vmem>>) semaphore(%arg17 : memref<!tpu.dma_semaphore, #tpu.memory_space<semaphore_mem>>) {add = true}
        %dma_wait3A_166 = arith.constant 2 : i32
        %dma_wait3A_167 = arith.constant 0 : i32
        %dma_wait3A_168 = tpu.memref_slice %arg9[%dma_wait3A_166, %dma_wait3A_167] : memref<8x64xi32, #tpu.memory_space<vmem>> -> memref<1x64xi32, #tpu.memory_space<vmem>>
        %dma_wait3A_169 = tpu.memref_squeeze %dma_wait3A_168 : memref<1x64xi32, #tpu.memory_space<vmem>> -> memref<64xi32, #tpu.memory_space<vmem>>
        %dma_wait3A_170 = arith.constant 0 : i32
        %dma_wait3A_171 = arith.constant 0 : i32
        %dma_wait3A_172 = tpu.memref_slice %arg13[%dma_wait3A_170, %dma_wait3A_171] : memref<10240x128xf32, #tpu.memory_space<vmem_shared>> -> memref<10240x128xf32, #tpu.memory_space<vmem_shared>>
        tpu.wait_indirect_dma semaphore(%arg19 : memref<!tpu.dma_semaphore, #tpu.memory_space<semaphore_mem>>) src(%arg12 : memref<64x128xf32, #tpu.memory_space<vmem>>) dst(%dma_wait3A_172 : memref<10240x128xf32, #tpu.memory_space<vmem_shared>>)
        %dma_start3A_173 = arith.constant 5 : i32
        %dma_start3A_174 = arith.constant 0 : i32
        %dma_start3A_175 = tpu.memref_slice %arg8[%dma_start3A_173, %dma_start3A_174] : memref<8x64xi32, #tpu.memory_space<vmem>> -> memref<1x64xi32, #tpu.memory_space<vmem>>
        %dma_start3A_176 = tpu.memref_squeeze %dma_start3A_175 : memref<1x64xi32, #tpu.memory_space<vmem>> -> memref<64xi32, #tpu.memory_space<vmem>>
        %dma_start3A_177 = arith.constant 0 : i32
        %dma_start3A_178 = arith.constant 0 : i32
        %dma_start3A_179 = tpu.memref_slice %arg2[%dma_start3A_177, %dma_start3A_178] : memref<10240x128xf32, #tpu.memory_space<hbm>> -> memref<10240x128xf32, #tpu.memory_space<hbm>>
        tpu.enqueue_indirect_dma source(%dma_start3A_179 : memref<10240x128xf32, #tpu.memory_space<hbm>>) target(%arg12 : memref<64x128xf32, #tpu.memory_space<vmem>>) offsets(%dma_start3A_176 : memref<64xi32, #tpu.memory_space<vmem>>) semaphore(%arg16 : memref<!tpu.dma_semaphore, #tpu.memory_space<semaphore_mem>>)
        %dma_wait3A_180 = arith.constant 4 : i32
        %dma_wait3A_181 = arith.constant 0 : i32
        %dma_wait3A_182 = tpu.memref_slice %arg8[%dma_wait3A_180, %dma_wait3A_181] : memref<8x64xi32, #tpu.memory_space<vmem>> -> memref<1x64xi32, #tpu.memory_space<vmem>>
        %dma_wait3A_183 = tpu.memref_squeeze %dma_wait3A_182 : memref<1x64xi32, #tpu.memory_space<vmem>> -> memref<64xi32, #tpu.memory_space<vmem>>
        %dma_wait3A_184 = arith.constant 0 : i32
        %dma_wait3A_185 = arith.constant 0 : i32
        %dma_wait3A_186 = tpu.memref_slice %arg2[%dma_wait3A_184, %dma_wait3A_185] : memref<10240x128xf32, #tpu.memory_space<hbm>> -> memref<10240x128xf32, #tpu.memory_space<hbm>>
        tpu.wait_indirect_dma semaphore(%arg15 : memref<!tpu.dma_semaphore, #tpu.memory_space<semaphore_mem>>) src(%dma_wait3A_186 : memref<10240x128xf32, #tpu.memory_space<hbm>>) dst(%arg11 : memref<64x128xf32, #tpu.memory_space<vmem>>)
        %dma_start3A_187 = arith.constant 4 : i32
        %dma_start3A_188 = arith.constant 0 : i32
        %dma_start3A_189 = tpu.memref_slice %arg9[%dma_start3A_187, %dma_start3A_188] : memref<8x64xi32, #tpu.memory_space<vmem>> -> memref<1x64xi32, #tpu.memory_space<vmem>>
        %dma_start3A_190 = tpu.memref_squeeze %dma_start3A_189 : memref<1x64xi32, #tpu.memory_space<vmem>> -> memref<64xi32, #tpu.memory_space<vmem>>
        %dma_start3A_191 = arith.constant 0 : i32
        %dma_start3A_192 = arith.constant 0 : i32
        %dma_start3A_193 = tpu.memref_slice %arg13[%dma_start3A_191, %dma_start3A_192] : memref<10240x128xf32, #tpu.memory_space<vmem_shared>> -> memref<10240x128xf32, #tpu.memory_space<vmem_shared>>
        tpu.enqueue_indirect_dma source(%arg11 : memref<64x128xf32, #tpu.memory_space<vmem>>) target(%dma_start3A_193 : memref<10240x128xf32, #tpu.memory_space<vmem_shared>>) offsets(%dma_start3A_190 : memref<64xi32, #tpu.memory_space<vmem>>) semaphore(%arg18 : memref<!tpu.dma_semaphore, #tpu.memory_space<semaphore_mem>>) {add = true}
        %dma_wait3A_194 = arith.constant 3 : i32
        %dma_wait3A_195 = arith.constant 0 : i32
        %dma_wait3A_196 = tpu.memref_slice %arg9[%dma_wait3A_194, %dma_wait3A_195] : memref<8x64xi32, #tpu.memory_space<vmem>> -> memref<1x64xi32, #tpu.memory_space<vmem>>
        %dma_wait3A_197 = tpu.memref_squeeze %dma_wait3A_196 : memref<1x64xi32, #tpu.memory_space<vmem>> -> memref<64xi32, #tpu.memory_space<vmem>>
        %dma_wait3A_198 = arith.constant 0 : i32
        %dma_wait3A_199 = arith.constant 0 : i32
        %dma_wait3A_200 = tpu.memref_slice %arg13[%dma_wait3A_198, %dma_wait3A_199] : memref<10240x128xf32, #tpu.memory_space<vmem_shared>> -> memref<10240x128xf32, #tpu.memory_space<vmem_shared>>
        tpu.wait_indirect_dma semaphore(%arg17 : memref<!tpu.dma_semaphore, #tpu.memory_space<semaphore_mem>>) src(%arg10 : memref<64x128xf32, #tpu.memory_space<vmem>>) dst(%dma_wait3A_200 : memref<10240x128xf32, #tpu.memory_space<vmem_shared>>)
        %dma_start3A_201 = arith.constant 6 : i32
        %dma_start3A_202 = arith.constant 0 : i32
        %dma_start3A_203 = tpu.memref_slice %arg8[%dma_start3A_201, %dma_start3A_202] : memref<8x64xi32, #tpu.memory_space<vmem>> -> memref<1x64xi32, #tpu.memory_space<vmem>>
        %dma_start3A_204 = tpu.memref_squeeze %dma_start3A_203 : memref<1x64xi32, #tpu.memory_space<vmem>> -> memref<64xi32, #tpu.memory_space<vmem>>
        %dma_start3A_205 = arith.constant 0 : i32
        %dma_start3A_206 = arith.constant 0 : i32
        %dma_start3A_207 = tpu.memref_slice %arg2[%dma_start3A_205, %dma_start3A_206] : memref<10240x128xf32, #tpu.memory_space<hbm>> -> memref<10240x128xf32, #tpu.memory_space<hbm>>
        tpu.enqueue_indirect_dma source(%dma_start3A_207 : memref<10240x128xf32, #tpu.memory_space<hbm>>) target(%arg10 : memref<64x128xf32, #tpu.memory_space<vmem>>) offsets(%dma_start3A_204 : memref<64xi32, #tpu.memory_space<vmem>>) semaphore(%arg14 : memref<!tpu.dma_semaphore, #tpu.memory_space<semaphore_mem>>)
        %dma_wait3A_208 = arith.constant 5 : i32
        %dma_wait3A_209 = arith.constant 0 : i32
        %dma_wait3A_210 = tpu.memref_slice %arg8[%dma_wait3A_208, %dma_wait3A_209] : memref<8x64xi32, #tpu.memory_space<vmem>> -> memref<1x64xi32, #tpu.memory_space<vmem>>
        %dma_wait3A_211 = tpu.memref_squeeze %dma_wait3A_210 : memref<1x64xi32, #tpu.memory_space<vmem>> -> memref<64xi32, #tpu.memory_space<vmem>>
        %dma_wait3A_212 = arith.constant 0 : i32
        %dma_wait3A_213 = arith.constant 0 : i32
        %dma_wait3A_214 = tpu.memref_slice %arg2[%dma_wait3A_212, %dma_wait3A_213] : memref<10240x128xf32, #tpu.memory_space<hbm>> -> memref<10240x128xf32, #tpu.memory_space<hbm>>
        tpu.wait_indirect_dma semaphore(%arg16 : memref<!tpu.dma_semaphore, #tpu.memory_space<semaphore_mem>>) src(%dma_wait3A_214 : memref<10240x128xf32, #tpu.memory_space<hbm>>) dst(%arg12 : memref<64x128xf32, #tpu.memory_space<vmem>>)
        %dma_start3A_215 = arith.constant 5 : i32
        %dma_start3A_216 = arith.constant 0 : i32
        %dma_start3A_217 = tpu.memref_slice %arg9[%dma_start3A_215, %dma_start3A_216] : memref<8x64xi32, #tpu.memory_space<vmem>> -> memref<1x64xi32, #tpu.memory_space<vmem>>
        %dma_start3A_218 = tpu.memref_squeeze %dma_start3A_217 : memref<1x64xi32, #tpu.memory_space<vmem>> -> memref<64xi32, #tpu.memory_space<vmem>>
        %dma_start3A_219 = arith.constant 0 : i32
        %dma_start3A_220 = arith.constant 0 : i32
        %dma_start3A_221 = tpu.memref_slice %arg13[%dma_start3A_219, %dma_start3A_220] : memref<10240x128xf32, #tpu.memory_space<vmem_shared>> -> memref<10240x128xf32, #tpu.memory_space<vmem_shared>>
        tpu.enqueue_indirect_dma source(%arg12 : memref<64x128xf32, #tpu.memory_space<vmem>>) target(%dma_start3A_221 : memref<10240x128xf32, #tpu.memory_space<vmem_shared>>) offsets(%dma_start3A_218 : memref<64xi32, #tpu.memory_space<vmem>>) semaphore(%arg19 : memref<!tpu.dma_semaphore, #tpu.memory_space<semaphore_mem>>) {add = true}
        %dma_wait3A_222 = arith.constant 4 : i32
        %dma_wait3A_223 = arith.constant 0 : i32
        %dma_wait3A_224 = tpu.memref_slice %arg9[%dma_wait3A_222, %dma_wait3A_223] : memref<8x64xi32, #tpu.memory_space<vmem>> -> memref<1x64xi32, #tpu.memory_space<vmem>>
        %dma_wait3A_225 = tpu.memref_squeeze %dma_wait3A_224 : memref<1x64xi32, #tpu.memory_space<vmem>> -> memref<64xi32, #tpu.memory_space<vmem>>
        %dma_wait3A_226 = arith.constant 0 : i32
        %dma_wait3A_227 = arith.constant 0 : i32
        %dma_wait3A_228 = tpu.memref_slice %arg13[%dma_wait3A_226, %dma_wait3A_227] : memref<10240x128xf32, #tpu.memory_space<vmem_shared>> -> memref<10240x128xf32, #tpu.memory_space<vmem_shared>>
        tpu.wait_indirect_dma semaphore(%arg18 : memref<!tpu.dma_semaphore, #tpu.memory_space<semaphore_mem>>) src(%arg11 : memref<64x128xf32, #tpu.memory_space<vmem>>) dst(%dma_wait3A_228 : memref<10240x128xf32, #tpu.memory_space<vmem_shared>>)
        %dma_start3A_229 = arith.constant 7 : i32
        %dma_start3A_230 = arith.constant 0 : i32
        %dma_start3A_231 = tpu.memref_slice %arg8[%dma_start3A_229, %dma_start3A_230] : memref<8x64xi32, #tpu.memory_space<vmem>> -> memref<1x64xi32, #tpu.memory_space<vmem>>
        %dma_start3A_232 = tpu.memref_squeeze %dma_start3A_231 : memref<1x64xi32, #tpu.memory_space<vmem>> -> memref<64xi32, #tpu.memory_space<vmem>>
        %dma_start3A_233 = arith.constant 0 : i32
        %dma_start3A_234 = arith.constant 0 : i32
        %dma_start3A_235 = tpu.memref_slice %arg2[%dma_start3A_233, %dma_start3A_234] : memref<10240x128xf32, #tpu.memory_space<hbm>> -> memref<10240x128xf32, #tpu.memory_space<hbm>>
        tpu.enqueue_indirect_dma source(%dma_start3A_235 : memref<10240x128xf32, #tpu.memory_space<hbm>>) target(%arg11 : memref<64x128xf32, #tpu.memory_space<vmem>>) offsets(%dma_start3A_232 : memref<64xi32, #tpu.memory_space<vmem>>) semaphore(%arg15 : memref<!tpu.dma_semaphore, #tpu.memory_space<semaphore_mem>>)
        %dma_wait3A_236 = arith.constant 6 : i32
        %dma_wait3A_237 = arith.constant 0 : i32
        %dma_wait3A_238 = tpu.memref_slice %arg8[%dma_wait3A_236, %dma_wait3A_237] : memref<8x64xi32, #tpu.memory_space<vmem>> -> memref<1x64xi32, #tpu.memory_space<vmem>>
        %dma_wait3A_239 = tpu.memref_squeeze %dma_wait3A_238 : memref<1x64xi32, #tpu.memory_space<vmem>> -> memref<64xi32, #tpu.memory_space<vmem>>
        %dma_wait3A_240 = arith.constant 0 : i32
        %dma_wait3A_241 = arith.constant 0 : i32
        %dma_wait3A_242 = tpu.memref_slice %arg2[%dma_wait3A_240, %dma_wait3A_241] : memref<10240x128xf32, #tpu.memory_space<hbm>> -> memref<10240x128xf32, #tpu.memory_space<hbm>>
        tpu.wait_indirect_dma semaphore(%arg14 : memref<!tpu.dma_semaphore, #tpu.memory_space<semaphore_mem>>) src(%dma_wait3A_242 : memref<10240x128xf32, #tpu.memory_space<hbm>>) dst(%arg10 : memref<64x128xf32, #tpu.memory_space<vmem>>)
        %dma_start3A_243 = arith.constant 6 : i32
        %dma_start3A_244 = arith.constant 0 : i32
        %dma_start3A_245 = tpu.memref_slice %arg9[%dma_start3A_243, %dma_start3A_244] : memref<8x64xi32, #tpu.memory_space<vmem>> -> memref<1x64xi32, #tpu.memory_space<vmem>>
        %dma_start3A_246 = tpu.memref_squeeze %dma_start3A_245 : memref<1x64xi32, #tpu.memory_space<vmem>> -> memref<64xi32, #tpu.memory_space<vmem>>
        %dma_start3A_247 = arith.constant 0 : i32
        %dma_start3A_248 = arith.constant 0 : i32
        %dma_start3A_249 = tpu.memref_slice %arg13[%dma_start3A_247, %dma_start3A_248] : memref<10240x128xf32, #tpu.memory_space<vmem_shared>> -> memref<10240x128xf32, #tpu.memory_space<vmem_shared>>
        tpu.enqueue_indirect_dma source(%arg10 : memref<64x128xf32, #tpu.memory_space<vmem>>) target(%dma_start3A_249 : memref<10240x128xf32, #tpu.memory_space<vmem_shared>>) offsets(%dma_start3A_246 : memref<64xi32, #tpu.memory_space<vmem>>) semaphore(%arg17 : memref<!tpu.dma_semaphore, #tpu.memory_space<semaphore_mem>>) {add = true}
        %dma_wait3A_250 = arith.constant 7 : i32
        %dma_wait3A_251 = arith.constant 0 : i32
        %dma_wait3A_252 = tpu.memref_slice %arg8[%dma_wait3A_250, %dma_wait3A_251] : memref<8x64xi32, #tpu.memory_space<vmem>> -> memref<1x64xi32, #tpu.memory_space<vmem>>
        %dma_wait3A_253 = tpu.memref_squeeze %dma_wait3A_252 : memref<1x64xi32, #tpu.memory_space<vmem>> -> memref<64xi32, #tpu.memory_space<vmem>>
        %dma_wait3A_254 = arith.constant 0 : i32
        %dma_wait3A_255 = arith.constant 0 : i32
        %dma_wait3A_256 = tpu.memref_slice %arg2[%dma_wait3A_254, %dma_wait3A_255] : memref<10240x128xf32, #tpu.memory_space<hbm>> -> memref<10240x128xf32, #tpu.memory_space<hbm>>
        tpu.wait_indirect_dma semaphore(%arg15 : memref<!tpu.dma_semaphore, #tpu.memory_space<semaphore_mem>>) src(%dma_wait3A_256 : memref<10240x128xf32, #tpu.memory_space<hbm>>) dst(%arg11 : memref<64x128xf32, #tpu.memory_space<vmem>>)
        %dma_start3A_257 = arith.constant 7 : i32
        %dma_start3A_258 = arith.constant 0 : i32
        %dma_start3A_259 = tpu.memref_slice %arg9[%dma_start3A_257, %dma_start3A_258] : memref<8x64xi32, #tpu.memory_space<vmem>> -> memref<1x64xi32, #tpu.memory_space<vmem>>
        %dma_start3A_260 = tpu.memref_squeeze %dma_start3A_259 : memref<1x64xi32, #tpu.memory_space<vmem>> -> memref<64xi32, #tpu.memory_space<vmem>>
        %dma_start3A_261 = arith.constant 0 : i32
        %dma_start3A_262 = arith.constant 0 : i32
        %dma_start3A_263 = tpu.memref_slice %arg13[%dma_start3A_261, %dma_start3A_262] : memref<10240x128xf32, #tpu.memory_space<vmem_shared>> -> memref<10240x128xf32, #tpu.memory_space<vmem_shared>>
        tpu.enqueue_indirect_dma source(%arg11 : memref<64x128xf32, #tpu.memory_space<vmem>>) target(%dma_start3A_263 : memref<10240x128xf32, #tpu.memory_space<vmem_shared>>) offsets(%dma_start3A_260 : memref<64xi32, #tpu.memory_space<vmem>>) semaphore(%arg18 : memref<!tpu.dma_semaphore, #tpu.memory_space<semaphore_mem>>) {add = true}
        %dma_wait3A_264 = arith.constant 6 : i32
        %dma_wait3A_265 = arith.constant 0 : i32
        %dma_wait3A_266 = tpu.memref_slice %arg9[%dma_wait3A_264, %dma_wait3A_265] : memref<8x64xi32, #tpu.memory_space<vmem>> -> memref<1x64xi32, #tpu.memory_space<vmem>>
        %dma_wait3A_267 = tpu.memref_squeeze %dma_wait3A_266 : memref<1x64xi32, #tpu.memory_space<vmem>> -> memref<64xi32, #tpu.memory_space<vmem>>
        %dma_wait3A_268 = arith.constant 0 : i32
        %dma_wait3A_269 = arith.constant 0 : i32
        %dma_wait3A_270 = tpu.memref_slice %arg13[%dma_wait3A_268, %dma_wait3A_269] : memref<10240x128xf32, #tpu.memory_space<vmem_shared>> -> memref<10240x128xf32, #tpu.memory_space<vmem_shared>>
        tpu.wait_indirect_dma semaphore(%arg17 : memref<!tpu.dma_semaphore, #tpu.memory_space<semaphore_mem>>) src(%arg10 : memref<64x128xf32, #tpu.memory_space<vmem>>) dst(%dma_wait3A_270 : memref<10240x128xf32, #tpu.memory_space<vmem_shared>>)
        %dma_wait3A_271 = arith.constant 7 : i32
        %dma_wait3A_272 = arith.constant 0 : i32
        %dma_wait3A_273 = tpu.memref_slice %arg9[%dma_wait3A_271, %dma_wait3A_272] : memref<8x64xi32, #tpu.memory_space<vmem>> -> memref<1x64xi32, #tpu.memory_space<vmem>>
        %dma_wait3A_274 = tpu.memref_squeeze %dma_wait3A_273 : memref<1x64xi32, #tpu.memory_space<vmem>> -> memref<64xi32, #tpu.memory_space<vmem>>
        %dma_wait3A_275 = arith.constant 0 : i32
        %dma_wait3A_276 = arith.constant 0 : i32
        %dma_wait3A_277 = tpu.memref_slice %arg13[%dma_wait3A_275, %dma_wait3A_276] : memref<10240x128xf32, #tpu.memory_space<vmem_shared>> -> memref<10240x128xf32, #tpu.memory_space<vmem_shared>>
        tpu.wait_indirect_dma semaphore(%arg18 : memref<!tpu.dma_semaphore, #tpu.memory_space<semaphore_mem>>) src(%arg11 : memref<64x128xf32, #tpu.memory_space<vmem>>) dst(%dma_wait3A_277 : memref<10240x128xf32, #tpu.memory_space<vmem_shared>>)
      }
      %scan3A_59 = arith.constant 20 : i32
    } else {
    }
    %barrier3A_33 = arith.constant 0 : index
    tpu.barrier barrier_id(%barrier3A_33)
    %add3A_34 = arith.constant 0 : i32
    %add3A_35 = arith.addi %multiple_of3A, %add3A_34 : i32
    "tpu.region"() ({
      %run_scoped3A = tpu.sem_alloc : memref<!tpu.dma_semaphore, #tpu.memory_space<semaphore_mem>>
      %dma_start3A = arith.constant 0 : i32
      %dma_start3A_54 = tpu.memref_slice %arg7[%arg0, %add3A_35, %dma_start3A] : memref<2x10240x128xf32, #tpu.memory_space<hbm>> -> memref<1x64x128xf32, #tpu.memory_space<hbm>>
      %dma_start3A_55 = tpu.memref_squeeze %dma_start3A_54 : memref<1x64x128xf32, #tpu.memory_space<hbm>> -> memref<64x128xf32, #tpu.memory_space<hbm>>
      %dma_start3A_56 = arith.constant 0 : i32
      %dma_start3A_57 = tpu.memref_slice %arg13[%add3A_35, %dma_start3A_56] : memref<10240x128xf32, #tpu.memory_space<vmem_shared>> -> memref<64x128xf32, #tpu.memory_space<vmem_shared>>
      tpu.enqueue_dma source(%dma_start3A_57 : memref<64x128xf32, #tpu.memory_space<vmem_shared>>) target(%dma_start3A_55 : memref<64x128xf32, #tpu.memory_space<hbm>>) target_semaphore(%run_scoped3A : memref<!tpu.dma_semaphore, #tpu.memory_space<semaphore_mem>>)
      %dma_wait3A = arith.constant 0 : i32
      %dma_wait3A_58 = tpu.memref_slice %arg7[%arg0, %add3A_35, %dma_wait3A] : memref<2x10240x128xf32, #tpu.memory_space<hbm>> -> memref<1x64x128xf32, #tpu.memory_space<hbm>>
      %dma_wait3A_59 = tpu.memref_squeeze %dma_wait3A_58 : memref<1x64x128xf32, #tpu.memory_space<hbm>> -> memref<64x128xf32, #tpu.memory_space<hbm>>
      %dma_wait3A_60 = arith.constant 0 : i32
      %dma_wait3A_61 = tpu.memref_slice %arg13[%add3A_35, %dma_wait3A_60] : memref<10240x128xf32, #tpu.memory_space<vmem_shared>> -> memref<64x128xf32, #tpu.memory_space<vmem_shared>>
      tpu.wait_dma2 semaphore(%run_scoped3A : memref<!tpu.dma_semaphore, #tpu.memory_space<semaphore_mem>>) src(%dma_wait3A_61 : memref<64x128xf32, #tpu.memory_space<vmem_shared>>) dst(%dma_wait3A_59 : memref<64x128xf32, #tpu.memory_space<hbm>>)
      tpu.yield
    }) : () -> ()
    %add3A_36 = arith.constant 64 : i32
    %add3A_37 = arith.addi %multiple_of3A, %add3A_36 : i32
    "tpu.region"() ({
      %run_scoped3A = tpu.sem_alloc : memref<!tpu.dma_semaphore, #tpu.memory_space<semaphore_mem>>
      %dma_start3A = arith.constant 0 : i32
      %dma_start3A_54 = tpu.memref_slice %arg7[%arg0, %add3A_37, %dma_start3A] : memref<2x10240x128xf32, #tpu.memory_space<hbm>> -> memref<1x64x128xf32, #tpu.memory_space<hbm>>
      %dma_start3A_55 = tpu.memref_squeeze %dma_start3A_54 : memref<1x64x128xf32, #tpu.memory_space<hbm>> -> memref<64x128xf32, #tpu.memory_space<hbm>>
      %dma_start3A_56 = arith.constant 0 : i32
      %dma_start3A_57 = tpu.memref_slice %arg13[%add3A_37, %dma_start3A_56] : memref<10240x128xf32, #tpu.memory_space<vmem_shared>> -> memref<64x128xf32, #tpu.memory_space<vmem_shared>>
      tpu.enqueue_dma source(%dma_start3A_57 : memref<64x128xf32, #tpu.memory_space<vmem_shared>>) target(%dma_start3A_55 : memref<64x128xf32, #tpu.memory_space<hbm>>) target_semaphore(%run_scoped3A : memref<!tpu.dma_semaphore, #tpu.memory_space<semaphore_mem>>)
      %dma_wait3A = arith.constant 0 : i32
      %dma_wait3A_58 = tpu.memref_slice %arg7[%arg0, %add3A_37, %dma_wait3A] : memref<2x10240x128xf32, #tpu.memory_space<hbm>> -> memref<1x64x128xf32, #tpu.memory_space<hbm>>
      %dma_wait3A_59 = tpu.memref_squeeze %dma_wait3A_58 : memref<1x64x128xf32, #tpu.memory_space<hbm>> -> memref<64x128xf32, #tpu.memory_space<hbm>>
      %dma_wait3A_60 = arith.constant 0 : i32
      %dma_wait3A_61 = tpu.memref_slice %arg13[%add3A_37, %dma_wait3A_60] : memref<10240x128xf32, #tpu.memory_space<vmem_shared>> -> memref<64x128xf32, #tpu.memory_space<vmem_shared>>
      tpu.wait_dma2 semaphore(%run_scoped3A : memref<!tpu.dma_semaphore, #tpu.memory_space<semaphore_mem>>) src(%dma_wait3A_61 : memref<64x128xf32, #tpu.memory_space<vmem_shared>>) dst(%dma_wait3A_59 : memref<64x128xf32, #tpu.memory_space<hbm>>)
      tpu.yield
    }) : () -> ()
    %add3A_38 = arith.constant 128 : i32
    %add3A_39 = arith.addi %multiple_of3A, %add3A_38 : i32
    "tpu.region"() ({
      %run_scoped3A = tpu.sem_alloc : memref<!tpu.dma_semaphore, #tpu.memory_space<semaphore_mem>>
      %dma_start3A = arith.constant 0 : i32
      %dma_start3A_54 = tpu.memref_slice %arg7[%arg0, %add3A_39, %dma_start3A] : memref<2x10240x128xf32, #tpu.memory_space<hbm>> -> memref<1x64x128xf32, #tpu.memory_space<hbm>>
      %dma_start3A_55 = tpu.memref_squeeze %dma_start3A_54 : memref<1x64x128xf32, #tpu.memory_space<hbm>> -> memref<64x128xf32, #tpu.memory_space<hbm>>
      %dma_start3A_56 = arith.constant 0 : i32
      %dma_start3A_57 = tpu.memref_slice %arg13[%add3A_39, %dma_start3A_56] : memref<10240x128xf32, #tpu.memory_space<vmem_shared>> -> memref<64x128xf32, #tpu.memory_space<vmem_shared>>
      tpu.enqueue_dma source(%dma_start3A_57 : memref<64x128xf32, #tpu.memory_space<vmem_shared>>) target(%dma_start3A_55 : memref<64x128xf32, #tpu.memory_space<hbm>>) target_semaphore(%run_scoped3A : memref<!tpu.dma_semaphore, #tpu.memory_space<semaphore_mem>>)
      %dma_wait3A = arith.constant 0 : i32
      %dma_wait3A_58 = tpu.memref_slice %arg7[%arg0, %add3A_39, %dma_wait3A] : memref<2x10240x128xf32, #tpu.memory_space<hbm>> -> memref<1x64x128xf32, #tpu.memory_space<hbm>>
      %dma_wait3A_59 = tpu.memref_squeeze %dma_wait3A_58 : memref<1x64x128xf32, #tpu.memory_space<hbm>> -> memref<64x128xf32, #tpu.memory_space<hbm>>
      %dma_wait3A_60 = arith.constant 0 : i32
      %dma_wait3A_61 = tpu.memref_slice %arg13[%add3A_39, %dma_wait3A_60] : memref<10240x128xf32, #tpu.memory_space<vmem_shared>> -> memref<64x128xf32, #tpu.memory_space<vmem_shared>>
      tpu.wait_dma2 semaphore(%run_scoped3A : memref<!tpu.dma_semaphore, #tpu.memory_space<semaphore_mem>>) src(%dma_wait3A_61 : memref<64x128xf32, #tpu.memory_space<vmem_shared>>) dst(%dma_wait3A_59 : memref<64x128xf32, #tpu.memory_space<hbm>>)
      tpu.yield
    }) : () -> ()
    %add3A_40 = arith.constant 192 : i32
    %add3A_41 = arith.addi %multiple_of3A, %add3A_40 : i32
    "tpu.region"() ({
      %run_scoped3A = tpu.sem_alloc : memref<!tpu.dma_semaphore, #tpu.memory_space<semaphore_mem>>
      %dma_start3A = arith.constant 0 : i32
      %dma_start3A_54 = tpu.memref_slice %arg7[%arg0, %add3A_41, %dma_start3A] : memref<2x10240x128xf32, #tpu.memory_space<hbm>> -> memref<1x64x128xf32, #tpu.memory_space<hbm>>
      %dma_start3A_55 = tpu.memref_squeeze %dma_start3A_54 : memref<1x64x128xf32, #tpu.memory_space<hbm>> -> memref<64x128xf32, #tpu.memory_space<hbm>>
      %dma_start3A_56 = arith.constant 0 : i32
      %dma_start3A_57 = tpu.memref_slice %arg13[%add3A_41, %dma_start3A_56] : memref<10240x128xf32, #tpu.memory_space<vmem_shared>> -> memref<64x128xf32, #tpu.memory_space<vmem_shared>>
      tpu.enqueue_dma source(%dma_start3A_57 : memref<64x128xf32, #tpu.memory_space<vmem_shared>>) target(%dma_start3A_55 : memref<64x128xf32, #tpu.memory_space<hbm>>) target_semaphore(%run_scoped3A : memref<!tpu.dma_semaphore, #tpu.memory_space<semaphore_mem>>)
      %dma_wait3A = arith.constant 0 : i32
      %dma_wait3A_58 = tpu.memref_slice %arg7[%arg0, %add3A_41, %dma_wait3A] : memref<2x10240x128xf32, #tpu.memory_space<hbm>> -> memref<1x64x128xf32, #tpu.memory_space<hbm>>
      %dma_wait3A_59 = tpu.memref_squeeze %dma_wait3A_58 : memref<1x64x128xf32, #tpu.memory_space<hbm>> -> memref<64x128xf32, #tpu.memory_space<hbm>>
      %dma_wait3A_60 = arith.constant 0 : i32
      %dma_wait3A_61 = tpu.memref_slice %arg13[%add3A_41, %dma_wait3A_60] : memref<10240x128xf32, #tpu.memory_space<vmem_shared>> -> memref<64x128xf32, #tpu.memory_space<vmem_shared>>
      tpu.wait_dma2 semaphore(%run_scoped3A : memref<!tpu.dma_semaphore, #tpu.memory_space<semaphore_mem>>) src(%dma_wait3A_61 : memref<64x128xf32, #tpu.memory_space<vmem_shared>>) dst(%dma_wait3A_59 : memref<64x128xf32, #tpu.memory_space<hbm>>)
      tpu.yield
    }) : () -> ()
    %add3A_42 = arith.constant 256 : i32
    %add3A_43 = arith.addi %multiple_of3A, %add3A_42 : i32
    "tpu.region"() ({
      %run_scoped3A = tpu.sem_alloc : memref<!tpu.dma_semaphore, #tpu.memory_space<semaphore_mem>>
      %dma_start3A = arith.constant 0 : i32
      %dma_start3A_54 = tpu.memref_slice %arg7[%arg0, %add3A_43, %dma_start3A] : memref<2x10240x128xf32, #tpu.memory_space<hbm>> -> memref<1x64x128xf32, #tpu.memory_space<hbm>>
      %dma_start3A_55 = tpu.memref_squeeze %dma_start3A_54 : memref<1x64x128xf32, #tpu.memory_space<hbm>> -> memref<64x128xf32, #tpu.memory_space<hbm>>
      %dma_start3A_56 = arith.constant 0 : i32
      %dma_start3A_57 = tpu.memref_slice %arg13[%add3A_43, %dma_start3A_56] : memref<10240x128xf32, #tpu.memory_space<vmem_shared>> -> memref<64x128xf32, #tpu.memory_space<vmem_shared>>
      tpu.enqueue_dma source(%dma_start3A_57 : memref<64x128xf32, #tpu.memory_space<vmem_shared>>) target(%dma_start3A_55 : memref<64x128xf32, #tpu.memory_space<hbm>>) target_semaphore(%run_scoped3A : memref<!tpu.dma_semaphore, #tpu.memory_space<semaphore_mem>>)
      %dma_wait3A = arith.constant 0 : i32
      %dma_wait3A_58 = tpu.memref_slice %arg7[%arg0, %add3A_43, %dma_wait3A] : memref<2x10240x128xf32, #tpu.memory_space<hbm>> -> memref<1x64x128xf32, #tpu.memory_space<hbm>>
      %dma_wait3A_59 = tpu.memref_squeeze %dma_wait3A_58 : memref<1x64x128xf32, #tpu.memory_space<hbm>> -> memref<64x128xf32, #tpu.memory_space<hbm>>
      %dma_wait3A_60 = arith.constant 0 : i32
      %dma_wait3A_61 = tpu.memref_slice %arg13[%add3A_43, %dma_wait3A_60] : memref<10240x128xf32, #tpu.memory_space<vmem_shared>> -> memref<64x128xf32, #tpu.memory_space<vmem_shared>>
      tpu.wait_dma2 semaphore(%run_scoped3A : memref<!tpu.dma_semaphore, #tpu.memory_space<semaphore_mem>>) src(%dma_wait3A_61 : memref<64x128xf32, #tpu.memory_space<vmem_shared>>) dst(%dma_wait3A_59 : memref<64x128xf32, #tpu.memory_space<hbm>>)
      tpu.yield
    }) : () -> ()
    %add3A_44 = arith.constant 320 : i32
    %add3A_45 = arith.addi %multiple_of3A, %add3A_44 : i32
    "tpu.region"() ({
      %run_scoped3A = tpu.sem_alloc : memref<!tpu.dma_semaphore, #tpu.memory_space<semaphore_mem>>
      %dma_start3A = arith.constant 0 : i32
      %dma_start3A_54 = tpu.memref_slice %arg7[%arg0, %add3A_45, %dma_start3A] : memref<2x10240x128xf32, #tpu.memory_space<hbm>> -> memref<1x64x128xf32, #tpu.memory_space<hbm>>
      %dma_start3A_55 = tpu.memref_squeeze %dma_start3A_54 : memref<1x64x128xf32, #tpu.memory_space<hbm>> -> memref<64x128xf32, #tpu.memory_space<hbm>>
      %dma_start3A_56 = arith.constant 0 : i32
      %dma_start3A_57 = tpu.memref_slice %arg13[%add3A_45, %dma_start3A_56] : memref<10240x128xf32, #tpu.memory_space<vmem_shared>> -> memref<64x128xf32, #tpu.memory_space<vmem_shared>>
      tpu.enqueue_dma source(%dma_start3A_57 : memref<64x128xf32, #tpu.memory_space<vmem_shared>>) target(%dma_start3A_55 : memref<64x128xf32, #tpu.memory_space<hbm>>) target_semaphore(%run_scoped3A : memref<!tpu.dma_semaphore, #tpu.memory_space<semaphore_mem>>)
      %dma_wait3A = arith.constant 0 : i32
      %dma_wait3A_58 = tpu.memref_slice %arg7[%arg0, %add3A_45, %dma_wait3A] : memref<2x10240x128xf32, #tpu.memory_space<hbm>> -> memref<1x64x128xf32, #tpu.memory_space<hbm>>
      %dma_wait3A_59 = tpu.memref_squeeze %dma_wait3A_58 : memref<1x64x128xf32, #tpu.memory_space<hbm>> -> memref<64x128xf32, #tpu.memory_space<hbm>>
      %dma_wait3A_60 = arith.constant 0 : i32
      %dma_wait3A_61 = tpu.memref_slice %arg13[%add3A_45, %dma_wait3A_60] : memref<10240x128xf32, #tpu.memory_space<vmem_shared>> -> memref<64x128xf32, #tpu.memory_space<vmem_shared>>
      tpu.wait_dma2 semaphore(%run_scoped3A : memref<!tpu.dma_semaphore, #tpu.memory_space<semaphore_mem>>) src(%dma_wait3A_61 : memref<64x128xf32, #tpu.memory_space<vmem_shared>>) dst(%dma_wait3A_59 : memref<64x128xf32, #tpu.memory_space<hbm>>)
      tpu.yield
    }) : () -> ()
    %add3A_46 = arith.constant 384 : i32
    %add3A_47 = arith.addi %multiple_of3A, %add3A_46 : i32
    "tpu.region"() ({
      %run_scoped3A = tpu.sem_alloc : memref<!tpu.dma_semaphore, #tpu.memory_space<semaphore_mem>>
      %dma_start3A = arith.constant 0 : i32
      %dma_start3A_54 = tpu.memref_slice %arg7[%arg0, %add3A_47, %dma_start3A] : memref<2x10240x128xf32, #tpu.memory_space<hbm>> -> memref<1x64x128xf32, #tpu.memory_space<hbm>>
      %dma_start3A_55 = tpu.memref_squeeze %dma_start3A_54 : memref<1x64x128xf32, #tpu.memory_space<hbm>> -> memref<64x128xf32, #tpu.memory_space<hbm>>
      %dma_start3A_56 = arith.constant 0 : i32
      %dma_start3A_57 = tpu.memref_slice %arg13[%add3A_47, %dma_start3A_56] : memref<10240x128xf32, #tpu.memory_space<vmem_shared>> -> memref<64x128xf32, #tpu.memory_space<vmem_shared>>
      tpu.enqueue_dma source(%dma_start3A_57 : memref<64x128xf32, #tpu.memory_space<vmem_shared>>) target(%dma_start3A_55 : memref<64x128xf32, #tpu.memory_space<hbm>>) target_semaphore(%run_scoped3A : memref<!tpu.dma_semaphore, #tpu.memory_space<semaphore_mem>>)
      %dma_wait3A = arith.constant 0 : i32
      %dma_wait3A_58 = tpu.memref_slice %arg7[%arg0, %add3A_47, %dma_wait3A] : memref<2x10240x128xf32, #tpu.memory_space<hbm>> -> memref<1x64x128xf32, #tpu.memory_space<hbm>>
      %dma_wait3A_59 = tpu.memref_squeeze %dma_wait3A_58 : memref<1x64x128xf32, #tpu.memory_space<hbm>> -> memref<64x128xf32, #tpu.memory_space<hbm>>
      %dma_wait3A_60 = arith.constant 0 : i32
      %dma_wait3A_61 = tpu.memref_slice %arg13[%add3A_47, %dma_wait3A_60] : memref<10240x128xf32, #tpu.memory_space<vmem_shared>> -> memref<64x128xf32, #tpu.memory_space<vmem_shared>>
      tpu.wait_dma2 semaphore(%run_scoped3A : memref<!tpu.dma_semaphore, #tpu.memory_space<semaphore_mem>>) src(%dma_wait3A_61 : memref<64x128xf32, #tpu.memory_space<vmem_shared>>) dst(%dma_wait3A_59 : memref<64x128xf32, #tpu.memory_space<hbm>>)
      tpu.yield
    }) : () -> ()
    %add3A_48 = arith.constant 448 : i32
    %add3A_49 = arith.addi %multiple_of3A, %add3A_48 : i32
    "tpu.region"() ({
      %run_scoped3A = tpu.sem_alloc : memref<!tpu.dma_semaphore, #tpu.memory_space<semaphore_mem>>
      %dma_start3A = arith.constant 0 : i32
      %dma_start3A_54 = tpu.memref_slice %arg7[%arg0, %add3A_49, %dma_start3A] : memref<2x10240x128xf32, #tpu.memory_space<hbm>> -> memref<1x64x128xf32, #tpu.memory_space<hbm>>
      %dma_start3A_55 = tpu.memref_squeeze %dma_start3A_54 : memref<1x64x128xf32, #tpu.memory_space<hbm>> -> memref<64x128xf32, #tpu.memory_space<hbm>>
      %dma_start3A_56 = arith.constant 0 : i32
      %dma_start3A_57 = tpu.memref_slice %arg13[%add3A_49, %dma_start3A_56] : memref<10240x128xf32, #tpu.memory_space<vmem_shared>> -> memref<64x128xf32, #tpu.memory_space<vmem_shared>>
      tpu.enqueue_dma source(%dma_start3A_57 : memref<64x128xf32, #tpu.memory_space<vmem_shared>>) target(%dma_start3A_55 : memref<64x128xf32, #tpu.memory_space<hbm>>) target_semaphore(%run_scoped3A : memref<!tpu.dma_semaphore, #tpu.memory_space<semaphore_mem>>)
      %dma_wait3A = arith.constant 0 : i32
      %dma_wait3A_58 = tpu.memref_slice %arg7[%arg0, %add3A_49, %dma_wait3A] : memref<2x10240x128xf32, #tpu.memory_space<hbm>> -> memref<1x64x128xf32, #tpu.memory_space<hbm>>
      %dma_wait3A_59 = tpu.memref_squeeze %dma_wait3A_58 : memref<1x64x128xf32, #tpu.memory_space<hbm>> -> memref<64x128xf32, #tpu.memory_space<hbm>>
      %dma_wait3A_60 = arith.constant 0 : i32
      %dma_wait3A_61 = tpu.memref_slice %arg13[%add3A_49, %dma_wait3A_60] : memref<10240x128xf32, #tpu.memory_space<vmem_shared>> -> memref<64x128xf32, #tpu.memory_space<vmem_shared>>
      tpu.wait_dma2 semaphore(%run_scoped3A : memref<!tpu.dma_semaphore, #tpu.memory_space<semaphore_mem>>) src(%dma_wait3A_61 : memref<64x128xf32, #tpu.memory_space<vmem_shared>>) dst(%dma_wait3A_59 : memref<64x128xf32, #tpu.memory_space<hbm>>)
      tpu.yield
    }) : () -> ()
    %add3A_50 = arith.constant 512 : i32
    %add3A_51 = arith.addi %multiple_of3A, %add3A_50 : i32
    "tpu.region"() ({
      %run_scoped3A = tpu.sem_alloc : memref<!tpu.dma_semaphore, #tpu.memory_space<semaphore_mem>>
      %dma_start3A = arith.constant 0 : i32
      %dma_start3A_54 = tpu.memref_slice %arg7[%arg0, %add3A_51, %dma_start3A] : memref<2x10240x128xf32, #tpu.memory_space<hbm>> -> memref<1x64x128xf32, #tpu.memory_space<hbm>>
      %dma_start3A_55 = tpu.memref_squeeze %dma_start3A_54 : memref<1x64x128xf32, #tpu.memory_space<hbm>> -> memref<64x128xf32, #tpu.memory_space<hbm>>
      %dma_start3A_56 = arith.constant 0 : i32
      %dma_start3A_57 = tpu.memref_slice %arg13[%add3A_51, %dma_start3A_56] : memref<10240x128xf32, #tpu.memory_space<vmem_shared>> -> memref<64x128xf32, #tpu.memory_space<vmem_shared>>
      tpu.enqueue_dma source(%dma_start3A_57 : memref<64x128xf32, #tpu.memory_space<vmem_shared>>) target(%dma_start3A_55 : memref<64x128xf32, #tpu.memory_space<hbm>>) target_semaphore(%run_scoped3A : memref<!tpu.dma_semaphore, #tpu.memory_space<semaphore_mem>>)
      %dma_wait3A = arith.constant 0 : i32
      %dma_wait3A_58 = tpu.memref_slice %arg7[%arg0, %add3A_51, %dma_wait3A] : memref<2x10240x128xf32, #tpu.memory_space<hbm>> -> memref<1x64x128xf32, #tpu.memory_space<hbm>>
      %dma_wait3A_59 = tpu.memref_squeeze %dma_wait3A_58 : memref<1x64x128xf32, #tpu.memory_space<hbm>> -> memref<64x128xf32, #tpu.memory_space<hbm>>
      %dma_wait3A_60 = arith.constant 0 : i32
      %dma_wait3A_61 = tpu.memref_slice %arg13[%add3A_51, %dma_wait3A_60] : memref<10240x128xf32, #tpu.memory_space<vmem_shared>> -> memref<64x128xf32, #tpu.memory_space<vmem_shared>>
      tpu.wait_dma2 semaphore(%run_scoped3A : memref<!tpu.dma_semaphore, #tpu.memory_space<semaphore_mem>>) src(%dma_wait3A_61 : memref<64x128xf32, #tpu.memory_space<vmem_shared>>) dst(%dma_wait3A_59 : memref<64x128xf32, #tpu.memory_space<hbm>>)
      tpu.yield
    }) : () -> ()
    %add3A_52 = arith.constant 576 : i32
    %add3A_53 = arith.addi %multiple_of3A, %add3A_52 : i32
    "tpu.region"() ({
      %run_scoped3A = tpu.sem_alloc : memref<!tpu.dma_semaphore, #tpu.memory_space<semaphore_mem>>
      %dma_start3A = arith.constant 0 : i32
      %dma_start3A_54 = tpu.memref_slice %arg7[%arg0, %add3A_53, %dma_start3A] : memref<2x10240x128xf32, #tpu.memory_space<hbm>> -> memref<1x64x128xf32, #tpu.memory_space<hbm>>
      %dma_start3A_55 = tpu.memref_squeeze %dma_start3A_54 : memref<1x64x128xf32, #tpu.memory_space<hbm>> -> memref<64x128xf32, #tpu.memory_space<hbm>>
      %dma_start3A_56 = arith.constant 0 : i32
      %dma_start3A_57 = tpu.memref_slice %arg13[%add3A_53, %dma_start3A_56] : memref<10240x128xf32, #tpu.memory_space<vmem_shared>> -> memref<64x128xf32, #tpu.memory_space<vmem_shared>>
      tpu.enqueue_dma source(%dma_start3A_57 : memref<64x128xf32, #tpu.memory_space<vmem_shared>>) target(%dma_start3A_55 : memref<64x128xf32, #tpu.memory_space<hbm>>) target_semaphore(%run_scoped3A : memref<!tpu.dma_semaphore, #tpu.memory_space<semaphore_mem>>)
      %dma_wait3A = arith.constant 0 : i32
      %dma_wait3A_58 = tpu.memref_slice %arg7[%arg0, %add3A_53, %dma_wait3A] : memref<2x10240x128xf32, #tpu.memory_space<hbm>> -> memref<1x64x128xf32, #tpu.memory_space<hbm>>
      %dma_wait3A_59 = tpu.memref_squeeze %dma_wait3A_58 : memref<1x64x128xf32, #tpu.memory_space<hbm>> -> memref<64x128xf32, #tpu.memory_space<hbm>>
      %dma_wait3A_60 = arith.constant 0 : i32
      %dma_wait3A_61 = tpu.memref_slice %arg13[%add3A_53, %dma_wait3A_60] : memref<10240x128xf32, #tpu.memory_space<vmem_shared>> -> memref<64x128xf32, #tpu.memory_space<vmem_shared>>
      tpu.wait_dma2 semaphore(%run_scoped3A : memref<!tpu.dma_semaphore, #tpu.memory_space<semaphore_mem>>) src(%dma_wait3A_61 : memref<64x128xf32, #tpu.memory_space<vmem_shared>>) dst(%dma_wait3A_59 : memref<64x128xf32, #tpu.memory_space<hbm>>)
      tpu.yield
    }) : () -> ()
    return
  }
}

#map = affine_map<(d0, d1) -> (0, 0, 0)>
module attributes {stable_mosaic.version = 14 : i64} {
  func.func @body(%arg0: i32, %arg1: i32, %arg2: memref<32x160x64xi32, #tpu.memory_space<hbm>>, %arg3: memref<2x10240x128xf32, #tpu.memory_space<hbm>>, %arg4: memref<8x64xi32, #tpu.memory_space<vmem>>, %arg5: memref<64x128xf32, #tpu.memory_space<vmem>>, %arg6: memref<10240x128xf32, #tpu.memory_space<vmem_shared>>, %arg7: memref<!tpu.dma_semaphore, #tpu.memory_space<semaphore_mem>>, %arg8: memref<!tpu.dma_semaphore, #tpu.memory_space<semaphore_mem>>) attributes {dimension_semantics = [#tpu.dimension_semantics<core_parallel>, #tpu.dimension_semantics<subcore_parallel>], iteration_bounds = array<i64: 2, 16>, scalar_prefetch = 0 : i64, scratch_operands = 5 : i64, tpu.core_type = #tpu.core_type<sc_vector_subcore>, window_params = [{transform_indices = #map}, {transform_indices = #map}]} {
    %mul3A = arith.constant 2 : i32
    %mul3A_0 = arith.muli %arg1, %mul3A : i32
    %add3A = arith.addi %mul3A_0, %arg0 : i32
    %broadcast_in_dim3A = arith.constant 0.000000e+00 : f32
    %broadcast_in_dim3A_1 = vector.broadcast %broadcast_in_dim3A : f32 to vector<16xf32>
    %scan3A = arith.constant 0 : i32
    %scan3A_2 = arith.constant 0 : i32
    %scan3A_3 = arith.constant 64 : i32
    %scan3A_4 = arith.addi %scan3A_2, %scan3A_3 : i32
    %scan3A_5 = arith.constant 1 : i32
    scf.for %scan3A_64 = %scan3A_2 to %scan3A_4 step %scan3A_5  : i32 {
      %swap3A = arith.index_cast %scan3A_64 : i32 to index
      %swap3A_65 = arith.constant 0 : index
      %swap3A_66 = tpu.vector_load %arg5[%swap3A, %swap3A_65] {strides = array<i32>} : memref<64x128xf32, #tpu.memory_space<vmem>>, vector<1x16xf32>,
      %swap3A_67 = vector.shape_cast %swap3A_66 : vector<1x16xf32> to vector<16xf32>
      %swap3A_68 = vector.shape_cast %broadcast_in_dim3A_1 : vector<16xf32> to vector<1x16xf32>
      tpu.vector_store %arg5[%swap3A, %swap3A_65], %swap3A_68 {strides = array<i32>} : memref<64x128xf32, #tpu.memory_space<vmem>>, vector<1x16xf32>,
      %swap3A_69 = arith.index_cast %scan3A_64 : i32 to index
      %swap3A_70 = arith.constant 16 : index
      %swap3A_71 = tpu.vector_load %arg5[%swap3A_69, %swap3A_70] {strides = array<i32>} : memref<64x128xf32, #tpu.memory_space<vmem>>, vector<1x16xf32>,
      %swap3A_72 = vector.shape_cast %swap3A_71 : vector<1x16xf32> to vector<16xf32>
      %swap3A_73 = vector.shape_cast %broadcast_in_dim3A_1 : vector<16xf32> to vector<1x16xf32>
      tpu.vector_store %arg5[%swap3A_69, %swap3A_70], %swap3A_73 {strides = array<i32>} : memref<64x128xf32, #tpu.memory_space<vmem>>, vector<1x16xf32>,
      %swap3A_74 = arith.index_cast %scan3A_64 : i32 to index
      %swap3A_75 = arith.constant 32 : index
      %swap3A_76 = tpu.vector_load %arg5[%swap3A_74, %swap3A_75] {strides = array<i32>} : memref<64x128xf32, #tpu.memory_space<vmem>>, vector<1x16xf32>,
      %swap3A_77 = vector.shape_cast %swap3A_76 : vector<1x16xf32> to vector<16xf32>
      %swap3A_78 = vector.shape_cast %broadcast_in_dim3A_1 : vector<16xf32> to vector<1x16xf32>
      tpu.vector_store %arg5[%swap3A_74, %swap3A_75], %swap3A_78 {strides = array<i32>} : memref<64x128xf32, #tpu.memory_space<vmem>>, vector<1x16xf32>,
      %swap3A_79 = arith.index_cast %scan3A_64 : i32 to index
      %swap3A_80 = arith.constant 48 : index
      %swap3A_81 = tpu.vector_load %arg5[%swap3A_79, %swap3A_80] {strides = array<i32>} : memref<64x128xf32, #tpu.memory_space<vmem>>, vector<1x16xf32>,
      %swap3A_82 = vector.shape_cast %swap3A_81 : vector<1x16xf32> to vector<16xf32>
      %swap3A_83 = vector.shape_cast %broadcast_in_dim3A_1 : vector<16xf32> to vector<1x16xf32>
      tpu.vector_store %arg5[%swap3A_79, %swap3A_80], %swap3A_83 {strides = array<i32>} : memref<64x128xf32, #tpu.memory_space<vmem>>, vector<1x16xf32>,
      %swap3A_84 = arith.index_cast %scan3A_64 : i32 to index
      %swap3A_85 = arith.constant 64 : index
      %swap3A_86 = tpu.vector_load %arg5[%swap3A_84, %swap3A_85] {strides = array<i32>} : memref<64x128xf32, #tpu.memory_space<vmem>>, vector<1x16xf32>,
      %swap3A_87 = vector.shape_cast %swap3A_86 : vector<1x16xf32> to vector<16xf32>
      %swap3A_88 = vector.shape_cast %broadcast_in_dim3A_1 : vector<16xf32> to vector<1x16xf32>
      tpu.vector_store %arg5[%swap3A_84, %swap3A_85], %swap3A_88 {strides = array<i32>} : memref<64x128xf32, #tpu.memory_space<vmem>>, vector<1x16xf32>,
      %swap3A_89 = arith.index_cast %scan3A_64 : i32 to index
      %swap3A_90 = arith.constant 80 : index
      %swap3A_91 = tpu.vector_load %arg5[%swap3A_89, %swap3A_90] {strides = array<i32>} : memref<64x128xf32, #tpu.memory_space<vmem>>, vector<1x16xf32>,
      %swap3A_92 = vector.shape_cast %swap3A_91 : vector<1x16xf32> to vector<16xf32>
      %swap3A_93 = vector.shape_cast %broadcast_in_dim3A_1 : vector<16xf32> to vector<1x16xf32>
      tpu.vector_store %arg5[%swap3A_89, %swap3A_90], %swap3A_93 {strides = array<i32>} : memref<64x128xf32, #tpu.memory_space<vmem>>, vector<1x16xf32>,
      %swap3A_94 = arith.index_cast %scan3A_64 : i32 to index
      %swap3A_95 = arith.constant 96 : index
      %swap3A_96 = tpu.vector_load %arg5[%swap3A_94, %swap3A_95] {strides = array<i32>} : memref<64x128xf32, #tpu.memory_space<vmem>>, vector<1x16xf32>,
      %swap3A_97 = vector.shape_cast %swap3A_96 : vector<1x16xf32> to vector<16xf32>
      %swap3A_98 = vector.shape_cast %broadcast_in_dim3A_1 : vector<16xf32> to vector<1x16xf32>
      tpu.vector_store %arg5[%swap3A_94, %swap3A_95], %swap3A_98 {strides = array<i32>} : memref<64x128xf32, #tpu.memory_space<vmem>>, vector<1x16xf32>,
      %swap3A_99 = arith.index_cast %scan3A_64 : i32 to index
      %swap3A_100 = arith.constant 112 : index
      %swap3A_101 = tpu.vector_load %arg5[%swap3A_99, %swap3A_100] {strides = array<i32>} : memref<64x128xf32, #tpu.memory_space<vmem>>, vector<1x16xf32>,
      %swap3A_102 = vector.shape_cast %swap3A_101 : vector<1x16xf32> to vector<16xf32>
      %swap3A_103 = vector.shape_cast %broadcast_in_dim3A_1 : vector<16xf32> to vector<1x16xf32>
      tpu.vector_store %arg5[%swap3A_99, %swap3A_100], %swap3A_103 {strides = array<i32>} : memref<64x128xf32, #tpu.memory_space<vmem>>, vector<1x16xf32>,
    }
    %scan3A_6 = arith.constant 64 : i32
    %mul3A_7 = arith.constant 640 : i32
    %mul3A_8 = arith.muli %arg1, %mul3A_7 : i32
    %multiple_of3A = tpu.assume_multiple %mul3A_8, 64 : i32
    %add3A_9 = arith.constant 0 : i32
    %add3A_10 = arith.addi %multiple_of3A, %add3A_9 : i32
    "tpu.region"() ({
      %run_scoped3A = tpu.sem_alloc : memref<!tpu.dma_semaphore, #tpu.memory_space<semaphore_mem>>
      %dma_start3A = arith.constant 0 : i32
      %dma_start3A_64 = tpu.memref_slice %arg6[%add3A_10, %dma_start3A] : memref<10240x128xf32, #tpu.memory_space<vmem_shared>> -> memref<64x128xf32, #tpu.memory_space<vmem_shared>>
      %dma_start3A_65 = arith.constant 0 : i32
      %dma_start3A_66 = tpu.memref_slice %arg6[%add3A_10, %dma_start3A_65] : memref<10240x128xf32, #tpu.memory_space<vmem_shared>> -> memref<64x128xf32, #tpu.memory_space<vmem_shared>>
      tpu.enqueue_dma source(%arg5 : memref<64x128xf32, #tpu.memory_space<vmem>>) target(%dma_start3A_66 : memref<64x128xf32, #tpu.memory_space<vmem_shared>>) target_semaphore(%run_scoped3A : memref<!tpu.dma_semaphore, #tpu.memory_space<semaphore_mem>>)
      %dma_wait3A = arith.constant 0 : i32
      %dma_wait3A_67 = tpu.memref_slice %arg6[%add3A_10, %dma_wait3A] : memref<10240x128xf32, #tpu.memory_space<vmem_shared>> -> memref<64x128xf32, #tpu.memory_space<vmem_shared>>
      %dma_wait3A_68 = arith.constant 0 : i32
      %dma_wait3A_69 = tpu.memref_slice %arg6[%add3A_10, %dma_wait3A_68] : memref<10240x128xf32, #tpu.memory_space<vmem_shared>> -> memref<64x128xf32, #tpu.memory_space<vmem_shared>>
      tpu.wait_dma2 semaphore(%run_scoped3A : memref<!tpu.dma_semaphore, #tpu.memory_space<semaphore_mem>>) src(%arg5 : memref<64x128xf32, #tpu.memory_space<vmem>>) dst(%dma_wait3A_69 : memref<64x128xf32, #tpu.memory_space<vmem_shared>>)
      tpu.yield
    }) : () -> ()
    %add3A_11 = arith.constant 64 : i32
    %add3A_12 = arith.addi %multiple_of3A, %add3A_11 : i32
    "tpu.region"() ({
      %run_scoped3A = tpu.sem_alloc : memref<!tpu.dma_semaphore, #tpu.memory_space<semaphore_mem>>
      %dma_start3A = arith.constant 0 : i32
      %dma_start3A_64 = tpu.memref_slice %arg6[%add3A_12, %dma_start3A] : memref<10240x128xf32, #tpu.memory_space<vmem_shared>> -> memref<64x128xf32, #tpu.memory_space<vmem_shared>>
      %dma_start3A_65 = arith.constant 0 : i32
      %dma_start3A_66 = tpu.memref_slice %arg6[%add3A_12, %dma_start3A_65] : memref<10240x128xf32, #tpu.memory_space<vmem_shared>> -> memref<64x128xf32, #tpu.memory_space<vmem_shared>>
      tpu.enqueue_dma source(%arg5 : memref<64x128xf32, #tpu.memory_space<vmem>>) target(%dma_start3A_66 : memref<64x128xf32, #tpu.memory_space<vmem_shared>>) target_semaphore(%run_scoped3A : memref<!tpu.dma_semaphore, #tpu.memory_space<semaphore_mem>>)
      %dma_wait3A = arith.constant 0 : i32
      %dma_wait3A_67 = tpu.memref_slice %arg6[%add3A_12, %dma_wait3A] : memref<10240x128xf32, #tpu.memory_space<vmem_shared>> -> memref<64x128xf32, #tpu.memory_space<vmem_shared>>
      %dma_wait3A_68 = arith.constant 0 : i32
      %dma_wait3A_69 = tpu.memref_slice %arg6[%add3A_12, %dma_wait3A_68] : memref<10240x128xf32, #tpu.memory_space<vmem_shared>> -> memref<64x128xf32, #tpu.memory_space<vmem_shared>>
      tpu.wait_dma2 semaphore(%run_scoped3A : memref<!tpu.dma_semaphore, #tpu.memory_space<semaphore_mem>>) src(%arg5 : memref<64x128xf32, #tpu.memory_space<vmem>>) dst(%dma_wait3A_69 : memref<64x128xf32, #tpu.memory_space<vmem_shared>>)
      tpu.yield
    }) : () -> ()
    %add3A_13 = arith.constant 128 : i32
    %add3A_14 = arith.addi %multiple_of3A, %add3A_13 : i32
    "tpu.region"() ({
      %run_scoped3A = tpu.sem_alloc : memref<!tpu.dma_semaphore, #tpu.memory_space<semaphore_mem>>
      %dma_start3A = arith.constant 0 : i32
      %dma_start3A_64 = tpu.memref_slice %arg6[%add3A_14, %dma_start3A] : memref<10240x128xf32, #tpu.memory_space<vmem_shared>> -> memref<64x128xf32, #tpu.memory_space<vmem_shared>>
      %dma_start3A_65 = arith.constant 0 : i32
      %dma_start3A_66 = tpu.memref_slice %arg6[%add3A_14, %dma_start3A_65] : memref<10240x128xf32, #tpu.memory_space<vmem_shared>> -> memref<64x128xf32, #tpu.memory_space<vmem_shared>>
      tpu.enqueue_dma source(%arg5 : memref<64x128xf32, #tpu.memory_space<vmem>>) target(%dma_start3A_66 : memref<64x128xf32, #tpu.memory_space<vmem_shared>>) target_semaphore(%run_scoped3A : memref<!tpu.dma_semaphore, #tpu.memory_space<semaphore_mem>>)
      %dma_wait3A = arith.constant 0 : i32
      %dma_wait3A_67 = tpu.memref_slice %arg6[%add3A_14, %dma_wait3A] : memref<10240x128xf32, #tpu.memory_space<vmem_shared>> -> memref<64x128xf32, #tpu.memory_space<vmem_shared>>
      %dma_wait3A_68 = arith.constant 0 : i32
      %dma_wait3A_69 = tpu.memref_slice %arg6[%add3A_14, %dma_wait3A_68] : memref<10240x128xf32, #tpu.memory_space<vmem_shared>> -> memref<64x128xf32, #tpu.memory_space<vmem_shared>>
      tpu.wait_dma2 semaphore(%run_scoped3A : memref<!tpu.dma_semaphore, #tpu.memory_space<semaphore_mem>>) src(%arg5 : memref<64x128xf32, #tpu.memory_space<vmem>>) dst(%dma_wait3A_69 : memref<64x128xf32, #tpu.memory_space<vmem_shared>>)
      tpu.yield
    }) : () -> ()
    %add3A_15 = arith.constant 192 : i32
    %add3A_16 = arith.addi %multiple_of3A, %add3A_15 : i32
    "tpu.region"() ({
      %run_scoped3A = tpu.sem_alloc : memref<!tpu.dma_semaphore, #tpu.memory_space<semaphore_mem>>
      %dma_start3A = arith.constant 0 : i32
      %dma_start3A_64 = tpu.memref_slice %arg6[%add3A_16, %dma_start3A] : memref<10240x128xf32, #tpu.memory_space<vmem_shared>> -> memref<64x128xf32, #tpu.memory_space<vmem_shared>>
      %dma_start3A_65 = arith.constant 0 : i32
      %dma_start3A_66 = tpu.memref_slice %arg6[%add3A_16, %dma_start3A_65] : memref<10240x128xf32, #tpu.memory_space<vmem_shared>> -> memref<64x128xf32, #tpu.memory_space<vmem_shared>>
      tpu.enqueue_dma source(%arg5 : memref<64x128xf32, #tpu.memory_space<vmem>>) target(%dma_start3A_66 : memref<64x128xf32, #tpu.memory_space<vmem_shared>>) target_semaphore(%run_scoped3A : memref<!tpu.dma_semaphore, #tpu.memory_space<semaphore_mem>>)
      %dma_wait3A = arith.constant 0 : i32
      %dma_wait3A_67 = tpu.memref_slice %arg6[%add3A_16, %dma_wait3A] : memref<10240x128xf32, #tpu.memory_space<vmem_shared>> -> memref<64x128xf32, #tpu.memory_space<vmem_shared>>
      %dma_wait3A_68 = arith.constant 0 : i32
      %dma_wait3A_69 = tpu.memref_slice %arg6[%add3A_16, %dma_wait3A_68] : memref<10240x128xf32, #tpu.memory_space<vmem_shared>> -> memref<64x128xf32, #tpu.memory_space<vmem_shared>>
      tpu.wait_dma2 semaphore(%run_scoped3A : memref<!tpu.dma_semaphore, #tpu.memory_space<semaphore_mem>>) src(%arg5 : memref<64x128xf32, #tpu.memory_space<vmem>>) dst(%dma_wait3A_69 : memref<64x128xf32, #tpu.memory_space<vmem_shared>>)
      tpu.yield
    }) : () -> ()
    %add3A_17 = arith.constant 256 : i32
    %add3A_18 = arith.addi %multiple_of3A, %add3A_17 : i32
    "tpu.region"() ({
      %run_scoped3A = tpu.sem_alloc : memref<!tpu.dma_semaphore, #tpu.memory_space<semaphore_mem>>
      %dma_start3A = arith.constant 0 : i32
      %dma_start3A_64 = tpu.memref_slice %arg6[%add3A_18, %dma_start3A] : memref<10240x128xf32, #tpu.memory_space<vmem_shared>> -> memref<64x128xf32, #tpu.memory_space<vmem_shared>>
      %dma_start3A_65 = arith.constant 0 : i32
      %dma_start3A_66 = tpu.memref_slice %arg6[%add3A_18, %dma_start3A_65] : memref<10240x128xf32, #tpu.memory_space<vmem_shared>> -> memref<64x128xf32, #tpu.memory_space<vmem_shared>>
      tpu.enqueue_dma source(%arg5 : memref<64x128xf32, #tpu.memory_space<vmem>>) target(%dma_start3A_66 : memref<64x128xf32, #tpu.memory_space<vmem_shared>>) target_semaphore(%run_scoped3A : memref<!tpu.dma_semaphore, #tpu.memory_space<semaphore_mem>>)
      %dma_wait3A = arith.constant 0 : i32
      %dma_wait3A_67 = tpu.memref_slice %arg6[%add3A_18, %dma_wait3A] : memref<10240x128xf32, #tpu.memory_space<vmem_shared>> -> memref<64x128xf32, #tpu.memory_space<vmem_shared>>
      %dma_wait3A_68 = arith.constant 0 : i32
      %dma_wait3A_69 = tpu.memref_slice %arg6[%add3A_18, %dma_wait3A_68] : memref<10240x128xf32, #tpu.memory_space<vmem_shared>> -> memref<64x128xf32, #tpu.memory_space<vmem_shared>>
      tpu.wait_dma2 semaphore(%run_scoped3A : memref<!tpu.dma_semaphore, #tpu.memory_space<semaphore_mem>>) src(%arg5 : memref<64x128xf32, #tpu.memory_space<vmem>>) dst(%dma_wait3A_69 : memref<64x128xf32, #tpu.memory_space<vmem_shared>>)
      tpu.yield
    }) : () -> ()
    %add3A_19 = arith.constant 320 : i32
    %add3A_20 = arith.addi %multiple_of3A, %add3A_19 : i32
    "tpu.region"() ({
      %run_scoped3A = tpu.sem_alloc : memref<!tpu.dma_semaphore, #tpu.memory_space<semaphore_mem>>
      %dma_start3A = arith.constant 0 : i32
      %dma_start3A_64 = tpu.memref_slice %arg6[%add3A_20, %dma_start3A] : memref<10240x128xf32, #tpu.memory_space<vmem_shared>> -> memref<64x128xf32, #tpu.memory_space<vmem_shared>>
      %dma_start3A_65 = arith.constant 0 : i32
      %dma_start3A_66 = tpu.memref_slice %arg6[%add3A_20, %dma_start3A_65] : memref<10240x128xf32, #tpu.memory_space<vmem_shared>> -> memref<64x128xf32, #tpu.memory_space<vmem_shared>>
      tpu.enqueue_dma source(%arg5 : memref<64x128xf32, #tpu.memory_space<vmem>>) target(%dma_start3A_66 : memref<64x128xf32, #tpu.memory_space<vmem_shared>>) target_semaphore(%run_scoped3A : memref<!tpu.dma_semaphore, #tpu.memory_space<semaphore_mem>>)
      %dma_wait3A = arith.constant 0 : i32
      %dma_wait3A_67 = tpu.memref_slice %arg6[%add3A_20, %dma_wait3A] : memref<10240x128xf32, #tpu.memory_space<vmem_shared>> -> memref<64x128xf32, #tpu.memory_space<vmem_shared>>
      %dma_wait3A_68 = arith.constant 0 : i32
      %dma_wait3A_69 = tpu.memref_slice %arg6[%add3A_20, %dma_wait3A_68] : memref<10240x128xf32, #tpu.memory_space<vmem_shared>> -> memref<64x128xf32, #tpu.memory_space<vmem_shared>>
      tpu.wait_dma2 semaphore(%run_scoped3A : memref<!tpu.dma_semaphore, #tpu.memory_space<semaphore_mem>>) src(%arg5 : memref<64x128xf32, #tpu.memory_space<vmem>>) dst(%dma_wait3A_69 : memref<64x128xf32, #tpu.memory_space<vmem_shared>>)
      tpu.yield
    }) : () -> ()
    %add3A_21 = arith.constant 384 : i32
    %add3A_22 = arith.addi %multiple_of3A, %add3A_21 : i32
    "tpu.region"() ({
      %run_scoped3A = tpu.sem_alloc : memref<!tpu.dma_semaphore, #tpu.memory_space<semaphore_mem>>
      %dma_start3A = arith.constant 0 : i32
      %dma_start3A_64 = tpu.memref_slice %arg6[%add3A_22, %dma_start3A] : memref<10240x128xf32, #tpu.memory_space<vmem_shared>> -> memref<64x128xf32, #tpu.memory_space<vmem_shared>>
      %dma_start3A_65 = arith.constant 0 : i32
      %dma_start3A_66 = tpu.memref_slice %arg6[%add3A_22, %dma_start3A_65] : memref<10240x128xf32, #tpu.memory_space<vmem_shared>> -> memref<64x128xf32, #tpu.memory_space<vmem_shared>>
      tpu.enqueue_dma source(%arg5 : memref<64x128xf32, #tpu.memory_space<vmem>>) target(%dma_start3A_66 : memref<64x128xf32, #tpu.memory_space<vmem_shared>>) target_semaphore(%run_scoped3A : memref<!tpu.dma_semaphore, #tpu.memory_space<semaphore_mem>>)
      %dma_wait3A = arith.constant 0 : i32
      %dma_wait3A_67 = tpu.memref_slice %arg6[%add3A_22, %dma_wait3A] : memref<10240x128xf32, #tpu.memory_space<vmem_shared>> -> memref<64x128xf32, #tpu.memory_space<vmem_shared>>
      %dma_wait3A_68 = arith.constant 0 : i32
      %dma_wait3A_69 = tpu.memref_slice %arg6[%add3A_22, %dma_wait3A_68] : memref<10240x128xf32, #tpu.memory_space<vmem_shared>> -> memref<64x128xf32, #tpu.memory_space<vmem_shared>>
      tpu.wait_dma2 semaphore(%run_scoped3A : memref<!tpu.dma_semaphore, #tpu.memory_space<semaphore_mem>>) src(%arg5 : memref<64x128xf32, #tpu.memory_space<vmem>>) dst(%dma_wait3A_69 : memref<64x128xf32, #tpu.memory_space<vmem_shared>>)
      tpu.yield
    }) : () -> ()
    %add3A_23 = arith.constant 448 : i32
    %add3A_24 = arith.addi %multiple_of3A, %add3A_23 : i32
    "tpu.region"() ({
      %run_scoped3A = tpu.sem_alloc : memref<!tpu.dma_semaphore, #tpu.memory_space<semaphore_mem>>
      %dma_start3A = arith.constant 0 : i32
      %dma_start3A_64 = tpu.memref_slice %arg6[%add3A_24, %dma_start3A] : memref<10240x128xf32, #tpu.memory_space<vmem_shared>> -> memref<64x128xf32, #tpu.memory_space<vmem_shared>>
      %dma_start3A_65 = arith.constant 0 : i32
      %dma_start3A_66 = tpu.memref_slice %arg6[%add3A_24, %dma_start3A_65] : memref<10240x128xf32, #tpu.memory_space<vmem_shared>> -> memref<64x128xf32, #tpu.memory_space<vmem_shared>>
      tpu.enqueue_dma source(%arg5 : memref<64x128xf32, #tpu.memory_space<vmem>>) target(%dma_start3A_66 : memref<64x128xf32, #tpu.memory_space<vmem_shared>>) target_semaphore(%run_scoped3A : memref<!tpu.dma_semaphore, #tpu.memory_space<semaphore_mem>>)
      %dma_wait3A = arith.constant 0 : i32
      %dma_wait3A_67 = tpu.memref_slice %arg6[%add3A_24, %dma_wait3A] : memref<10240x128xf32, #tpu.memory_space<vmem_shared>> -> memref<64x128xf32, #tpu.memory_space<vmem_shared>>
      %dma_wait3A_68 = arith.constant 0 : i32
      %dma_wait3A_69 = tpu.memref_slice %arg6[%add3A_24, %dma_wait3A_68] : memref<10240x128xf32, #tpu.memory_space<vmem_shared>> -> memref<64x128xf32, #tpu.memory_space<vmem_shared>>
      tpu.wait_dma2 semaphore(%run_scoped3A : memref<!tpu.dma_semaphore, #tpu.memory_space<semaphore_mem>>) src(%arg5 : memref<64x128xf32, #tpu.memory_space<vmem>>) dst(%dma_wait3A_69 : memref<64x128xf32, #tpu.memory_space<vmem_shared>>)
      tpu.yield
    }) : () -> ()
    %add3A_25 = arith.constant 512 : i32
    %add3A_26 = arith.addi %multiple_of3A, %add3A_25 : i32
    "tpu.region"() ({
      %run_scoped3A = tpu.sem_alloc : memref<!tpu.dma_semaphore, #tpu.memory_space<semaphore_mem>>
      %dma_start3A = arith.constant 0 : i32
      %dma_start3A_64 = tpu.memref_slice %arg6[%add3A_26, %dma_start3A] : memref<10240x128xf32, #tpu.memory_space<vmem_shared>> -> memref<64x128xf32, #tpu.memory_space<vmem_shared>>
      %dma_start3A_65 = arith.constant 0 : i32
      %dma_start3A_66 = tpu.memref_slice %arg6[%add3A_26, %dma_start3A_65] : memref<10240x128xf32, #tpu.memory_space<vmem_shared>> -> memref<64x128xf32, #tpu.memory_space<vmem_shared>>
      tpu.enqueue_dma source(%arg5 : memref<64x128xf32, #tpu.memory_space<vmem>>) target(%dma_start3A_66 : memref<64x128xf32, #tpu.memory_space<vmem_shared>>) target_semaphore(%run_scoped3A : memref<!tpu.dma_semaphore, #tpu.memory_space<semaphore_mem>>)
      %dma_wait3A = arith.constant 0 : i32
      %dma_wait3A_67 = tpu.memref_slice %arg6[%add3A_26, %dma_wait3A] : memref<10240x128xf32, #tpu.memory_space<vmem_shared>> -> memref<64x128xf32, #tpu.memory_space<vmem_shared>>
      %dma_wait3A_68 = arith.constant 0 : i32
      %dma_wait3A_69 = tpu.memref_slice %arg6[%add3A_26, %dma_wait3A_68] : memref<10240x128xf32, #tpu.memory_space<vmem_shared>> -> memref<64x128xf32, #tpu.memory_space<vmem_shared>>
      tpu.wait_dma2 semaphore(%run_scoped3A : memref<!tpu.dma_semaphore, #tpu.memory_space<semaphore_mem>>) src(%arg5 : memref<64x128xf32, #tpu.memory_space<vmem>>) dst(%dma_wait3A_69 : memref<64x128xf32, #tpu.memory_space<vmem_shared>>)
      tpu.yield
    }) : () -> ()
    %add3A_27 = arith.constant 576 : i32
    %add3A_28 = arith.addi %multiple_of3A, %add3A_27 : i32
    "tpu.region"() ({
      %run_scoped3A = tpu.sem_alloc : memref<!tpu.dma_semaphore, #tpu.memory_space<semaphore_mem>>
      %dma_start3A = arith.constant 0 : i32
      %dma_start3A_64 = tpu.memref_slice %arg6[%add3A_28, %dma_start3A] : memref<10240x128xf32, #tpu.memory_space<vmem_shared>> -> memref<64x128xf32, #tpu.memory_space<vmem_shared>>
      %dma_start3A_65 = arith.constant 0 : i32
      %dma_start3A_66 = tpu.memref_slice %arg6[%add3A_28, %dma_start3A_65] : memref<10240x128xf32, #tpu.memory_space<vmem_shared>> -> memref<64x128xf32, #tpu.memory_space<vmem_shared>>
      tpu.enqueue_dma source(%arg5 : memref<64x128xf32, #tpu.memory_space<vmem>>) target(%dma_start3A_66 : memref<64x128xf32, #tpu.memory_space<vmem_shared>>) target_semaphore(%run_scoped3A : memref<!tpu.dma_semaphore, #tpu.memory_space<semaphore_mem>>)
      %dma_wait3A = arith.constant 0 : i32
      %dma_wait3A_67 = tpu.memref_slice %arg6[%add3A_28, %dma_wait3A] : memref<10240x128xf32, #tpu.memory_space<vmem_shared>> -> memref<64x128xf32, #tpu.memory_space<vmem_shared>>
      %dma_wait3A_68 = arith.constant 0 : i32
      %dma_wait3A_69 = tpu.memref_slice %arg6[%add3A_28, %dma_wait3A_68] : memref<10240x128xf32, #tpu.memory_space<vmem_shared>> -> memref<64x128xf32, #tpu.memory_space<vmem_shared>>
      tpu.wait_dma2 semaphore(%run_scoped3A : memref<!tpu.dma_semaphore, #tpu.memory_space<semaphore_mem>>) src(%arg5 : memref<64x128xf32, #tpu.memory_space<vmem>>) dst(%dma_wait3A_69 : memref<64x128xf32, #tpu.memory_space<vmem_shared>>)
      tpu.yield
    }) : () -> ()
    %broadcast_in_dim3A_29 = arith.constant 1.000000e+00 : f32
    %broadcast_in_dim3A_30 = vector.broadcast %broadcast_in_dim3A_29 : f32 to vector<16xf32>
    %scan3A_31 = arith.constant 0 : i32
    %scan3A_32 = arith.constant 0 : i32
    %scan3A_33 = arith.constant 64 : i32
    %scan3A_34 = arith.addi %scan3A_32, %scan3A_33 : i32
    %scan3A_35 = arith.constant 1 : i32
    scf.for %scan3A_64 = %scan3A_32 to %scan3A_34 step %scan3A_35  : i32 {
      %swap3A = arith.index_cast %scan3A_64 : i32 to index
      %swap3A_65 = arith.constant 0 : index
      %swap3A_66 = tpu.vector_load %arg5[%swap3A, %swap3A_65] {strides = array<i32>} : memref<64x128xf32, #tpu.memory_space<vmem>>, vector<1x16xf32>,
      %swap3A_67 = vector.shape_cast %swap3A_66 : vector<1x16xf32> to vector<16xf32>
      %swap3A_68 = vector.shape_cast %broadcast_in_dim3A_30 : vector<16xf32> to vector<1x16xf32>
      tpu.vector_store %arg5[%swap3A, %swap3A_65], %swap3A_68 {strides = array<i32>} : memref<64x128xf32, #tpu.memory_space<vmem>>, vector<1x16xf32>,
      %swap3A_69 = arith.index_cast %scan3A_64 : i32 to index
      %swap3A_70 = arith.constant 16 : index
      %swap3A_71 = tpu.vector_load %arg5[%swap3A_69, %swap3A_70] {strides = array<i32>} : memref<64x128xf32, #tpu.memory_space<vmem>>, vector<1x16xf32>,
      %swap3A_72 = vector.shape_cast %swap3A_71 : vector<1x16xf32> to vector<16xf32>
      %swap3A_73 = vector.shape_cast %broadcast_in_dim3A_30 : vector<16xf32> to vector<1x16xf32>
      tpu.vector_store %arg5[%swap3A_69, %swap3A_70], %swap3A_73 {strides = array<i32>} : memref<64x128xf32, #tpu.memory_space<vmem>>, vector<1x16xf32>,
      %swap3A_74 = arith.index_cast %scan3A_64 : i32 to index
      %swap3A_75 = arith.constant 32 : index
      %swap3A_76 = tpu.vector_load %arg5[%swap3A_74, %swap3A_75] {strides = array<i32>} : memref<64x128xf32, #tpu.memory_space<vmem>>, vector<1x16xf32>,
      %swap3A_77 = vector.shape_cast %swap3A_76 : vector<1x16xf32> to vector<16xf32>
      %swap3A_78 = vector.shape_cast %broadcast_in_dim3A_30 : vector<16xf32> to vector<1x16xf32>
      tpu.vector_store %arg5[%swap3A_74, %swap3A_75], %swap3A_78 {strides = array<i32>} : memref<64x128xf32, #tpu.memory_space<vmem>>, vector<1x16xf32>,
      %swap3A_79 = arith.index_cast %scan3A_64 : i32 to index
      %swap3A_80 = arith.constant 48 : index
      %swap3A_81 = tpu.vector_load %arg5[%swap3A_79, %swap3A_80] {strides = array<i32>} : memref<64x128xf32, #tpu.memory_space<vmem>>, vector<1x16xf32>,
      %swap3A_82 = vector.shape_cast %swap3A_81 : vector<1x16xf32> to vector<16xf32>
      %swap3A_83 = vector.shape_cast %broadcast_in_dim3A_30 : vector<16xf32> to vector<1x16xf32>
      tpu.vector_store %arg5[%swap3A_79, %swap3A_80], %swap3A_83 {strides = array<i32>} : memref<64x128xf32, #tpu.memory_space<vmem>>, vector<1x16xf32>,
      %swap3A_84 = arith.index_cast %scan3A_64 : i32 to index
      %swap3A_85 = arith.constant 64 : index
      %swap3A_86 = tpu.vector_load %arg5[%swap3A_84, %swap3A_85] {strides = array<i32>} : memref<64x128xf32, #tpu.memory_space<vmem>>, vector<1x16xf32>,
      %swap3A_87 = vector.shape_cast %swap3A_86 : vector<1x16xf32> to vector<16xf32>
      %swap3A_88 = vector.shape_cast %broadcast_in_dim3A_30 : vector<16xf32> to vector<1x16xf32>
      tpu.vector_store %arg5[%swap3A_84, %swap3A_85], %swap3A_88 {strides = array<i32>} : memref<64x128xf32, #tpu.memory_space<vmem>>, vector<1x16xf32>,
      %swap3A_89 = arith.index_cast %scan3A_64 : i32 to index
      %swap3A_90 = arith.constant 80 : index
      %swap3A_91 = tpu.vector_load %arg5[%swap3A_89, %swap3A_90] {strides = array<i32>} : memref<64x128xf32, #tpu.memory_space<vmem>>, vector<1x16xf32>,
      %swap3A_92 = vector.shape_cast %swap3A_91 : vector<1x16xf32> to vector<16xf32>
      %swap3A_93 = vector.shape_cast %broadcast_in_dim3A_30 : vector<16xf32> to vector<1x16xf32>
      tpu.vector_store %arg5[%swap3A_89, %swap3A_90], %swap3A_93 {strides = array<i32>} : memref<64x128xf32, #tpu.memory_space<vmem>>, vector<1x16xf32>,
      %swap3A_94 = arith.index_cast %scan3A_64 : i32 to index
      %swap3A_95 = arith.constant 96 : index
      %swap3A_96 = tpu.vector_load %arg5[%swap3A_94, %swap3A_95] {strides = array<i32>} : memref<64x128xf32, #tpu.memory_space<vmem>>, vector<1x16xf32>,
      %swap3A_97 = vector.shape_cast %swap3A_96 : vector<1x16xf32> to vector<16xf32>
      %swap3A_98 = vector.shape_cast %broadcast_in_dim3A_30 : vector<16xf32> to vector<1x16xf32>
      tpu.vector_store %arg5[%swap3A_94, %swap3A_95], %swap3A_98 {strides = array<i32>} : memref<64x128xf32, #tpu.memory_space<vmem>>, vector<1x16xf32>,
      %swap3A_99 = arith.index_cast %scan3A_64 : i32 to index
      %swap3A_100 = arith.constant 112 : index
      %swap3A_101 = tpu.vector_load %arg5[%swap3A_99, %swap3A_100] {strides = array<i32>} : memref<64x128xf32, #tpu.memory_space<vmem>>, vector<1x16xf32>,
      %swap3A_102 = vector.shape_cast %swap3A_101 : vector<1x16xf32> to vector<16xf32>
      %swap3A_103 = vector.shape_cast %broadcast_in_dim3A_30 : vector<16xf32> to vector<1x16xf32>
      tpu.vector_store %arg5[%swap3A_99, %swap3A_100], %swap3A_103 {strides = array<i32>} : memref<64x128xf32, #tpu.memory_space<vmem>>, vector<1x16xf32>,
    }
    %scan3A_36 = arith.constant 64 : i32
    %barrier3A = arith.constant 0 : index
    tpu.barrier barrier_id(%barrier3A)
    %scan3A_37 = arith.constant 0 : i32
    %scan3A_38 = arith.constant 0 : i32
    %scan3A_39 = arith.constant 20 : i32
    %scan3A_40 = arith.addi %scan3A_38, %scan3A_39 : i32
    %scan3A_41 = arith.constant 1 : i32
    scf.for %scan3A_64 = %scan3A_38 to %scan3A_40 step %scan3A_41  : i32 {
      %mul3A_65 = arith.constant 8 : i32
      %mul3A_66 = arith.muli %scan3A_64, %mul3A_65 : i32
      "tpu.region"() ({
        %run_scoped3A = tpu.sem_alloc : memref<!tpu.dma_semaphore, #tpu.memory_space<semaphore_mem>>
        %dma_start3A_177 = arith.constant 0 : i32
        %dma_start3A_178 = tpu.memref_slice %arg2[%add3A, %mul3A_66, %dma_start3A_177] : memref<32x160x64xi32, #tpu.memory_space<hbm>> -> memref<1x8x64xi32, #tpu.memory_space<hbm>>
        %dma_start3A_179 = tpu.memref_squeeze %dma_start3A_178 : memref<1x8x64xi32, #tpu.memory_space<hbm>> -> memref<8x64xi32, #tpu.memory_space<hbm>>
        %dma_start3A_180 = arith.constant 0 : i32
        %dma_start3A_181 = tpu.memref_slice %arg2[%add3A, %mul3A_66, %dma_start3A_180] : memref<32x160x64xi32, #tpu.memory_space<hbm>> -> memref<1x8x64xi32, #tpu.memory_space<hbm>>
        %dma_start3A_182 = tpu.memref_squeeze %dma_start3A_181 : memref<1x8x64xi32, #tpu.memory_space<hbm>> -> memref<8x64xi32, #tpu.memory_space<hbm>>
        tpu.enqueue_dma source(%dma_start3A_182 : memref<8x64xi32, #tpu.memory_space<hbm>>) target(%arg4 : memref<8x64xi32, #tpu.memory_space<vmem>>) target_semaphore(%run_scoped3A : memref<!tpu.dma_semaphore, #tpu.memory_space<semaphore_mem>>)
        %dma_wait3A_183 = arith.constant 0 : i32
        %dma_wait3A_184 = tpu.memref_slice %arg2[%add3A, %mul3A_66, %dma_wait3A_183] : memref<32x160x64xi32, #tpu.memory_space<hbm>> -> memref<1x8x64xi32, #tpu.memory_space<hbm>>
        %dma_wait3A_185 = tpu.memref_squeeze %dma_wait3A_184 : memref<1x8x64xi32, #tpu.memory_space<hbm>> -> memref<8x64xi32, #tpu.memory_space<hbm>>
        %dma_wait3A_186 = arith.constant 0 : i32
        %dma_wait3A_187 = tpu.memref_slice %arg2[%add3A, %mul3A_66, %dma_wait3A_186] : memref<32x160x64xi32, #tpu.memory_space<hbm>> -> memref<1x8x64xi32, #tpu.memory_space<hbm>>
        %dma_wait3A_188 = tpu.memref_squeeze %dma_wait3A_187 : memref<1x8x64xi32, #tpu.memory_space<hbm>> -> memref<8x64xi32, #tpu.memory_space<hbm>>
        tpu.wait_dma2 semaphore(%run_scoped3A : memref<!tpu.dma_semaphore, #tpu.memory_space<semaphore_mem>>) src(%dma_wait3A_188 : memref<8x64xi32, #tpu.memory_space<hbm>>) dst(%arg4 : memref<8x64xi32, #tpu.memory_space<vmem>>)
        tpu.yield
      }) : () -> ()
      %dma_start3A = arith.constant 0 : i32
      %dma_start3A_67 = arith.constant 0 : i32
      %dma_start3A_68 = tpu.memref_slice %arg4[%dma_start3A, %dma_start3A_67] : memref<8x64xi32, #tpu.memory_space<vmem>> -> memref<1x64xi32, #tpu.memory_space<vmem>>
      %dma_start3A_69 = tpu.memref_squeeze %dma_start3A_68 : memref<1x64xi32, #tpu.memory_space<vmem>> -> memref<64xi32, #tpu.memory_space<vmem>>
      %dma_start3A_70 = arith.constant 0 : i32
      %dma_start3A_71 = arith.constant 0 : i32
      %dma_start3A_72 = tpu.memref_slice %arg6[%dma_start3A_70, %dma_start3A_71] : memref<10240x128xf32, #tpu.memory_space<vmem_shared>> -> memref<10240x128xf32, #tpu.memory_space<vmem_shared>>
      tpu.enqueue_indirect_dma source(%arg5 : memref<64x128xf32, #tpu.memory_space<vmem>>) target(%dma_start3A_72 : memref<10240x128xf32, #tpu.memory_space<vmem_shared>>) offsets(%dma_start3A_69 : memref<64xi32, #tpu.memory_space<vmem>>) semaphore(%arg7 : memref<!tpu.dma_semaphore, #tpu.memory_space<semaphore_mem>>) {add = true}
      %dma_start3A_73 = arith.constant 1 : i32
      %dma_start3A_74 = arith.constant 0 : i32
      %dma_start3A_75 = tpu.memref_slice %arg4[%dma_start3A_73, %dma_start3A_74] : memref<8x64xi32, #tpu.memory_space<vmem>> -> memref<1x64xi32, #tpu.memory_space<vmem>>
      %dma_start3A_76 = tpu.memref_squeeze %dma_start3A_75 : memref<1x64xi32, #tpu.memory_space<vmem>> -> memref<64xi32, #tpu.memory_space<vmem>>
      %dma_start3A_77 = arith.constant 0 : i32
      %dma_start3A_78 = arith.constant 0 : i32
      %dma_start3A_79 = tpu.memref_slice %arg6[%dma_start3A_77, %dma_start3A_78] : memref<10240x128xf32, #tpu.memory_space<vmem_shared>> -> memref<10240x128xf32, #tpu.memory_space<vmem_shared>>
      tpu.enqueue_indirect_dma source(%arg5 : memref<64x128xf32, #tpu.memory_space<vmem>>) target(%dma_start3A_79 : memref<10240x128xf32, #tpu.memory_space<vmem_shared>>) offsets(%dma_start3A_76 : memref<64xi32, #tpu.memory_space<vmem>>) semaphore(%arg8 : memref<!tpu.dma_semaphore, #tpu.memory_space<semaphore_mem>>) {add = true}
      %dma_wait3A = arith.constant 0 : i32
      %dma_wait3A_80 = arith.constant 0 : i32
      %dma_wait3A_81 = tpu.memref_slice %arg4[%dma_wait3A, %dma_wait3A_80] : memref<8x64xi32, #tpu.memory_space<vmem>> -> memref<1x64xi32, #tpu.memory_space<vmem>>
      %dma_wait3A_82 = tpu.memref_squeeze %dma_wait3A_81 : memref<1x64xi32, #tpu.memory_space<vmem>> -> memref<64xi32, #tpu.memory_space<vmem>>
      %dma_wait3A_83 = arith.constant 0 : i32
      %dma_wait3A_84 = arith.constant 0 : i32
      %dma_wait3A_85 = tpu.memref_slice %arg6[%dma_wait3A_83, %dma_wait3A_84] : memref<10240x128xf32, #tpu.memory_space<vmem_shared>> -> memref<10240x128xf32, #tpu.memory_space<vmem_shared>>
      tpu.wait_indirect_dma semaphore(%arg7 : memref<!tpu.dma_semaphore, #tpu.memory_space<semaphore_mem>>) src(%arg5 : memref<64x128xf32, #tpu.memory_space<vmem>>) dst(%dma_wait3A_85 : memref<10240x128xf32, #tpu.memory_space<vmem_shared>>)
      %dma_start3A_86 = arith.constant 2 : i32
      %dma_start3A_87 = arith.constant 0 : i32
      %dma_start3A_88 = tpu.memref_slice %arg4[%dma_start3A_86, %dma_start3A_87] : memref<8x64xi32, #tpu.memory_space<vmem>> -> memref<1x64xi32, #tpu.memory_space<vmem>>
      %dma_start3A_89 = tpu.memref_squeeze %dma_start3A_88 : memref<1x64xi32, #tpu.memory_space<vmem>> -> memref<64xi32, #tpu.memory_space<vmem>>
      %dma_start3A_90 = arith.constant 0 : i32
      %dma_start3A_91 = arith.constant 0 : i32
      %dma_start3A_92 = tpu.memref_slice %arg6[%dma_start3A_90, %dma_start3A_91] : memref<10240x128xf32, #tpu.memory_space<vmem_shared>> -> memref<10240x128xf32, #tpu.memory_space<vmem_shared>>
      tpu.enqueue_indirect_dma source(%arg5 : memref<64x128xf32, #tpu.memory_space<vmem>>) target(%dma_start3A_92 : memref<10240x128xf32, #tpu.memory_space<vmem_shared>>) offsets(%dma_start3A_89 : memref<64xi32, #tpu.memory_space<vmem>>) semaphore(%arg7 : memref<!tpu.dma_semaphore, #tpu.memory_space<semaphore_mem>>) {add = true}
      %dma_wait3A_93 = arith.constant 1 : i32
      %dma_wait3A_94 = arith.constant 0 : i32
      %dma_wait3A_95 = tpu.memref_slice %arg4[%dma_wait3A_93, %dma_wait3A_94] : memref<8x64xi32, #tpu.memory_space<vmem>> -> memref<1x64xi32, #tpu.memory_space<vmem>>
      %dma_wait3A_96 = tpu.memref_squeeze %dma_wait3A_95 : memref<1x64xi32, #tpu.memory_space<vmem>> -> memref<64xi32, #tpu.memory_space<vmem>>
      %dma_wait3A_97 = arith.constant 0 : i32
      %dma_wait3A_98 = arith.constant 0 : i32
      %dma_wait3A_99 = tpu.memref_slice %arg6[%dma_wait3A_97, %dma_wait3A_98] : memref<10240x128xf32, #tpu.memory_space<vmem_shared>> -> memref<10240x128xf32, #tpu.memory_space<vmem_shared>>
      tpu.wait_indirect_dma semaphore(%arg8 : memref<!tpu.dma_semaphore, #tpu.memory_space<semaphore_mem>>) src(%arg5 : memref<64x128xf32, #tpu.memory_space<vmem>>) dst(%dma_wait3A_99 : memref<10240x128xf32, #tpu.memory_space<vmem_shared>>)
      %dma_start3A_100 = arith.constant 3 : i32
      %dma_start3A_101 = arith.constant 0 : i32
      %dma_start3A_102 = tpu.memref_slice %arg4[%dma_start3A_100, %dma_start3A_101] : memref<8x64xi32, #tpu.memory_space<vmem>> -> memref<1x64xi32, #tpu.memory_space<vmem>>
      %dma_start3A_103 = tpu.memref_squeeze %dma_start3A_102 : memref<1x64xi32, #tpu.memory_space<vmem>> -> memref<64xi32, #tpu.memory_space<vmem>>
      %dma_start3A_104 = arith.constant 0 : i32
      %dma_start3A_105 = arith.constant 0 : i32
      %dma_start3A_106 = tpu.memref_slice %arg6[%dma_start3A_104, %dma_start3A_105] : memref<10240x128xf32, #tpu.memory_space<vmem_shared>> -> memref<10240x128xf32, #tpu.memory_space<vmem_shared>>
      tpu.enqueue_indirect_dma source(%arg5 : memref<64x128xf32, #tpu.memory_space<vmem>>) target(%dma_start3A_106 : memref<10240x128xf32, #tpu.memory_space<vmem_shared>>) offsets(%dma_start3A_103 : memref<64xi32, #tpu.memory_space<vmem>>) semaphore(%arg8 : memref<!tpu.dma_semaphore, #tpu.memory_space<semaphore_mem>>) {add = true}
      %dma_wait3A_107 = arith.constant 2 : i32
      %dma_wait3A_108 = arith.constant 0 : i32
      %dma_wait3A_109 = tpu.memref_slice %arg4[%dma_wait3A_107, %dma_wait3A_108] : memref<8x64xi32, #tpu.memory_space<vmem>> -> memref<1x64xi32, #tpu.memory_space<vmem>>
      %dma_wait3A_110 = tpu.memref_squeeze %dma_wait3A_109 : memref<1x64xi32, #tpu.memory_space<vmem>> -> memref<64xi32, #tpu.memory_space<vmem>>
      %dma_wait3A_111 = arith.constant 0 : i32
      %dma_wait3A_112 = arith.constant 0 : i32
      %dma_wait3A_113 = tpu.memref_slice %arg6[%dma_wait3A_111, %dma_wait3A_112] : memref<10240x128xf32, #tpu.memory_space<vmem_shared>> -> memref<10240x128xf32, #tpu.memory_space<vmem_shared>>
      tpu.wait_indirect_dma semaphore(%arg7 : memref<!tpu.dma_semaphore, #tpu.memory_space<semaphore_mem>>) src(%arg5 : memref<64x128xf32, #tpu.memory_space<vmem>>) dst(%dma_wait3A_113 : memref<10240x128xf32, #tpu.memory_space<vmem_shared>>)
      %dma_start3A_114 = arith.constant 4 : i32
      %dma_start3A_115 = arith.constant 0 : i32
      %dma_start3A_116 = tpu.memref_slice %arg4[%dma_start3A_114, %dma_start3A_115] : memref<8x64xi32, #tpu.memory_space<vmem>> -> memref<1x64xi32, #tpu.memory_space<vmem>>
      %dma_start3A_117 = tpu.memref_squeeze %dma_start3A_116 : memref<1x64xi32, #tpu.memory_space<vmem>> -> memref<64xi32, #tpu.memory_space<vmem>>
      %dma_start3A_118 = arith.constant 0 : i32
      %dma_start3A_119 = arith.constant 0 : i32
      %dma_start3A_120 = tpu.memref_slice %arg6[%dma_start3A_118, %dma_start3A_119] : memref<10240x128xf32, #tpu.memory_space<vmem_shared>> -> memref<10240x128xf32, #tpu.memory_space<vmem_shared>>
      tpu.enqueue_indirect_dma source(%arg5 : memref<64x128xf32, #tpu.memory_space<vmem>>) target(%dma_start3A_120 : memref<10240x128xf32, #tpu.memory_space<vmem_shared>>) offsets(%dma_start3A_117 : memref<64xi32, #tpu.memory_space<vmem>>) semaphore(%arg7 : memref<!tpu.dma_semaphore, #tpu.memory_space<semaphore_mem>>) {add = true}
      %dma_wait3A_121 = arith.constant 3 : i32
      %dma_wait3A_122 = arith.constant 0 : i32
      %dma_wait3A_123 = tpu.memref_slice %arg4[%dma_wait3A_121, %dma_wait3A_122] : memref<8x64xi32, #tpu.memory_space<vmem>> -> memref<1x64xi32, #tpu.memory_space<vmem>>
      %dma_wait3A_124 = tpu.memref_squeeze %dma_wait3A_123 : memref<1x64xi32, #tpu.memory_space<vmem>> -> memref<64xi32, #tpu.memory_space<vmem>>
      %dma_wait3A_125 = arith.constant 0 : i32
      %dma_wait3A_126 = arith.constant 0 : i32
      %dma_wait3A_127 = tpu.memref_slice %arg6[%dma_wait3A_125, %dma_wait3A_126] : memref<10240x128xf32, #tpu.memory_space<vmem_shared>> -> memref<10240x128xf32, #tpu.memory_space<vmem_shared>>
      tpu.wait_indirect_dma semaphore(%arg8 : memref<!tpu.dma_semaphore, #tpu.memory_space<semaphore_mem>>) src(%arg5 : memref<64x128xf32, #tpu.memory_space<vmem>>) dst(%dma_wait3A_127 : memref<10240x128xf32, #tpu.memory_space<vmem_shared>>)
      %dma_start3A_128 = arith.constant 5 : i32
      %dma_start3A_129 = arith.constant 0 : i32
      %dma_start3A_130 = tpu.memref_slice %arg4[%dma_start3A_128, %dma_start3A_129] : memref<8x64xi32, #tpu.memory_space<vmem>> -> memref<1x64xi32, #tpu.memory_space<vmem>>
      %dma_start3A_131 = tpu.memref_squeeze %dma_start3A_130 : memref<1x64xi32, #tpu.memory_space<vmem>> -> memref<64xi32, #tpu.memory_space<vmem>>
      %dma_start3A_132 = arith.constant 0 : i32
      %dma_start3A_133 = arith.constant 0 : i32
      %dma_start3A_134 = tpu.memref_slice %arg6[%dma_start3A_132, %dma_start3A_133] : memref<10240x128xf32, #tpu.memory_space<vmem_shared>> -> memref<10240x128xf32, #tpu.memory_space<vmem_shared>>
      tpu.enqueue_indirect_dma source(%arg5 : memref<64x128xf32, #tpu.memory_space<vmem>>) target(%dma_start3A_134 : memref<10240x128xf32, #tpu.memory_space<vmem_shared>>) offsets(%dma_start3A_131 : memref<64xi32, #tpu.memory_space<vmem>>) semaphore(%arg8 : memref<!tpu.dma_semaphore, #tpu.memory_space<semaphore_mem>>) {add = true}
      %dma_wait3A_135 = arith.constant 4 : i32
      %dma_wait3A_136 = arith.constant 0 : i32
      %dma_wait3A_137 = tpu.memref_slice %arg4[%dma_wait3A_135, %dma_wait3A_136] : memref<8x64xi32, #tpu.memory_space<vmem>> -> memref<1x64xi32, #tpu.memory_space<vmem>>
      %dma_wait3A_138 = tpu.memref_squeeze %dma_wait3A_137 : memref<1x64xi32, #tpu.memory_space<vmem>> -> memref<64xi32, #tpu.memory_space<vmem>>
      %dma_wait3A_139 = arith.constant 0 : i32
      %dma_wait3A_140 = arith.constant 0 : i32
      %dma_wait3A_141 = tpu.memref_slice %arg6[%dma_wait3A_139, %dma_wait3A_140] : memref<10240x128xf32, #tpu.memory_space<vmem_shared>> -> memref<10240x128xf32, #tpu.memory_space<vmem_shared>>
      tpu.wait_indirect_dma semaphore(%arg7 : memref<!tpu.dma_semaphore, #tpu.memory_space<semaphore_mem>>) src(%arg5 : memref<64x128xf32, #tpu.memory_space<vmem>>) dst(%dma_wait3A_141 : memref<10240x128xf32, #tpu.memory_space<vmem_shared>>)
      %dma_start3A_142 = arith.constant 6 : i32
      %dma_start3A_143 = arith.constant 0 : i32
      %dma_start3A_144 = tpu.memref_slice %arg4[%dma_start3A_142, %dma_start3A_143] : memref<8x64xi32, #tpu.memory_space<vmem>> -> memref<1x64xi32, #tpu.memory_space<vmem>>
      %dma_start3A_145 = tpu.memref_squeeze %dma_start3A_144 : memref<1x64xi32, #tpu.memory_space<vmem>> -> memref<64xi32, #tpu.memory_space<vmem>>
      %dma_start3A_146 = arith.constant 0 : i32
      %dma_start3A_147 = arith.constant 0 : i32
      %dma_start3A_148 = tpu.memref_slice %arg6[%dma_start3A_146, %dma_start3A_147] : memref<10240x128xf32, #tpu.memory_space<vmem_shared>> -> memref<10240x128xf32, #tpu.memory_space<vmem_shared>>
      tpu.enqueue_indirect_dma source(%arg5 : memref<64x128xf32, #tpu.memory_space<vmem>>) target(%dma_start3A_148 : memref<10240x128xf32, #tpu.memory_space<vmem_shared>>) offsets(%dma_start3A_145 : memref<64xi32, #tpu.memory_space<vmem>>) semaphore(%arg7 : memref<!tpu.dma_semaphore, #tpu.memory_space<semaphore_mem>>) {add = true}
      %dma_wait3A_149 = arith.constant 5 : i32
      %dma_wait3A_150 = arith.constant 0 : i32
      %dma_wait3A_151 = tpu.memref_slice %arg4[%dma_wait3A_149, %dma_wait3A_150] : memref<8x64xi32, #tpu.memory_space<vmem>> -> memref<1x64xi32, #tpu.memory_space<vmem>>
      %dma_wait3A_152 = tpu.memref_squeeze %dma_wait3A_151 : memref<1x64xi32, #tpu.memory_space<vmem>> -> memref<64xi32, #tpu.memory_space<vmem>>
      %dma_wait3A_153 = arith.constant 0 : i32
      %dma_wait3A_154 = arith.constant 0 : i32
      %dma_wait3A_155 = tpu.memref_slice %arg6[%dma_wait3A_153, %dma_wait3A_154] : memref<10240x128xf32, #tpu.memory_space<vmem_shared>> -> memref<10240x128xf32, #tpu.memory_space<vmem_shared>>
      tpu.wait_indirect_dma semaphore(%arg8 : memref<!tpu.dma_semaphore, #tpu.memory_space<semaphore_mem>>) src(%arg5 : memref<64x128xf32, #tpu.memory_space<vmem>>) dst(%dma_wait3A_155 : memref<10240x128xf32, #tpu.memory_space<vmem_shared>>)
      %dma_start3A_156 = arith.constant 7 : i32
      %dma_start3A_157 = arith.constant 0 : i32
      %dma_start3A_158 = tpu.memref_slice %arg4[%dma_start3A_156, %dma_start3A_157] : memref<8x64xi32, #tpu.memory_space<vmem>> -> memref<1x64xi32, #tpu.memory_space<vmem>>
      %dma_start3A_159 = tpu.memref_squeeze %dma_start3A_158 : memref<1x64xi32, #tpu.memory_space<vmem>> -> memref<64xi32, #tpu.memory_space<vmem>>
      %dma_start3A_160 = arith.constant 0 : i32
      %dma_start3A_161 = arith.constant 0 : i32
      %dma_start3A_162 = tpu.memref_slice %arg6[%dma_start3A_160, %dma_start3A_161] : memref<10240x128xf32, #tpu.memory_space<vmem_shared>> -> memref<10240x128xf32, #tpu.memory_space<vmem_shared>>
      tpu.enqueue_indirect_dma source(%arg5 : memref<64x128xf32, #tpu.memory_space<vmem>>) target(%dma_start3A_162 : memref<10240x128xf32, #tpu.memory_space<vmem_shared>>) offsets(%dma_start3A_159 : memref<64xi32, #tpu.memory_space<vmem>>) semaphore(%arg8 : memref<!tpu.dma_semaphore, #tpu.memory_space<semaphore_mem>>) {add = true}
      %dma_wait3A_163 = arith.constant 6 : i32
      %dma_wait3A_164 = arith.constant 0 : i32
      %dma_wait3A_165 = tpu.memref_slice %arg4[%dma_wait3A_163, %dma_wait3A_164] : memref<8x64xi32, #tpu.memory_space<vmem>> -> memref<1x64xi32, #tpu.memory_space<vmem>>
      %dma_wait3A_166 = tpu.memref_squeeze %dma_wait3A_165 : memref<1x64xi32, #tpu.memory_space<vmem>> -> memref<64xi32, #tpu.memory_space<vmem>>
      %dma_wait3A_167 = arith.constant 0 : i32
      %dma_wait3A_168 = arith.constant 0 : i32
      %dma_wait3A_169 = tpu.memref_slice %arg6[%dma_wait3A_167, %dma_wait3A_168] : memref<10240x128xf32, #tpu.memory_space<vmem_shared>> -> memref<10240x128xf32, #tpu.memory_space<vmem_shared>>
      tpu.wait_indirect_dma semaphore(%arg7 : memref<!tpu.dma_semaphore, #tpu.memory_space<semaphore_mem>>) src(%arg5 : memref<64x128xf32, #tpu.memory_space<vmem>>) dst(%dma_wait3A_169 : memref<10240x128xf32, #tpu.memory_space<vmem_shared>>)
      %dma_wait3A_170 = arith.constant 7 : i32
      %dma_wait3A_171 = arith.constant 0 : i32
      %dma_wait3A_172 = tpu.memref_slice %arg4[%dma_wait3A_170, %dma_wait3A_171] : memref<8x64xi32, #tpu.memory_space<vmem>> -> memref<1x64xi32, #tpu.memory_space<vmem>>
      %dma_wait3A_173 = tpu.memref_squeeze %dma_wait3A_172 : memref<1x64xi32, #tpu.memory_space<vmem>> -> memref<64xi32, #tpu.memory_space<vmem>>
      %dma_wait3A_174 = arith.constant 0 : i32
      %dma_wait3A_175 = arith.constant 0 : i32
      %dma_wait3A_176 = tpu.memref_slice %arg6[%dma_wait3A_174, %dma_wait3A_175] : memref<10240x128xf32, #tpu.memory_space<vmem_shared>> -> memref<10240x128xf32, #tpu.memory_space<vmem_shared>>
      tpu.wait_indirect_dma semaphore(%arg8 : memref<!tpu.dma_semaphore, #tpu.memory_space<semaphore_mem>>) src(%arg5 : memref<64x128xf32, #tpu.memory_space<vmem>>) dst(%dma_wait3A_176 : memref<10240x128xf32, #tpu.memory_space<vmem_shared>>)
    }
    %scan3A_42 = arith.constant 20 : i32
    %barrier3A_43 = arith.constant 0 : index
    tpu.barrier barrier_id(%barrier3A_43)
    %add3A_44 = arith.constant 0 : i32
    %add3A_45 = arith.addi %multiple_of3A, %add3A_44 : i32
    "tpu.region"() ({
      %run_scoped3A = tpu.sem_alloc : memref<!tpu.dma_semaphore, #tpu.memory_space<semaphore_mem>>
      %dma_start3A = arith.constant 0 : i32
      %dma_start3A_64 = tpu.memref_slice %arg3[%arg0, %add3A_45, %dma_start3A] : memref<2x10240x128xf32, #tpu.memory_space<hbm>> -> memref<1x64x128xf32, #tpu.memory_space<hbm>>
      %dma_start3A_65 = tpu.memref_squeeze %dma_start3A_64 : memref<1x64x128xf32, #tpu.memory_space<hbm>> -> memref<64x128xf32, #tpu.memory_space<hbm>>
      %dma_start3A_66 = arith.constant 0 : i32
      %dma_start3A_67 = tpu.memref_slice %arg6[%add3A_45, %dma_start3A_66] : memref<10240x128xf32, #tpu.memory_space<vmem_shared>> -> memref<64x128xf32, #tpu.memory_space<vmem_shared>>
      tpu.enqueue_dma source(%dma_start3A_67 : memref<64x128xf32, #tpu.memory_space<vmem_shared>>) target(%dma_start3A_65 : memref<64x128xf32, #tpu.memory_space<hbm>>) target_semaphore(%run_scoped3A : memref<!tpu.dma_semaphore, #tpu.memory_space<semaphore_mem>>)
      %dma_wait3A = arith.constant 0 : i32
      %dma_wait3A_68 = tpu.memref_slice %arg3[%arg0, %add3A_45, %dma_wait3A] : memref<2x10240x128xf32, #tpu.memory_space<hbm>> -> memref<1x64x128xf32, #tpu.memory_space<hbm>>
      %dma_wait3A_69 = tpu.memref_squeeze %dma_wait3A_68 : memref<1x64x128xf32, #tpu.memory_space<hbm>> -> memref<64x128xf32, #tpu.memory_space<hbm>>
      %dma_wait3A_70 = arith.constant 0 : i32
      %dma_wait3A_71 = tpu.memref_slice %arg6[%add3A_45, %dma_wait3A_70] : memref<10240x128xf32, #tpu.memory_space<vmem_shared>> -> memref<64x128xf32, #tpu.memory_space<vmem_shared>>
      tpu.wait_dma2 semaphore(%run_scoped3A : memref<!tpu.dma_semaphore, #tpu.memory_space<semaphore_mem>>) src(%dma_wait3A_71 : memref<64x128xf32, #tpu.memory_space<vmem_shared>>) dst(%dma_wait3A_69 : memref<64x128xf32, #tpu.memory_space<hbm>>)
      tpu.yield
    }) : () -> ()
    %add3A_46 = arith.constant 64 : i32
    %add3A_47 = arith.addi %multiple_of3A, %add3A_46 : i32
    "tpu.region"() ({
      %run_scoped3A = tpu.sem_alloc : memref<!tpu.dma_semaphore, #tpu.memory_space<semaphore_mem>>
      %dma_start3A = arith.constant 0 : i32
      %dma_start3A_64 = tpu.memref_slice %arg3[%arg0, %add3A_47, %dma_start3A] : memref<2x10240x128xf32, #tpu.memory_space<hbm>> -> memref<1x64x128xf32, #tpu.memory_space<hbm>>
      %dma_start3A_65 = tpu.memref_squeeze %dma_start3A_64 : memref<1x64x128xf32, #tpu.memory_space<hbm>> -> memref<64x128xf32, #tpu.memory_space<hbm>>
      %dma_start3A_66 = arith.constant 0 : i32
      %dma_start3A_67 = tpu.memref_slice %arg6[%add3A_47, %dma_start3A_66] : memref<10240x128xf32, #tpu.memory_space<vmem_shared>> -> memref<64x128xf32, #tpu.memory_space<vmem_shared>>
      tpu.enqueue_dma source(%dma_start3A_67 : memref<64x128xf32, #tpu.memory_space<vmem_shared>>) target(%dma_start3A_65 : memref<64x128xf32, #tpu.memory_space<hbm>>) target_semaphore(%run_scoped3A : memref<!tpu.dma_semaphore, #tpu.memory_space<semaphore_mem>>)
      %dma_wait3A = arith.constant 0 : i32
      %dma_wait3A_68 = tpu.memref_slice %arg3[%arg0, %add3A_47, %dma_wait3A] : memref<2x10240x128xf32, #tpu.memory_space<hbm>> -> memref<1x64x128xf32, #tpu.memory_space<hbm>>
      %dma_wait3A_69 = tpu.memref_squeeze %dma_wait3A_68 : memref<1x64x128xf32, #tpu.memory_space<hbm>> -> memref<64x128xf32, #tpu.memory_space<hbm>>
      %dma_wait3A_70 = arith.constant 0 : i32
      %dma_wait3A_71 = tpu.memref_slice %arg6[%add3A_47, %dma_wait3A_70] : memref<10240x128xf32, #tpu.memory_space<vmem_shared>> -> memref<64x128xf32, #tpu.memory_space<vmem_shared>>
      tpu.wait_dma2 semaphore(%run_scoped3A : memref<!tpu.dma_semaphore, #tpu.memory_space<semaphore_mem>>) src(%dma_wait3A_71 : memref<64x128xf32, #tpu.memory_space<vmem_shared>>) dst(%dma_wait3A_69 : memref<64x128xf32, #tpu.memory_space<hbm>>)
      tpu.yield
    }) : () -> ()
    %add3A_48 = arith.constant 128 : i32
    %add3A_49 = arith.addi %multiple_of3A, %add3A_48 : i32
    "tpu.region"() ({
      %run_scoped3A = tpu.sem_alloc : memref<!tpu.dma_semaphore, #tpu.memory_space<semaphore_mem>>
      %dma_start3A = arith.constant 0 : i32
      %dma_start3A_64 = tpu.memref_slice %arg3[%arg0, %add3A_49, %dma_start3A] : memref<2x10240x128xf32, #tpu.memory_space<hbm>> -> memref<1x64x128xf32, #tpu.memory_space<hbm>>
      %dma_start3A_65 = tpu.memref_squeeze %dma_start3A_64 : memref<1x64x128xf32, #tpu.memory_space<hbm>> -> memref<64x128xf32, #tpu.memory_space<hbm>>
      %dma_start3A_66 = arith.constant 0 : i32
      %dma_start3A_67 = tpu.memref_slice %arg6[%add3A_49, %dma_start3A_66] : memref<10240x128xf32, #tpu.memory_space<vmem_shared>> -> memref<64x128xf32, #tpu.memory_space<vmem_shared>>
      tpu.enqueue_dma source(%dma_start3A_67 : memref<64x128xf32, #tpu.memory_space<vmem_shared>>) target(%dma_start3A_65 : memref<64x128xf32, #tpu.memory_space<hbm>>) target_semaphore(%run_scoped3A : memref<!tpu.dma_semaphore, #tpu.memory_space<semaphore_mem>>)
      %dma_wait3A = arith.constant 0 : i32
      %dma_wait3A_68 = tpu.memref_slice %arg3[%arg0, %add3A_49, %dma_wait3A] : memref<2x10240x128xf32, #tpu.memory_space<hbm>> -> memref<1x64x128xf32, #tpu.memory_space<hbm>>
      %dma_wait3A_69 = tpu.memref_squeeze %dma_wait3A_68 : memref<1x64x128xf32, #tpu.memory_space<hbm>> -> memref<64x128xf32, #tpu.memory_space<hbm>>
      %dma_wait3A_70 = arith.constant 0 : i32
      %dma_wait3A_71 = tpu.memref_slice %arg6[%add3A_49, %dma_wait3A_70] : memref<10240x128xf32, #tpu.memory_space<vmem_shared>> -> memref<64x128xf32, #tpu.memory_space<vmem_shared>>
      tpu.wait_dma2 semaphore(%run_scoped3A : memref<!tpu.dma_semaphore, #tpu.memory_space<semaphore_mem>>) src(%dma_wait3A_71 : memref<64x128xf32, #tpu.memory_space<vmem_shared>>) dst(%dma_wait3A_69 : memref<64x128xf32, #tpu.memory_space<hbm>>)
      tpu.yield
    }) : () -> ()
    %add3A_50 = arith.constant 192 : i32
    %add3A_51 = arith.addi %multiple_of3A, %add3A_50 : i32
    "tpu.region"() ({
      %run_scoped3A = tpu.sem_alloc : memref<!tpu.dma_semaphore, #tpu.memory_space<semaphore_mem>>
      %dma_start3A = arith.constant 0 : i32
      %dma_start3A_64 = tpu.memref_slice %arg3[%arg0, %add3A_51, %dma_start3A] : memref<2x10240x128xf32, #tpu.memory_space<hbm>> -> memref<1x64x128xf32, #tpu.memory_space<hbm>>
      %dma_start3A_65 = tpu.memref_squeeze %dma_start3A_64 : memref<1x64x128xf32, #tpu.memory_space<hbm>> -> memref<64x128xf32, #tpu.memory_space<hbm>>
      %dma_start3A_66 = arith.constant 0 : i32
      %dma_start3A_67 = tpu.memref_slice %arg6[%add3A_51, %dma_start3A_66] : memref<10240x128xf32, #tpu.memory_space<vmem_shared>> -> memref<64x128xf32, #tpu.memory_space<vmem_shared>>
      tpu.enqueue_dma source(%dma_start3A_67 : memref<64x128xf32, #tpu.memory_space<vmem_shared>>) target(%dma_start3A_65 : memref<64x128xf32, #tpu.memory_space<hbm>>) target_semaphore(%run_scoped3A : memref<!tpu.dma_semaphore, #tpu.memory_space<semaphore_mem>>)
      %dma_wait3A = arith.constant 0 : i32
      %dma_wait3A_68 = tpu.memref_slice %arg3[%arg0, %add3A_51, %dma_wait3A] : memref<2x10240x128xf32, #tpu.memory_space<hbm>> -> memref<1x64x128xf32, #tpu.memory_space<hbm>>
      %dma_wait3A_69 = tpu.memref_squeeze %dma_wait3A_68 : memref<1x64x128xf32, #tpu.memory_space<hbm>> -> memref<64x128xf32, #tpu.memory_space<hbm>>
      %dma_wait3A_70 = arith.constant 0 : i32
      %dma_wait3A_71 = tpu.memref_slice %arg6[%add3A_51, %dma_wait3A_70] : memref<10240x128xf32, #tpu.memory_space<vmem_shared>> -> memref<64x128xf32, #tpu.memory_space<vmem_shared>>
      tpu.wait_dma2 semaphore(%run_scoped3A : memref<!tpu.dma_semaphore, #tpu.memory_space<semaphore_mem>>) src(%dma_wait3A_71 : memref<64x128xf32, #tpu.memory_space<vmem_shared>>) dst(%dma_wait3A_69 : memref<64x128xf32, #tpu.memory_space<hbm>>)
      tpu.yield
    }) : () -> ()
    %add3A_52 = arith.constant 256 : i32
    %add3A_53 = arith.addi %multiple_of3A, %add3A_52 : i32
    "tpu.region"() ({
      %run_scoped3A = tpu.sem_alloc : memref<!tpu.dma_semaphore, #tpu.memory_space<semaphore_mem>>
      %dma_start3A = arith.constant 0 : i32
      %dma_start3A_64 = tpu.memref_slice %arg3[%arg0, %add3A_53, %dma_start3A] : memref<2x10240x128xf32, #tpu.memory_space<hbm>> -> memref<1x64x128xf32, #tpu.memory_space<hbm>>
      %dma_start3A_65 = tpu.memref_squeeze %dma_start3A_64 : memref<1x64x128xf32, #tpu.memory_space<hbm>> -> memref<64x128xf32, #tpu.memory_space<hbm>>
      %dma_start3A_66 = arith.constant 0 : i32
      %dma_start3A_67 = tpu.memref_slice %arg6[%add3A_53, %dma_start3A_66] : memref<10240x128xf32, #tpu.memory_space<vmem_shared>> -> memref<64x128xf32, #tpu.memory_space<vmem_shared>>
      tpu.enqueue_dma source(%dma_start3A_67 : memref<64x128xf32, #tpu.memory_space<vmem_shared>>) target(%dma_start3A_65 : memref<64x128xf32, #tpu.memory_space<hbm>>) target_semaphore(%run_scoped3A : memref<!tpu.dma_semaphore, #tpu.memory_space<semaphore_mem>>)
      %dma_wait3A = arith.constant 0 : i32
      %dma_wait3A_68 = tpu.memref_slice %arg3[%arg0, %add3A_53, %dma_wait3A] : memref<2x10240x128xf32, #tpu.memory_space<hbm>> -> memref<1x64x128xf32, #tpu.memory_space<hbm>>
      %dma_wait3A_69 = tpu.memref_squeeze %dma_wait3A_68 : memref<1x64x128xf32, #tpu.memory_space<hbm>> -> memref<64x128xf32, #tpu.memory_space<hbm>>
      %dma_wait3A_70 = arith.constant 0 : i32
      %dma_wait3A_71 = tpu.memref_slice %arg6[%add3A_53, %dma_wait3A_70] : memref<10240x128xf32, #tpu.memory_space<vmem_shared>> -> memref<64x128xf32, #tpu.memory_space<vmem_shared>>
      tpu.wait_dma2 semaphore(%run_scoped3A : memref<!tpu.dma_semaphore, #tpu.memory_space<semaphore_mem>>) src(%dma_wait3A_71 : memref<64x128xf32, #tpu.memory_space<vmem_shared>>) dst(%dma_wait3A_69 : memref<64x128xf32, #tpu.memory_space<hbm>>)
      tpu.yield
    }) : () -> ()
    %add3A_54 = arith.constant 320 : i32
    %add3A_55 = arith.addi %multiple_of3A, %add3A_54 : i32
    "tpu.region"() ({
      %run_scoped3A = tpu.sem_alloc : memref<!tpu.dma_semaphore, #tpu.memory_space<semaphore_mem>>
      %dma_start3A = arith.constant 0 : i32
      %dma_start3A_64 = tpu.memref_slice %arg3[%arg0, %add3A_55, %dma_start3A] : memref<2x10240x128xf32, #tpu.memory_space<hbm>> -> memref<1x64x128xf32, #tpu.memory_space<hbm>>
      %dma_start3A_65 = tpu.memref_squeeze %dma_start3A_64 : memref<1x64x128xf32, #tpu.memory_space<hbm>> -> memref<64x128xf32, #tpu.memory_space<hbm>>
      %dma_start3A_66 = arith.constant 0 : i32
      %dma_start3A_67 = tpu.memref_slice %arg6[%add3A_55, %dma_start3A_66] : memref<10240x128xf32, #tpu.memory_space<vmem_shared>> -> memref<64x128xf32, #tpu.memory_space<vmem_shared>>
      tpu.enqueue_dma source(%dma_start3A_67 : memref<64x128xf32, #tpu.memory_space<vmem_shared>>) target(%dma_start3A_65 : memref<64x128xf32, #tpu.memory_space<hbm>>) target_semaphore(%run_scoped3A : memref<!tpu.dma_semaphore, #tpu.memory_space<semaphore_mem>>)
      %dma_wait3A = arith.constant 0 : i32
      %dma_wait3A_68 = tpu.memref_slice %arg3[%arg0, %add3A_55, %dma_wait3A] : memref<2x10240x128xf32, #tpu.memory_space<hbm>> -> memref<1x64x128xf32, #tpu.memory_space<hbm>>
      %dma_wait3A_69 = tpu.memref_squeeze %dma_wait3A_68 : memref<1x64x128xf32, #tpu.memory_space<hbm>> -> memref<64x128xf32, #tpu.memory_space<hbm>>
      %dma_wait3A_70 = arith.constant 0 : i32
      %dma_wait3A_71 = tpu.memref_slice %arg6[%add3A_55, %dma_wait3A_70] : memref<10240x128xf32, #tpu.memory_space<vmem_shared>> -> memref<64x128xf32, #tpu.memory_space<vmem_shared>>
      tpu.wait_dma2 semaphore(%run_scoped3A : memref<!tpu.dma_semaphore, #tpu.memory_space<semaphore_mem>>) src(%dma_wait3A_71 : memref<64x128xf32, #tpu.memory_space<vmem_shared>>) dst(%dma_wait3A_69 : memref<64x128xf32, #tpu.memory_space<hbm>>)
      tpu.yield
    }) : () -> ()
    %add3A_56 = arith.constant 384 : i32
    %add3A_57 = arith.addi %multiple_of3A, %add3A_56 : i32
    "tpu.region"() ({
      %run_scoped3A = tpu.sem_alloc : memref<!tpu.dma_semaphore, #tpu.memory_space<semaphore_mem>>
      %dma_start3A = arith.constant 0 : i32
      %dma_start3A_64 = tpu.memref_slice %arg3[%arg0, %add3A_57, %dma_start3A] : memref<2x10240x128xf32, #tpu.memory_space<hbm>> -> memref<1x64x128xf32, #tpu.memory_space<hbm>>
      %dma_start3A_65 = tpu.memref_squeeze %dma_start3A_64 : memref<1x64x128xf32, #tpu.memory_space<hbm>> -> memref<64x128xf32, #tpu.memory_space<hbm>>
      %dma_start3A_66 = arith.constant 0 : i32
      %dma_start3A_67 = tpu.memref_slice %arg6[%add3A_57, %dma_start3A_66] : memref<10240x128xf32, #tpu.memory_space<vmem_shared>> -> memref<64x128xf32, #tpu.memory_space<vmem_shared>>
      tpu.enqueue_dma source(%dma_start3A_67 : memref<64x128xf32, #tpu.memory_space<vmem_shared>>) target(%dma_start3A_65 : memref<64x128xf32, #tpu.memory_space<hbm>>) target_semaphore(%run_scoped3A : memref<!tpu.dma_semaphore, #tpu.memory_space<semaphore_mem>>)
      %dma_wait3A = arith.constant 0 : i32
      %dma_wait3A_68 = tpu.memref_slice %arg3[%arg0, %add3A_57, %dma_wait3A] : memref<2x10240x128xf32, #tpu.memory_space<hbm>> -> memref<1x64x128xf32, #tpu.memory_space<hbm>>
      %dma_wait3A_69 = tpu.memref_squeeze %dma_wait3A_68 : memref<1x64x128xf32, #tpu.memory_space<hbm>> -> memref<64x128xf32, #tpu.memory_space<hbm>>
      %dma_wait3A_70 = arith.constant 0 : i32
      %dma_wait3A_71 = tpu.memref_slice %arg6[%add3A_57, %dma_wait3A_70] : memref<10240x128xf32, #tpu.memory_space<vmem_shared>> -> memref<64x128xf32, #tpu.memory_space<vmem_shared>>
      tpu.wait_dma2 semaphore(%run_scoped3A : memref<!tpu.dma_semaphore, #tpu.memory_space<semaphore_mem>>) src(%dma_wait3A_71 : memref<64x128xf32, #tpu.memory_space<vmem_shared>>) dst(%dma_wait3A_69 : memref<64x128xf32, #tpu.memory_space<hbm>>)
      tpu.yield
    }) : () -> ()
    %add3A_58 = arith.constant 448 : i32
    %add3A_59 = arith.addi %multiple_of3A, %add3A_58 : i32
    "tpu.region"() ({
      %run_scoped3A = tpu.sem_alloc : memref<!tpu.dma_semaphore, #tpu.memory_space<semaphore_mem>>
      %dma_start3A = arith.constant 0 : i32
      %dma_start3A_64 = tpu.memref_slice %arg3[%arg0, %add3A_59, %dma_start3A] : memref<2x10240x128xf32, #tpu.memory_space<hbm>> -> memref<1x64x128xf32, #tpu.memory_space<hbm>>
      %dma_start3A_65 = tpu.memref_squeeze %dma_start3A_64 : memref<1x64x128xf32, #tpu.memory_space<hbm>> -> memref<64x128xf32, #tpu.memory_space<hbm>>
      %dma_start3A_66 = arith.constant 0 : i32
      %dma_start3A_67 = tpu.memref_slice %arg6[%add3A_59, %dma_start3A_66] : memref<10240x128xf32, #tpu.memory_space<vmem_shared>> -> memref<64x128xf32, #tpu.memory_space<vmem_shared>>
      tpu.enqueue_dma source(%dma_start3A_67 : memref<64x128xf32, #tpu.memory_space<vmem_shared>>) target(%dma_start3A_65 : memref<64x128xf32, #tpu.memory_space<hbm>>) target_semaphore(%run_scoped3A : memref<!tpu.dma_semaphore, #tpu.memory_space<semaphore_mem>>)
      %dma_wait3A = arith.constant 0 : i32
      %dma_wait3A_68 = tpu.memref_slice %arg3[%arg0, %add3A_59, %dma_wait3A] : memref<2x10240x128xf32, #tpu.memory_space<hbm>> -> memref<1x64x128xf32, #tpu.memory_space<hbm>>
      %dma_wait3A_69 = tpu.memref_squeeze %dma_wait3A_68 : memref<1x64x128xf32, #tpu.memory_space<hbm>> -> memref<64x128xf32, #tpu.memory_space<hbm>>
      %dma_wait3A_70 = arith.constant 0 : i32
      %dma_wait3A_71 = tpu.memref_slice %arg6[%add3A_59, %dma_wait3A_70] : memref<10240x128xf32, #tpu.memory_space<vmem_shared>> -> memref<64x128xf32, #tpu.memory_space<vmem_shared>>
      tpu.wait_dma2 semaphore(%run_scoped3A : memref<!tpu.dma_semaphore, #tpu.memory_space<semaphore_mem>>) src(%dma_wait3A_71 : memref<64x128xf32, #tpu.memory_space<vmem_shared>>) dst(%dma_wait3A_69 : memref<64x128xf32, #tpu.memory_space<hbm>>)
      tpu.yield
    }) : () -> ()
    %add3A_60 = arith.constant 512 : i32
    %add3A_61 = arith.addi %multiple_of3A, %add3A_60 : i32
    "tpu.region"() ({
      %run_scoped3A = tpu.sem_alloc : memref<!tpu.dma_semaphore, #tpu.memory_space<semaphore_mem>>
      %dma_start3A = arith.constant 0 : i32
      %dma_start3A_64 = tpu.memref_slice %arg3[%arg0, %add3A_61, %dma_start3A] : memref<2x10240x128xf32, #tpu.memory_space<hbm>> -> memref<1x64x128xf32, #tpu.memory_space<hbm>>
      %dma_start3A_65 = tpu.memref_squeeze %dma_start3A_64 : memref<1x64x128xf32, #tpu.memory_space<hbm>> -> memref<64x128xf32, #tpu.memory_space<hbm>>
      %dma_start3A_66 = arith.constant 0 : i32
      %dma_start3A_67 = tpu.memref_slice %arg6[%add3A_61, %dma_start3A_66] : memref<10240x128xf32, #tpu.memory_space<vmem_shared>> -> memref<64x128xf32, #tpu.memory_space<vmem_shared>>
      tpu.enqueue_dma source(%dma_start3A_67 : memref<64x128xf32, #tpu.memory_space<vmem_shared>>) target(%dma_start3A_65 : memref<64x128xf32, #tpu.memory_space<hbm>>) target_semaphore(%run_scoped3A : memref<!tpu.dma_semaphore, #tpu.memory_space<semaphore_mem>>)
      %dma_wait3A = arith.constant 0 : i32
      %dma_wait3A_68 = tpu.memref_slice %arg3[%arg0, %add3A_61, %dma_wait3A] : memref<2x10240x128xf32, #tpu.memory_space<hbm>> -> memref<1x64x128xf32, #tpu.memory_space<hbm>>
      %dma_wait3A_69 = tpu.memref_squeeze %dma_wait3A_68 : memref<1x64x128xf32, #tpu.memory_space<hbm>> -> memref<64x128xf32, #tpu.memory_space<hbm>>
      %dma_wait3A_70 = arith.constant 0 : i32
      %dma_wait3A_71 = tpu.memref_slice %arg6[%add3A_61, %dma_wait3A_70] : memref<10240x128xf32, #tpu.memory_space<vmem_shared>> -> memref<64x128xf32, #tpu.memory_space<vmem_shared>>
      tpu.wait_dma2 semaphore(%run_scoped3A : memref<!tpu.dma_semaphore, #tpu.memory_space<semaphore_mem>>) src(%dma_wait3A_71 : memref<64x128xf32, #tpu.memory_space<vmem_shared>>) dst(%dma_wait3A_69 : memref<64x128xf32, #tpu.memory_space<hbm>>)
      tpu.yield
    }) : () -> ()
    %add3A_62 = arith.constant 576 : i32
    %add3A_63 = arith.addi %multiple_of3A, %add3A_62 : i32
    "tpu.region"() ({
      %run_scoped3A = tpu.sem_alloc : memref<!tpu.dma_semaphore, #tpu.memory_space<semaphore_mem>>
      %dma_start3A = arith.constant 0 : i32
      %dma_start3A_64 = tpu.memref_slice %arg3[%arg0, %add3A_63, %dma_start3A] : memref<2x10240x128xf32, #tpu.memory_space<hbm>> -> memref<1x64x128xf32, #tpu.memory_space<hbm>>
      %dma_start3A_65 = tpu.memref_squeeze %dma_start3A_64 : memref<1x64x128xf32, #tpu.memory_space<hbm>> -> memref<64x128xf32, #tpu.memory_space<hbm>>
      %dma_start3A_66 = arith.constant 0 : i32
      %dma_start3A_67 = tpu.memref_slice %arg6[%add3A_63, %dma_start3A_66] : memref<10240x128xf32, #tpu.memory_space<vmem_shared>> -> memref<64x128xf32, #tpu.memory_space<vmem_shared>>
      tpu.enqueue_dma source(%dma_start3A_67 : memref<64x128xf32, #tpu.memory_space<vmem_shared>>) target(%dma_start3A_65 : memref<64x128xf32, #tpu.memory_space<hbm>>) target_semaphore(%run_scoped3A : memref<!tpu.dma_semaphore, #tpu.memory_space<semaphore_mem>>)
      %dma_wait3A = arith.constant 0 : i32
      %dma_wait3A_68 = tpu.memref_slice %arg3[%arg0, %add3A_63, %dma_wait3A] : memref<2x10240x128xf32, #tpu.memory_space<hbm>> -> memref<1x64x128xf32, #tpu.memory_space<hbm>>
      %dma_wait3A_69 = tpu.memref_squeeze %dma_wait3A_68 : memref<1x64x128xf32, #tpu.memory_space<hbm>> -> memref<64x128xf32, #tpu.memory_space<hbm>>
      %dma_wait3A_70 = arith.constant 0 : i32
      %dma_wait3A_71 = tpu.memref_slice %arg6[%add3A_63, %dma_wait3A_70] : memref<10240x128xf32, #tpu.memory_space<vmem_shared>> -> memref<64x128xf32, #tpu.memory_space<vmem_shared>>
      tpu.wait_dma2 semaphore(%run_scoped3A : memref<!tpu.dma_semaphore, #tpu.memory_space<semaphore_mem>>) src(%dma_wait3A_71 : memref<64x128xf32, #tpu.memory_space<vmem_shared>>) dst(%dma_wait3A_69 : memref<64x128xf32, #tpu.memory_space<hbm>>)
      tpu.yield
    }) : () -> ()
    return
  }
}

module attributes {stable_mosaic.version = 14 : i64} {
  func.func @_tc1_body(%arg0: memref<10240x128xf32, #tpu.memory_space<vmem>>, %arg1: memref<128x128xf32, #tpu.memory_space<vmem>>, %arg2: memref<1x128xf32, #tpu.memory_space<vmem>>, %arg3: memref<128x128xf32, #tpu.memory_space<vmem>>, %arg4: memref<1x128xf32, #tpu.memory_space<vmem>>, %arg5: memref<128x128xf32, #tpu.memory_space<vmem>>, %arg6: memref<10240x128xf32, #tpu.memory_space<vmem>>, %arg7: memref<10240x128xf32, #tpu.memory_space<vmem>>) attributes {dimension_semantics = [], scalar_prefetch = 0 : i64, scratch_operands = 0 : i64, tpu.core_type = #tpu.core_type<tc>} {
    %get3A = arith.constant 0 : index
    %get3A_0 = arith.constant 0 : index
    %get3A_1 = vector.load %arg0[%get3A, %get3A_0] : memref<10240x128xf32, #tpu.memory_space<vmem>>, vector<10240x128xf32>
    %get3A_2 = arith.constant 0 : index
    %get3A_3 = arith.constant 0 : index
    %get3A_4 = vector.load %arg1[%get3A_2, %get3A_3] : memref<128x128xf32, #tpu.memory_space<vmem>>, vector<128x128xf32>
    %dot_general3A = arith.constant dense<0.000000e+00> : vector<10240x128xf32>
    %dot_general3A_5 = tpu.matmul %get3A_1, %get3A_4, %dot_general3A {dimension_numbers = #tpu.dot_dimension_numbers<[1], [0], [0], [1], [0, 0, 1, 1], [], []>, transpose_lhs_hint = false} : vector<10240x128xf32>, vector<128x128xf32>, vector<10240x128xf32> -> vector<10240x128xf32>
    %get3A_6 = arith.constant 0 : index
    %get3A_7 = arith.constant 0 : index
    %get3A_8 = vector.load %arg2[%get3A_6, %get3A_7] : memref<1x128xf32, #tpu.memory_space<vmem>>, vector<1x128xf32>
    %add3A = vector.broadcast %get3A_8 : vector<1x128xf32> to vector<10240x128xf32>
    %add3A_9 = arith.addf %dot_general3A_5, %add3A : vector<10240x128xf32>
    %logistic3A = arith.negf %add3A_9 : vector<10240x128xf32>
    %logistic3A_10 = math.exp %logistic3A : vector<10240x128xf32>
    %logistic3A_11 = arith.constant 1.000000e+00 : f32
    %logistic3A_12 = vector.broadcast %logistic3A_11 : f32 to vector<10240x128xf32>
    %logistic3A_13 = arith.addf %logistic3A_12, %logistic3A_10 : vector<10240x128xf32>
    %logistic3A_14 = arith.divf %logistic3A_12, %logistic3A_13 : vector<10240x128xf32>
    %get3A_15 = arith.constant 0 : index
    %get3A_16 = arith.constant 0 : index
    %get3A_17 = vector.load %arg3[%get3A_15, %get3A_16] : memref<128x128xf32, #tpu.memory_space<vmem>>, vector<128x128xf32>
    %dot_general3A_18 = arith.constant dense<0.000000e+00> : vector<10240x128xf32>
    %dot_general3A_19 = tpu.matmul %get3A_1, %get3A_17, %dot_general3A_18 {dimension_numbers = #tpu.dot_dimension_numbers<[1], [0], [0], [1], [0, 0, 1, 1], [], []>, transpose_lhs_hint = false} : vector<10240x128xf32>, vector<128x128xf32>, vector<10240x128xf32> -> vector<10240x128xf32>
    %get3A_20 = arith.constant 0 : index
    %get3A_21 = arith.constant 0 : index
    %get3A_22 = vector.load %arg4[%get3A_20, %get3A_21] : memref<1x128xf32, #tpu.memory_space<vmem>>, vector<1x128xf32>
    %add3A_23 = vector.broadcast %get3A_22 : vector<1x128xf32> to vector<10240x128xf32>
    %add3A_24 = arith.addf %dot_general3A_19, %add3A_23 : vector<10240x128xf32>
    %tanh3A = math.tanh %add3A_24 : vector<10240x128xf32>
    %mul3A = arith.mulf %logistic3A_14, %tanh3A : vector<10240x128xf32>
    %swap3A = arith.constant 0 : index
    %swap3A_25 = arith.constant 0 : index
    %swap3A_26 = vector.load %arg6[%swap3A, %swap3A_25] : memref<10240x128xf32, #tpu.memory_space<vmem>>, vector<10240x128xf32>
    tpu.vector_store %arg6[%swap3A, %swap3A_25], %mul3A {strides = array<i32>} : memref<10240x128xf32, #tpu.memory_space<vmem>>, vector<10240x128xf32>,
    %get3A_27 = arith.constant 0 : index
    %get3A_28 = arith.constant 0 : index
    %get3A_29 = vector.load %arg5[%get3A_27, %get3A_28] : memref<128x128xf32, #tpu.memory_space<vmem>>, vector<128x128xf32>
    %dot_general3A_30 = arith.constant dense<0.000000e+00> : vector<10240x128xf32>
    %dot_general3A_31 = tpu.matmul %mul3A, %get3A_29, %dot_general3A_30 {dimension_numbers = #tpu.dot_dimension_numbers<[1], [0], [0], [1], [0, 0, 1, 1], [], []>, transpose_lhs_hint = false} : vector<10240x128xf32>, vector<128x128xf32>, vector<10240x128xf32> -> vector<10240x128xf32>
    %swap3A_32 = arith.constant 0 : index
    %swap3A_33 = arith.constant 0 : index
    %swap3A_34 = vector.load %arg7[%swap3A_32, %swap3A_33] : memref<10240x128xf32, #tpu.memory_space<vmem>>, vector<10240x128xf32>
    tpu.vector_store %arg7[%swap3A_32, %swap3A_33], %dot_general3A_31 {strides = array<i32>} : memref<10240x128xf32, #tpu.memory_space<vmem>>, vector<10240x128xf32>,
    return
  }
}

module attributes {stable_mosaic.version = 14 : i64} {
  func.func @_tc2_body(%arg0: memref<2x10240x128xf32, #tpu.memory_space<vmem>>, %arg1: memref<2x10240x128xf32, #tpu.memory_space<vmem>>, %arg2: memref<1x128xf32, #tpu.memory_space<vmem>>, %arg3: memref<128x128xf32, #tpu.memory_space<vmem>>, %arg4: memref<10240x128xf32, #tpu.memory_space<vmem>>) attributes {dimension_semantics = [], scalar_prefetch = 0 : i64, scratch_operands = 0 : i64, tpu.core_type = #tpu.core_type<tc>} {
    %get3A = arith.constant 0 : index
    %get3A_0 = arith.constant 0 : index
    %get3A_1 = arith.constant 0 : index
    %get3A_2 = vector.load %arg1[%get3A, %get3A_0, %get3A_1] : memref<2x10240x128xf32, #tpu.memory_space<vmem>>, vector<1x10240x1xf32>
    %get3A_3 = vector.shape_cast %get3A_2 : vector<1x10240x1xf32> to vector<10240x1xf32>
    %get3A_4 = arith.constant 1 : index
    %get3A_5 = arith.constant 0 : index
    %get3A_6 = arith.constant 0 : index
    %get3A_7 = vector.load %arg1[%get3A_4, %get3A_5, %get3A_6] : memref<2x10240x128xf32, #tpu.memory_space<vmem>>, vector<1x10240x1xf32>
    %get3A_8 = vector.shape_cast %get3A_7 : vector<1x10240x1xf32> to vector<10240x1xf32>
    %add3A = arith.addf %get3A_3, %get3A_8 : vector<10240x1xf32>
    %max3A = arith.constant 1.000000e+00 : f32
    %max3A_9 = vector.broadcast %max3A : f32 to vector<10240x1xf32>
    %max3A_10 = arith.maximumf %add3A, %max3A_9 : vector<10240x1xf32>
    %div3A = arith.constant 1.000000e+00 : f32
    %div3A_11 = vector.broadcast %div3A : f32 to vector<10240x1xf32>
    %div3A_12 = arith.divf %div3A_11, %max3A_10 : vector<10240x1xf32>
    %get3A_13 = arith.constant 0 : index
    %get3A_14 = arith.constant 0 : index
    %get3A_15 = arith.constant 0 : index
    %get3A_16 = vector.load %arg0[%get3A_13, %get3A_14, %get3A_15] : memref<2x10240x128xf32, #tpu.memory_space<vmem>>, vector<1x10240x128xf32>
    %get3A_17 = vector.shape_cast %get3A_16 : vector<1x10240x128xf32> to vector<10240x128xf32>
    %get3A_18 = arith.constant 1 : index
    %get3A_19 = arith.constant 0 : index
    %get3A_20 = arith.constant 0 : index
    %get3A_21 = vector.load %arg0[%get3A_18, %get3A_19, %get3A_20] : memref<2x10240x128xf32, #tpu.memory_space<vmem>>, vector<1x10240x128xf32>
    %get3A_22 = vector.shape_cast %get3A_21 : vector<1x10240x128xf32> to vector<10240x128xf32>
    %add3A_23 = arith.addf %get3A_17, %get3A_22 : vector<10240x128xf32>
    %mul3A = vector.broadcast %div3A_12 : vector<10240x1xf32> to vector<10240x128xf32>
    %mul3A_24 = arith.mulf %add3A_23, %mul3A : vector<10240x128xf32>
    %get3A_25 = arith.constant 0 : index
    %get3A_26 = arith.constant 0 : index
    %get3A_27 = vector.load %arg2[%get3A_25, %get3A_26] : memref<1x128xf32, #tpu.memory_space<vmem>>, vector<1x128xf32>
    %add3A_28 = vector.broadcast %get3A_27 : vector<1x128xf32> to vector<10240x128xf32>
    %add3A_29 = arith.addf %mul3A_24, %add3A_28 : vector<10240x128xf32>
    %max3A_30 = arith.constant 0.000000e+00 : f32
    %max3A_31 = vector.broadcast %max3A_30 : f32 to vector<10240x128xf32>
    %max3A_32 = arith.maximumf %add3A_29, %max3A_31 : vector<10240x128xf32>
    %get3A_33 = arith.constant 0 : index
    %get3A_34 = arith.constant 0 : index
    %get3A_35 = vector.load %arg3[%get3A_33, %get3A_34] : memref<128x128xf32, #tpu.memory_space<vmem>>, vector<128x128xf32>
    %dot_general3A = arith.constant dense<0.000000e+00> : vector<10240x128xf32>
    %dot_general3A_36 = tpu.matmul %max3A_32, %get3A_35, %dot_general3A {dimension_numbers = #tpu.dot_dimension_numbers<[1], [0], [0], [1], [0, 0, 1, 1], [], []>, transpose_lhs_hint = false} : vector<10240x128xf32>, vector<128x128xf32>, vector<10240x128xf32> -> vector<10240x128xf32>
    %swap3A = arith.constant 0 : index
    %swap3A_37 = arith.constant 0 : index
    %swap3A_38 = vector.load %arg4[%swap3A, %swap3A_37] : memref<10240x128xf32, #tpu.memory_space<vmem>>, vector<10240x128xf32>
    tpu.vector_store %arg4[%swap3A, %swap3A_37], %dot_general3A_36 {strides = array<i32>} : memref<10240x128xf32, #tpu.memory_space<vmem>>, vector<10240x128xf32>,
    return
  }
}

module attributes {stable_mosaic.version = 14 : i64} {
  func.func @_tc3_body(%arg0: memref<2x10240x128xf32, #tpu.memory_space<vmem>>, %arg1: memref<2x10240x128xf32, #tpu.memory_space<vmem>>, %arg2: memref<1x128xf32, #tpu.memory_space<vmem>>, %arg3: memref<10240x128xf32, #tpu.memory_space<vmem>>, %arg4: memref<128x128xf32, #tpu.memory_space<vmem>>, %arg5: memref<1x128xf32, #tpu.memory_space<vmem>>, %arg6: memref<10240x128xf32, #tpu.memory_space<vmem>>) attributes {dimension_semantics = [], scalar_prefetch = 0 : i64, scratch_operands = 0 : i64, tpu.core_type = #tpu.core_type<tc>} {
    %get3A = arith.constant 0 : index
    %get3A_0 = arith.constant 0 : index
    %get3A_1 = arith.constant 0 : index
    %get3A_2 = vector.load %arg1[%get3A, %get3A_0, %get3A_1] : memref<2x10240x128xf32, #tpu.memory_space<vmem>>, vector<1x10240x1xf32>
    %get3A_3 = vector.shape_cast %get3A_2 : vector<1x10240x1xf32> to vector<10240x1xf32>
    %get3A_4 = arith.constant 1 : index
    %get3A_5 = arith.constant 0 : index
    %get3A_6 = arith.constant 0 : index
    %get3A_7 = vector.load %arg1[%get3A_4, %get3A_5, %get3A_6] : memref<2x10240x128xf32, #tpu.memory_space<vmem>>, vector<1x10240x1xf32>
    %get3A_8 = vector.shape_cast %get3A_7 : vector<1x10240x1xf32> to vector<10240x1xf32>
    %add3A = arith.addf %get3A_3, %get3A_8 : vector<10240x1xf32>
    %max3A = arith.constant 1.000000e+00 : f32
    %max3A_9 = vector.broadcast %max3A : f32 to vector<10240x1xf32>
    %max3A_10 = arith.maximumf %add3A, %max3A_9 : vector<10240x1xf32>
    %div3A = arith.constant 1.000000e+00 : f32
    %div3A_11 = vector.broadcast %div3A : f32 to vector<10240x1xf32>
    %div3A_12 = arith.divf %div3A_11, %max3A_10 : vector<10240x1xf32>
    %get3A_13 = arith.constant 0 : index
    %get3A_14 = arith.constant 0 : index
    %get3A_15 = arith.constant 0 : index
    %get3A_16 = vector.load %arg0[%get3A_13, %get3A_14, %get3A_15] : memref<2x10240x128xf32, #tpu.memory_space<vmem>>, vector<1x10240x128xf32>
    %get3A_17 = vector.shape_cast %get3A_16 : vector<1x10240x128xf32> to vector<10240x128xf32>
    %get3A_18 = arith.constant 1 : index
    %get3A_19 = arith.constant 0 : index
    %get3A_20 = arith.constant 0 : index
    %get3A_21 = vector.load %arg0[%get3A_18, %get3A_19, %get3A_20] : memref<2x10240x128xf32, #tpu.memory_space<vmem>>, vector<1x10240x128xf32>
    %get3A_22 = vector.shape_cast %get3A_21 : vector<1x10240x128xf32> to vector<10240x128xf32>
    %add3A_23 = arith.addf %get3A_17, %get3A_22 : vector<10240x128xf32>
    %mul3A = vector.broadcast %div3A_12 : vector<10240x1xf32> to vector<10240x128xf32>
    %mul3A_24 = arith.mulf %add3A_23, %mul3A : vector<10240x128xf32>
    %get3A_25 = arith.constant 0 : index
    %get3A_26 = arith.constant 0 : index
    %get3A_27 = vector.load %arg2[%get3A_25, %get3A_26] : memref<1x128xf32, #tpu.memory_space<vmem>>, vector<1x128xf32>
    %add3A_28 = vector.broadcast %get3A_27 : vector<1x128xf32> to vector<10240x128xf32>
    %add3A_29 = arith.addf %mul3A_24, %add3A_28 : vector<10240x128xf32>
    %max3A_30 = arith.constant 0.000000e+00 : f32
    %max3A_31 = vector.broadcast %max3A_30 : f32 to vector<10240x128xf32>
    %max3A_32 = arith.maximumf %add3A_29, %max3A_31 : vector<10240x128xf32>
    %get3A_33 = arith.constant 0 : index
    %get3A_34 = arith.constant 0 : index
    %get3A_35 = vector.load %arg3[%get3A_33, %get3A_34] : memref<10240x128xf32, #tpu.memory_space<vmem>>, vector<10240x128xf32>
    %add3A_36 = arith.addf %get3A_35, %max3A_32 : vector<10240x128xf32>
    %mul3A_37 = arith.constant 5.000000e-01 : f32
    %mul3A_38 = vector.broadcast %mul3A_37 : f32 to vector<10240x128xf32>
    %mul3A_39 = arith.mulf %mul3A_38, %add3A_36 : vector<10240x128xf32>
    %get3A_40 = arith.constant 0 : index
    %get3A_41 = arith.constant 0 : index
    %get3A_42 = vector.load %arg4[%get3A_40, %get3A_41] : memref<128x128xf32, #tpu.memory_space<vmem>>, vector<128x128xf32>
    %dot_general3A = arith.constant dense<0.000000e+00> : vector<10240x128xf32>
    %dot_general3A_43 = tpu.matmul %mul3A_39, %get3A_42, %dot_general3A {dimension_numbers = #tpu.dot_dimension_numbers<[1], [0], [0], [1], [0, 0, 1, 1], [], []>, transpose_lhs_hint = false} : vector<10240x128xf32>, vector<128x128xf32>, vector<10240x128xf32> -> vector<10240x128xf32>
    %get3A_44 = arith.constant 0 : index
    %get3A_45 = arith.constant 0 : index
    %get3A_46 = vector.load %arg5[%get3A_44, %get3A_45] : memref<1x128xf32, #tpu.memory_space<vmem>>, vector<1x128xf32>
    %add3A_47 = vector.broadcast %get3A_46 : vector<1x128xf32> to vector<10240x128xf32>
    %add3A_48 = arith.addf %dot_general3A_43, %add3A_47 : vector<10240x128xf32>
    %swap3A = arith.constant 0 : index
    %swap3A_49 = arith.constant 0 : index
    %swap3A_50 = vector.load %arg6[%swap3A, %swap3A_49] : memref<10240x128xf32, #tpu.memory_space<vmem>>, vector<10240x128xf32>
    tpu.vector_store %arg6[%swap3A, %swap3A_49], %add3A_48 {strides = array<i32>} : memref<10240x128xf32, #tpu.memory_space<vmem>>, vector<10240x128xf32>,
    return
  }
}

</mosaic_0001>

<sc_bundles>
// kernel: kernel.11.cloned.1.call-start
scs
__scs_entry_jumppad:
0x0: {  	(pc) =	sbr.rel $0x88, $3  }
0x1: {  	(tag) =	ssettag $0x0;
	lr =	simm.s32 $0x1  }
0x2: {  	[smem:$0x3F95] =	sst lr;
	_ =	strace $0xD0000000  }
0x3: {  	_ = 	snop  }
0x4: {  	_ = 	snop  }
0x5: {  	_ = 	snop  }
0x6: {  	_ = 	snop  }
0x7: {  	_ = 	snop  }
__scs_overlays_trampoline_lowered:
0x8: {  	[smem:$0x3FA4] =	sst s0  }
0x9: {  	[smem:$0x3FA5] =	sst s1  }
0xa: {  	[smem:$0x3FA6] =	sst s2  }
0xb: {  	[smem:$0x3FA7] =	sst s3  }
0xc: {  	[smem:$0x3FA8] =	sst s4  }
0xd: {  	[smem:$0x3FA9] =	sst s5  }
0xe: {  	[smem:$0x3FAA] =	sst s6  }
0xf: {  	[smem:$0x3FAB] =	sst s7  }
0x10: {  	[smem:$0x3FAC] =	sst s8  }
0x11: {  	[smem:$0x3FAD] =	sst s9;
	s0 =	simm.s32 @!p0 $0x0  }
0x12: {  	s1 =	sld [smem:$0x3F93];
	s0 =	simm.s32 @p0 $0x1  }
0x13: {  	[smem:$0x3FAE] =	sst s0;
	s0 =	simm.s32 @!p1 $0x0  }
0x14: {  	s2 =	sld [smem:$0x3F92];
	s0 =	simm.s32 @p1 $0x1  }
0x15: {  	[smem:$0x3FAF] =	sst s0;
	s0 =	simm.s32 @!p2 $0x0  }
0x16: {  	s3 =	sld [smem:$0x3FDB];
	s0 =	simm.s32 @p2 $0x1  }
0x17: {  	s4 =	simm.s32 $0x1BF5;
	[smem:$0x3FB1] =	sst s0  }
0x18: {  	s0 =	sld [smem:$0x3F94];
	_ =	swait.ge [sflag:s4], $0x0  }
0x19: {  	s7 =	sld [smem:$0x3F95]  }
0x1a: {  	s8 =	sadd.s32 $0xFFFFE003, lr  }
0x1b: {  	s9 =	sadd.s32 $0xFFFFFEF7, lr;
	s5 =	simm.s32 $0xFFFFFFFF;
	p2 =	slt.u32 s8, $0xFFFFF086  }
0x1c: {  	p1 =	slt.u32 s9, $0xF7A;
	s5 =	simm.s32 @!p2 $0x0  }
0x1d: {  	s5 =	simm.s32 @p1 $0x1;
	p0 =	seq.s32 s7, s2  }
0x1e: {  	s7 =	smul.u32 @!p0 $0xF7A, s2;
	p2 =	seq.s32 @!p0 s5, $0x0  }
0x1f: {  	s9 =	smul.u32 $0xF7A, s1;
	s8 =	simm.s32 @!p0 $0x1BF5;
	p2 =	por !p2, p0  }
0x20: {  	[sflag:s8] =	ssyncset.s32 @!p0 $0xFFFFF086;
	s6 =	sadd.s32 @!p0 s3, s7;
	s7 =	simm.s32 @!p0 $0x108  }
0x21: {  	s3 =	sadd.s32 s3, s9;
	s6 =	sadd.s32 @!p0 $0x88, s6;
	s7 =	simm.s32 @p2 $0x1082  }
0x22: {  	[simem:s7], [sflag:s8] =	dma.local @!p0 [hbm:s6], $0xF7A  }
0x23: {  	s9 =	sor.u32 $0xD0000000, s2;
	s6 =	simm.s32 $0x108;
	_ =	swait.ge @!p0 [sflag:s8], $0x0  }
0x24: {  	s3 =	sadd.s32 $0x88, s3;
	s6 =	simm.s32 @!p1 $0x1082;
	[sflag:s4] =	ssyncset.s32 $0xFFFFF086  }
0x25: {  	[simem:s6], [sflag:s4] =	dma.local [hbm:s3], $0xF7A  }
0x26: {  	[smem:$0x3F95] =	sst s1;
	(tag) =	ssettag s2;
	_ =	strace s9  }
0x27: {  	s1 =	sld [smem:$0x3FA5]  }
0x28: {  	s2 =	sld [smem:$0x3FA6]  }
0x29: {  	s4 =	sld [smem:$0x3FA8]  }
0x2a: {  	p0 =	seq.s32 s5, $0x0;
	s5 =	sld [smem:$0x3FA9]  }
0x2b: {  	s6 =	sld [smem:$0x3FAA]  }
0x2c: {  	s7 =	sld [smem:$0x3FAB]  }
0x2d: {  	s3 =	simm.s32 $0x108;
	s8 =	sld [smem:$0x3FAC]  }
0x2e: {  	s3 =	simm.s32 @!p0 $0x1082;
	s9 =	sld [smem:$0x3FAD]  }
0x2f: {  	lr =	sadd.s32 s0, s3;
	s0 =	sld [smem:$0x3FA4]  }
0x30: {  	s3 =	sld [smem:$0x3FA7]  }
0x31: {  	[smem:$0x3FB0] =	sst s10  }
0x32: {  	s10 =	sld [smem:$0x3FAE];
	_ =	sdelay $0x3  }
0x33: {  	p0 =	seq.s32 s10, $0x1;
	s10 =	sld [smem:$0x3FB0];
	_ =	sdelay $0x3  }
0x34: {  	[smem:$0x3FB0] =	sst s10  }
0x35: {  	s10 =	sld [smem:$0x3FAF];
	_ =	sdelay $0x3  }
0x36: {  	p1 =	seq.s32 s10, $0x1;
	s10 =	sld [smem:$0x3FB0];
	_ =	sdelay $0x3  }
0x37: {  	[smem:$0x3FB0] =	sst s10  }
0x38: {  	s10 =	sld [smem:$0x3FB1]  }
0x39: {  	_ = 	snop;
	(pc) =	sbr.ind lr, $3  }
0x3a: {  	_ = 	snop  }
0x3b: {  	_ = 	snop  }
0x3c: {  	p2 =	seq.s32 s10, $0x1;
	s10 =	sld [smem:$0x3FB0]  }
0x3d: {  	_ =	shalt  }
0x3e: {  	_ =	shalt  }
0x3f: {  	_ =	shalt  }
0x40: {  	_ =	shalt  }
0x41: {  	_ =	shalt  }
0x42: {  	_ =	shalt  }
0x43: {  	_ =	shalt  }
0x44: {  	_ =	shalt  }
0x45: {  	_ =	shalt  }
0x46: {  	_ =	shalt  }
0x47: {  	_ =	shalt  }
0x48: {  	_ =	shalt  }
0x49: {  	_ =	shalt  }
0x4a: {  	_ =	shalt  }
0x4b: {  	_ =	shalt  }
0x4c: {  	_ =	shalt  }
0x4d: {  	_ =	shalt  }
0x4e: {  	_ =	shalt  }
0x4f: {  	_ =	shalt  }
0x50: {  	_ =	shalt  }
0x51: {  	_ =	shalt  }
0x52: {  	_ =	shalt  }
0x53: {  	_ =	shalt  }
0x54: {  	_ =	shalt  }
0x55: {  	_ =	shalt  }
0x56: {  	_ =	shalt  }
0x57: {  	_ =	shalt  }
0x58: {  	_ =	shalt  }
0x59: {  	_ =	shalt  }
0x5a: {  	_ =	shalt  }
0x5b: {  	_ =	shalt  }
0x5c: {  	_ =	shalt  }
0x5d: {  	_ =	shalt  }
0x5e: {  	_ =	shalt  }
0x5f: {  	_ =	shalt  }
0x60: {  	_ =	shalt  }
0x61: {  	_ =	shalt  }
0x62: {  	_ =	shalt  }
0x63: {  	_ =	shalt  }
0x64: {  	_ =	shalt  }
0x65: {  	_ =	shalt  }
0x66: {  	_ =	shalt  }
0x67: {  	_ =	shalt  }
0x68: {  	_ =	shalt  }
0x69: {  	_ =	shalt  }
0x6a: {  	_ =	shalt  }
0x6b: {  	_ =	shalt  }
0x6c: {  	_ =	shalt  }
0x6d: {  	_ =	shalt  }
0x6e: {  	_ =	shalt  }
0x6f: {  	_ =	shalt  }
0x70: {  	_ =	shalt  }
0x71: {  	_ =	shalt  }
0x72: {  	_ =	shalt  }
0x73: {  	_ =	shalt  }
0x74: {  	_ =	shalt  }
0x75: {  	_ =	shalt  }
0x76: {  	_ =	shalt  }
0x77: {  	_ =	shalt  }
0x78: {  	_ =	shalt  }
0x79: {  	_ =	shalt  }
0x7a: {  	_ =	shalt  }
0x7b: {  	_ =	shalt  }
0x7c: {  	_ =	shalt  }
0x7d: {  	_ =	shalt  }
0x7e: {  	_ =	shalt  }
0x7f: {  	_ =	shalt  }
0x80: {  	_ =	shalt  }
0x81: {  	_ =	shalt  }
0x82: {  	_ =	shalt  }
0x83: {  	_ =	shalt  }
0x84: {  	_ =	shalt  }
0x85: {  	_ =	shalt  }
0x86: {  	_ =	shalt  }
0x87: {  	_ =	shalt  }
.Lfunc_end0:
.L_simem_size_0:
called_computation.1_lowered:
.L_overlay_start_0:
0x88: {  	s2 =	sld [smem:$0x3FD9]  }
0x89: {  	s3 =	sld [smem:$0x3FFE];
	_ =	sdelay $0x1  }
0x8a: {  	s1 =	srdreg.scid  }
0x8b: {  	s0 =	sand.u32 $0x1, s1  }
0x8c: {  	s16 =	sshll.u32 s0, $0xA;
	s2 =	sadd.s32 s3, s2  }
0x8d: {  	s2 =	sadd.s32 s2, s16  }
0x8e: {  	[smem:$0x3FBC] =	sst s2  }
0x8f: {  	_ = 	snop  }
0x90: {  	(tm) =	ssettm $0x1  }
0x91: {  	s17 =	sld [smem:$0x3FFB];
	_ =	sdelay $0x3  }
0x92: {  	_ =	strace s17  }
0x93: {  	s2 =	sld [smem:$0x3FFC];
	_ =	sdelay $0x3  }
0x94: {  	_ =	strace s2  }
0x95: {  	s2 =	sld [smem:$0x3FFD];
	_ =	sdelay $0x3  }
0x96: {  	_ =	strace s2  }
0x97: {  	_ =	strace $0x8FFFFFFF  }
0x98: {  	s18 =	sld [smem:$0x3FDB];
	_ =	sdelay $0x1  }
0x99: {  	s19 =	simm.s32 $_scs_section_size  }
0x9a: {  	s4 =	simm.s32 $_size__tile_overlayer_lowered;
	s5 =	simm.s32 $_tile_overlayer_lowered  }
0x9b: {  	s22 =	simm.s32 $0x1BFF;
	s21 =	sshll.u32 s5, $0x1;
	s2 =	sadd.s32 s19, s18  }
0x9c: {  	s6 =	simm.s32 $0x0;
	s20 =	sshll.u32 s4, $0x1;
	s4 =	sadd.s32 s21, s2  }
0x9d: {  	[timem:s6], [sflag:s22] =	dma.local [hbm:s4], s20  }
0x9e: {  	_ =	swait.ge [sflag:s22], s20  }
0x9f: {  	s3 =	ssub.s32 $0x0, s20;
	[sflag:s22] =	ssyncset.done $0x0  }
0xa0: {  	[sflag:s22] =	ssyncadd.s32 s3;
	_ =	sdelay $0x1  }
0xa1: {  	s23 =	simm.s32 $0x1B8B  }
0xa2: {  	_ =	swait.ge [sflag:s23], $0x1  }
0xa3: {  	[sflag:s23] =	ssyncset.done $0x0  }
0xa4: {  	s25 =	simm.s32 $0x1B8E;
	s24 =	sld [smem:$0x3FFE];
	[sflag:s23] =	ssyncadd.s32 $0xFFFFFFFF  }
0xa5: {  	s26 =	simm.s32 $execute0_lowered;
	[smem:$0x3FD2] =	sst s25  }
0xa6: {  	s4 =	sshll.u32 s26, $0x1;
	_ =	strace $0x80000046;
	[dreg:$0x1] =	wrdreg $0xFFFFFFFF  }
0xa7: {  	s28 =	simm.s32 $_size_execute0_lowered;
	s2 =	sadd.s32 s2, s4;
	[dreg:$0x0] =	wrdreg $0x0  }
0xa8: {  	s4 =	sshll.u32 s28, $0x1;
	[dreg:$0x2] =	wrdreg s2  }
0xa9: {  	[dreg:$0x3] =	wrdreg s4  }
0xaa: {  	[dreg:$0x4] =	wrdreg $0xC0  }
0xab: {  	_ =	task [dreg:s6], $0x5FFFF  }
0xac: {  	[dreg:$0x1] =	wrdreg $0xFFFFFFFF  }
0xad: {  	[dreg:$0x0] =	wrdreg $0x60  }
0xae: {  	[dreg:$0x2] =	wrdreg s24  }
0xaf: {  	[dreg:$0x3] =	wrdreg $0x68000  }
0xb0: {  	[dreg:$0x4] =	wrdreg $0xA  }
0xb1: {  	_ =	task.clear_ibuf [dreg:s6], $0x5FFFF;
	_ =	strace $0x90000046  }
0xb2: {  	s29 =	simm.s32 $0xA;
	_ =	strace $0x80000048  }
0xb3: {  	_ =	swait.ge [sflag:s29], $0x1  }
0xb4: {  	[sflag:s29] =	ssyncadd.s32 $0xFFFFFFFF  }
0xb5: {  	_ =	strace $0x90000048  }
0xb6: {  	_ =	sfence  }
0xb7: {  	s30 =	sld [smem:$0x0];
	_ =	sdelay $0x2  }
0xb8: {  	s31 =	sshll.u32 s1, $0xD;
	s1 =	sshrl.u32 s1, $0x2  }
0xb9: {  	s3 =	sand.u32 $0x4000, s31;
	s1 =	sadd.s32 s1, s30  }
0xba: {  	s0 =	sor.u32 s3, s0;
	s1 =	sshll.u32 s1, $0x11  }
0xbb: {  	s0 =	sor.u32 s1, s0  }
0xbc: {  	s0 =	sadd.s32 $0x8F2B, s0  }
0xbd: {  	[sflag:s0] =	ssyncadd.remote.s32 $0x1  }
0xbe: {  	_ =	sfence.sel $0xFFFF  }
0xbf: {  	[dreg:$0x0] =	wrdreg $0xFFFFFFFF;
	(pc) =	sbr.abs _section_cstart, $3  }
0xc0: {  	[dreg:$0x1] =	wrdreg $0xFFFFFFFF  }
0xc1: {  	_ =	task.clear_ibuf [dreg:s6], $0x2FFFF;
	_ =	strace $0x9FFFFFFF  }
0xc2: {  	(tm) =	ssettm $0x7FFFFFFF  }
0xc3: {  	_ =	shalt  }
tec
execute0_lowered:
.L_overlay_start_1:
0x0: {  	(tag) =	ssettag $0x1  }
0x1: {  	s0 =	rddreg [dreg:$0x0]  }
0x2: {  	s2 =	rddreg [dreg:$0x1];
	s1 =	srdreg.scid;
	s3 =	simm.s32 $0x0  }
0x3: {  	s19 =	stileid.u32;
	s28 =	simm.s32 $0x7;
	s29 =	simm.s32 $0x400  }
0x4: {  	s30 =	simm.s32 $0x40;
	s31 =	simm.s32 $0x80;
	s20 =	smul.u32 $0xA00, s19  }
0x5: {  	s4 =	sand.u32 $0x1, s1;
	[smem:$0x7FF] =	sst s3;
	s7 =	smul.u32 $0x14000, s19  }
0x6: {  	s9 =	sadd.s32 $0x52400, s0;
	s5 =	ssub.s32 $0x2, s4;
	_ =	strace $0x80000047  }
0x7: {  	s13 =	smul.u32 $0x140000, s4;
	p0 =	seq.s32 s4, $0x1;
	s6 =	sshrl.u32 s5, $0x1  }
0x8: {  	s8 =	sadd.s32 s20, s0;
	s10 =	sadd.s32 $0x6000, s7;
	s11 =	sadd.s32 $0x8000, s7  }
0x9: {  	s12 =	sadd.s32 $0xA000, s7;
	s15 =	sadd.s32 $0xC000, s7;
	s16 =	sadd.s32 $0xE000, s7  }
0xa: {  	s17 =	sadd.s32 $0x10000, s7;
	s18 =	sadd.s32 $0x12000, s7;
	s1 =	ssub.s32 s5, s6  }
0xb: {  	s5 =	sor.u32 $0x2000, s7;
	s6 =	sadd.s32 $0x4000, s7;
	s7 =	sadd.s32 s7, s13  }
0xc: {  	s25 =	sadd.s32 s13, s10;
	s26 =	sadd.s32 s13, s11;
	s14 =	sadd.s32 s13, s5  }
0xd: {  	s21 =	sshrl.u32 s7, $0x3;
	s24 =	sadd.s32 s13, s6;
	s7 =	sshrl.u32 s25, $0x3  }
0xe: {  	s20 =	sshrl.u32 s26, $0x3;
	s25 =	sadd.s32 $0x20400, s8;
	s26 =	sadd.s32 s13, s15  }
0xf: {  	s22 =	sshrl.u32 s14, $0x3;
	s4 =	sadd.s32 s9, s21;
	s21 =	sadd.s32 s9, s20  }
0x10: {  	[dreg:$0x5] =	wrdreg s25;
	s20 =	sadd.s32 s13, s16;
	s14 =	sadd.s32 $0x2A400, s0  }
0x11: {  	s0 =	simm.s32 $0x2800;
	[dreg:$0x7] =	wrdreg s4;
	s23 =	sadd.s32 s9, s22  }
0x12: {  	s4 =	sshrl.u32 s24, $0x3;
	[dreg:$0xb] =	wrdreg s21;
	s22 =	sadd.s32 $0x2400, s8  }
0x13: {  	s24 =	sadd.s32 $0xC400, s8;
	s21 =	sshrl.u32 s26, $0x3;
	[dreg:$0x8] =	wrdreg s23  }
0x14: {  	s26 =	sadd.s32 $0x16400, s8;
	s4 =	sadd.s32 s9, s4;
	[dreg:$0x3] =	wrdreg s22  }
0x15: {  	s23 =	sadd.s32 s13, s12;
	[dreg:$0x4] =	wrdreg s24;
	s22 =	sadd.s32 s13, s17  }
0x16: {  	s24 =	smul.u32 $0x50000, s19;
	[dreg:$0x6] =	wrdreg s26;
	s19 =	sadd.s32 s10, s2  }
0x17: {  	s26 =	smax.u32 s1, $0x1;
	s1 =	simm.s32 $0x1;
	s10 =	simm.s32 $0x3  }
0x18: {  	[dreg:$0x9] =	wrdreg s4;
	s4 =	sadd.s32 s9, s7;
	s7 =	sshrl.u32 s23, $0x3  }
0x19: {  	s23 =	sadd.s32 s13, s18;
	s13 =	sadd.s32 s6, s2;
	[dreg:$0x14] =	wrdreg s19  }
0x1a: {  	[dreg:$0x1b] =	wrdreg s26;
	s26 =	simm.s32 $0x800;
	s6 =	simm.s32 $0x2  }
0x1b: {  	s19 =	simm.s32 $0x680;
	[dreg:$0xa] =	wrdreg s4;
	s7 =	sadd.s32 s9, s7  }
0x1c: {  	s4 =	sshrl.u32 s20, $0x3;
	s25 =	sshrl.u32 s23, $0x3;
	[dreg:$0x13] =	wrdreg s13  }
0x1d: {  	s20 =	sadd.s32 s11, s2;
	s23 =	sadd.s32 s16, s2;
	s11 =	simm.s32 $0x500  }
0x1e: {  	s13 =	simm.s32 $0x200;
	s16 =	simm.s32 $0x280;
	[dreg:$0xc] =	wrdreg s7  }
0x1f: {  	s7 =	sadd.s32 s9, s21;
	s4 =	sadd.s32 s9, s4;
	[dreg:$0x15] =	wrdreg s20  }
0x20: {  	s21 =	sadd.s32 s12, s2;
	[dreg:$0x18] =	wrdreg s23;
	s12 =	simm.s32 $0x5  }
0x21: {  	s20 =	simm.s32 $0x380;
	s23 =	simm.s32 $0x0;
	[dreg:$0xd] =	wrdreg s7  }
0x22: {  	[dreg:$0xe] =	wrdreg s4;
	s4 =	sshrl.u32 s22, $0x3;
	s7 =	sshrl.u32 s24, $0x2  }
0x23: {  	[dreg:$0x16] =	wrdreg s21;
	s22 =	sadd.s32 s15, s2;
	s24 =	sadd.s32 s17, s2  }
0x24: {  	s15 =	simm.s32 $0x6;
	s17 =	simm.s32 $0x600;
	[dreg:$0x17] =	wrdreg s22  }
0x25: {  	s21 =	simm.s32 $0x700;
	s4 =	sadd.s32 s9, s4;
	[dreg:$0x19] =	wrdreg s24  }
0x26: {  	s8 =	sadd.s32 s7, s2;
	s7 =	simm.s32 $0x480;
	[dreg:$0xf] =	wrdreg s4  }
.Ltmp0:
0x27: {  	s4 =	sadd.s32 s9, s25;
	[dreg:$0x11] =	wrdreg s8;
	(pc) =	sbr.rel .LBB2_1-.Ltmp0, $4  }
0x28: {  	s22 =	simm.s32 $0x780;
	s9 =	sadd.s32 s5, s2;
	[dreg:$0x10] =	wrdreg s4  }
0x29: {  	s25 =	sadd.s32 s18, s2;
	s5 =	simm.s32 $0x4800;
	[dreg:$0x12] =	wrdreg s9  }
0x2a: {  	s8 =	simm.s32 $0x4;
	s18 =	simm.s32 $0x300;
	[dreg:$0x1a] =	wrdreg s25  }
0x2b: {  	v0 =	vimm.f32 $0.0e+00;
	s4 =	simm.s32 $0x100;
	s9 =	simm.s32 $0x180;
	s25 =	simm.s32 $0x580  }
.LBB2_6:
0x2c: {  	[sflag:s12] =	ssyncadd.s32 $0xFFFFE000  }
.LBB2_10:
0x2d: {  	s23 =	stileid.u32;
	[bflag:$0x0] =	sbarrier.arrive $0xFFFF  }
0x2e: {  	s23 =	sshll.u32 s23, $0x6;
	s24 =	rddreg [dreg:$0x11]  }
0x2f: {  	s31 =	rddreg [dreg:$0x7];
	s23 =	sor.u32 $0x1C07, s23;
	s24 =	sshrl.u32 s24, $0x3  }
0x30: {  	[hbm:s31], [sflag:s23] =	dma.local [spmem:s24], $0x400  }
0x31: {  	_ =	swait.ge [sflag:s28], $0x400  }
0x32: {  	[sflag:s28] =	ssyncset.done $0x0;
	s24 =	rddreg [dreg:$0x12]  }
0x33: {  	s31 =	rddreg [dreg:$0x8];
	[sflag:s28] =	ssyncadd.s32 $0xFFFFFC00;
	s24 =	sshrl.u32 s24, $0x3  }
0x34: {  	[hbm:s31], [sflag:s23] =	dma.local [spmem:s24], $0x400  }
0x35: {  	_ =	swait.ge [sflag:s28], $0x400  }
0x36: {  	[sflag:s28] =	ssyncset.done $0x0;
	s24 =	rddreg [dreg:$0x13]  }
0x37: {  	s31 =	rddreg [dreg:$0x9];
	[sflag:s28] =	ssyncadd.s32 $0xFFFFFC00;
	s24 =	sshrl.u32 s24, $0x3  }
0x38: {  	[hbm:s31], [sflag:s23] =	dma.local [spmem:s24], $0x400  }
0x39: {  	_ =	swait.ge [sflag:s28], $0x400  }
0x3a: {  	[sflag:s28] =	ssyncset.done $0x0;
	s24 =	rddreg [dreg:$0x14]  }
0x3b: {  	s31 =	rddreg [dreg:$0xa];
	[sflag:s28] =	ssyncadd.s32 $0xFFFFFC00;
	s24 =	sshrl.u32 s24, $0x3  }
0x3c: {  	[hbm:s31], [sflag:s23] =	dma.local [spmem:s24], $0x400  }
0x3d: {  	_ =	swait.ge [sflag:s28], $0x400  }
0x3e: {  	[sflag:s28] =	ssyncset.done $0x0;
	s24 =	rddreg [dreg:$0x15]  }
0x3f: {  	s31 =	rddreg [dreg:$0xb];
	[sflag:s28] =	ssyncadd.s32 $0xFFFFFC00;
	s24 =	sshrl.u32 s24, $0x3  }
0x40: {  	[hbm:s31], [sflag:s23] =	dma.local [spmem:s24], $0x400  }
0x41: {  	_ =	swait.ge [sflag:s28], $0x400  }
0x42: {  	[sflag:s28] =	ssyncset.done $0x0;
	s24 =	rddreg [dreg:$0x16]  }
0x43: {  	s31 =	rddreg [dreg:$0xc];
	[sflag:s28] =	ssyncadd.s32 $0xFFFFFC00;
	s24 =	sshrl.u32 s24, $0x3  }
0x44: {  	[hbm:s31], [sflag:s23] =	dma.local [spmem:s24], $0x400  }
0x45: {  	_ =	swait.ge [sflag:s28], $0x400  }
0x46: {  	[sflag:s28] =	ssyncset.done $0x0;
	s24 =	rddreg [dreg:$0x17]  }
0x47: {  	s31 =	rddreg [dreg:$0xd];
	[sflag:s28] =	ssyncadd.s32 $0xFFFFFC00;
	s24 =	sshrl.u32 s24, $0x3  }
0x48: {  	[hbm:s31], [sflag:s23] =	dma.local [spmem:s24], $0x400  }
0x49: {  	_ =	swait.ge [sflag:s28], $0x400  }
0x4a: {  	[sflag:s28] =	ssyncset.done $0x0;
	s24 =	rddreg [dreg:$0x18]  }
0x4b: {  	s31 =	rddreg [dreg:$0xe];
	[sflag:s28] =	ssyncadd.s32 $0xFFFFFC00;
	s24 =	sshrl.u32 s24, $0x3  }
0x4c: {  	[hbm:s31], [sflag:s23] =	dma.local [spmem:s24], $0x400  }
0x4d: {  	_ =	swait.ge [sflag:s28], $0x400  }
0x4e: {  	[sflag:s28] =	ssyncset.done $0x0;
	s24 =	rddreg [dreg:$0x19]  }
0x4f: {  	s31 =	rddreg [dreg:$0xf];
	[sflag:s28] =	ssyncadd.s32 $0xFFFFFC00;
	s24 =	sshrl.u32 s24, $0x3  }
0x50: {  	[hbm:s31], [sflag:s23] =	dma.local [spmem:s24], $0x400  }
0x51: {  	_ =	swait.ge [sflag:s28], $0x400  }
0x52: {  	[sflag:s28] =	ssyncset.done $0x0;
	s24 =	rddreg [dreg:$0x1a]  }
0x53: {  	s31 =	rddreg [dreg:$0x10];
	[sflag:s28] =	ssyncadd.s32 $0xFFFFFC00;
	s24 =	sshrl.u32 s24, $0x3  }
0x54: {  	[hbm:s31], [sflag:s23] =	dma.local [spmem:s24], $0x400  }
0x55: {  	_ =	swait.ge [sflag:s28], $0x400  }
0x56: {  	s23 =	rddreg [dreg:$0x1c]  }
0x57: {  	s24 =	sadd.s32 $0x1, s23;
	s23 =	rddreg [dreg:$0x1b]  }
0x58: {  	p1 =	sne.s32 s24, s23  }
.Ltmp1:
0x59: {  	_ = 	snop;
	(pc) =	sbr.rel @!p1 .LBB2_11-.Ltmp1, $3  }
0x5a: {  	_ =	sdelay $0x1  }
0x5b: {  	[sflag:s28] =	ssyncset.done $0x0  }
0x5c: {  	s31 =	simm.s32 $0x80;
	[sflag:s28] =	ssyncadd.s32 $0xFFFFFC00;
	s23 =	smov.u32 s24  }
.LBB2_1:
0x5d: {  	[dreg:$0x1c] =	wrdreg s23;
	s24 =	simm.s32 $0x0;
	s23 =	simm.s32 $0x200  }
.LBB2_2:
0x5e: {  	p1 =	sne.s32 s23, $0x7E00;
	[tilespmem:s24+$0x870] =	vst v0  }
0x5f: {  	[tilespmem:s24+$0x800] =	vst v0  }
0x60: {  	[tilespmem:s24+$0x810] =	vst v0  }
.Ltmp2:
0x61: {  	[tilespmem:s24+$0x820] =	vst v0;
	(pc) =	sbr.rel @p1 .LBB2_2-.Ltmp2, $4  }
0x62: {  	[tilespmem:s24+$0x830] =	vst v0  }
0x63: {  	[tilespmem:s24+$0x840] =	vst v0  }
0x64: {  	[tilespmem:s24+$0x850] =	vst v0  }
0x65: {  	[tilespmem:s24+$0x860] =	vst v0;
	s24 =	sshra.s32 s23, $0x2;
	s23 =	sadd.s32 $0x200, s23  }
0x66: {  	[tilespmem:s24+$0x870] =	vst v0  }
0x67: {  	[tilespmem:s24+$0x800] =	vst v0  }
0x68: {  	[tilespmem:s24+$0x810] =	vst v0  }
0x69: {  	[tilespmem:s24+$0x820] =	vst v0  }
0x6a: {  	[tilespmem:s24+$0x830] =	vst v0  }
0x6b: {  	[tilespmem:s24+$0x840] =	vst v0  }
0x6c: {  	[tilespmem:s24+$0x850] =	vst v0  }
0x6d: {  	[tilespmem:s24+$0x860] =	vst v0;
	s23 =	rddreg [dreg:$0x11]  }
0x6e: {  	[spmem:s23] =	stream.linear.scatter [tilespmem:s26], [sflag:$0x7], $0x2000, $0x38;
	[tilespmem:$0x1A800] =	vst v63  }
0x6f: {  	_ =	swait.ge [sflag:s28], $0x2000  }
0x70: {  	[sflag:s28] =	ssyncset.done $0x0  }
0x71: {  	s24 =	rddreg [dreg:$0x12];
	[sflag:s28] =	ssyncadd.s32 $0xFFFFE000  }
0x72: {  	[spmem:s24] =	stream.linear.scatter [tilespmem:s26], [sflag:$0x7], $0x2000, $0x38;
	[tilespmem:$0x1A800] =	vst v63  }
0x73: {  	_ =	swait.ge [sflag:s28], $0x2000  }
0x74: {  	[sflag:s28] =	ssyncset.done $0x0  }
0x75: {  	s24 =	rddreg [dreg:$0x13];
	[sflag:s28] =	ssyncadd.s32 $0xFFFFE000  }
0x76: {  	[spmem:s24] =	stream.linear.scatter [tilespmem:s26], [sflag:$0x7], $0x2000, $0x38;
	[tilespmem:$0x1A800] =	vst v63  }
0x77: {  	_ =	swait.ge [sflag:s28], $0x2000  }
0x78: {  	[sflag:s28] =	ssyncset.done $0x0  }
0x79: {  	s24 =	rddreg [dreg:$0x14];
	[sflag:s28] =	ssyncadd.s32 $0xFFFFE000  }
0x7a: {  	[spmem:s24] =	stream.linear.scatter [tilespmem:s26], [sflag:$0x7], $0x2000, $0x38;
	[tilespmem:$0x1A800] =	vst v63  }
0x7b: {  	_ =	swait.ge [sflag:s28], $0x2000  }
0x7c: {  	[sflag:s28] =	ssyncset.done $0x0  }
0x7d: {  	s24 =	rddreg [dreg:$0x15];
	[sflag:s28] =	ssyncadd.s32 $0xFFFFE000  }
0x7e: {  	[spmem:s24] =	stream.linear.scatter [tilespmem:s26], [sflag:$0x7], $0x2000, $0x38;
	[tilespmem:$0x1A800] =	vst v63  }
0x7f: {  	_ =	swait.ge [sflag:s28], $0x2000  }
0x80: {  	[sflag:s28] =	ssyncset.done $0x0  }
0x81: {  	s24 =	rddreg [dreg:$0x16];
	[sflag:s28] =	ssyncadd.s32 $0xFFFFE000  }
0x82: {  	[spmem:s24] =	stream.linear.scatter [tilespmem:s26], [sflag:$0x7], $0x2000, $0x38;
	[tilespmem:$0x1A800] =	vst v63  }
0x83: {  	_ =	swait.ge [sflag:s28], $0x2000  }
0x84: {  	[sflag:s28] =	ssyncset.done $0x0  }
0x85: {  	s24 =	rddreg [dreg:$0x17];
	[sflag:s28] =	ssyncadd.s32 $0xFFFFE000  }
0x86: {  	[spmem:s24] =	stream.linear.scatter [tilespmem:s26], [sflag:$0x7], $0x2000, $0x38;
	[tilespmem:$0x1A800] =	vst v63  }
0x87: {  	_ =	swait.ge [sflag:s28], $0x2000  }
0x88: {  	[sflag:s28] =	ssyncset.done $0x0  }
0x89: {  	s24 =	rddreg [dreg:$0x18];
	[sflag:s28] =	ssyncadd.s32 $0xFFFFE000  }
0x8a: {  	[spmem:s24] =	stream.linear.scatter [tilespmem:s26], [sflag:$0x7], $0x2000, $0x38;
	[tilespmem:$0x1A800] =	vst v63  }
0x8b: {  	_ =	swait.ge [sflag:s28], $0x2000  }
0x8c: {  	[sflag:s28] =	ssyncset.done $0x0  }
0x8d: {  	s24 =	rddreg [dreg:$0x19];
	[sflag:s28] =	ssyncadd.s32 $0xFFFFE000  }
0x8e: {  	[spmem:s24] =	stream.linear.scatter [tilespmem:s26], [sflag:$0x7], $0x2000, $0x38;
	[tilespmem:$0x1A800] =	vst v63  }
0x8f: {  	_ =	swait.ge [sflag:s28], $0x2000  }
0x90: {  	[sflag:s28] =	ssyncset.done $0x0  }
0x91: {  	s24 =	rddreg [dreg:$0x1a];
	[sflag:s28] =	ssyncadd.s32 $0xFFFFE000  }
0x92: {  	[spmem:s24] =	stream.linear.scatter [tilespmem:s26], [sflag:$0x7], $0x2000, $0x38;
	[tilespmem:$0x1A800] =	vst v63  }
.Ltmp3:
0x93: {  	_ =	swait.ge [sflag:s28], $0x2000;
	(pc) =	sbr.rel @!p0 .LBB2_4-.Ltmp3, $3  }
0x94: {  	[sflag:s28] =	ssyncset.done $0x0  }
0x95: {  	[sflag:s28] =	ssyncadd.s32 $0xFFFFE000  }
0x96: {  	[bflag:$0x0] =	sbarrier.arrive $0xFFFF;
	_ =	sdelay $0x1  }
0x97: {  	s23 =	rddreg [dreg:$0x6]  }
0x98: {  	s23 =	sadd.s32 $0x0, s23  }
0x99: {  	[tilespmem:s3], [sflag:$0x7] =	stream.linear.gather [hbm4b:s23+s3], $0x400, $0x38;
	[tilespmem:$0x1A800] =	vst v63  }
0x9a: {  	_ =	swait.ge [sflag:s28], $0x400  }
0x9b: {  	s24 =	rddreg [dreg:$0x5];
	[sflag:s28] =	ssyncset.done $0x0  }
0x9c: {  	[sflag:s28] =	ssyncadd.s32 $0xFFFFFC00;
	s23 =	sadd.s32 $0x0, s24  }
0x9d: {  	[tilespmem:s29], [sflag:$0x7] =	stream.linear.gather [hbm4b:s23+s3], $0x400, $0x38;
	[tilespmem:$0x1A800] =	vst v63  }
0x9e: {  	_ =	swait.ge [sflag:s28], $0x400  }
0x9f: {  	[sflag:s28] =	ssyncset.done $0x0  }
0xa0: {  	[sflag:s28] =	ssyncadd.s32 $0xFFFFFC00  }
0xa1: {  	[tilespmem:s26], [sflag:$0x1] =	stream.indirect.gather [hbm4b:s14+s30], $0x80, s3, s30, $0xb8;
	[tilespmem:$0x1A800] =	vst v63  }
0xa2: {  	_ = 	snop  }
0xa3: {  	[tilespmem:s0], [sflag:$0x2] =	stream.indirect.gather [hbm4b:s14+s30], $0x80, s31, s30, $0xb8;
	[tilespmem:$0x1A800] =	vst v63  }
0xa4: {  	_ =	swait.ge [sflag:s1], $0x2000  }
0xa5: {  	[sflag:s1] =	ssyncset.done $0x0  }
0xa6: {  	[sflag:s1] =	ssyncadd.s32 $0xFFFFE000  }
0xa7: {  	[spmem:s2] =	stream.indirect.scatter.add.f32 [tilespmem:s26], [sflag:$0x4], $0x80, s29, s30, $0xb8;
	[tilespmem:$0x1A800] =	vst v63  }
0xa8: {  	_ = 	snop  }
0xa9: {  	[tilespmem:s5], [sflag:$0x3] =	stream.indirect.gather [hbm4b:s14+s30], $0x80, s4, s30, $0xb8;
	[tilespmem:$0x1A800] =	vst v63  }
0xaa: {  	_ =	swait.ge [sflag:s6], $0x2000  }
0xab: {  	[sflag:s6] =	ssyncset.done $0x0  }
0xac: {  	[sflag:s6] =	ssyncadd.s32 $0xFFFFE000  }
0xad: {  	[spmem:s2] =	stream.indirect.scatter.add.f32 [tilespmem:s0], [sflag:$0x5], $0x80, s7, s30, $0xb8;
	[tilespmem:$0x1A800] =	vst v63  }
0xae: {  	_ =	swait.ge [sflag:s8], $0x2000  }
0xaf: {  	[sflag:s8] =	ssyncset.done $0x0  }
0xb0: {  	[sflag:s8] =	ssyncadd.s32 $0xFFFFE000  }
0xb1: {  	[tilespmem:s26], [sflag:$0x1] =	stream.indirect.gather [hbm4b:s14+s30], $0x80, s9, s30, $0xb8;
	[tilespmem:$0x1A800] =	vst v63  }
0xb2: {  	_ =	swait.ge [sflag:s10], $0x2000  }
0xb3: {  	[sflag:s10] =	ssyncset.done $0x0  }
0xb4: {  	[sflag:s10] =	ssyncadd.s32 $0xFFFFE000  }
0xb5: {  	[spmem:s2] =	stream.indirect.scatter.add.f32 [tilespmem:s5], [sflag:$0x6], $0x80, s11, s30, $0xb8;
	[tilespmem:$0x1A800] =	vst v63  }
0xb6: {  	_ =	swait.ge [sflag:s12], $0x2000  }
0xb7: {  	[sflag:s12] =	ssyncset.done $0x0  }
0xb8: {  	[sflag:s12] =	ssyncadd.s32 $0xFFFFE000  }
0xb9: {  	[tilespmem:s0], [sflag:$0x2] =	stream.indirect.gather [hbm4b:s14+s30], $0x80, s13, s30, $0xb8;
	[tilespmem:$0x1A800] =	vst v63  }
0xba: {  	_ =	swait.ge [sflag:s1], $0x2000  }
0xbb: {  	[sflag:s1] =	ssyncset.done $0x0  }
0xbc: {  	[sflag:s1] =	ssyncadd.s32 $0xFFFFE000  }
0xbd: {  	[spmem:s2] =	stream.indirect.scatter.add.f32 [tilespmem:s26], [sflag:$0x4], $0x80, s25, s30, $0xb8;
	[tilespmem:$0x1A800] =	vst v63  }
0xbe: {  	_ =	swait.ge [sflag:s15], $0x2000  }
0xbf: {  	[sflag:s15] =	ssyncset.done $0x0  }
0xc0: {  	[sflag:s15] =	ssyncadd.s32 $0xFFFFE000  }
0xc1: {  	[tilespmem:s5], [sflag:$0x3] =	stream.indirect.gather [hbm4b:s14+s30], $0x80, s16, s30, $0xb8;
	[tilespmem:$0x1A800] =	vst v63  }
0xc2: {  	_ =	swait.ge [sflag:s6], $0x2000  }
0xc3: {  	[sflag:s6] =	ssyncset.done $0x0  }
0xc4: {  	[sflag:s6] =	ssyncadd.s32 $0xFFFFE000  }
0xc5: {  	[spmem:s2] =	stream.indirect.scatter.add.f32 [tilespmem:s0], [sflag:$0x5], $0x80, s17, s30, $0xb8;
	[tilespmem:$0x1A800] =	vst v63  }
0xc6: {  	_ =	swait.ge [sflag:s8], $0x2000  }
0xc7: {  	[sflag:s8] =	ssyncset.done $0x0  }
0xc8: {  	[sflag:s8] =	ssyncadd.s32 $0xFFFFE000  }
0xc9: {  	[tilespmem:s26], [sflag:$0x1] =	stream.indirect.gather [hbm4b:s14+s30], $0x80, s18, s30, $0xb8;
	[tilespmem:$0x1A800] =	vst v63  }
0xca: {  	_ =	swait.ge [sflag:s10], $0x2000  }
0xcb: {  	[sflag:s10] =	ssyncset.done $0x0  }
0xcc: {  	[sflag:s10] =	ssyncadd.s32 $0xFFFFE000  }
0xcd: {  	[spmem:s2] =	stream.indirect.scatter.add.f32 [tilespmem:s5], [sflag:$0x6], $0x80, s19, s30, $0xb8;
	[tilespmem:$0x1A800] =	vst v63  }
0xce: {  	_ =	swait.ge [sflag:s12], $0x2000  }
0xcf: {  	[sflag:s12] =	ssyncset.done $0x0  }
0xd0: {  	[sflag:s12] =	ssyncadd.s32 $0xFFFFE000  }
0xd1: {  	[tilespmem:s0], [sflag:$0x2] =	stream.indirect.gather [hbm4b:s14+s30], $0x80, s20, s30, $0xb8;
	[tilespmem:$0x1A800] =	vst v63  }
0xd2: {  	_ =	swait.ge [sflag:s1], $0x2000  }
0xd3: {  	[sflag:s1] =	ssyncset.done $0x0  }
0xd4: {  	[sflag:s1] =	ssyncadd.s32 $0xFFFFE000  }
0xd5: {  	[spmem:s2] =	stream.indirect.scatter.add.f32 [tilespmem:s26], [sflag:$0x4], $0x80, s21, s30, $0xb8;
	[tilespmem:$0x1A800] =	vst v63  }
0xd6: {  	_ =	swait.ge [sflag:s6], $0x2000  }
0xd7: {  	[sflag:s6] =	ssyncset.done $0x0  }
0xd8: {  	[sflag:s6] =	ssyncadd.s32 $0xFFFFE000  }
0xd9: {  	[spmem:s2] =	stream.indirect.scatter.add.f32 [tilespmem:s0], [sflag:$0x5], $0x80, s22, s30, $0xb8;
	[tilespmem:$0x1A800] =	vst v63  }
0xda: {  	_ =	swait.ge [sflag:s8], $0x2000  }
0xdb: {  	[sflag:s8] =	ssyncset.done $0x0  }
0xdc: {  	[sflag:s8] =	ssyncadd.s32 $0xFFFFE000  }
0xdd: {  	_ =	swait.ge [sflag:s12], $0x2000  }
0xde: {  	s24 =	simm.s32 $0x80;
	[sflag:s12] =	ssyncset.done $0x0  }
.LBB2_8:
0xdf: {  	s23 =	rddreg [dreg:$0x6];
	s31 =	smov.u32 s24  }
0xe0: {  	[sflag:s12] =	ssyncadd.s32 $0xFFFFE000;
	s23 =	sadd.s32 s31, s23  }
0xe1: {  	[tilespmem:s3], [sflag:$0x7] =	stream.linear.gather [hbm4b:s23+s3], $0x400, $0x38;
	[tilespmem:$0x1A800] =	vst v63  }
0xe2: {  	_ =	swait.ge [sflag:s28], $0x400  }
0xe3: {  	s23 =	rddreg [dreg:$0x5];
	[sflag:s28] =	ssyncset.done $0x0  }
0xe4: {  	[sflag:s28] =	ssyncadd.s32 $0xFFFFFC00;
	s23 =	sadd.s32 s31, s23  }
0xe5: {  	[tilespmem:s29], [sflag:$0x7] =	stream.linear.gather [hbm4b:s23+s3], $0x400, $0x38;
	[tilespmem:$0x1A800] =	vst v63  }
0xe6: {  	_ =	swait.ge [sflag:s28], $0x400  }
0xe7: {  	[sflag:s28] =	ssyncset.done $0x0  }
0xe8: {  	[sflag:s28] =	ssyncadd.s32 $0xFFFFFC00  }
0xe9: {  	[tilespmem:s26], [sflag:$0x1] =	stream.indirect.gather [hbm4b:s14+s30], $0x80, s3, s30, $0xb8;
	[tilespmem:$0x1A800] =	vst v63  }
0xea: {  	s31 =	simm.s32 $0x80  }
0xeb: {  	[tilespmem:s0], [sflag:$0x2] =	stream.indirect.gather [hbm4b:s14+s30], $0x80, s31, s30, $0xb8;
	[tilespmem:$0x1A800] =	vst v63  }
0xec: {  	_ =	swait.ge [sflag:s1], $0x2000  }
0xed: {  	[sflag:s1] =	ssyncset.done $0x0  }
0xee: {  	[sflag:s1] =	ssyncadd.s32 $0xFFFFE000  }
0xef: {  	[spmem:s2] =	stream.indirect.scatter.add.f32 [tilespmem:s26], [sflag:$0x4], $0x80, s29, s30, $0xb8;
	[tilespmem:$0x1A800] =	vst v63  }
0xf0: {  	_ = 	snop  }
0xf1: {  	[tilespmem:s5], [sflag:$0x3] =	stream.indirect.gather [hbm4b:s14+s30], $0x80, s4, s30, $0xb8;
	[tilespmem:$0x1A800] =	vst v63  }
0xf2: {  	_ =	swait.ge [sflag:s6], $0x2000  }
0xf3: {  	[sflag:s6] =	ssyncset.done $0x0  }
0xf4: {  	[sflag:s6] =	ssyncadd.s32 $0xFFFFE000  }
0xf5: {  	[spmem:s2] =	stream.indirect.scatter.add.f32 [tilespmem:s0], [sflag:$0x5], $0x80, s7, s30, $0xb8;
	[tilespmem:$0x1A800] =	vst v63  }
0xf6: {  	_ =	swait.ge [sflag:s8], $0x2000  }
0xf7: {  	[sflag:s8] =	ssyncset.done $0x0  }
0xf8: {  	[sflag:s8] =	ssyncadd.s32 $0xFFFFE000  }
0xf9: {  	[tilespmem:s26], [sflag:$0x1] =	stream.indirect.gather [hbm4b:s14+s30], $0x80, s9, s30, $0xb8;
	[tilespmem:$0x1A800] =	vst v63  }
0xfa: {  	_ =	swait.ge [sflag:s10], $0x2000  }
0xfb: {  	[sflag:s10] =	ssyncset.done $0x0  }
0xfc: {  	[sflag:s10] =	ssyncadd.s32 $0xFFFFE000  }
0xfd: {  	[spmem:s2] =	stream.indirect.scatter.add.f32 [tilespmem:s5], [sflag:$0x6], $0x80, s11, s30, $0xb8;
	[tilespmem:$0x1A800] =	vst v63  }
0xfe: {  	_ =	swait.ge [sflag:s12], $0x2000  }
0xff: {  	[sflag:s12] =	ssyncset.done $0x0  }
0x100: {  	[sflag:s12] =	ssyncadd.s32 $0xFFFFE000  }
0x101: {  	[tilespmem:s0], [sflag:$0x2] =	stream.indirect.gather [hbm4b:s14+s30], $0x80, s13, s30, $0xb8;
	[tilespmem:$0x1A800] =	vst v63  }
0x102: {  	_ =	swait.ge [sflag:s1], $0x2000  }
0x103: {  	[sflag:s1] =	ssyncset.done $0x0  }
0x104: {  	[sflag:s1] =	ssyncadd.s32 $0xFFFFE000  }
0x105: {  	[spmem:s2] =	stream.indirect.scatter.add.f32 [tilespmem:s26], [sflag:$0x4], $0x80, s25, s30, $0xb8;
	[tilespmem:$0x1A800] =	vst v63  }
0x106: {  	_ =	swait.ge [sflag:s15], $0x2000  }
0x107: {  	[sflag:s15] =	ssyncset.done $0x0  }
0x108: {  	[sflag:s15] =	ssyncadd.s32 $0xFFFFE000  }
0x109: {  	[tilespmem:s5], [sflag:$0x3] =	stream.indirect.gather [hbm4b:s14+s30], $0x80, s16, s30, $0xb8;
	[tilespmem:$0x1A800] =	vst v63  }
0x10a: {  	_ =	swait.ge [sflag:s6], $0x2000  }
0x10b: {  	[sflag:s6] =	ssyncset.done $0x0  }
0x10c: {  	[sflag:s6] =	ssyncadd.s32 $0xFFFFE000  }
0x10d: {  	[spmem:s2] =	stream.indirect.scatter.add.f32 [tilespmem:s0], [sflag:$0x5], $0x80, s17, s30, $0xb8;
	[tilespmem:$0x1A800] =	vst v63  }
0x10e: {  	_ =	swait.ge [sflag:s8], $0x2000  }
0x10f: {  	[sflag:s8] =	ssyncset.done $0x0  }
0x110: {  	[sflag:s8] =	ssyncadd.s32 $0xFFFFE000  }
0x111: {  	[tilespmem:s26], [sflag:$0x1] =	stream.indirect.gather [hbm4b:s14+s30], $0x80, s18, s30, $0xb8;
	[tilespmem:$0x1A800] =	vst v63  }
0x112: {  	_ =	swait.ge [sflag:s10], $0x2000  }
0x113: {  	[sflag:s10] =	ssyncset.done $0x0  }
0x114: {  	[sflag:s10] =	ssyncadd.s32 $0xFFFFE000  }
0x115: {  	[spmem:s2] =	stream.indirect.scatter.add.f32 [tilespmem:s5], [sflag:$0x6], $0x80, s19, s30, $0xb8;
	[tilespmem:$0x1A800] =	vst v63  }
0x116: {  	_ =	swait.ge [sflag:s12], $0x2000  }
0x117: {  	[sflag:s12] =	ssyncset.done $0x0  }
0x118: {  	[sflag:s12] =	ssyncadd.s32 $0xFFFFE000  }
0x119: {  	[tilespmem:s0], [sflag:$0x2] =	stream.indirect.gather [hbm4b:s14+s30], $0x80, s20, s30, $0xb8;
	[tilespmem:$0x1A800] =	vst v63  }
0x11a: {  	_ =	swait.ge [sflag:s1], $0x2000  }
0x11b: {  	[sflag:s1] =	ssyncset.done $0x0  }
0x11c: {  	[sflag:s1] =	ssyncadd.s32 $0xFFFFE000  }
0x11d: {  	[spmem:s2] =	stream.indirect.scatter.add.f32 [tilespmem:s26], [sflag:$0x4], $0x80, s21, s30, $0xb8;
	[tilespmem:$0x1A800] =	vst v63  }
0x11e: {  	_ =	swait.ge [sflag:s6], $0x2000  }
0x11f: {  	[sflag:s6] =	ssyncset.done $0x0  }
0x120: {  	p1 =	sne.s32 s24, $0x980;
	[sflag:s6] =	ssyncadd.s32 $0xFFFFE000  }
0x121: {  	[spmem:s2] =	stream.indirect.scatter.add.f32 [tilespmem:s0], [sflag:$0x5], $0x80, s22, s30, $0xb8;
	[tilespmem:$0x1A800] =	vst v63  }
.Ltmp4:
0x122: {  	_ =	swait.ge [sflag:s8], $0x2000;
	(pc) =	sbr.rel @p1 .LBB2_8-.Ltmp4, $4  }
0x123: {  	[sflag:s8] =	ssyncset.done $0x0  }
0x124: {  	[sflag:s8] =	ssyncadd.s32 $0xFFFFE000  }
0x125: {  	_ =	swait.ge [sflag:s12], $0x2000  }
0x126: {  	s24 =	sadd.s32 $0x80, s24;
	[sflag:s12] =	ssyncset.done $0x0  }
.Ltmp5:
0x127: {  	(pc) =	sbr.rel .LBB2_10-.Ltmp5, $2  }
0x128: {  	_ =	sdelay $0x2  }
0x129: {  	[sflag:s12] =	ssyncadd.s32 $0xFFFFE000  }
.LBB2_4:
0x12a: {  	s23 =	rddreg [dreg:$0x4]  }
0x12b: {  	s23 =	sadd.s32 $0x0, s23  }
0x12c: {  	[tilespmem:s3], [sflag:$0x7] =	stream.linear.gather [hbm4b:s23+s3], $0x400, $0x38;
	[tilespmem:$0x1A800] =	vst v63  }
0x12d: {  	_ =	swait.ge [sflag:s28], $0x400  }
0x12e: {  	s24 =	rddreg [dreg:$0x3];
	[sflag:s28] =	ssyncset.done $0x0  }
0x12f: {  	[sflag:s28] =	ssyncadd.s32 $0xFFFFFC00;
	s23 =	sadd.s32 $0x0, s24  }
0x130: {  	[tilespmem:s29], [sflag:$0x7] =	stream.linear.gather [hbm4b:s23+s3], $0x400, $0x38;
	[tilespmem:$0x1A800] =	vst v63  }
0x131: {  	_ =	swait.ge [sflag:s28], $0x400  }
0x132: {  	[sflag:s28] =	ssyncset.done $0x0  }
0x133: {  	[sflag:s28] =	ssyncadd.s32 $0xFFFFFC00  }
0x134: {  	[tilespmem:s26], [sflag:$0x1] =	stream.indirect.gather [hbm4b:s14+s30], $0x80, s3, s30, $0xb8;
	[tilespmem:$0x1A800] =	vst v63  }
0x135: {  	_ = 	snop  }
0x136: {  	[tilespmem:s0], [sflag:$0x2] =	stream.indirect.gather [hbm4b:s14+s30], $0x80, s31, s30, $0xb8;
	[tilespmem:$0x1A800] =	vst v63  }
0x137: {  	_ =	swait.ge [sflag:s1], $0x2000  }
0x138: {  	[sflag:s1] =	ssyncset.done $0x0  }
0x139: {  	[sflag:s1] =	ssyncadd.s32 $0xFFFFE000  }
0x13a: {  	[spmem:s2] =	stream.indirect.scatter.add.f32 [tilespmem:s26], [sflag:$0x4], $0x80, s29, s30, $0xb8;
	[tilespmem:$0x1A800] =	vst v63  }
0x13b: {  	_ = 	snop  }
0x13c: {  	[tilespmem:s5], [sflag:$0x3] =	stream.indirect.gather [hbm4b:s14+s30], $0x80, s4, s30, $0xb8;
	[tilespmem:$0x1A800] =	vst v63  }
0x13d: {  	_ =	swait.ge [sflag:s6], $0x2000  }
0x13e: {  	[sflag:s6] =	ssyncset.done $0x0  }
0x13f: {  	[sflag:s6] =	ssyncadd.s32 $0xFFFFE000  }
0x140: {  	[spmem:s2] =	stream.indirect.scatter.add.f32 [tilespmem:s0], [sflag:$0x5], $0x80, s7, s30, $0xb8;
	[tilespmem:$0x1A800] =	vst v63  }
0x141: {  	_ =	swait.ge [sflag:s8], $0x2000  }
0x142: {  	[sflag:s8] =	ssyncset.done $0x0  }
0x143: {  	[sflag:s8] =	ssyncadd.s32 $0xFFFFE000  }
0x144: {  	[tilespmem:s26], [sflag:$0x1] =	stream.indirect.gather [hbm4b:s14+s30], $0x80, s9, s30, $0xb8;
	[tilespmem:$0x1A800] =	vst v63  }
0x145: {  	_ =	swait.ge [sflag:s10], $0x2000  }
0x146: {  	[sflag:s10] =	ssyncset.done $0x0  }
0x147: {  	[sflag:s10] =	ssyncadd.s32 $0xFFFFE000  }
0x148: {  	[spmem:s2] =	stream.indirect.scatter.add.f32 [tilespmem:s5], [sflag:$0x6], $0x80, s11, s30, $0xb8;
	[tilespmem:$0x1A800] =	vst v63  }
0x149: {  	_ =	swait.ge [sflag:s12], $0x2000  }
0x14a: {  	[sflag:s12] =	ssyncset.done $0x0  }
0x14b: {  	[sflag:s12] =	ssyncadd.s32 $0xFFFFE000  }
0x14c: {  	[tilespmem:s0], [sflag:$0x2] =	stream.indirect.gather [hbm4b:s14+s30], $0x80, s13, s30, $0xb8;
	[tilespmem:$0x1A800] =	vst v63  }
0x14d: {  	_ =	swait.ge [sflag:s1], $0x2000  }
0x14e: {  	[sflag:s1] =	ssyncset.done $0x0  }
0x14f: {  	[sflag:s1] =	ssyncadd.s32 $0xFFFFE000  }
0x150: {  	[spmem:s2] =	stream.indirect.scatter.add.f32 [tilespmem:s26], [sflag:$0x4], $0x80, s25, s30, $0xb8;
	[tilespmem:$0x1A800] =	vst v63  }
0x151: {  	_ =	swait.ge [sflag:s15], $0x2000  }
0x152: {  	[sflag:s15] =	ssyncset.done $0x0  }
0x153: {  	[sflag:s15] =	ssyncadd.s32 $0xFFFFE000  }
0x154: {  	[tilespmem:s5], [sflag:$0x3] =	stream.indirect.gather [hbm4b:s14+s30], $0x80, s16, s30, $0xb8;
	[tilespmem:$0x1A800] =	vst v63  }
0x155: {  	_ =	swait.ge [sflag:s6], $0x2000  }
0x156: {  	[sflag:s6] =	ssyncset.done $0x0  }
0x157: {  	[sflag:s6] =	ssyncadd.s32 $0xFFFFE000  }
0x158: {  	[spmem:s2] =	stream.indirect.scatter.add.f32 [tilespmem:s0], [sflag:$0x5], $0x80, s17, s30, $0xb8;
	[tilespmem:$0x1A800] =	vst v63  }
0x159: {  	_ =	swait.ge [sflag:s8], $0x2000  }
0x15a: {  	[sflag:s8] =	ssyncset.done $0x0  }
0x15b: {  	[sflag:s8] =	ssyncadd.s32 $0xFFFFE000  }
0x15c: {  	[tilespmem:s26], [sflag:$0x1] =	stream.indirect.gather [hbm4b:s14+s30], $0x80, s18, s30, $0xb8;
	[tilespmem:$0x1A800] =	vst v63  }
0x15d: {  	_ =	swait.ge [sflag:s10], $0x2000  }
0x15e: {  	[sflag:s10] =	ssyncset.done $0x0  }
0x15f: {  	[sflag:s10] =	ssyncadd.s32 $0xFFFFE000  }
0x160: {  	[spmem:s2] =	stream.indirect.scatter.add.f32 [tilespmem:s5], [sflag:$0x6], $0x80, s19, s30, $0xb8;
	[tilespmem:$0x1A800] =	vst v63  }
0x161: {  	_ =	swait.ge [sflag:s12], $0x2000  }
0x162: {  	[sflag:s12] =	ssyncset.done $0x0  }
0x163: {  	[sflag:s12] =	ssyncadd.s32 $0xFFFFE000  }
0x164: {  	[tilespmem:s0], [sflag:$0x2] =	stream.indirect.gather [hbm4b:s14+s30], $0x80, s20, s30, $0xb8;
	[tilespmem:$0x1A800] =	vst v63  }
0x165: {  	_ =	swait.ge [sflag:s1], $0x2000  }
0x166: {  	[sflag:s1] =	ssyncset.done $0x0  }
0x167: {  	[sflag:s1] =	ssyncadd.s32 $0xFFFFE000  }
0x168: {  	[spmem:s2] =	stream.indirect.scatter.add.f32 [tilespmem:s26], [sflag:$0x4], $0x80, s21, s30, $0xb8;
	[tilespmem:$0x1A800] =	vst v63  }
0x169: {  	_ =	swait.ge [sflag:s6], $0x2000  }
0x16a: {  	[sflag:s6] =	ssyncset.done $0x0  }
0x16b: {  	[sflag:s6] =	ssyncadd.s32 $0xFFFFE000  }
0x16c: {  	[spmem:s2] =	stream.indirect.scatter.add.f32 [tilespmem:s0], [sflag:$0x5], $0x80, s22, s30, $0xb8;
	[tilespmem:$0x1A800] =	vst v63  }
0x16d: {  	_ =	swait.ge [sflag:s8], $0x2000  }
0x16e: {  	[sflag:s8] =	ssyncset.done $0x0  }
0x16f: {  	[sflag:s8] =	ssyncadd.s32 $0xFFFFE000  }
0x170: {  	_ =	swait.ge [sflag:s12], $0x2000  }
0x171: {  	s24 =	simm.s32 $0x80;
	[sflag:s12] =	ssyncset.done $0x0  }
.LBB2_5:
0x172: {  	s23 =	rddreg [dreg:$0x4];
	s31 =	smov.u32 s24  }
0x173: {  	[sflag:s12] =	ssyncadd.s32 $0xFFFFE000;
	s23 =	sadd.s32 s31, s23  }
0x174: {  	[tilespmem:s3], [sflag:$0x7] =	stream.linear.gather [hbm4b:s23+s3], $0x400, $0x38;
	[tilespmem:$0x1A800] =	vst v63  }
0x175: {  	_ =	swait.ge [sflag:s28], $0x400  }
0x176: {  	s23 =	rddreg [dreg:$0x3];
	[sflag:s28] =	ssyncset.done $0x0  }
0x177: {  	[sflag:s28] =	ssyncadd.s32 $0xFFFFFC00;
	s23 =	sadd.s32 s31, s23  }
0x178: {  	[tilespmem:s29], [sflag:$0x7] =	stream.linear.gather [hbm4b:s23+s3], $0x400, $0x38;
	[tilespmem:$0x1A800] =	vst v63  }
0x179: {  	_ =	swait.ge [sflag:s28], $0x400  }
0x17a: {  	[sflag:s28] =	ssyncset.done $0x0  }
0x17b: {  	[sflag:s28] =	ssyncadd.s32 $0xFFFFFC00  }
0x17c: {  	[tilespmem:s26], [sflag:$0x1] =	stream.indirect.gather [hbm4b:s14+s30], $0x80, s3, s30, $0xb8;
	[tilespmem:$0x1A800] =	vst v63  }
0x17d: {  	s31 =	simm.s32 $0x80  }
0x17e: {  	[tilespmem:s0], [sflag:$0x2] =	stream.indirect.gather [hbm4b:s14+s30], $0x80, s31, s30, $0xb8;
	[tilespmem:$0x1A800] =	vst v63  }
0x17f: {  	_ =	swait.ge [sflag:s1], $0x2000  }
0x180: {  	[sflag:s1] =	ssyncset.done $0x0  }
0x181: {  	[sflag:s1] =	ssyncadd.s32 $0xFFFFE000  }
0x182: {  	[spmem:s2] =	stream.indirect.scatter.add.f32 [tilespmem:s26], [sflag:$0x4], $0x80, s29, s30, $0xb8;
	[tilespmem:$0x1A800] =	vst v63  }
0x183: {  	_ = 	snop  }
0x184: {  	[tilespmem:s5], [sflag:$0x3] =	stream.indirect.gather [hbm4b:s14+s30], $0x80, s4, s30, $0xb8;
	[tilespmem:$0x1A800] =	vst v63  }
0x185: {  	_ =	swait.ge [sflag:s6], $0x2000  }
0x186: {  	[sflag:s6] =	ssyncset.done $0x0  }
0x187: {  	[sflag:s6] =	ssyncadd.s32 $0xFFFFE000  }
0x188: {  	[spmem:s2] =	stream.indirect.scatter.add.f32 [tilespmem:s0], [sflag:$0x5], $0x80, s7, s30, $0xb8;
	[tilespmem:$0x1A800] =	vst v63  }
0x189: {  	_ =	swait.ge [sflag:s8], $0x2000  }
0x18a: {  	[sflag:s8] =	ssyncset.done $0x0  }
0x18b: {  	[sflag:s8] =	ssyncadd.s32 $0xFFFFE000  }
0x18c: {  	[tilespmem:s26], [sflag:$0x1] =	stream.indirect.gather [hbm4b:s14+s30], $0x80, s9, s30, $0xb8;
	[tilespmem:$0x1A800] =	vst v63  }
0x18d: {  	_ =	swait.ge [sflag:s10], $0x2000  }
0x18e: {  	[sflag:s10] =	ssyncset.done $0x0  }
0x18f: {  	[sflag:s10] =	ssyncadd.s32 $0xFFFFE000  }
0x190: {  	[spmem:s2] =	stream.indirect.scatter.add.f32 [tilespmem:s5], [sflag:$0x6], $0x80, s11, s30, $0xb8;
	[tilespmem:$0x1A800] =	vst v63  }
0x191: {  	_ =	swait.ge [sflag:s12], $0x2000  }
0x192: {  	[sflag:s12] =	ssyncset.done $0x0  }
0x193: {  	[sflag:s12] =	ssyncadd.s32 $0xFFFFE000  }
0x194: {  	[tilespmem:s0], [sflag:$0x2] =	stream.indirect.gather [hbm4b:s14+s30], $0x80, s13, s30, $0xb8;
	[tilespmem:$0x1A800] =	vst v63  }
0x195: {  	_ =	swait.ge [sflag:s1], $0x2000  }
0x196: {  	[sflag:s1] =	ssyncset.done $0x0  }
0x197: {  	[sflag:s1] =	ssyncadd.s32 $0xFFFFE000  }
0x198: {  	[spmem:s2] =	stream.indirect.scatter.add.f32 [tilespmem:s26], [sflag:$0x4], $0x80, s25, s30, $0xb8;
	[tilespmem:$0x1A800] =	vst v63  }
0x199: {  	_ =	swait.ge [sflag:s15], $0x2000  }
0x19a: {  	[sflag:s15] =	ssyncset.done $0x0  }
0x19b: {  	[sflag:s15] =	ssyncadd.s32 $0xFFFFE000  }
0x19c: {  	[tilespmem:s5], [sflag:$0x3] =	stream.indirect.gather [hbm4b:s14+s30], $0x80, s16, s30, $0xb8;
	[tilespmem:$0x1A800] =	vst v63  }
0x19d: {  	_ =	swait.ge [sflag:s6], $0x2000  }
0x19e: {  	[sflag:s6] =	ssyncset.done $0x0  }
0x19f: {  	[sflag:s6] =	ssyncadd.s32 $0xFFFFE000  }
0x1a0: {  	[spmem:s2] =	stream.indirect.scatter.add.f32 [tilespmem:s0], [sflag:$0x5], $0x80, s17, s30, $0xb8;
	[tilespmem:$0x1A800] =	vst v63  }
0x1a1: {  	_ =	swait.ge [sflag:s8], $0x2000  }
0x1a2: {  	[sflag:s8] =	ssyncset.done $0x0  }
0x1a3: {  	[sflag:s8] =	ssyncadd.s32 $0xFFFFE000  }
0x1a4: {  	[tilespmem:s26], [sflag:$0x1] =	stream.indirect.gather [hbm4b:s14+s30], $0x80, s18, s30, $0xb8;
	[tilespmem:$0x1A800] =	vst v63  }
0x1a5: {  	_ =	swait.ge [sflag:s10], $0x2000  }
0x1a6: {  	[sflag:s10] =	ssyncset.done $0x0  }
0x1a7: {  	[sflag:s10] =	ssyncadd.s32 $0xFFFFE000  }
0x1a8: {  	[spmem:s2] =	stream.indirect.scatter.add.f32 [tilespmem:s5], [sflag:$0x6], $0x80, s19, s30, $0xb8;
	[tilespmem:$0x1A800] =	vst v63  }
0x1a9: {  	_ =	swait.ge [sflag:s12], $0x2000  }
0x1aa: {  	[sflag:s12] =	ssyncset.done $0x0  }
0x1ab: {  	[sflag:s12] =	ssyncadd.s32 $0xFFFFE000  }
0x1ac: {  	[tilespmem:s0], [sflag:$0x2] =	stream.indirect.gather [hbm4b:s14+s30], $0x80, s20, s30, $0xb8;
	[tilespmem:$0x1A800] =	vst v63  }
0x1ad: {  	_ =	swait.ge [sflag:s1], $0x2000  }
0x1ae: {  	[sflag:s1] =	ssyncset.done $0x0  }
0x1af: {  	[sflag:s1] =	ssyncadd.s32 $0xFFFFE000  }
0x1b0: {  	[spmem:s2] =	stream.indirect.scatter.add.f32 [tilespmem:s26], [sflag:$0x4], $0x80, s21, s30, $0xb8;
	[tilespmem:$0x1A800] =	vst v63  }
0x1b1: {  	_ =	swait.ge [sflag:s6], $0x2000  }
0x1b2: {  	[sflag:s6] =	ssyncset.done $0x0  }
0x1b3: {  	p1 =	seq.s32 s24, $0x980;
	[sflag:s6] =	ssyncadd.s32 $0xFFFFE000  }
0x1b4: {  	[spmem:s2] =	stream.indirect.scatter.add.f32 [tilespmem:s0], [sflag:$0x5], $0x80, s22, s30, $0xb8;
	[tilespmem:$0x1A800] =	vst v63  }
.Ltmp6:
0x1b5: {  	_ =	swait.ge [sflag:s8], $0x2000;
	(pc) =	sbr.rel @!p1 .LBB2_5-.Ltmp6, $4  }
0x1b6: {  	[sflag:s8] =	ssyncset.done $0x0  }
0x1b7: {  	[sflag:s8] =	ssyncadd.s32 $0xFFFFE000  }
0x1b8: {  	_ =	swait.ge [sflag:s12], $0x2000  }
0x1b9: {  	s24 =	sadd.s32 $0x80, s24;
	[sflag:s12] =	ssyncset.done $0x0  }
.Ltmp7:
0x1ba: {  	_ = 	snop;
	(pc) =	sbr.rel .LBB2_6-.Ltmp7, $1  }
0x1bb: {  	_ =	sdelay $0x3  }
.LBB2_11:
0x1bc: {  	_ =	sfence.sel $0x180000  }
0x1bd: {  	[bflag:$0x0] =	sbarrier.arrive $0xFFFF  }
0x1be: {  	_ =	strace $0x90000047  }
0x1bf: {  	s0 =	stileid.u32;
	[bflag:$0x2] =	sbarrier.arrive $0xFFFF  }
0x1c0: {  	p0 =	sne.s32 s0, $0x0;
	s0 =	rddreg [dreg:$0x2]  }
0x1c1: {  	s0 =	sadd.s32 @!p0 $0x100000, s0  }
0x1c2: {  	[sflag:s0] =	ssyncadd.tile.s32 @!p0 $0x1;
	_ =	shalt  }
.Lfunc_end2:
_tile_overlayer_lowered:
.L_overlay_start_2:
0x1c3: {  	(tag) =	ssettag $0x2  }
0x1c4: {  	s0 =	rddreg [dreg:$0x0];
	s2 =	stileid.u32  }
0x1c5: {  	s1 =	rddreg [dreg:$0x1];
	p0 =	sne.s32 s2, $0x0  }
0x1c6: {  	s3 =	rddreg [dreg:$0x2];
	[bflag:$0x3] =	sbarrier.arrive $0xFFFF;
	s2 =	simm.s32 @!p0 $0x1C07  }
0x1c7: {  	[timem:s3], [sflag:s2] =	dma.local @!p0 [hbm:s0], s1  }
0x1c8: {  	s0 =	simm.s32 @!p0 $0x7  }
0x1c9: {  	_ =	swait.ge @!p0 [sflag:s0], s1  }
0x1ca: {  	s1 =	ssub.s32 @!p0 $0x0, s1;
	[sflag:s0] =	ssyncset.done @!p0 $0x0  }
0x1cb: {  	[sflag:s0] =	ssyncadd.s32 @!p0 s1  }
0x1cc: {  	[bflag:$0x3] =	sbarrier.arrive $0xFFFF  }
0x1cd: {  	_ =	shalt  }

// kernel: kernel.14.cloned.1.call-start
scs
__scs_entry_jumppad:
0x0: {  	(pc) =	sbr.rel $0x88, $3  }
0x1: {  	(tag) =	ssettag $0x0;
	lr =	simm.s32 $0x1  }
0x2: {  	[smem:$0x3F95] =	sst lr;
	_ =	strace $0xD0000000  }
0x3: {  	_ = 	snop  }
0x4: {  	_ = 	snop  }
0x5: {  	_ = 	snop  }
0x6: {  	_ = 	snop  }
0x7: {  	_ = 	snop  }
__scs_overlays_trampoline_lowered:
0x8: {  	[smem:$0x3FA4] =	sst s0  }
0x9: {  	[smem:$0x3FA5] =	sst s1  }
0xa: {  	[smem:$0x3FA6] =	sst s2  }
0xb: {  	[smem:$0x3FA7] =	sst s3  }
0xc: {  	[smem:$0x3FA8] =	sst s4  }
0xd: {  	[smem:$0x3FA9] =	sst s5  }
0xe: {  	[smem:$0x3FAA] =	sst s6  }
0xf: {  	[smem:$0x3FAB] =	sst s7  }
0x10: {  	[smem:$0x3FAC] =	sst s8  }
0x11: {  	[smem:$0x3FAD] =	sst s9;
	s0 =	simm.s32 @!p0 $0x0  }
0x12: {  	s1 =	sld [smem:$0x3F93];
	s0 =	simm.s32 @p0 $0x1  }
0x13: {  	[smem:$0x3FAE] =	sst s0;
	s0 =	simm.s32 @!p1 $0x0  }
0x14: {  	s2 =	sld [smem:$0x3F92];
	s0 =	simm.s32 @p1 $0x1  }
0x15: {  	[smem:$0x3FAF] =	sst s0;
	s0 =	simm.s32 @!p2 $0x0  }
0x16: {  	s3 =	sld [smem:$0x3FDB];
	s0 =	simm.s32 @p2 $0x1  }
0x17: {  	s4 =	simm.s32 $0x1BF5;
	[smem:$0x3FB1] =	sst s0  }
0x18: {  	s0 =	sld [smem:$0x3F94];
	_ =	swait.ge [sflag:s4], $0x0  }
0x19: {  	s7 =	sld [smem:$0x3F95]  }
0x1a: {  	s8 =	sadd.s32 $0xFFFFE003, lr  }
0x1b: {  	s9 =	sadd.s32 $0xFFFFFEF7, lr;
	s5 =	simm.s32 $0xFFFFFFFF;
	p2 =	slt.u32 s8, $0xFFFFF086  }
0x1c: {  	p1 =	slt.u32 s9, $0xF7A;
	s5 =	simm.s32 @!p2 $0x0  }
0x1d: {  	s5 =	simm.s32 @p1 $0x1;
	p0 =	seq.s32 s7, s2  }
0x1e: {  	s7 =	smul.u32 @!p0 $0xF7A, s2;
	p2 =	seq.s32 @!p0 s5, $0x0  }
0x1f: {  	s9 =	smul.u32 $0xF7A, s1;
	s8 =	simm.s32 @!p0 $0x1BF5;
	p2 =	por !p2, p0  }
0x20: {  	[sflag:s8] =	ssyncset.s32 @!p0 $0xFFFFF086;
	s6 =	sadd.s32 @!p0 s3, s7;
	s7 =	simm.s32 @!p0 $0x108  }
0x21: {  	s3 =	sadd.s32 s3, s9;
	s6 =	sadd.s32 @!p0 $0x88, s6;
	s7 =	simm.s32 @p2 $0x1082  }
0x22: {  	[simem:s7], [sflag:s8] =	dma.local @!p0 [hbm:s6], $0xF7A  }
0x23: {  	s9 =	sor.u32 $0xD0000000, s2;
	s6 =	simm.s32 $0x108;
	_ =	swait.ge @!p0 [sflag:s8], $0x0  }
0x24: {  	s3 =	sadd.s32 $0x88, s3;
	s6 =	simm.s32 @!p1 $0x1082;
	[sflag:s4] =	ssyncset.s32 $0xFFFFF086  }
0x25: {  	[simem:s6], [sflag:s4] =	dma.local [hbm:s3], $0xF7A  }
0x26: {  	[smem:$0x3F95] =	sst s1;
	(tag) =	ssettag s2;
	_ =	strace s9  }
0x27: {  	s1 =	sld [smem:$0x3FA5]  }
0x28: {  	s2 =	sld [smem:$0x3FA6]  }
0x29: {  	s4 =	sld [smem:$0x3FA8]  }
0x2a: {  	p0 =	seq.s32 s5, $0x0;
	s5 =	sld [smem:$0x3FA9]  }
0x2b: {  	s6 =	sld [smem:$0x3FAA]  }
0x2c: {  	s7 =	sld [smem:$0x3FAB]  }
0x2d: {  	s3 =	simm.s32 $0x108;
	s8 =	sld [smem:$0x3FAC]  }
0x2e: {  	s3 =	simm.s32 @!p0 $0x1082;
	s9 =	sld [smem:$0x3FAD]  }
0x2f: {  	lr =	sadd.s32 s0, s3;
	s0 =	sld [smem:$0x3FA4]  }
0x30: {  	s3 =	sld [smem:$0x3FA7]  }
0x31: {  	[smem:$0x3FB0] =	sst s10  }
0x32: {  	s10 =	sld [smem:$0x3FAE];
	_ =	sdelay $0x3  }
0x33: {  	p0 =	seq.s32 s10, $0x1;
	s10 =	sld [smem:$0x3FB0];
	_ =	sdelay $0x3  }
0x34: {  	[smem:$0x3FB0] =	sst s10  }
0x35: {  	s10 =	sld [smem:$0x3FAF];
	_ =	sdelay $0x3  }
0x36: {  	p1 =	seq.s32 s10, $0x1;
	s10 =	sld [smem:$0x3FB0];
	_ =	sdelay $0x3  }
0x37: {  	[smem:$0x3FB0] =	sst s10  }
0x38: {  	s10 =	sld [smem:$0x3FB1]  }
0x39: {  	_ = 	snop;
	(pc) =	sbr.ind lr, $3  }
0x3a: {  	_ = 	snop  }
0x3b: {  	_ = 	snop  }
0x3c: {  	p2 =	seq.s32 s10, $0x1;
	s10 =	sld [smem:$0x3FB0]  }
0x3d: {  	_ =	shalt  }
0x3e: {  	_ =	shalt  }
0x3f: {  	_ =	shalt  }
0x40: {  	_ =	shalt  }
0x41: {  	_ =	shalt  }
0x42: {  	_ =	shalt  }
0x43: {  	_ =	shalt  }
0x44: {  	_ =	shalt  }
0x45: {  	_ =	shalt  }
0x46: {  	_ =	shalt  }
0x47: {  	_ =	shalt  }
0x48: {  	_ =	shalt  }
0x49: {  	_ =	shalt  }
0x4a: {  	_ =	shalt  }
0x4b: {  	_ =	shalt  }
0x4c: {  	_ =	shalt  }
0x4d: {  	_ =	shalt  }
0x4e: {  	_ =	shalt  }
0x4f: {  	_ =	shalt  }
0x50: {  	_ =	shalt  }
0x51: {  	_ =	shalt  }
0x52: {  	_ =	shalt  }
0x53: {  	_ =	shalt  }
0x54: {  	_ =	shalt  }
0x55: {  	_ =	shalt  }
0x56: {  	_ =	shalt  }
0x57: {  	_ =	shalt  }
0x58: {  	_ =	shalt  }
0x59: {  	_ =	shalt  }
0x5a: {  	_ =	shalt  }
0x5b: {  	_ =	shalt  }
0x5c: {  	_ =	shalt  }
0x5d: {  	_ =	shalt  }
0x5e: {  	_ =	shalt  }
0x5f: {  	_ =	shalt  }
0x60: {  	_ =	shalt  }
0x61: {  	_ =	shalt  }
0x62: {  	_ =	shalt  }
0x63: {  	_ =	shalt  }
0x64: {  	_ =	shalt  }
0x65: {  	_ =	shalt  }
0x66: {  	_ =	shalt  }
0x67: {  	_ =	shalt  }
0x68: {  	_ =	shalt  }
0x69: {  	_ =	shalt  }
0x6a: {  	_ =	shalt  }
0x6b: {  	_ =	shalt  }
0x6c: {  	_ =	shalt  }
0x6d: {  	_ =	shalt  }
0x6e: {  	_ =	shalt  }
0x6f: {  	_ =	shalt  }
0x70: {  	_ =	shalt  }
0x71: {  	_ =	shalt  }
0x72: {  	_ =	shalt  }
0x73: {  	_ =	shalt  }
0x74: {  	_ =	shalt  }
0x75: {  	_ =	shalt  }
0x76: {  	_ =	shalt  }
0x77: {  	_ =	shalt  }
0x78: {  	_ =	shalt  }
0x79: {  	_ =	shalt  }
0x7a: {  	_ =	shalt  }
0x7b: {  	_ =	shalt  }
0x7c: {  	_ =	shalt  }
0x7d: {  	_ =	shalt  }
0x7e: {  	_ =	shalt  }
0x7f: {  	_ =	shalt  }
0x80: {  	_ =	shalt  }
0x81: {  	_ =	shalt  }
0x82: {  	_ =	shalt  }
0x83: {  	_ =	shalt  }
0x84: {  	_ =	shalt  }
0x85: {  	_ =	shalt  }
0x86: {  	_ =	shalt  }
0x87: {  	_ =	shalt  }
.Lfunc_end0:
.L_simem_size_0:
called_computation.2_lowered:
.L_overlay_start_0:
0x88: {  	s2 =	sld [smem:$0x3FD9]  }
0x89: {  	s3 =	sld [smem:$0x3FFE];
	_ =	sdelay $0x1  }
0x8a: {  	s1 =	srdreg.scid  }
0x8b: {  	s0 =	sand.u32 $0x1, s1  }
0x8c: {  	s16 =	sshll.u32 s0, $0xA;
	s2 =	sadd.s32 s3, s2  }
0x8d: {  	s2 =	sadd.s32 s2, s16  }
0x8e: {  	[smem:$0x3FBC] =	sst s2  }
0x8f: {  	_ = 	snop  }
0x90: {  	(tm) =	ssettm $0x1  }
0x91: {  	s17 =	sld [smem:$0x3FFB];
	_ =	sdelay $0x3  }
0x92: {  	_ =	strace s17  }
0x93: {  	s2 =	sld [smem:$0x3FFC];
	_ =	sdelay $0x3  }
0x94: {  	_ =	strace s2  }
0x95: {  	s2 =	sld [smem:$0x3FFD];
	_ =	sdelay $0x3  }
0x96: {  	_ =	strace s2  }
0x97: {  	_ =	strace $0x8FFFFFFF  }
0x98: {  	s18 =	sld [smem:$0x3FDB];
	_ =	sdelay $0x1  }
0x99: {  	s19 =	simm.s32 $_scs_section_size  }
0x9a: {  	s4 =	simm.s32 $_size__tile_overlayer_lowered;
	s5 =	simm.s32 $_tile_overlayer_lowered  }
0x9b: {  	s22 =	simm.s32 $0x1BFF;
	s21 =	sshll.u32 s5, $0x1;
	s2 =	sadd.s32 s19, s18  }
0x9c: {  	s6 =	simm.s32 $0x0;
	s20 =	sshll.u32 s4, $0x1;
	s4 =	sadd.s32 s21, s2  }
0x9d: {  	[timem:s6], [sflag:s22] =	dma.local [hbm:s4], s20  }
0x9e: {  	_ =	swait.ge [sflag:s22], s20  }
0x9f: {  	s3 =	ssub.s32 $0x0, s20;
	[sflag:s22] =	ssyncset.done $0x0  }
0xa0: {  	[sflag:s22] =	ssyncadd.s32 s3;
	_ =	sdelay $0x1  }
0xa1: {  	s23 =	simm.s32 $0x1B8B  }
0xa2: {  	_ =	swait.ge [sflag:s23], $0x1  }
0xa3: {  	[sflag:s23] =	ssyncset.done $0x0  }
0xa4: {  	s25 =	simm.s32 $0x1B8E;
	s24 =	sld [smem:$0x3FFE];
	[sflag:s23] =	ssyncadd.s32 $0xFFFFFFFF  }
0xa5: {  	s26 =	simm.s32 $execute0_lowered;
	[smem:$0x3FD2] =	sst s25  }
0xa6: {  	s4 =	sshll.u32 s26, $0x1;
	_ =	strace $0x8000004C;
	[dreg:$0x1] =	wrdreg $0xFFFFFFFF  }
0xa7: {  	s28 =	simm.s32 $_size_execute0_lowered;
	s2 =	sadd.s32 s2, s4;
	[dreg:$0x0] =	wrdreg $0x0  }
0xa8: {  	s4 =	sshll.u32 s28, $0x1;
	[dreg:$0x2] =	wrdreg s2  }
0xa9: {  	[dreg:$0x3] =	wrdreg s4  }
0xaa: {  	[dreg:$0x4] =	wrdreg $0xC0  }
0xab: {  	_ =	task [dreg:s6], $0x5FFFF  }
0xac: {  	[dreg:$0x1] =	wrdreg $0xFFFFFFFF  }
0xad: {  	[dreg:$0x0] =	wrdreg $0x60  }
0xae: {  	[dreg:$0x2] =	wrdreg s24  }
0xaf: {  	[dreg:$0x3] =	wrdreg $0x68000  }
0xb0: {  	[dreg:$0x4] =	wrdreg $0x9  }
0xb1: {  	_ =	task.clear_ibuf [dreg:s6], $0x5FFFF;
	_ =	strace $0x9000004C  }
0xb2: {  	s29 =	simm.s32 $0x9;
	_ =	strace $0x8000004E  }
0xb3: {  	_ =	swait.ge [sflag:s29], $0x1  }
0xb4: {  	[sflag:s29] =	ssyncadd.s32 $0xFFFFFFFF  }
0xb5: {  	_ =	strace $0x9000004E  }
0xb6: {  	_ =	sfence  }
0xb7: {  	s30 =	sld [smem:$0x0];
	_ =	sdelay $0x2  }
0xb8: {  	s31 =	sshll.u32 s1, $0xD;
	s1 =	sshrl.u32 s1, $0x2  }
0xb9: {  	s3 =	sand.u32 $0x4000, s31;
	s1 =	sadd.s32 s1, s30  }
0xba: {  	s0 =	sor.u32 s3, s0;
	s1 =	sshll.u32 s1, $0x11  }
0xbb: {  	s0 =	sor.u32 s1, s0  }
0xbc: {  	s0 =	sadd.s32 $0x8F2B, s0  }
0xbd: {  	[sflag:s0] =	ssyncadd.remote.s32 $0x1  }
0xbe: {  	_ =	sfence.sel $0xFFFF  }
0xbf: {  	[dreg:$0x0] =	wrdreg $0xFFFFFFFF;
	(pc) =	sbr.abs _section_cstart, $3  }
0xc0: {  	[dreg:$0x1] =	wrdreg $0xFFFFFFFF  }
0xc1: {  	_ =	task.clear_ibuf [dreg:s6], $0x2FFFF;
	_ =	strace $0x9FFFFFFF  }
0xc2: {  	(tm) =	ssettm $0x7FFFFFFF  }
0xc3: {  	_ =	shalt  }
tec
execute0_lowered:
.L_overlay_start_1:
0x0: {  	(tag) =	ssettag $0x1  }
0x1: {  	s0 =	rddreg [dreg:$0x0]  }
0x2: {  	s2 =	rddreg [dreg:$0x1];
	s1 =	srdreg.scid;
	s3 =	simm.s32 $0x0  }
0x3: {  	s19 =	stileid.u32;
	s28 =	simm.s32 $0x7;
	s29 =	simm.s32 $0x400  }
0x4: {  	s30 =	simm.s32 $0x40;
	s31 =	simm.s32 $0x80;
	s20 =	smul.u32 $0xA00, s19  }
0x5: {  	s4 =	sand.u32 $0x1, s1;
	[smem:$0x7FF] =	sst s3;
	s7 =	smul.u32 $0x14000, s19  }
0x6: {  	s9 =	sadd.s32 $0x52400, s0;
	s5 =	ssub.s32 $0x2, s4;
	_ =	strace $0x8000004D  }
0x7: {  	s13 =	smul.u32 $0x140000, s4;
	p0 =	seq.s32 s4, $0x1;
	s6 =	sshrl.u32 s5, $0x1  }
0x8: {  	s8 =	sadd.s32 s20, s0;
	s10 =	sadd.s32 $0x6000, s7;
	s11 =	sadd.s32 $0x8000, s7  }
0x9: {  	s12 =	sadd.s32 $0xA000, s7;
	s15 =	sadd.s32 $0xC000, s7;
	s16 =	sadd.s32 $0xE000, s7  }
0xa: {  	s17 =	sadd.s32 $0x10000, s7;
	s18 =	sadd.s32 $0x12000, s7;
	s1 =	ssub.s32 s5, s6  }
0xb: {  	s5 =	sor.u32 $0x2000, s7;
	s6 =	sadd.s32 $0x4000, s7;
	s7 =	sadd.s32 s7, s13  }
0xc: {  	s25 =	sadd.s32 s13, s10;
	s26 =	sadd.s32 s13, s11;
	s14 =	sadd.s32 s13, s5  }
0xd: {  	s21 =	sshrl.u32 s7, $0x3;
	s24 =	sadd.s32 s13, s6;
	s7 =	sshrl.u32 s25, $0x3  }
0xe: {  	s20 =	sshrl.u32 s26, $0x3;
	s25 =	sadd.s32 $0x20400, s8;
	s26 =	sadd.s32 s13, s15  }
0xf: {  	s22 =	sshrl.u32 s14, $0x3;
	s4 =	sadd.s32 s9, s21;
	s21 =	sadd.s32 s9, s20  }
0x10: {  	[dreg:$0x5] =	wrdreg s25;
	s20 =	sadd.s32 s13, s16;
	s14 =	sadd.s32 $0x2A400, s0  }
0x11: {  	s0 =	simm.s32 $0x2800;
	[dreg:$0x7] =	wrdreg s4;
	s23 =	sadd.s32 s9, s22  }
0x12: {  	s4 =	sshrl.u32 s24, $0x3;
	[dreg:$0xb] =	wrdreg s21;
	s22 =	sadd.s32 $0x2400, s8  }
0x13: {  	s24 =	sadd.s32 $0xC400, s8;
	s21 =	sshrl.u32 s26, $0x3;
	[dreg:$0x8] =	wrdreg s23  }
0x14: {  	s26 =	sadd.s32 $0x16400, s8;
	s4 =	sadd.s32 s9, s4;
	[dreg:$0x3] =	wrdreg s22  }
0x15: {  	s23 =	sadd.s32 s13, s12;
	[dreg:$0x4] =	wrdreg s24;
	s22 =	sadd.s32 s13, s17  }
0x16: {  	s24 =	smul.u32 $0x50000, s19;
	[dreg:$0x6] =	wrdreg s26;
	s19 =	sadd.s32 s10, s2  }
0x17: {  	s26 =	smax.u32 s1, $0x1;
	s1 =	simm.s32 $0x1;
	s10 =	simm.s32 $0x3  }
0x18: {  	[dreg:$0x9] =	wrdreg s4;
	s4 =	sadd.s32 s9, s7;
	s7 =	sshrl.u32 s23, $0x3  }
0x19: {  	s23 =	sadd.s32 s13, s18;
	s13 =	sadd.s32 s6, s2;
	[dreg:$0x14] =	wrdreg s19  }
0x1a: {  	[dreg:$0x1b] =	wrdreg s26;
	s26 =	simm.s32 $0x800;
	s6 =	simm.s32 $0x2  }
0x1b: {  	s19 =	simm.s32 $0x680;
	[dreg:$0xa] =	wrdreg s4;
	s7 =	sadd.s32 s9, s7  }
0x1c: {  	s4 =	sshrl.u32 s20, $0x3;
	s25 =	sshrl.u32 s23, $0x3;
	[dreg:$0x13] =	wrdreg s13  }
0x1d: {  	s20 =	sadd.s32 s11, s2;
	s23 =	sadd.s32 s16, s2;
	s11 =	simm.s32 $0x500  }
0x1e: {  	s13 =	simm.s32 $0x200;
	s16 =	simm.s32 $0x280;
	[dreg:$0xc] =	wrdreg s7  }
0x1f: {  	s7 =	sadd.s32 s9, s21;
	s4 =	sadd.s32 s9, s4;
	[dreg:$0x15] =	wrdreg s20  }
0x20: {  	s21 =	sadd.s32 s12, s2;
	[dreg:$0x18] =	wrdreg s23;
	s12 =	simm.s32 $0x5  }
0x21: {  	s20 =	simm.s32 $0x380;
	s23 =	simm.s32 $0x0;
	[dreg:$0xd] =	wrdreg s7  }
0x22: {  	[dreg:$0xe] =	wrdreg s4;
	s4 =	sshrl.u32 s22, $0x3;
	s7 =	sshrl.u32 s24, $0x2  }
0x23: {  	[dreg:$0x16] =	wrdreg s21;
	s22 =	sadd.s32 s15, s2;
	s24 =	sadd.s32 s17, s2  }
0x24: {  	s15 =	simm.s32 $0x6;
	s17 =	simm.s32 $0x600;
	[dreg:$0x17] =	wrdreg s22  }
0x25: {  	s21 =	simm.s32 $0x700;
	s4 =	sadd.s32 s9, s4;
	[dreg:$0x19] =	wrdreg s24  }
0x26: {  	s8 =	sadd.s32 s7, s2;
	s7 =	simm.s32 $0x480;
	[dreg:$0xf] =	wrdreg s4  }
.Ltmp0:
0x27: {  	s4 =	sadd.s32 s9, s25;
	[dreg:$0x11] =	wrdreg s8;
	(pc) =	sbr.rel .LBB2_1-.Ltmp0, $4  }
0x28: {  	s22 =	simm.s32 $0x780;
	s9 =	sadd.s32 s5, s2;
	[dreg:$0x10] =	wrdreg s4  }
0x29: {  	s25 =	sadd.s32 s18, s2;
	s5 =	simm.s32 $0x4800;
	[dreg:$0x12] =	wrdreg s9  }
0x2a: {  	s8 =	simm.s32 $0x4;
	s18 =	simm.s32 $0x300;
	[dreg:$0x1a] =	wrdreg s25  }
0x2b: {  	v0 =	vimm.f32 $0.0e+00;
	s4 =	simm.s32 $0x100;
	s9 =	simm.s32 $0x180;
	s25 =	simm.s32 $0x580  }
.LBB2_6:
0x2c: {  	[sflag:s12] =	ssyncadd.s32 $0xFFFFE000  }
.LBB2_10:
0x2d: {  	s23 =	stileid.u32;
	[bflag:$0x0] =	sbarrier.arrive $0xFFFF  }
0x2e: {  	s23 =	sshll.u32 s23, $0x6;
	s24 =	rddreg [dreg:$0x11]  }
0x2f: {  	s31 =	rddreg [dreg:$0x7];
	s23 =	sor.u32 $0x1C07, s23;
	s24 =	sshrl.u32 s24, $0x3  }
0x30: {  	[hbm:s31], [sflag:s23] =	dma.local [spmem:s24], $0x400  }
0x31: {  	_ =	swait.ge [sflag:s28], $0x400  }
0x32: {  	[sflag:s28] =	ssyncset.done $0x0;
	s24 =	rddreg [dreg:$0x12]  }
0x33: {  	s31 =	rddreg [dreg:$0x8];
	[sflag:s28] =	ssyncadd.s32 $0xFFFFFC00;
	s24 =	sshrl.u32 s24, $0x3  }
0x34: {  	[hbm:s31], [sflag:s23] =	dma.local [spmem:s24], $0x400  }
0x35: {  	_ =	swait.ge [sflag:s28], $0x400  }
0x36: {  	[sflag:s28] =	ssyncset.done $0x0;
	s24 =	rddreg [dreg:$0x13]  }
0x37: {  	s31 =	rddreg [dreg:$0x9];
	[sflag:s28] =	ssyncadd.s32 $0xFFFFFC00;
	s24 =	sshrl.u32 s24, $0x3  }
0x38: {  	[hbm:s31], [sflag:s23] =	dma.local [spmem:s24], $0x400  }
0x39: {  	_ =	swait.ge [sflag:s28], $0x400  }
0x3a: {  	[sflag:s28] =	ssyncset.done $0x0;
	s24 =	rddreg [dreg:$0x14]  }
0x3b: {  	s31 =	rddreg [dreg:$0xa];
	[sflag:s28] =	ssyncadd.s32 $0xFFFFFC00;
	s24 =	sshrl.u32 s24, $0x3  }
0x3c: {  	[hbm:s31], [sflag:s23] =	dma.local [spmem:s24], $0x400  }
0x3d: {  	_ =	swait.ge [sflag:s28], $0x400  }
0x3e: {  	[sflag:s28] =	ssyncset.done $0x0;
	s24 =	rddreg [dreg:$0x15]  }
0x3f: {  	s31 =	rddreg [dreg:$0xb];
	[sflag:s28] =	ssyncadd.s32 $0xFFFFFC00;
	s24 =	sshrl.u32 s24, $0x3  }
0x40: {  	[hbm:s31], [sflag:s23] =	dma.local [spmem:s24], $0x400  }
0x41: {  	_ =	swait.ge [sflag:s28], $0x400  }
0x42: {  	[sflag:s28] =	ssyncset.done $0x0;
	s24 =	rddreg [dreg:$0x16]  }
0x43: {  	s31 =	rddreg [dreg:$0xc];
	[sflag:s28] =	ssyncadd.s32 $0xFFFFFC00;
	s24 =	sshrl.u32 s24, $0x3  }
0x44: {  	[hbm:s31], [sflag:s23] =	dma.local [spmem:s24], $0x400  }
0x45: {  	_ =	swait.ge [sflag:s28], $0x400  }
0x46: {  	[sflag:s28] =	ssyncset.done $0x0;
	s24 =	rddreg [dreg:$0x17]  }
0x47: {  	s31 =	rddreg [dreg:$0xd];
	[sflag:s28] =	ssyncadd.s32 $0xFFFFFC00;
	s24 =	sshrl.u32 s24, $0x3  }
0x48: {  	[hbm:s31], [sflag:s23] =	dma.local [spmem:s24], $0x400  }
0x49: {  	_ =	swait.ge [sflag:s28], $0x400  }
0x4a: {  	[sflag:s28] =	ssyncset.done $0x0;
	s24 =	rddreg [dreg:$0x18]  }
0x4b: {  	s31 =	rddreg [dreg:$0xe];
	[sflag:s28] =	ssyncadd.s32 $0xFFFFFC00;
	s24 =	sshrl.u32 s24, $0x3  }
0x4c: {  	[hbm:s31], [sflag:s23] =	dma.local [spmem:s24], $0x400  }
0x4d: {  	_ =	swait.ge [sflag:s28], $0x400  }
0x4e: {  	[sflag:s28] =	ssyncset.done $0x0;
	s24 =	rddreg [dreg:$0x19]  }
0x4f: {  	s31 =	rddreg [dreg:$0xf];
	[sflag:s28] =	ssyncadd.s32 $0xFFFFFC00;
	s24 =	sshrl.u32 s24, $0x3  }
0x50: {  	[hbm:s31], [sflag:s23] =	dma.local [spmem:s24], $0x400  }
0x51: {  	_ =	swait.ge [sflag:s28], $0x400  }
0x52: {  	[sflag:s28] =	ssyncset.done $0x0;
	s24 =	rddreg [dreg:$0x1a]  }
0x53: {  	s31 =	rddreg [dreg:$0x10];
	[sflag:s28] =	ssyncadd.s32 $0xFFFFFC00;
	s24 =	sshrl.u32 s24, $0x3  }
0x54: {  	[hbm:s31], [sflag:s23] =	dma.local [spmem:s24], $0x400  }
0x55: {  	_ =	swait.ge [sflag:s28], $0x400  }
0x56: {  	s23 =	rddreg [dreg:$0x1c]  }
0x57: {  	s24 =	sadd.s32 $0x1, s23;
	s23 =	rddreg [dreg:$0x1b]  }
0x58: {  	p1 =	sne.s32 s24, s23  }
.Ltmp1:
0x59: {  	_ = 	snop;
	(pc) =	sbr.rel @!p1 .LBB2_11-.Ltmp1, $3  }
0x5a: {  	_ =	sdelay $0x1  }
0x5b: {  	[sflag:s28] =	ssyncset.done $0x0  }
0x5c: {  	s31 =	simm.s32 $0x80;
	[sflag:s28] =	ssyncadd.s32 $0xFFFFFC00;
	s23 =	smov.u32 s24  }
.LBB2_1:
0x5d: {  	[dreg:$0x1c] =	wrdreg s23;
	s24 =	simm.s32 $0x0;
	s23 =	simm.s32 $0x200  }
.LBB2_2:
0x5e: {  	p1 =	sne.s32 s23, $0x7E00;
	[tilespmem:s24+$0x870] =	vst v0  }
0x5f: {  	[tilespmem:s24+$0x800] =	vst v0  }
0x60: {  	[tilespmem:s24+$0x810] =	vst v0  }
.Ltmp2:
0x61: {  	[tilespmem:s24+$0x820] =	vst v0;
	(pc) =	sbr.rel @p1 .LBB2_2-.Ltmp2, $4  }
0x62: {  	[tilespmem:s24+$0x830] =	vst v0  }
0x63: {  	[tilespmem:s24+$0x840] =	vst v0  }
0x64: {  	[tilespmem:s24+$0x850] =	vst v0  }
0x65: {  	[tilespmem:s24+$0x860] =	vst v0;
	s24 =	sshra.s32 s23, $0x2;
	s23 =	sadd.s32 $0x200, s23  }
0x66: {  	[tilespmem:s24+$0x870] =	vst v0  }
0x67: {  	[tilespmem:s24+$0x800] =	vst v0  }
0x68: {  	[tilespmem:s24+$0x810] =	vst v0  }
0x69: {  	[tilespmem:s24+$0x820] =	vst v0  }
0x6a: {  	[tilespmem:s24+$0x830] =	vst v0  }
0x6b: {  	[tilespmem:s24+$0x840] =	vst v0  }
0x6c: {  	[tilespmem:s24+$0x850] =	vst v0  }
0x6d: {  	[tilespmem:s24+$0x860] =	vst v0;
	s23 =	rddreg [dreg:$0x11]  }
0x6e: {  	[spmem:s23] =	stream.linear.scatter [tilespmem:s26], [sflag:$0x7], $0x2000, $0x38;
	[tilespmem:$0x1A800] =	vst v63  }
0x6f: {  	_ =	swait.ge [sflag:s28], $0x2000  }
0x70: {  	[sflag:s28] =	ssyncset.done $0x0  }
0x71: {  	s24 =	rddreg [dreg:$0x12];
	[sflag:s28] =	ssyncadd.s32 $0xFFFFE000  }
0x72: {  	[spmem:s24] =	stream.linear.scatter [tilespmem:s26], [sflag:$0x7], $0x2000, $0x38;
	[tilespmem:$0x1A800] =	vst v63  }
0x73: {  	_ =	swait.ge [sflag:s28], $0x2000  }
0x74: {  	[sflag:s28] =	ssyncset.done $0x0  }
0x75: {  	s24 =	rddreg [dreg:$0x13];
	[sflag:s28] =	ssyncadd.s32 $0xFFFFE000  }
0x76: {  	[spmem:s24] =	stream.linear.scatter [tilespmem:s26], [sflag:$0x7], $0x2000, $0x38;
	[tilespmem:$0x1A800] =	vst v63  }
0x77: {  	_ =	swait.ge [sflag:s28], $0x2000  }
0x78: {  	[sflag:s28] =	ssyncset.done $0x0  }
0x79: {  	s24 =	rddreg [dreg:$0x14];
	[sflag:s28] =	ssyncadd.s32 $0xFFFFE000  }
0x7a: {  	[spmem:s24] =	stream.linear.scatter [tilespmem:s26], [sflag:$0x7], $0x2000, $0x38;
	[tilespmem:$0x1A800] =	vst v63  }
0x7b: {  	_ =	swait.ge [sflag:s28], $0x2000  }
0x7c: {  	[sflag:s28] =	ssyncset.done $0x0  }
0x7d: {  	s24 =	rddreg [dreg:$0x15];
	[sflag:s28] =	ssyncadd.s32 $0xFFFFE000  }
0x7e: {  	[spmem:s24] =	stream.linear.scatter [tilespmem:s26], [sflag:$0x7], $0x2000, $0x38;
	[tilespmem:$0x1A800] =	vst v63  }
0x7f: {  	_ =	swait.ge [sflag:s28], $0x2000  }
0x80: {  	[sflag:s28] =	ssyncset.done $0x0  }
0x81: {  	s24 =	rddreg [dreg:$0x16];
	[sflag:s28] =	ssyncadd.s32 $0xFFFFE000  }
0x82: {  	[spmem:s24] =	stream.linear.scatter [tilespmem:s26], [sflag:$0x7], $0x2000, $0x38;
	[tilespmem:$0x1A800] =	vst v63  }
0x83: {  	_ =	swait.ge [sflag:s28], $0x2000  }
0x84: {  	[sflag:s28] =	ssyncset.done $0x0  }
0x85: {  	s24 =	rddreg [dreg:$0x17];
	[sflag:s28] =	ssyncadd.s32 $0xFFFFE000  }
0x86: {  	[spmem:s24] =	stream.linear.scatter [tilespmem:s26], [sflag:$0x7], $0x2000, $0x38;
	[tilespmem:$0x1A800] =	vst v63  }
0x87: {  	_ =	swait.ge [sflag:s28], $0x2000  }
0x88: {  	[sflag:s28] =	ssyncset.done $0x0  }
0x89: {  	s24 =	rddreg [dreg:$0x18];
	[sflag:s28] =	ssyncadd.s32 $0xFFFFE000  }
0x8a: {  	[spmem:s24] =	stream.linear.scatter [tilespmem:s26], [sflag:$0x7], $0x2000, $0x38;
	[tilespmem:$0x1A800] =	vst v63  }
0x8b: {  	_ =	swait.ge [sflag:s28], $0x2000  }
0x8c: {  	[sflag:s28] =	ssyncset.done $0x0  }
0x8d: {  	s24 =	rddreg [dreg:$0x19];
	[sflag:s28] =	ssyncadd.s32 $0xFFFFE000  }
0x8e: {  	[spmem:s24] =	stream.linear.scatter [tilespmem:s26], [sflag:$0x7], $0x2000, $0x38;
	[tilespmem:$0x1A800] =	vst v63  }
0x8f: {  	_ =	swait.ge [sflag:s28], $0x2000  }
0x90: {  	[sflag:s28] =	ssyncset.done $0x0  }
0x91: {  	s24 =	rddreg [dreg:$0x1a];
	[sflag:s28] =	ssyncadd.s32 $0xFFFFE000  }
0x92: {  	[spmem:s24] =	stream.linear.scatter [tilespmem:s26], [sflag:$0x7], $0x2000, $0x38;
	[tilespmem:$0x1A800] =	vst v63  }
.Ltmp3:
0x93: {  	_ =	swait.ge [sflag:s28], $0x2000;
	(pc) =	sbr.rel @!p0 .LBB2_4-.Ltmp3, $3  }
0x94: {  	[sflag:s28] =	ssyncset.done $0x0  }
0x95: {  	[sflag:s28] =	ssyncadd.s32 $0xFFFFE000  }
0x96: {  	[bflag:$0x0] =	sbarrier.arrive $0xFFFF;
	_ =	sdelay $0x1  }
0x97: {  	s23 =	rddreg [dreg:$0x6]  }
0x98: {  	s23 =	sadd.s32 $0x0, s23  }
0x99: {  	[tilespmem:s3], [sflag:$0x7] =	stream.linear.gather [hbm4b:s23+s3], $0x400, $0x38;
	[tilespmem:$0x1A800] =	vst v63  }
0x9a: {  	_ =	swait.ge [sflag:s28], $0x400  }
0x9b: {  	s24 =	rddreg [dreg:$0x5];
	[sflag:s28] =	ssyncset.done $0x0  }
0x9c: {  	[sflag:s28] =	ssyncadd.s32 $0xFFFFFC00;
	s23 =	sadd.s32 $0x0, s24  }
0x9d: {  	[tilespmem:s29], [sflag:$0x7] =	stream.linear.gather [hbm4b:s23+s3], $0x400, $0x38;
	[tilespmem:$0x1A800] =	vst v63  }
0x9e: {  	_ =	swait.ge [sflag:s28], $0x400  }
0x9f: {  	[sflag:s28] =	ssyncset.done $0x0  }
0xa0: {  	[sflag:s28] =	ssyncadd.s32 $0xFFFFFC00  }
0xa1: {  	[tilespmem:s26], [sflag:$0x1] =	stream.indirect.gather [hbm4b:s14+s30], $0x80, s3, s30, $0xb8;
	[tilespmem:$0x1A800] =	vst v63  }
0xa2: {  	_ = 	snop  }
0xa3: {  	[tilespmem:s0], [sflag:$0x2] =	stream.indirect.gather [hbm4b:s14+s30], $0x80, s31, s30, $0xb8;
	[tilespmem:$0x1A800] =	vst v63  }
0xa4: {  	_ =	swait.ge [sflag:s1], $0x2000  }
0xa5: {  	[sflag:s1] =	ssyncset.done $0x0  }
0xa6: {  	[sflag:s1] =	ssyncadd.s32 $0xFFFFE000  }
0xa7: {  	[spmem:s2] =	stream.indirect.scatter.add.f32 [tilespmem:s26], [sflag:$0x4], $0x80, s29, s30, $0xb8;
	[tilespmem:$0x1A800] =	vst v63  }
0xa8: {  	_ = 	snop  }
0xa9: {  	[tilespmem:s5], [sflag:$0x3] =	stream.indirect.gather [hbm4b:s14+s30], $0x80, s4, s30, $0xb8;
	[tilespmem:$0x1A800] =	vst v63  }
0xaa: {  	_ =	swait.ge [sflag:s6], $0x2000  }
0xab: {  	[sflag:s6] =	ssyncset.done $0x0  }
0xac: {  	[sflag:s6] =	ssyncadd.s32 $0xFFFFE000  }
0xad: {  	[spmem:s2] =	stream.indirect.scatter.add.f32 [tilespmem:s0], [sflag:$0x5], $0x80, s7, s30, $0xb8;
	[tilespmem:$0x1A800] =	vst v63  }
0xae: {  	_ =	swait.ge [sflag:s8], $0x2000  }
0xaf: {  	[sflag:s8] =	ssyncset.done $0x0  }
0xb0: {  	[sflag:s8] =	ssyncadd.s32 $0xFFFFE000  }
0xb1: {  	[tilespmem:s26], [sflag:$0x1] =	stream.indirect.gather [hbm4b:s14+s30], $0x80, s9, s30, $0xb8;
	[tilespmem:$0x1A800] =	vst v63  }
0xb2: {  	_ =	swait.ge [sflag:s10], $0x2000  }
0xb3: {  	[sflag:s10] =	ssyncset.done $0x0  }
0xb4: {  	[sflag:s10] =	ssyncadd.s32 $0xFFFFE000  }
0xb5: {  	[spmem:s2] =	stream.indirect.scatter.add.f32 [tilespmem:s5], [sflag:$0x6], $0x80, s11, s30, $0xb8;
	[tilespmem:$0x1A800] =	vst v63  }
0xb6: {  	_ =	swait.ge [sflag:s12], $0x2000  }
0xb7: {  	[sflag:s12] =	ssyncset.done $0x0  }
0xb8: {  	[sflag:s12] =	ssyncadd.s32 $0xFFFFE000  }
0xb9: {  	[tilespmem:s0], [sflag:$0x2] =	stream.indirect.gather [hbm4b:s14+s30], $0x80, s13, s30, $0xb8;
	[tilespmem:$0x1A800] =	vst v63  }
0xba: {  	_ =	swait.ge [sflag:s1], $0x2000  }
0xbb: {  	[sflag:s1] =	ssyncset.done $0x0  }
0xbc: {  	[sflag:s1] =	ssyncadd.s32 $0xFFFFE000  }
0xbd: {  	[spmem:s2] =	stream.indirect.scatter.add.f32 [tilespmem:s26], [sflag:$0x4], $0x80, s25, s30, $0xb8;
	[tilespmem:$0x1A800] =	vst v63  }
0xbe: {  	_ =	swait.ge [sflag:s15], $0x2000  }
0xbf: {  	[sflag:s15] =	ssyncset.done $0x0  }
0xc0: {  	[sflag:s15] =	ssyncadd.s32 $0xFFFFE000  }
0xc1: {  	[tilespmem:s5], [sflag:$0x3] =	stream.indirect.gather [hbm4b:s14+s30], $0x80, s16, s30, $0xb8;
	[tilespmem:$0x1A800] =	vst v63  }
0xc2: {  	_ =	swait.ge [sflag:s6], $0x2000  }
0xc3: {  	[sflag:s6] =	ssyncset.done $0x0  }
0xc4: {  	[sflag:s6] =	ssyncadd.s32 $0xFFFFE000  }
0xc5: {  	[spmem:s2] =	stream.indirect.scatter.add.f32 [tilespmem:s0], [sflag:$0x5], $0x80, s17, s30, $0xb8;
	[tilespmem:$0x1A800] =	vst v63  }
0xc6: {  	_ =	swait.ge [sflag:s8], $0x2000  }
0xc7: {  	[sflag:s8] =	ssyncset.done $0x0  }
0xc8: {  	[sflag:s8] =	ssyncadd.s32 $0xFFFFE000  }
0xc9: {  	[tilespmem:s26], [sflag:$0x1] =	stream.indirect.gather [hbm4b:s14+s30], $0x80, s18, s30, $0xb8;
	[tilespmem:$0x1A800] =	vst v63  }
0xca: {  	_ =	swait.ge [sflag:s10], $0x2000  }
0xcb: {  	[sflag:s10] =	ssyncset.done $0x0  }
0xcc: {  	[sflag:s10] =	ssyncadd.s32 $0xFFFFE000  }
0xcd: {  	[spmem:s2] =	stream.indirect.scatter.add.f32 [tilespmem:s5], [sflag:$0x6], $0x80, s19, s30, $0xb8;
	[tilespmem:$0x1A800] =	vst v63  }
0xce: {  	_ =	swait.ge [sflag:s12], $0x2000  }
0xcf: {  	[sflag:s12] =	ssyncset.done $0x0  }
0xd0: {  	[sflag:s12] =	ssyncadd.s32 $0xFFFFE000  }
0xd1: {  	[tilespmem:s0], [sflag:$0x2] =	stream.indirect.gather [hbm4b:s14+s30], $0x80, s20, s30, $0xb8;
	[tilespmem:$0x1A800] =	vst v63  }
0xd2: {  	_ =	swait.ge [sflag:s1], $0x2000  }
0xd3: {  	[sflag:s1] =	ssyncset.done $0x0  }
0xd4: {  	[sflag:s1] =	ssyncadd.s32 $0xFFFFE000  }
0xd5: {  	[spmem:s2] =	stream.indirect.scatter.add.f32 [tilespmem:s26], [sflag:$0x4], $0x80, s21, s30, $0xb8;
	[tilespmem:$0x1A800] =	vst v63  }
0xd6: {  	_ =	swait.ge [sflag:s6], $0x2000  }
0xd7: {  	[sflag:s6] =	ssyncset.done $0x0  }
0xd8: {  	[sflag:s6] =	ssyncadd.s32 $0xFFFFE000  }
0xd9: {  	[spmem:s2] =	stream.indirect.scatter.add.f32 [tilespmem:s0], [sflag:$0x5], $0x80, s22, s30, $0xb8;
	[tilespmem:$0x1A800] =	vst v63  }
0xda: {  	_ =	swait.ge [sflag:s8], $0x2000  }
0xdb: {  	[sflag:s8] =	ssyncset.done $0x0  }
0xdc: {  	[sflag:s8] =	ssyncadd.s32 $0xFFFFE000  }
0xdd: {  	_ =	swait.ge [sflag:s12], $0x2000  }
0xde: {  	s24 =	simm.s32 $0x80;
	[sflag:s12] =	ssyncset.done $0x0  }
.LBB2_8:
0xdf: {  	s23 =	rddreg [dreg:$0x6];
	s31 =	smov.u32 s24  }
0xe0: {  	[sflag:s12] =	ssyncadd.s32 $0xFFFFE000;
	s23 =	sadd.s32 s31, s23  }
0xe1: {  	[tilespmem:s3], [sflag:$0x7] =	stream.linear.gather [hbm4b:s23+s3], $0x400, $0x38;
	[tilespmem:$0x1A800] =	vst v63  }
0xe2: {  	_ =	swait.ge [sflag:s28], $0x400  }
0xe3: {  	s23 =	rddreg [dreg:$0x5];
	[sflag:s28] =	ssyncset.done $0x0  }
0xe4: {  	[sflag:s28] =	ssyncadd.s32 $0xFFFFFC00;
	s23 =	sadd.s32 s31, s23  }
0xe5: {  	[tilespmem:s29], [sflag:$0x7] =	stream.linear.gather [hbm4b:s23+s3], $0x400, $0x38;
	[tilespmem:$0x1A800] =	vst v63  }
0xe6: {  	_ =	swait.ge [sflag:s28], $0x400  }
0xe7: {  	[sflag:s28] =	ssyncset.done $0x0  }
0xe8: {  	[sflag:s28] =	ssyncadd.s32 $0xFFFFFC00  }
0xe9: {  	[tilespmem:s26], [sflag:$0x1] =	stream.indirect.gather [hbm4b:s14+s30], $0x80, s3, s30, $0xb8;
	[tilespmem:$0x1A800] =	vst v63  }
0xea: {  	s31 =	simm.s32 $0x80  }
0xeb: {  	[tilespmem:s0], [sflag:$0x2] =	stream.indirect.gather [hbm4b:s14+s30], $0x80, s31, s30, $0xb8;
	[tilespmem:$0x1A800] =	vst v63  }
0xec: {  	_ =	swait.ge [sflag:s1], $0x2000  }
0xed: {  	[sflag:s1] =	ssyncset.done $0x0  }
0xee: {  	[sflag:s1] =	ssyncadd.s32 $0xFFFFE000  }
0xef: {  	[spmem:s2] =	stream.indirect.scatter.add.f32 [tilespmem:s26], [sflag:$0x4], $0x80, s29, s30, $0xb8;
	[tilespmem:$0x1A800] =	vst v63  }
0xf0: {  	_ = 	snop  }
0xf1: {  	[tilespmem:s5], [sflag:$0x3] =	stream.indirect.gather [hbm4b:s14+s30], $0x80, s4, s30, $0xb8;
	[tilespmem:$0x1A800] =	vst v63  }
0xf2: {  	_ =	swait.ge [sflag:s6], $0x2000  }
0xf3: {  	[sflag:s6] =	ssyncset.done $0x0  }
0xf4: {  	[sflag:s6] =	ssyncadd.s32 $0xFFFFE000  }
0xf5: {  	[spmem:s2] =	stream.indirect.scatter.add.f32 [tilespmem:s0], [sflag:$0x5], $0x80, s7, s30, $0xb8;
	[tilespmem:$0x1A800] =	vst v63  }
0xf6: {  	_ =	swait.ge [sflag:s8], $0x2000  }
0xf7: {  	[sflag:s8] =	ssyncset.done $0x0  }
0xf8: {  	[sflag:s8] =	ssyncadd.s32 $0xFFFFE000  }
0xf9: {  	[tilespmem:s26], [sflag:$0x1] =	stream.indirect.gather [hbm4b:s14+s30], $0x80, s9, s30, $0xb8;
	[tilespmem:$0x1A800] =	vst v63  }
0xfa: {  	_ =	swait.ge [sflag:s10], $0x2000  }
0xfb: {  	[sflag:s10] =	ssyncset.done $0x0  }
0xfc: {  	[sflag:s10] =	ssyncadd.s32 $0xFFFFE000  }
0xfd: {  	[spmem:s2] =	stream.indirect.scatter.add.f32 [tilespmem:s5], [sflag:$0x6], $0x80, s11, s30, $0xb8;
	[tilespmem:$0x1A800] =	vst v63  }
0xfe: {  	_ =	swait.ge [sflag:s12], $0x2000  }
0xff: {  	[sflag:s12] =	ssyncset.done $0x0  }
0x100: {  	[sflag:s12] =	ssyncadd.s32 $0xFFFFE000  }
0x101: {  	[tilespmem:s0], [sflag:$0x2] =	stream.indirect.gather [hbm4b:s14+s30], $0x80, s13, s30, $0xb8;
	[tilespmem:$0x1A800] =	vst v63  }
0x102: {  	_ =	swait.ge [sflag:s1], $0x2000  }
0x103: {  	[sflag:s1] =	ssyncset.done $0x0  }
0x104: {  	[sflag:s1] =	ssyncadd.s32 $0xFFFFE000  }
0x105: {  	[spmem:s2] =	stream.indirect.scatter.add.f32 [tilespmem:s26], [sflag:$0x4], $0x80, s25, s30, $0xb8;
	[tilespmem:$0x1A800] =	vst v63  }
0x106: {  	_ =	swait.ge [sflag:s15], $0x2000  }
0x107: {  	[sflag:s15] =	ssyncset.done $0x0  }
0x108: {  	[sflag:s15] =	ssyncadd.s32 $0xFFFFE000  }
0x109: {  	[tilespmem:s5], [sflag:$0x3] =	stream.indirect.gather [hbm4b:s14+s30], $0x80, s16, s30, $0xb8;
	[tilespmem:$0x1A800] =	vst v63  }
0x10a: {  	_ =	swait.ge [sflag:s6], $0x2000  }
0x10b: {  	[sflag:s6] =	ssyncset.done $0x0  }
0x10c: {  	[sflag:s6] =	ssyncadd.s32 $0xFFFFE000  }
0x10d: {  	[spmem:s2] =	stream.indirect.scatter.add.f32 [tilespmem:s0], [sflag:$0x5], $0x80, s17, s30, $0xb8;
	[tilespmem:$0x1A800] =	vst v63  }
0x10e: {  	_ =	swait.ge [sflag:s8], $0x2000  }
0x10f: {  	[sflag:s8] =	ssyncset.done $0x0  }
0x110: {  	[sflag:s8] =	ssyncadd.s32 $0xFFFFE000  }
0x111: {  	[tilespmem:s26], [sflag:$0x1] =	stream.indirect.gather [hbm4b:s14+s30], $0x80, s18, s30, $0xb8;
	[tilespmem:$0x1A800] =	vst v63  }
0x112: {  	_ =	swait.ge [sflag:s10], $0x2000  }
0x113: {  	[sflag:s10] =	ssyncset.done $0x0  }
0x114: {  	[sflag:s10] =	ssyncadd.s32 $0xFFFFE000  }
0x115: {  	[spmem:s2] =	stream.indirect.scatter.add.f32 [tilespmem:s5], [sflag:$0x6], $0x80, s19, s30, $0xb8;
	[tilespmem:$0x1A800] =	vst v63  }
0x116: {  	_ =	swait.ge [sflag:s12], $0x2000  }
0x117: {  	[sflag:s12] =	ssyncset.done $0x0  }
0x118: {  	[sflag:s12] =	ssyncadd.s32 $0xFFFFE000  }
0x119: {  	[tilespmem:s0], [sflag:$0x2] =	stream.indirect.gather [hbm4b:s14+s30], $0x80, s20, s30, $0xb8;
	[tilespmem:$0x1A800] =	vst v63  }
0x11a: {  	_ =	swait.ge [sflag:s1], $0x2000  }
0x11b: {  	[sflag:s1] =	ssyncset.done $0x0  }
0x11c: {  	[sflag:s1] =	ssyncadd.s32 $0xFFFFE000  }
0x11d: {  	[spmem:s2] =	stream.indirect.scatter.add.f32 [tilespmem:s26], [sflag:$0x4], $0x80, s21, s30, $0xb8;
	[tilespmem:$0x1A800] =	vst v63  }
0x11e: {  	_ =	swait.ge [sflag:s6], $0x2000  }
0x11f: {  	[sflag:s6] =	ssyncset.done $0x0  }
0x120: {  	p1 =	sne.s32 s24, $0x980;
	[sflag:s6] =	ssyncadd.s32 $0xFFFFE000  }
0x121: {  	[spmem:s2] =	stream.indirect.scatter.add.f32 [tilespmem:s0], [sflag:$0x5], $0x80, s22, s30, $0xb8;
	[tilespmem:$0x1A800] =	vst v63  }
.Ltmp4:
0x122: {  	_ =	swait.ge [sflag:s8], $0x2000;
	(pc) =	sbr.rel @p1 .LBB2_8-.Ltmp4, $4  }
0x123: {  	[sflag:s8] =	ssyncset.done $0x0  }
0x124: {  	[sflag:s8] =	ssyncadd.s32 $0xFFFFE000  }
0x125: {  	_ =	swait.ge [sflag:s12], $0x2000  }
0x126: {  	s24 =	sadd.s32 $0x80, s24;
	[sflag:s12] =	ssyncset.done $0x0  }
.Ltmp5:
0x127: {  	(pc) =	sbr.rel .LBB2_10-.Ltmp5, $2  }
0x128: {  	_ =	sdelay $0x2  }
0x129: {  	[sflag:s12] =	ssyncadd.s32 $0xFFFFE000  }
.LBB2_4:
0x12a: {  	s23 =	rddreg [dreg:$0x4]  }
0x12b: {  	s23 =	sadd.s32 $0x0, s23  }
0x12c: {  	[tilespmem:s3], [sflag:$0x7] =	stream.linear.gather [hbm4b:s23+s3], $0x400, $0x38;
	[tilespmem:$0x1A800] =	vst v63  }
0x12d: {  	_ =	swait.ge [sflag:s28], $0x400  }
0x12e: {  	s24 =	rddreg [dreg:$0x3];
	[sflag:s28] =	ssyncset.done $0x0  }
0x12f: {  	[sflag:s28] =	ssyncadd.s32 $0xFFFFFC00;
	s23 =	sadd.s32 $0x0, s24  }
0x130: {  	[tilespmem:s29], [sflag:$0x7] =	stream.linear.gather [hbm4b:s23+s3], $0x400, $0x38;
	[tilespmem:$0x1A800] =	vst v63  }
0x131: {  	_ =	swait.ge [sflag:s28], $0x400  }
0x132: {  	[sflag:s28] =	ssyncset.done $0x0  }
0x133: {  	[sflag:s28] =	ssyncadd.s32 $0xFFFFFC00  }
0x134: {  	[tilespmem:s26], [sflag:$0x1] =	stream.indirect.gather [hbm4b:s14+s30], $0x80, s3, s30, $0xb8;
	[tilespmem:$0x1A800] =	vst v63  }
0x135: {  	_ = 	snop  }
0x136: {  	[tilespmem:s0], [sflag:$0x2] =	stream.indirect.gather [hbm4b:s14+s30], $0x80, s31, s30, $0xb8;
	[tilespmem:$0x1A800] =	vst v63  }
0x137: {  	_ =	swait.ge [sflag:s1], $0x2000  }
0x138: {  	[sflag:s1] =	ssyncset.done $0x0  }
0x139: {  	[sflag:s1] =	ssyncadd.s32 $0xFFFFE000  }
0x13a: {  	[spmem:s2] =	stream.indirect.scatter.add.f32 [tilespmem:s26], [sflag:$0x4], $0x80, s29, s30, $0xb8;
	[tilespmem:$0x1A800] =	vst v63  }
0x13b: {  	_ = 	snop  }
0x13c: {  	[tilespmem:s5], [sflag:$0x3] =	stream.indirect.gather [hbm4b:s14+s30], $0x80, s4, s30, $0xb8;
	[tilespmem:$0x1A800] =	vst v63  }
0x13d: {  	_ =	swait.ge [sflag:s6], $0x2000  }
0x13e: {  	[sflag:s6] =	ssyncset.done $0x0  }
0x13f: {  	[sflag:s6] =	ssyncadd.s32 $0xFFFFE000  }
0x140: {  	[spmem:s2] =	stream.indirect.scatter.add.f32 [tilespmem:s0], [sflag:$0x5], $0x80, s7, s30, $0xb8;
	[tilespmem:$0x1A800] =	vst v63  }
0x141: {  	_ =	swait.ge [sflag:s8], $0x2000  }
0x142: {  	[sflag:s8] =	ssyncset.done $0x0  }
0x143: {  	[sflag:s8] =	ssyncadd.s32 $0xFFFFE000  }
0x144: {  	[tilespmem:s26], [sflag:$0x1] =	stream.indirect.gather [hbm4b:s14+s30], $0x80, s9, s30, $0xb8;
	[tilespmem:$0x1A800] =	vst v63  }
0x145: {  	_ =	swait.ge [sflag:s10], $0x2000  }
0x146: {  	[sflag:s10] =	ssyncset.done $0x0  }
0x147: {  	[sflag:s10] =	ssyncadd.s32 $0xFFFFE000  }
0x148: {  	[spmem:s2] =	stream.indirect.scatter.add.f32 [tilespmem:s5], [sflag:$0x6], $0x80, s11, s30, $0xb8;
	[tilespmem:$0x1A800] =	vst v63  }
0x149: {  	_ =	swait.ge [sflag:s12], $0x2000  }
0x14a: {  	[sflag:s12] =	ssyncset.done $0x0  }
0x14b: {  	[sflag:s12] =	ssyncadd.s32 $0xFFFFE000  }
0x14c: {  	[tilespmem:s0], [sflag:$0x2] =	stream.indirect.gather [hbm4b:s14+s30], $0x80, s13, s30, $0xb8;
	[tilespmem:$0x1A800] =	vst v63  }
0x14d: {  	_ =	swait.ge [sflag:s1], $0x2000  }
0x14e: {  	[sflag:s1] =	ssyncset.done $0x0  }
0x14f: {  	[sflag:s1] =	ssyncadd.s32 $0xFFFFE000  }
0x150: {  	[spmem:s2] =	stream.indirect.scatter.add.f32 [tilespmem:s26], [sflag:$0x4], $0x80, s25, s30, $0xb8;
	[tilespmem:$0x1A800] =	vst v63  }
0x151: {  	_ =	swait.ge [sflag:s15], $0x2000  }
0x152: {  	[sflag:s15] =	ssyncset.done $0x0  }
0x153: {  	[sflag:s15] =	ssyncadd.s32 $0xFFFFE000  }
0x154: {  	[tilespmem:s5], [sflag:$0x3] =	stream.indirect.gather [hbm4b:s14+s30], $0x80, s16, s30, $0xb8;
	[tilespmem:$0x1A800] =	vst v63  }
0x155: {  	_ =	swait.ge [sflag:s6], $0x2000  }
0x156: {  	[sflag:s6] =	ssyncset.done $0x0  }
0x157: {  	[sflag:s6] =	ssyncadd.s32 $0xFFFFE000  }
0x158: {  	[spmem:s2] =	stream.indirect.scatter.add.f32 [tilespmem:s0], [sflag:$0x5], $0x80, s17, s30, $0xb8;
	[tilespmem:$0x1A800] =	vst v63  }
0x159: {  	_ =	swait.ge [sflag:s8], $0x2000  }
0x15a: {  	[sflag:s8] =	ssyncset.done $0x0  }
0x15b: {  	[sflag:s8] =	ssyncadd.s32 $0xFFFFE000  }
0x15c: {  	[tilespmem:s26], [sflag:$0x1] =	stream.indirect.gather [hbm4b:s14+s30], $0x80, s18, s30, $0xb8;
	[tilespmem:$0x1A800] =	vst v63  }
0x15d: {  	_ =	swait.ge [sflag:s10], $0x2000  }
0x15e: {  	[sflag:s10] =	ssyncset.done $0x0  }
0x15f: {  	[sflag:s10] =	ssyncadd.s32 $0xFFFFE000  }
0x160: {  	[spmem:s2] =	stream.indirect.scatter.add.f32 [tilespmem:s5], [sflag:$0x6], $0x80, s19, s30, $0xb8;
	[tilespmem:$0x1A800] =	vst v63  }
0x161: {  	_ =	swait.ge [sflag:s12], $0x2000  }
0x162: {  	[sflag:s12] =	ssyncset.done $0x0  }
0x163: {  	[sflag:s12] =	ssyncadd.s32 $0xFFFFE000  }
0x164: {  	[tilespmem:s0], [sflag:$0x2] =	stream.indirect.gather [hbm4b:s14+s30], $0x80, s20, s30, $0xb8;
	[tilespmem:$0x1A800] =	vst v63  }
0x165: {  	_ =	swait.ge [sflag:s1], $0x2000  }
0x166: {  	[sflag:s1] =	ssyncset.done $0x0  }
0x167: {  	[sflag:s1] =	ssyncadd.s32 $0xFFFFE000  }
0x168: {  	[spmem:s2] =	stream.indirect.scatter.add.f32 [tilespmem:s26], [sflag:$0x4], $0x80, s21, s30, $0xb8;
	[tilespmem:$0x1A800] =	vst v63  }
0x169: {  	_ =	swait.ge [sflag:s6], $0x2000  }
0x16a: {  	[sflag:s6] =	ssyncset.done $0x0  }
0x16b: {  	[sflag:s6] =	ssyncadd.s32 $0xFFFFE000  }
0x16c: {  	[spmem:s2] =	stream.indirect.scatter.add.f32 [tilespmem:s0], [sflag:$0x5], $0x80, s22, s30, $0xb8;
	[tilespmem:$0x1A800] =	vst v63  }
0x16d: {  	_ =	swait.ge [sflag:s8], $0x2000  }
0x16e: {  	[sflag:s8] =	ssyncset.done $0x0  }
0x16f: {  	[sflag:s8] =	ssyncadd.s32 $0xFFFFE000  }
0x170: {  	_ =	swait.ge [sflag:s12], $0x2000  }
0x171: {  	s24 =	simm.s32 $0x80;
	[sflag:s12] =	ssyncset.done $0x0  }
.LBB2_5:
0x172: {  	s23 =	rddreg [dreg:$0x4];
	s31 =	smov.u32 s24  }
0x173: {  	[sflag:s12] =	ssyncadd.s32 $0xFFFFE000;
	s23 =	sadd.s32 s31, s23  }
0x174: {  	[tilespmem:s3], [sflag:$0x7] =	stream.linear.gather [hbm4b:s23+s3], $0x400, $0x38;
	[tilespmem:$0x1A800] =	vst v63  }
0x175: {  	_ =	swait.ge [sflag:s28], $0x400  }
0x176: {  	s23 =	rddreg [dreg:$0x3];
	[sflag:s28] =	ssyncset.done $0x0  }
0x177: {  	[sflag:s28] =	ssyncadd.s32 $0xFFFFFC00;
	s23 =	sadd.s32 s31, s23  }
0x178: {  	[tilespmem:s29], [sflag:$0x7] =	stream.linear.gather [hbm4b:s23+s3], $0x400, $0x38;
	[tilespmem:$0x1A800] =	vst v63  }
0x179: {  	_ =	swait.ge [sflag:s28], $0x400  }
0x17a: {  	[sflag:s28] =	ssyncset.done $0x0  }
0x17b: {  	[sflag:s28] =	ssyncadd.s32 $0xFFFFFC00  }
0x17c: {  	[tilespmem:s26], [sflag:$0x1] =	stream.indirect.gather [hbm4b:s14+s30], $0x80, s3, s30, $0xb8;
	[tilespmem:$0x1A800] =	vst v63  }
0x17d: {  	s31 =	simm.s32 $0x80  }
0x17e: {  	[tilespmem:s0], [sflag:$0x2] =	stream.indirect.gather [hbm4b:s14+s30], $0x80, s31, s30, $0xb8;
	[tilespmem:$0x1A800] =	vst v63  }
0x17f: {  	_ =	swait.ge [sflag:s1], $0x2000  }
0x180: {  	[sflag:s1] =	ssyncset.done $0x0  }
0x181: {  	[sflag:s1] =	ssyncadd.s32 $0xFFFFE000  }
0x182: {  	[spmem:s2] =	stream.indirect.scatter.add.f32 [tilespmem:s26], [sflag:$0x4], $0x80, s29, s30, $0xb8;
	[tilespmem:$0x1A800] =	vst v63  }
0x183: {  	_ = 	snop  }
0x184: {  	[tilespmem:s5], [sflag:$0x3] =	stream.indirect.gather [hbm4b:s14+s30], $0x80, s4, s30, $0xb8;
	[tilespmem:$0x1A800] =	vst v63  }
0x185: {  	_ =	swait.ge [sflag:s6], $0x2000  }
0x186: {  	[sflag:s6] =	ssyncset.done $0x0  }
0x187: {  	[sflag:s6] =	ssyncadd.s32 $0xFFFFE000  }
0x188: {  	[spmem:s2] =	stream.indirect.scatter.add.f32 [tilespmem:s0], [sflag:$0x5], $0x80, s7, s30, $0xb8;
	[tilespmem:$0x1A800] =	vst v63  }
0x189: {  	_ =	swait.ge [sflag:s8], $0x2000  }
0x18a: {  	[sflag:s8] =	ssyncset.done $0x0  }
0x18b: {  	[sflag:s8] =	ssyncadd.s32 $0xFFFFE000  }
0x18c: {  	[tilespmem:s26], [sflag:$0x1] =	stream.indirect.gather [hbm4b:s14+s30], $0x80, s9, s30, $0xb8;
	[tilespmem:$0x1A800] =	vst v63  }
0x18d: {  	_ =	swait.ge [sflag:s10], $0x2000  }
0x18e: {  	[sflag:s10] =	ssyncset.done $0x0  }
0x18f: {  	[sflag:s10] =	ssyncadd.s32 $0xFFFFE000  }
0x190: {  	[spmem:s2] =	stream.indirect.scatter.add.f32 [tilespmem:s5], [sflag:$0x6], $0x80, s11, s30, $0xb8;
	[tilespmem:$0x1A800] =	vst v63  }
0x191: {  	_ =	swait.ge [sflag:s12], $0x2000  }
0x192: {  	[sflag:s12] =	ssyncset.done $0x0  }
0x193: {  	[sflag:s12] =	ssyncadd.s32 $0xFFFFE000  }
0x194: {  	[tilespmem:s0], [sflag:$0x2] =	stream.indirect.gather [hbm4b:s14+s30], $0x80, s13, s30, $0xb8;
	[tilespmem:$0x1A800] =	vst v63  }
0x195: {  	_ =	swait.ge [sflag:s1], $0x2000  }
0x196: {  	[sflag:s1] =	ssyncset.done $0x0  }
0x197: {  	[sflag:s1] =	ssyncadd.s32 $0xFFFFE000  }
0x198: {  	[spmem:s2] =	stream.indirect.scatter.add.f32 [tilespmem:s26], [sflag:$0x4], $0x80, s25, s30, $0xb8;
	[tilespmem:$0x1A800] =	vst v63  }
0x199: {  	_ =	swait.ge [sflag:s15], $0x2000  }
0x19a: {  	[sflag:s15] =	ssyncset.done $0x0  }
0x19b: {  	[sflag:s15] =	ssyncadd.s32 $0xFFFFE000  }
0x19c: {  	[tilespmem:s5], [sflag:$0x3] =	stream.indirect.gather [hbm4b:s14+s30], $0x80, s16, s30, $0xb8;
	[tilespmem:$0x1A800] =	vst v63  }
0x19d: {  	_ =	swait.ge [sflag:s6], $0x2000  }
0x19e: {  	[sflag:s6] =	ssyncset.done $0x0  }
0x19f: {  	[sflag:s6] =	ssyncadd.s32 $0xFFFFE000  }
0x1a0: {  	[spmem:s2] =	stream.indirect.scatter.add.f32 [tilespmem:s0], [sflag:$0x5], $0x80, s17, s30, $0xb8;
	[tilespmem:$0x1A800] =	vst v63  }
0x1a1: {  	_ =	swait.ge [sflag:s8], $0x2000  }
0x1a2: {  	[sflag:s8] =	ssyncset.done $0x0  }
0x1a3: {  	[sflag:s8] =	ssyncadd.s32 $0xFFFFE000  }
0x1a4: {  	[tilespmem:s26], [sflag:$0x1] =	stream.indirect.gather [hbm4b:s14+s30], $0x80, s18, s30, $0xb8;
	[tilespmem:$0x1A800] =	vst v63  }
0x1a5: {  	_ =	swait.ge [sflag:s10], $0x2000  }
0x1a6: {  	[sflag:s10] =	ssyncset.done $0x0  }
0x1a7: {  	[sflag:s10] =	ssyncadd.s32 $0xFFFFE000  }
0x1a8: {  	[spmem:s2] =	stream.indirect.scatter.add.f32 [tilespmem:s5], [sflag:$0x6], $0x80, s19, s30, $0xb8;
	[tilespmem:$0x1A800] =	vst v63  }
0x1a9: {  	_ =	swait.ge [sflag:s12], $0x2000  }
0x1aa: {  	[sflag:s12] =	ssyncset.done $0x0  }
0x1ab: {  	[sflag:s12] =	ssyncadd.s32 $0xFFFFE000  }
0x1ac: {  	[tilespmem:s0], [sflag:$0x2] =	stream.indirect.gather [hbm4b:s14+s30], $0x80, s20, s30, $0xb8;
	[tilespmem:$0x1A800] =	vst v63  }
0x1ad: {  	_ =	swait.ge [sflag:s1], $0x2000  }
0x1ae: {  	[sflag:s1] =	ssyncset.done $0x0  }
0x1af: {  	[sflag:s1] =	ssyncadd.s32 $0xFFFFE000  }
0x1b0: {  	[spmem:s2] =	stream.indirect.scatter.add.f32 [tilespmem:s26], [sflag:$0x4], $0x80, s21, s30, $0xb8;
	[tilespmem:$0x1A800] =	vst v63  }
0x1b1: {  	_ =	swait.ge [sflag:s6], $0x2000  }
0x1b2: {  	[sflag:s6] =	ssyncset.done $0x0  }
0x1b3: {  	p1 =	seq.s32 s24, $0x980;
	[sflag:s6] =	ssyncadd.s32 $0xFFFFE000  }
0x1b4: {  	[spmem:s2] =	stream.indirect.scatter.add.f32 [tilespmem:s0], [sflag:$0x5], $0x80, s22, s30, $0xb8;
	[tilespmem:$0x1A800] =	vst v63  }
.Ltmp6:
0x1b5: {  	_ =	swait.ge [sflag:s8], $0x2000;
	(pc) =	sbr.rel @!p1 .LBB2_5-.Ltmp6, $4  }
0x1b6: {  	[sflag:s8] =	ssyncset.done $0x0  }
0x1b7: {  	[sflag:s8] =	ssyncadd.s32 $0xFFFFE000  }
0x1b8: {  	_ =	swait.ge [sflag:s12], $0x2000  }
0x1b9: {  	s24 =	sadd.s32 $0x80, s24;
	[sflag:s12] =	ssyncset.done $0x0  }
.Ltmp7:
0x1ba: {  	_ = 	snop;
	(pc) =	sbr.rel .LBB2_6-.Ltmp7, $1  }
0x1bb: {  	_ =	sdelay $0x3  }
.LBB2_11:
0x1bc: {  	_ =	sfence.sel $0x180000  }
0x1bd: {  	[bflag:$0x0] =	sbarrier.arrive $0xFFFF  }
0x1be: {  	_ =	strace $0x9000004D  }
0x1bf: {  	s0 =	stileid.u32;
	[bflag:$0x2] =	sbarrier.arrive $0xFFFF  }
0x1c0: {  	p0 =	sne.s32 s0, $0x0;
	s0 =	rddreg [dreg:$0x2]  }
0x1c1: {  	s0 =	sadd.s32 @!p0 $0x100000, s0  }
0x1c2: {  	[sflag:s0] =	ssyncadd.tile.s32 @!p0 $0x1;
	_ =	shalt  }
.Lfunc_end2:
_tile_overlayer_lowered:
.L_overlay_start_2:
0x1c3: {  	(tag) =	ssettag $0x2  }
0x1c4: {  	s0 =	rddreg [dreg:$0x0];
	s2 =	stileid.u32  }
0x1c5: {  	s1 =	rddreg [dreg:$0x1];
	p0 =	sne.s32 s2, $0x0  }
0x1c6: {  	s3 =	rddreg [dreg:$0x2];
	[bflag:$0x3] =	sbarrier.arrive $0xFFFF;
	s2 =	simm.s32 @!p0 $0x1C07  }
0x1c7: {  	[timem:s3], [sflag:s2] =	dma.local @!p0 [hbm:s0], s1  }
0x1c8: {  	s0 =	simm.s32 @!p0 $0x7  }
0x1c9: {  	_ =	swait.ge @!p0 [sflag:s0], s1  }
0x1ca: {  	s1 =	ssub.s32 @!p0 $0x0, s1;
	[sflag:s0] =	ssyncset.done @!p0 $0x0  }
0x1cb: {  	[sflag:s0] =	ssyncadd.s32 @!p0 s1  }
0x1cc: {  	[bflag:$0x3] =	sbarrier.arrive $0xFFFF  }
0x1cd: {  	_ =	shalt  }

// kernel: kernel.8.cloned.1.call-start
scs
__scs_entry_jumppad:
0x0: {  	(pc) =	sbr.rel $0x88, $3  }
0x1: {  	(tag) =	ssettag $0x0;
	lr =	simm.s32 $0x1  }
0x2: {  	[smem:$0x3F95] =	sst lr;
	_ =	strace $0xD0000000  }
0x3: {  	_ = 	snop  }
0x4: {  	_ = 	snop  }
0x5: {  	_ = 	snop  }
0x6: {  	_ = 	snop  }
0x7: {  	_ = 	snop  }
__scs_overlays_trampoline_lowered:
0x8: {  	[smem:$0x3FA4] =	sst s0  }
0x9: {  	[smem:$0x3FA5] =	sst s1  }
0xa: {  	[smem:$0x3FA6] =	sst s2  }
0xb: {  	[smem:$0x3FA7] =	sst s3  }
0xc: {  	[smem:$0x3FA8] =	sst s4  }
0xd: {  	[smem:$0x3FA9] =	sst s5  }
0xe: {  	[smem:$0x3FAA] =	sst s6  }
0xf: {  	[smem:$0x3FAB] =	sst s7  }
0x10: {  	[smem:$0x3FAC] =	sst s8  }
0x11: {  	[smem:$0x3FAD] =	sst s9;
	s0 =	simm.s32 @!p0 $0x0  }
0x12: {  	s1 =	sld [smem:$0x3F93];
	s0 =	simm.s32 @p0 $0x1  }
0x13: {  	[smem:$0x3FAE] =	sst s0;
	s0 =	simm.s32 @!p1 $0x0  }
0x14: {  	s2 =	sld [smem:$0x3F92];
	s0 =	simm.s32 @p1 $0x1  }
0x15: {  	[smem:$0x3FAF] =	sst s0;
	s0 =	simm.s32 @!p2 $0x0  }
0x16: {  	s3 =	sld [smem:$0x3FDB];
	s0 =	simm.s32 @p2 $0x1  }
0x17: {  	s4 =	simm.s32 $0x1BF5;
	[smem:$0x3FB1] =	sst s0  }
0x18: {  	s0 =	sld [smem:$0x3F94];
	_ =	swait.ge [sflag:s4], $0x0  }
0x19: {  	s7 =	sld [smem:$0x3F95]  }
0x1a: {  	s8 =	sadd.s32 $0xFFFFE003, lr  }
0x1b: {  	s9 =	sadd.s32 $0xFFFFFEF7, lr;
	s5 =	simm.s32 $0xFFFFFFFF;
	p2 =	slt.u32 s8, $0xFFFFF086  }
0x1c: {  	p1 =	slt.u32 s9, $0xF7A;
	s5 =	simm.s32 @!p2 $0x0  }
0x1d: {  	s5 =	simm.s32 @p1 $0x1;
	p0 =	seq.s32 s7, s2  }
0x1e: {  	s7 =	smul.u32 @!p0 $0xF7A, s2;
	p2 =	seq.s32 @!p0 s5, $0x0  }
0x1f: {  	s9 =	smul.u32 $0xF7A, s1;
	s8 =	simm.s32 @!p0 $0x1BF5;
	p2 =	por !p2, p0  }
0x20: {  	[sflag:s8] =	ssyncset.s32 @!p0 $0xFFFFF086;
	s6 =	sadd.s32 @!p0 s3, s7;
	s7 =	simm.s32 @!p0 $0x108  }
0x21: {  	s3 =	sadd.s32 s3, s9;
	s6 =	sadd.s32 @!p0 $0x88, s6;
	s7 =	simm.s32 @p2 $0x1082  }
0x22: {  	[simem:s7], [sflag:s8] =	dma.local @!p0 [hbm:s6], $0xF7A  }
0x23: {  	s9 =	sor.u32 $0xD0000000, s2;
	s6 =	simm.s32 $0x108;
	_ =	swait.ge @!p0 [sflag:s8], $0x0  }
0x24: {  	s3 =	sadd.s32 $0x88, s3;
	s6 =	simm.s32 @!p1 $0x1082;
	[sflag:s4] =	ssyncset.s32 $0xFFFFF086  }
0x25: {  	[simem:s6], [sflag:s4] =	dma.local [hbm:s3], $0xF7A  }
0x26: {  	[smem:$0x3F95] =	sst s1;
	(tag) =	ssettag s2;
	_ =	strace s9  }
0x27: {  	s1 =	sld [smem:$0x3FA5]  }
0x28: {  	s2 =	sld [smem:$0x3FA6]  }
0x29: {  	s4 =	sld [smem:$0x3FA8]  }
0x2a: {  	p0 =	seq.s32 s5, $0x0;
	s5 =	sld [smem:$0x3FA9]  }
0x2b: {  	s6 =	sld [smem:$0x3FAA]  }
0x2c: {  	s7 =	sld [smem:$0x3FAB]  }
0x2d: {  	s3 =	simm.s32 $0x108;
	s8 =	sld [smem:$0x3FAC]  }
0x2e: {  	s3 =	simm.s32 @!p0 $0x1082;
	s9 =	sld [smem:$0x3FAD]  }
0x2f: {  	lr =	sadd.s32 s0, s3;
	s0 =	sld [smem:$0x3FA4]  }
0x30: {  	s3 =	sld [smem:$0x3FA7]  }
0x31: {  	[smem:$0x3FB0] =	sst s10  }
0x32: {  	s10 =	sld [smem:$0x3FAE];
	_ =	sdelay $0x3  }
0x33: {  	p0 =	seq.s32 s10, $0x1;
	s10 =	sld [smem:$0x3FB0];
	_ =	sdelay $0x3  }
0x34: {  	[smem:$0x3FB0] =	sst s10  }
0x35: {  	s10 =	sld [smem:$0x3FAF];
	_ =	sdelay $0x3  }
0x36: {  	p1 =	seq.s32 s10, $0x1;
	s10 =	sld [smem:$0x3FB0];
	_ =	sdelay $0x3  }
0x37: {  	[smem:$0x3FB0] =	sst s10  }
0x38: {  	s10 =	sld [smem:$0x3FB1]  }
0x39: {  	_ = 	snop;
	(pc) =	sbr.ind lr, $3  }
0x3a: {  	_ = 	snop  }
0x3b: {  	_ = 	snop  }
0x3c: {  	p2 =	seq.s32 s10, $0x1;
	s10 =	sld [smem:$0x3FB0]  }
0x3d: {  	_ =	shalt  }
0x3e: {  	_ =	shalt  }
0x3f: {  	_ =	shalt  }
0x40: {  	_ =	shalt  }
0x41: {  	_ =	shalt  }
0x42: {  	_ =	shalt  }
0x43: {  	_ =	shalt  }
0x44: {  	_ =	shalt  }
0x45: {  	_ =	shalt  }
0x46: {  	_ =	shalt  }
0x47: {  	_ =	shalt  }
0x48: {  	_ =	shalt  }
0x49: {  	_ =	shalt  }
0x4a: {  	_ =	shalt  }
0x4b: {  	_ =	shalt  }
0x4c: {  	_ =	shalt  }
0x4d: {  	_ =	shalt  }
0x4e: {  	_ =	shalt  }
0x4f: {  	_ =	shalt  }
0x50: {  	_ =	shalt  }
0x51: {  	_ =	shalt  }
0x52: {  	_ =	shalt  }
0x53: {  	_ =	shalt  }
0x54: {  	_ =	shalt  }
0x55: {  	_ =	shalt  }
0x56: {  	_ =	shalt  }
0x57: {  	_ =	shalt  }
0x58: {  	_ =	shalt  }
0x59: {  	_ =	shalt  }
0x5a: {  	_ =	shalt  }
0x5b: {  	_ =	shalt  }
0x5c: {  	_ =	shalt  }
0x5d: {  	_ =	shalt  }
0x5e: {  	_ =	shalt  }
0x5f: {  	_ =	shalt  }
0x60: {  	_ =	shalt  }
0x61: {  	_ =	shalt  }
0x62: {  	_ =	shalt  }
0x63: {  	_ =	shalt  }
0x64: {  	_ =	shalt  }
0x65: {  	_ =	shalt  }
0x66: {  	_ =	shalt  }
0x67: {  	_ =	shalt  }
0x68: {  	_ =	shalt  }
0x69: {  	_ =	shalt  }
0x6a: {  	_ =	shalt  }
0x6b: {  	_ =	shalt  }
0x6c: {  	_ =	shalt  }
0x6d: {  	_ =	shalt  }
0x6e: {  	_ =	shalt  }
0x6f: {  	_ =	shalt  }
0x70: {  	_ =	shalt  }
0x71: {  	_ =	shalt  }
0x72: {  	_ =	shalt  }
0x73: {  	_ =	shalt  }
0x74: {  	_ =	shalt  }
0x75: {  	_ =	shalt  }
0x76: {  	_ =	shalt  }
0x77: {  	_ =	shalt  }
0x78: {  	_ =	shalt  }
0x79: {  	_ =	shalt  }
0x7a: {  	_ =	shalt  }
0x7b: {  	_ =	shalt  }
0x7c: {  	_ =	shalt  }
0x7d: {  	_ =	shalt  }
0x7e: {  	_ =	shalt  }
0x7f: {  	_ =	shalt  }
0x80: {  	_ =	shalt  }
0x81: {  	_ =	shalt  }
0x82: {  	_ =	shalt  }
0x83: {  	_ =	shalt  }
0x84: {  	_ =	shalt  }
0x85: {  	_ =	shalt  }
0x86: {  	_ =	shalt  }
0x87: {  	_ =	shalt  }
.Lfunc_end0:
.L_simem_size_0:
called_computation_lowered:
.L_overlay_start_0:
0x88: {  	s2 =	sld [smem:$0x3FD9]  }
0x89: {  	s3 =	sld [smem:$0x3FFE];
	_ =	sdelay $0x1  }
0x8a: {  	s1 =	srdreg.scid  }
0x8b: {  	s0 =	sand.u32 $0x1, s1  }
0x8c: {  	s17 =	sshll.u32 s0, $0xA;
	s2 =	sadd.s32 s3, s2  }
0x8d: {  	s2 =	sadd.s32 s2, s17  }
0x8e: {  	[smem:$0x3FBC] =	sst s2  }
0x8f: {  	_ = 	snop  }
0x90: {  	s18 =	sld [smem:$0x3FD0];
	(tm) =	ssettm $0x1  }
0x91: {  	s19 =	sld [smem:$0x3FFB];
	_ =	sdelay $0x3  }
0x92: {  	_ =	strace s19  }
0x93: {  	s2 =	sld [smem:$0x3FFC];
	_ =	sdelay $0x3  }
0x94: {  	_ =	strace s2  }
0x95: {  	s2 =	sld [smem:$0x3FFD];
	_ =	sdelay $0x3  }
0x96: {  	_ =	strace s2  }
0x97: {  	_ =	strace $0x8FFFFFFF  }
0x98: {  	s20 =	sld [smem:$0x3FDB];
	_ =	sdelay $0x1  }
0x99: {  	s4 =	simm.s32 $_scs_section_size  }
0x9a: {  	s5 =	simm.s32 $_size__tile_overlayer_lowered;
	s6 =	simm.s32 $_tile_overlayer_lowered  }
0x9b: {  	s7 =	simm.s32 $0x1BFF;
	s21 =	sshll.u32 s6, $0x1;
	s4 =	sadd.s32 s4, s20  }
0x9c: {  	s22 =	simm.s32 $0x0;
	s5 =	sshll.u32 s5, $0x1;
	s6 =	sadd.s32 s21, s4  }
0x9d: {  	[timem:s22], [sflag:s7] =	dma.local [hbm:s6], s5  }
0x9e: {  	_ =	swait.ge [sflag:s7], s5  }
0x9f: {  	s5 =	ssub.s32 $0x0, s5;
	[sflag:s7] =	ssyncset.done $0x0  }
0xa0: {  	[sflag:s7] =	ssyncadd.s32 s5;
	_ =	sdelay $0x1  }
0xa1: {  	s23 =	simm.s32 $0x1B8B  }
0xa2: {  	_ =	swait.ge [sflag:s23], $0x1  }
0xa3: {  	[sflag:s23] =	ssyncset.done $0x0  }
0xa4: {  	[sflag:s23] =	ssyncadd.s32 $0xFFFFFFFF  }
0xa5: {  	s5 =	sld [smem:$0x0]  }
0xa6: {  	s6 =	sand.u32 $0xFFFFFFFE, s1  }
0xa7: {  	p0 =	sne.s32 s1, s6  }
0xa8: {  	s6 =	sshll.u32 @p0 s6, $0xE  }
0xa9: {  	s6 =	sadd.s32 @p0 $0x11B8D, s6;
	s7 =	sshll.u32 @p0 s5, $0x11  }
0xaa: {  	s6 =	sor.u32 @p0 s7, s6  }
0xab: {  	[sflag:s6] =	ssyncadd.remote.s32 @p0 $0x1;
	_ =	sdelay $0x1  }
0xac: {  	s6 =	simm.s32 @p0 $0x1B8D  }
0xad: {  	_ =	swait.eq @p0 [sflag:s6], $0x1  }
0xae: {  	[sflag:s6] =	ssyncadd.s32 @p0 $0xFFFFFFFF  }
0xaf: {  	s7 =	sshll.u32 @!p0 s1, $0xE  }
0xb0: {  	s7 =	sor.u32 @!p0 $0x4000, s7;
	s6 =	simm.s32 @!p0 $0x1B8D  }
0xb1: {  	s5 =	sshll.u32 @!p0 s5, $0x11;
	s7 =	sadd.s32 @!p0 $0x11B8D, s7;
	_ =	swait.eq @!p0 [sflag:s6], $0x1  }
0xb2: {  	s5 =	sor.u32 @!p0 s5, s7;
	[sflag:s6] =	ssyncadd.s32 @!p0 $0xFFFFFFFF  }
0xb3: {  	s25 =	simm.s32 $0x1B8E;
	s24 =	sld [smem:$0x3FFE];
	[sflag:s5] =	ssyncadd.remote.s32 @!p0 $0x1  }
0xb4: {  	s26 =	simm.s32 $execute0_lowered;
	[smem:$0x3FD2] =	sst s25  }
0xb5: {  	s6 =	sshll.u32 s26, $0x1;
	_ =	strace $0x80000049;
	[dreg:$0x1] =	wrdreg $0xFFFFFFFF  }
0xb6: {  	s28 =	simm.s32 $_size_execute0_lowered;
	s4 =	sadd.s32 s4, s6;
	[dreg:$0x0] =	wrdreg $0x0  }
0xb7: {  	s6 =	sshll.u32 s28, $0x1;
	[dreg:$0x2] =	wrdreg s4  }
0xb8: {  	[dreg:$0x3] =	wrdreg s6  }
0xb9: {  	[dreg:$0x4] =	wrdreg $0xC0  }
0xba: {  	_ =	task [dreg:s22], $0x5FFFF  }
0xbb: {  	[dreg:$0x1] =	wrdreg $0xFFFFFFFF  }
0xbc: {  	[dreg:$0x0] =	wrdreg $0x60  }
0xbd: {  	[dreg:$0x2] =	wrdreg s18  }
0xbe: {  	[dreg:$0x3] =	wrdreg s24  }
0xbf: {  	[dreg:$0x4] =	wrdreg $0x24000  }
0xc0: {  	[dreg:$0x5] =	wrdreg $0x9  }
0xc1: {  	_ =	task.clear_ibuf [dreg:s22], $0x6FFFF;
	_ =	strace $0x90000049  }
0xc2: {  	s29 =	simm.s32 $0x9;
	_ =	strace $0x8000004B  }
0xc3: {  	_ =	swait.ge [sflag:s29], $0x1  }
0xc4: {  	[sflag:s29] =	ssyncadd.s32 $0xFFFFFFFF  }
0xc5: {  	_ =	strace $0x9000004B  }
0xc6: {  	_ =	sfence  }
0xc7: {  	s30 =	sld [smem:$0x0];
	_ =	sdelay $0x2  }
0xc8: {  	s31 =	sshll.u32 s1, $0xD;
	s1 =	sshrl.u32 s1, $0x2  }
0xc9: {  	s4 =	sand.u32 $0x4000, s31;
	s1 =	sadd.s32 s1, s30  }
0xca: {  	s0 =	sor.u32 s4, s0;
	s1 =	sshll.u32 s1, $0x11  }
0xcb: {  	s0 =	sor.u32 s1, s0  }
0xcc: {  	s0 =	sadd.s32 $0x8F2B, s0  }
0xcd: {  	[sflag:s0] =	ssyncadd.remote.s32 $0x1  }
0xce: {  	_ =	sfence.sel $0xFFFF  }
0xcf: {  	[dreg:$0x0] =	wrdreg $0xFFFFFFFF;
	(pc) =	sbr.abs _section_cstart, $3  }
0xd0: {  	[dreg:$0x1] =	wrdreg $0xFFFFFFFF  }
0xd1: {  	_ =	task.clear_ibuf [dreg:s22], $0x2FFFF;
	_ =	strace $0x9FFFFFFF  }
0xd2: {  	(tm) =	ssettm $0x7FFFFFFF  }
0xd3: {  	_ =	shalt  }
tec
execute0_lowered:
.L_overlay_start_1:
0x0: {  	(tag) =	ssettag $0x1  }
0x1: {  	s0 =	rddreg [dreg:$0x0]  }
0x2: {  	s3 =	rddreg [dreg:$0x1];
	s2 =	srdreg.scid  }
0x3: {  	s1 =	rddreg [dreg:$0x2];
	s16 =	stileid.u32  }
0x4: {  	s28 =	simm.s32 $0x3;
	s29 =	simm.s32 $0x40;
	s30 =	simm.s32 $0x80  }
0x5: {  	s31 =	simm.s32 $0x1;
	s4 =	sand.u32 $0x1, s2;
	s6 =	smul.u32 $0x14000, s16  }
0x6: {  	s2 =	simm.s32 $0x0;
	s3 =	sadd.s32 $0xA2400, s3;
	s26 =	smul.u32 $0xA000, s16  }
0x7: {  	s5 =	ssub.s32 $0x2, s4;
	[smem:$0x7FF] =	sst s2;
	s10 =	smul.u32 $0x140000, s4  }
0x8: {  	s4 =	smul.u32 $0x5000, s4;
	s7 =	sshrl.u32 s5, $0x1;
	s8 =	sadd.s32 $0x4000, s6  }
0x9: {  	s9 =	sadd.s32 $0x6000, s6;
	s11 =	sadd.s32 $0x8000, s6;
	s12 =	sadd.s32 $0xA000, s6  }
0xa: {  	s21 =	sadd.s32 $0xC000, s6;
	s22 =	sadd.s32 $0xE000, s6;
	s23 =	sadd.s32 $0x10000, s6  }
0xb: {  	s5 =	ssub.s32 s5, s7;
	s7 =	sor.u32 $0x2000, s6;
	s13 =	sadd.s32 s6, s10  }
0xc: {  	s6 =	sadd.s32 $0x12000, s6;
	s17 =	sadd.s32 s10, s8;
	s18 =	sadd.s32 s10, s9  }
0xd: {  	s24 =	sadd.s32 s10, s12;
	s25 =	sadd.s32 s10, s21;
	s13 =	sshrl.u32 s13, $0x3  }
0xe: {  	s4 =	sadd.s32 s4, s26;
	s14 =	sadd.s32 s10, s7;
	s13 =	sadd.s32 s3, s13  }
0xf: {  	s21 =	sadd.s32 s21, s1;
	s14 =	sshrl.u32 s14, $0x3;
	[dreg:$0x4] =	wrdreg s13  }
0x10: {  	s15 =	sadd.s32 s3, s14;
	s13 =	sshrl.u32 s17, $0x3;
	s14 =	sshrl.u32 s18, $0x3  }
0x11: {  	s18 =	sadd.s32 s10, s22;
	s22 =	sadd.s32 s22, s1;
	[dreg:$0x5] =	wrdreg s15  }
0x12: {  	s15 =	sadd.s32 s10, s11;
	s13 =	sadd.s32 s3, s13;
	s19 =	sadd.s32 s3, s14  }
0x13: {  	s14 =	sshrl.u32 s25, $0x3;
	s25 =	sshrl.u32 s4, $0x3;
	[dreg:$0x6] =	wrdreg s13  }
0x14: {  	s4 =	simm.s32 $0x200;
	s15 =	sshrl.u32 s15, $0x3;
	[dreg:$0x7] =	wrdreg s19  }
0x15: {  	s13 =	sshrl.u32 s24, $0x3;
	s17 =	sadd.s32 s3, s14;
	s19 =	sadd.s32 s10, s23  }
0x16: {  	s10 =	sadd.s32 s10, s6;
	s24 =	smul.u32 $0x50000, s16;
	s14 =	sadd.s32 s25, s0  }
0x17: {  	s16 =	sadd.s32 s7, s1;
	s23 =	sadd.s32 s23, s1;
	s25 =	smax.u32 s5, $0x1  }
0x18: {  	s0 =	simm.s32 $0x2;
	s5 =	simm.s32 $0x280;
	s7 =	simm.s32 $0x380  }
0x19: {  	s20 =	sadd.s32 s3, s15;
	s13 =	sadd.s32 s3, s13;
	[dreg:$0xa] =	wrdreg s17  }
0x1a: {  	s10 =	sshrl.u32 s10, $0x3;
	s17 =	sadd.s32 s8, s1;
	[dreg:$0x8] =	wrdreg s20  }
0x1b: {  	s8 =	simm.s32 $0x0;
	[dreg:$0x9] =	wrdreg s13;
	s13 =	sshrl.u32 s18, $0x3  }
0x1c: {  	s20 =	sshrl.u32 s19, $0x3;
	s26 =	sshrl.u32 s24, $0x2;
	s18 =	sadd.s32 s9, s1  }
0x1d: {  	s19 =	sadd.s32 s11, s1;
	s24 =	sadd.s32 s6, s1;
	s13 =	sadd.s32 s3, s13  }
0x1e: {  	s11 =	simm.s32 $0x100;
	[dreg:$0xb] =	wrdreg s13;
	s13 =	sadd.s32 s3, s20  }
0x1f: {  	s6 =	simm.s32 $0x300;
	s3 =	sadd.s32 s3, s10;
	[dreg:$0xc] =	wrdreg s13  }
0x20: {  	s15 =	sadd.s32 s26, s1;
	s26 =	simm.s32 $0x400;
	[dreg:$0xd] =	wrdreg s3  }
0x21: {  	v0 =	vimm.f32 $0.0e+00;
	v1 =	vimm.f32 $1.000000000e+00;
	s20 =	sadd.s32 s12, s1;
	s3 =	simm.s32 $0x180;
	_ =	strace $0x8000004A  }
.LBB2_1:
0x22: {  	s9 =	simm.s32 $0x0;
	s10 =	simm.s32 $0x200  }
.LBB2_2:
0x23: {  	p0 =	sne.s32 s10, $0x7E00;
	[tilespmem:s9+$0x470] =	vst v0  }
0x24: {  	[tilespmem:s9+$0x400] =	vst v0  }
0x25: {  	[tilespmem:s9+$0x410] =	vst v0  }
.Ltmp0:
0x26: {  	[tilespmem:s9+$0x420] =	vst v0;
	(pc) =	sbr.rel @p0 .LBB2_2-.Ltmp0, $4  }
0x27: {  	[tilespmem:s9+$0x430] =	vst v0  }
0x28: {  	[tilespmem:s9+$0x440] =	vst v0  }
0x29: {  	[tilespmem:s9+$0x450] =	vst v0  }
0x2a: {  	[tilespmem:s9+$0x460] =	vst v0;
	s9 =	sshra.s32 s10, $0x2;
	s10 =	sadd.s32 $0x200, s10  }
0x2b: {  	[tilespmem:s9+$0x470] =	vst v0  }
0x2c: {  	[tilespmem:s9+$0x400] =	vst v0  }
0x2d: {  	[tilespmem:s9+$0x410] =	vst v0  }
0x2e: {  	[tilespmem:s9+$0x420] =	vst v0  }
0x2f: {  	[tilespmem:s9+$0x430] =	vst v0  }
0x30: {  	[tilespmem:s9+$0x440] =	vst v0  }
0x31: {  	[tilespmem:s9+$0x450] =	vst v0  }
0x32: {  	[tilespmem:s9+$0x460] =	vst v0  }
0x33: {  	[spmem:s15] =	stream.linear.scatter [tilespmem:s26], [sflag:$0x3], $0x2000, $0x38;
	[tilespmem:$0x16400] =	vst v63  }
0x34: {  	_ =	swait.ge [sflag:s28], $0x2000  }
0x35: {  	[sflag:s28] =	ssyncset.done $0x0  }
0x36: {  	[sflag:s28] =	ssyncadd.s32 $0xFFFFE000  }
0x37: {  	[spmem:s16] =	stream.linear.scatter [tilespmem:s26], [sflag:$0x3], $0x2000, $0x38;
	[tilespmem:$0x16400] =	vst v63  }
0x38: {  	_ =	swait.ge [sflag:s28], $0x2000  }
0x39: {  	[sflag:s28] =	ssyncset.done $0x0  }
0x3a: {  	[sflag:s28] =	ssyncadd.s32 $0xFFFFE000  }
0x3b: {  	[spmem:s17] =	stream.linear.scatter [tilespmem:s26], [sflag:$0x3], $0x2000, $0x38;
	[tilespmem:$0x16400] =	vst v63  }
0x3c: {  	_ =	swait.ge [sflag:s28], $0x2000  }
0x3d: {  	[sflag:s28] =	ssyncset.done $0x0  }
0x3e: {  	[sflag:s28] =	ssyncadd.s32 $0xFFFFE000  }
0x3f: {  	[spmem:s18] =	stream.linear.scatter [tilespmem:s26], [sflag:$0x3], $0x2000, $0x38;
	[tilespmem:$0x16400] =	vst v63  }
0x40: {  	_ =	swait.ge [sflag:s28], $0x2000  }
0x41: {  	[sflag:s28] =	ssyncset.done $0x0  }
0x42: {  	[sflag:s28] =	ssyncadd.s32 $0xFFFFE000  }
0x43: {  	[spmem:s19] =	stream.linear.scatter [tilespmem:s26], [sflag:$0x3], $0x2000, $0x38;
	[tilespmem:$0x16400] =	vst v63  }
0x44: {  	_ =	swait.ge [sflag:s28], $0x2000  }
0x45: {  	[sflag:s28] =	ssyncset.done $0x0  }
0x46: {  	[sflag:s28] =	ssyncadd.s32 $0xFFFFE000  }
0x47: {  	[spmem:s20] =	stream.linear.scatter [tilespmem:s26], [sflag:$0x3], $0x2000, $0x38;
	[tilespmem:$0x16400] =	vst v63  }
0x48: {  	_ =	swait.ge [sflag:s28], $0x2000  }
0x49: {  	[sflag:s28] =	ssyncset.done $0x0  }
0x4a: {  	[sflag:s28] =	ssyncadd.s32 $0xFFFFE000  }
0x4b: {  	[spmem:s21] =	stream.linear.scatter [tilespmem:s26], [sflag:$0x3], $0x2000, $0x38;
	[tilespmem:$0x16400] =	vst v63  }
0x4c: {  	_ =	swait.ge [sflag:s28], $0x2000  }
0x4d: {  	[sflag:s28] =	ssyncset.done $0x0  }
0x4e: {  	[sflag:s28] =	ssyncadd.s32 $0xFFFFE000  }
0x4f: {  	[spmem:s22] =	stream.linear.scatter [tilespmem:s26], [sflag:$0x3], $0x2000, $0x38;
	[tilespmem:$0x16400] =	vst v63  }
0x50: {  	_ =	swait.ge [sflag:s28], $0x2000  }
0x51: {  	[sflag:s28] =	ssyncset.done $0x0  }
0x52: {  	[sflag:s28] =	ssyncadd.s32 $0xFFFFE000  }
0x53: {  	[spmem:s23] =	stream.linear.scatter [tilespmem:s26], [sflag:$0x3], $0x2000, $0x38;
	[tilespmem:$0x16400] =	vst v63  }
0x54: {  	_ =	swait.ge [sflag:s28], $0x2000  }
0x55: {  	[sflag:s28] =	ssyncset.done $0x0  }
0x56: {  	[sflag:s28] =	ssyncadd.s32 $0xFFFFE000  }
0x57: {  	[spmem:s24] =	stream.linear.scatter [tilespmem:s26], [sflag:$0x3], $0x2000, $0x38;
	[tilespmem:$0x16400] =	vst v63  }
0x58: {  	_ =	swait.ge [sflag:s28], $0x2000  }
0x59: {  	[sflag:s28] =	ssyncset.done $0x0  }
0x5a: {  	s9 =	simm.s32 $0x0;
	s10 =	simm.s32 $0x200;
	[sflag:s28] =	ssyncadd.s32 $0xFFFFE000  }
.LBB2_4:
0x5b: {  	p0 =	sne.s32 s10, $0x7E00;
	[tilespmem:s9+$0x470] =	vst v1  }
0x5c: {  	[tilespmem:s9+$0x400] =	vst v1  }
0x5d: {  	[tilespmem:s9+$0x410] =	vst v1  }
.Ltmp1:
0x5e: {  	[tilespmem:s9+$0x420] =	vst v1;
	(pc) =	sbr.rel @p0 .LBB2_4-.Ltmp1, $4  }
0x5f: {  	[tilespmem:s9+$0x430] =	vst v1  }
0x60: {  	[tilespmem:s9+$0x440] =	vst v1  }
0x61: {  	[tilespmem:s9+$0x450] =	vst v1  }
0x62: {  	[tilespmem:s9+$0x460] =	vst v1;
	s9 =	sshra.s32 s10, $0x2;
	s10 =	sadd.s32 $0x200, s10  }
0x63: {  	[tilespmem:s9+$0x470] =	vst v1  }
0x64: {  	[tilespmem:s9+$0x400] =	vst v1  }
0x65: {  	[tilespmem:s9+$0x410] =	vst v1  }
0x66: {  	[tilespmem:s9+$0x420] =	vst v1  }
0x67: {  	[tilespmem:s9+$0x430] =	vst v1  }
0x68: {  	[tilespmem:s9+$0x440] =	vst v1  }
0x69: {  	[tilespmem:s9+$0x450] =	vst v1  }
0x6a: {  	[tilespmem:s9+$0x460] =	vst v1  }
0x6b: {  	s13 =	sadd.s32 $0x0, s14;
	[bflag:$0x0] =	sbarrier.arrive $0xFFFF  }
0x6c: {  	[tilespmem:s2], [sflag:$0x3] =	stream.linear.gather [hbm4b:s13+s2], $0x400, $0x38;
	[tilespmem:$0x16400] =	vst v63  }
0x6d: {  	_ =	swait.ge [sflag:s28], $0x400  }
0x6e: {  	[sflag:s28] =	ssyncset.done $0x0  }
0x6f: {  	[sflag:s28] =	ssyncadd.s32 $0xFFFFFC00  }
0x70: {  	[spmem:s1] =	stream.indirect.scatter.add.f32 [tilespmem:s26], [sflag:$0x1], $0x80, s2, s29, $0xb8;
	[tilespmem:$0x16400] =	vst v63  }
0x71: {  	_ = 	snop  }
0x72: {  	[spmem:s1] =	stream.indirect.scatter.add.f32 [tilespmem:s26], [sflag:$0x2], $0x80, s30, s29, $0xb8;
	[tilespmem:$0x16400] =	vst v63  }
0x73: {  	_ =	swait.ge [sflag:s31], $0x2000  }
0x74: {  	[sflag:s31] =	ssyncset.done $0x0  }
0x75: {  	[sflag:s31] =	ssyncadd.s32 $0xFFFFE000  }
0x76: {  	[spmem:s1] =	stream.indirect.scatter.add.f32 [tilespmem:s26], [sflag:$0x1], $0x80, s11, s29, $0xb8;
	[tilespmem:$0x16400] =	vst v63  }
0x77: {  	_ =	swait.ge [sflag:s0], $0x2000  }
0x78: {  	[sflag:s0] =	ssyncset.done $0x0  }
0x79: {  	[sflag:s0] =	ssyncadd.s32 $0xFFFFE000  }
0x7a: {  	[spmem:s1] =	stream.indirect.scatter.add.f32 [tilespmem:s26], [sflag:$0x2], $0x80, s3, s29, $0xb8;
	[tilespmem:$0x16400] =	vst v63  }
0x7b: {  	_ =	swait.ge [sflag:s31], $0x2000  }
0x7c: {  	[sflag:s31] =	ssyncset.done $0x0  }
0x7d: {  	[sflag:s31] =	ssyncadd.s32 $0xFFFFE000  }
0x7e: {  	[spmem:s1] =	stream.indirect.scatter.add.f32 [tilespmem:s26], [sflag:$0x1], $0x80, s4, s29, $0xb8;
	[tilespmem:$0x16400] =	vst v63  }
0x7f: {  	_ =	swait.ge [sflag:s0], $0x2000  }
0x80: {  	[sflag:s0] =	ssyncset.done $0x0  }
0x81: {  	[sflag:s0] =	ssyncadd.s32 $0xFFFFE000  }
0x82: {  	[spmem:s1] =	stream.indirect.scatter.add.f32 [tilespmem:s26], [sflag:$0x2], $0x80, s5, s29, $0xb8;
	[tilespmem:$0x16400] =	vst v63  }
0x83: {  	_ =	swait.ge [sflag:s31], $0x2000  }
0x84: {  	[sflag:s31] =	ssyncset.done $0x0  }
0x85: {  	[sflag:s31] =	ssyncadd.s32 $0xFFFFE000  }
0x86: {  	[spmem:s1] =	stream.indirect.scatter.add.f32 [tilespmem:s26], [sflag:$0x1], $0x80, s6, s29, $0xb8;
	[tilespmem:$0x16400] =	vst v63  }
0x87: {  	_ =	swait.ge [sflag:s0], $0x2000  }
0x88: {  	[sflag:s0] =	ssyncset.done $0x0  }
0x89: {  	[sflag:s0] =	ssyncadd.s32 $0xFFFFE000  }
0x8a: {  	[spmem:s1] =	stream.indirect.scatter.add.f32 [tilespmem:s26], [sflag:$0x2], $0x80, s7, s29, $0xb8;
	[tilespmem:$0x16400] =	vst v63  }
0x8b: {  	_ =	swait.ge [sflag:s31], $0x2000  }
0x8c: {  	[sflag:s31] =	ssyncset.done $0x0  }
0x8d: {  	[sflag:s31] =	ssyncadd.s32 $0xFFFFE000  }
0x8e: {  	_ =	swait.ge [sflag:s0], $0x2000  }
0x8f: {  	s9 =	simm.s32 $0x80;
	s10 =	simm.s32 $0x100;
	[sflag:s0] =	ssyncset.done $0x0  }
.LBB2_6:
0x90: {  	s13 =	sadd.s32 s9, s14  }
0x91: {  	[sflag:s0] =	ssyncadd.s32 $0xFFFFE000;
	s9 =	smov.u32 s10;
	s12 =	sadd.s32 $0x80, s10  }
0x92: {  	[tilespmem:s2], [sflag:$0x3] =	stream.linear.gather [hbm4b:s13+s2], $0x400, $0x38;
	[tilespmem:$0x16400] =	vst v63  }
0x93: {  	p0 =	sne.s32 s10, $0x980;
	_ =	swait.ge [sflag:s28], $0x400  }
0x94: {  	[sflag:s28] =	ssyncset.done $0x0  }
0x95: {  	[sflag:s28] =	ssyncadd.s32 $0xFFFFFC00  }
0x96: {  	[spmem:s1] =	stream.indirect.scatter.add.f32 [tilespmem:s26], [sflag:$0x1], $0x80, s2, s29, $0xb8;
	[tilespmem:$0x16400] =	vst v63  }
0x97: {  	_ = 	snop  }
0x98: {  	[spmem:s1] =	stream.indirect.scatter.add.f32 [tilespmem:s26], [sflag:$0x2], $0x80, s30, s29, $0xb8;
	[tilespmem:$0x16400] =	vst v63  }
0x99: {  	_ =	swait.ge [sflag:s31], $0x2000  }
0x9a: {  	[sflag:s31] =	ssyncset.done $0x0  }
0x9b: {  	[sflag:s31] =	ssyncadd.s32 $0xFFFFE000  }
0x9c: {  	[spmem:s1] =	stream.indirect.scatter.add.f32 [tilespmem:s26], [sflag:$0x1], $0x80, s11, s29, $0xb8;
	[tilespmem:$0x16400] =	vst v63  }
0x9d: {  	_ =	swait.ge [sflag:s0], $0x2000  }
0x9e: {  	[sflag:s0] =	ssyncset.done $0x0  }
0x9f: {  	[sflag:s0] =	ssyncadd.s32 $0xFFFFE000  }
0xa0: {  	[spmem:s1] =	stream.indirect.scatter.add.f32 [tilespmem:s26], [sflag:$0x2], $0x80, s3, s29, $0xb8;
	[tilespmem:$0x16400] =	vst v63  }
0xa1: {  	_ =	swait.ge [sflag:s31], $0x2000  }
0xa2: {  	[sflag:s31] =	ssyncset.done $0x0  }
0xa3: {  	[sflag:s31] =	ssyncadd.s32 $0xFFFFE000  }
0xa4: {  	[spmem:s1] =	stream.indirect.scatter.add.f32 [tilespmem:s26], [sflag:$0x1], $0x80, s4, s29, $0xb8;
	[tilespmem:$0x16400] =	vst v63  }
0xa5: {  	_ =	swait.ge [sflag:s0], $0x2000  }
0xa6: {  	[sflag:s0] =	ssyncset.done $0x0  }
0xa7: {  	[sflag:s0] =	ssyncadd.s32 $0xFFFFE000  }
0xa8: {  	[spmem:s1] =	stream.indirect.scatter.add.f32 [tilespmem:s26], [sflag:$0x2], $0x80, s5, s29, $0xb8;
	[tilespmem:$0x16400] =	vst v63  }
0xa9: {  	_ =	swait.ge [sflag:s31], $0x2000  }
0xaa: {  	[sflag:s31] =	ssyncset.done $0x0  }
0xab: {  	[sflag:s31] =	ssyncadd.s32 $0xFFFFE000  }
0xac: {  	[spmem:s1] =	stream.indirect.scatter.add.f32 [tilespmem:s26], [sflag:$0x1], $0x80, s6, s29, $0xb8;
	[tilespmem:$0x16400] =	vst v63  }
0xad: {  	_ =	swait.ge [sflag:s0], $0x2000  }
0xae: {  	[sflag:s0] =	ssyncset.done $0x0  }
0xaf: {  	[sflag:s0] =	ssyncadd.s32 $0xFFFFE000  }
0xb0: {  	[spmem:s1] =	stream.indirect.scatter.add.f32 [tilespmem:s26], [sflag:$0x2], $0x80, s7, s29, $0xb8;
	[tilespmem:$0x16400] =	vst v63  }
.Ltmp2:
0xb1: {  	_ =	swait.ge [sflag:s31], $0x2000;
	(pc) =	sbr.rel @p0 .LBB2_6-.Ltmp2, $4  }
0xb2: {  	[sflag:s31] =	ssyncset.done $0x0  }
0xb3: {  	[sflag:s31] =	ssyncadd.s32 $0xFFFFE000  }
0xb4: {  	_ =	swait.ge [sflag:s0], $0x2000  }
0xb5: {  	s10 =	smov.u32 s12;
	[sflag:s0] =	ssyncset.done $0x0  }
0xb6: {  	s9 =	sadd.s32 s9, s14;
	[sflag:s0] =	ssyncadd.s32 $0xFFFFE000  }
0xb7: {  	[tilespmem:s2], [sflag:$0x3] =	stream.linear.gather [hbm4b:s9+s2], $0x400, $0x38;
	[tilespmem:$0x16400] =	vst v63  }
0xb8: {  	_ =	swait.ge [sflag:s28], $0x400  }
0xb9: {  	[sflag:s28] =	ssyncset.done $0x0  }
0xba: {  	[sflag:s28] =	ssyncadd.s32 $0xFFFFFC00  }
0xbb: {  	[spmem:s1] =	stream.indirect.scatter.add.f32 [tilespmem:s26], [sflag:$0x1], $0x80, s2, s29, $0xb8;
	[tilespmem:$0x16400] =	vst v63  }
0xbc: {  	_ = 	snop  }
0xbd: {  	[spmem:s1] =	stream.indirect.scatter.add.f32 [tilespmem:s26], [sflag:$0x2], $0x80, s30, s29, $0xb8;
	[tilespmem:$0x16400] =	vst v63  }
0xbe: {  	_ =	swait.ge [sflag:s31], $0x2000  }
0xbf: {  	[sflag:s31] =	ssyncset.done $0x0  }
0xc0: {  	[sflag:s31] =	ssyncadd.s32 $0xFFFFE000  }
0xc1: {  	[spmem:s1] =	stream.indirect.scatter.add.f32 [tilespmem:s26], [sflag:$0x1], $0x80, s11, s29, $0xb8;
	[tilespmem:$0x16400] =	vst v63  }
0xc2: {  	_ =	swait.ge [sflag:s0], $0x2000  }
0xc3: {  	[sflag:s0] =	ssyncset.done $0x0  }
0xc4: {  	[sflag:s0] =	ssyncadd.s32 $0xFFFFE000  }
0xc5: {  	[spmem:s1] =	stream.indirect.scatter.add.f32 [tilespmem:s26], [sflag:$0x2], $0x80, s3, s29, $0xb8;
	[tilespmem:$0x16400] =	vst v63  }
0xc6: {  	_ =	swait.ge [sflag:s31], $0x2000  }
0xc7: {  	[sflag:s31] =	ssyncset.done $0x0  }
0xc8: {  	[sflag:s31] =	ssyncadd.s32 $0xFFFFE000  }
0xc9: {  	[spmem:s1] =	stream.indirect.scatter.add.f32 [tilespmem:s26], [sflag:$0x1], $0x80, s4, s29, $0xb8;
	[tilespmem:$0x16400] =	vst v63  }
0xca: {  	_ =	swait.ge [sflag:s0], $0x2000  }
0xcb: {  	[sflag:s0] =	ssyncset.done $0x0  }
0xcc: {  	[sflag:s0] =	ssyncadd.s32 $0xFFFFE000  }
0xcd: {  	[spmem:s1] =	stream.indirect.scatter.add.f32 [tilespmem:s26], [sflag:$0x2], $0x80, s5, s29, $0xb8;
	[tilespmem:$0x16400] =	vst v63  }
0xce: {  	_ =	swait.ge [sflag:s31], $0x2000  }
0xcf: {  	[sflag:s31] =	ssyncset.done $0x0  }
0xd0: {  	[sflag:s31] =	ssyncadd.s32 $0xFFFFE000  }
0xd1: {  	[spmem:s1] =	stream.indirect.scatter.add.f32 [tilespmem:s26], [sflag:$0x1], $0x80, s6, s29, $0xb8;
	[tilespmem:$0x16400] =	vst v63  }
0xd2: {  	_ =	swait.ge [sflag:s0], $0x2000  }
0xd3: {  	[sflag:s0] =	ssyncset.done $0x0  }
0xd4: {  	[sflag:s0] =	ssyncadd.s32 $0xFFFFE000  }
0xd5: {  	[spmem:s1] =	stream.indirect.scatter.add.f32 [tilespmem:s26], [sflag:$0x2], $0x80, s7, s29, $0xb8;
	[tilespmem:$0x16400] =	vst v63  }
0xd6: {  	_ =	swait.ge [sflag:s31], $0x2000  }
0xd7: {  	[sflag:s31] =	ssyncset.done $0x0  }
0xd8: {  	[sflag:s31] =	ssyncadd.s32 $0xFFFFE000  }
0xd9: {  	_ =	swait.ge [sflag:s0], $0x2000  }
0xda: {  	[sflag:s0] =	ssyncset.done $0x0  }
0xdb: {  	s10 =	stileid.u32;
	[sflag:s0] =	ssyncadd.s32 $0xFFFFE000  }
0xdc: {  	s9 =	sshll.u32 s10, $0x6;
	[bflag:$0x0] =	sbarrier.arrive $0xFFFF  }
0xdd: {  	s10 =	sshrl.u32 s15, $0x3;
	s9 =	sor.u32 $0x1C03, s9;
	s12 =	rddreg [dreg:$0x4]  }
0xde: {  	[hbm:s12], [sflag:s9] =	dma.local [spmem:s10], $0x400  }
0xdf: {  	_ =	swait.ge [sflag:s28], $0x400  }
0xe0: {  	[sflag:s28] =	ssyncset.done $0x0  }
0xe1: {  	s12 =	sshrl.u32 s16, $0x3;
	s13 =	rddreg [dreg:$0x5];
	[sflag:s28] =	ssyncadd.s32 $0xFFFFFC00  }
0xe2: {  	[hbm:s13], [sflag:s9] =	dma.local [spmem:s12], $0x400  }
0xe3: {  	_ =	swait.ge [sflag:s28], $0x400  }
0xe4: {  	[sflag:s28] =	ssyncset.done $0x0  }
0xe5: {  	s12 =	sshrl.u32 s17, $0x3;
	s13 =	rddreg [dreg:$0x6];
	[sflag:s28] =	ssyncadd.s32 $0xFFFFFC00  }
0xe6: {  	[hbm:s13], [sflag:s9] =	dma.local [spmem:s12], $0x400  }
0xe7: {  	_ =	swait.ge [sflag:s28], $0x400  }
0xe8: {  	[sflag:s28] =	ssyncset.done $0x0  }
0xe9: {  	s12 =	sshrl.u32 s18, $0x3;
	s13 =	rddreg [dreg:$0x7];
	[sflag:s28] =	ssyncadd.s32 $0xFFFFFC00  }
0xea: {  	[hbm:s13], [sflag:s9] =	dma.local [spmem:s12], $0x400  }
0xeb: {  	_ =	swait.ge [sflag:s28], $0x400  }
0xec: {  	[sflag:s28] =	ssyncset.done $0x0  }
0xed: {  	s12 =	sshrl.u32 s19, $0x3;
	s13 =	rddreg [dreg:$0x8];
	[sflag:s28] =	ssyncadd.s32 $0xFFFFFC00  }
0xee: {  	[hbm:s13], [sflag:s9] =	dma.local [spmem:s12], $0x400  }
0xef: {  	_ =	swait.ge [sflag:s28], $0x400  }
0xf0: {  	[sflag:s28] =	ssyncset.done $0x0  }
0xf1: {  	s12 =	sshrl.u32 s20, $0x3;
	s13 =	rddreg [dreg:$0x9];
	[sflag:s28] =	ssyncadd.s32 $0xFFFFFC00  }
0xf2: {  	[hbm:s13], [sflag:s9] =	dma.local [spmem:s12], $0x400  }
0xf3: {  	_ =	swait.ge [sflag:s28], $0x400  }
0xf4: {  	[sflag:s28] =	ssyncset.done $0x0  }
0xf5: {  	s12 =	sshrl.u32 s21, $0x3;
	s13 =	rddreg [dreg:$0xa];
	[sflag:s28] =	ssyncadd.s32 $0xFFFFFC00  }
0xf6: {  	[hbm:s13], [sflag:s9] =	dma.local [spmem:s12], $0x400  }
0xf7: {  	_ =	swait.ge [sflag:s28], $0x400  }
0xf8: {  	[sflag:s28] =	ssyncset.done $0x0  }
0xf9: {  	s12 =	sshrl.u32 s22, $0x3;
	s13 =	rddreg [dreg:$0xb];
	[sflag:s28] =	ssyncadd.s32 $0xFFFFFC00  }
0xfa: {  	[hbm:s13], [sflag:s9] =	dma.local [spmem:s12], $0x400  }
0xfb: {  	_ =	swait.ge [sflag:s28], $0x400  }
0xfc: {  	[sflag:s28] =	ssyncset.done $0x0  }
0xfd: {  	s12 =	sshrl.u32 s23, $0x3;
	s13 =	rddreg [dreg:$0xc];
	[sflag:s28] =	ssyncadd.s32 $0xFFFFFC00  }
0xfe: {  	[hbm:s13], [sflag:s9] =	dma.local [spmem:s12], $0x400  }
0xff: {  	s8 =	sadd.s32 $0x1, s8;
	_ =	swait.ge [sflag:s28], $0x400  }
0x100: {  	p0 =	sne.s32 s8, s25;
	s12 =	sshrl.u32 s24, $0x3;
	[sflag:s28] =	ssyncset.done $0x0  }
.Ltmp3:
0x101: {  	s13 =	rddreg [dreg:$0xd];
	[sflag:s28] =	ssyncadd.s32 $0xFFFFFC00;
	(pc) =	sbr.rel @p0 .LBB2_1-.Ltmp3, $4  }
0x102: {  	[hbm:s13], [sflag:s9] =	dma.local [spmem:s12], $0x400  }
0x103: {  	_ =	swait.ge [sflag:s28], $0x400  }
0x104: {  	[sflag:s28] =	ssyncset.done $0x0  }
0x105: {  	[sflag:s28] =	ssyncadd.s32 $0xFFFFFC00  }
0x106: {  	_ =	sfence.sel $0x180000  }
0x107: {  	[bflag:$0x0] =	sbarrier.arrive $0xFFFF  }
0x108: {  	_ =	strace $0x9000004A  }
0x109: {  	s0 =	stileid.u32;
	[bflag:$0x2] =	sbarrier.arrive $0xFFFF  }
0x10a: {  	p0 =	sne.s32 s0, $0x0;
	s0 =	rddreg [dreg:$0x3]  }
0x10b: {  	s0 =	sadd.s32 @!p0 $0x100000, s0  }
0x10c: {  	[sflag:s0] =	ssyncadd.tile.s32 @!p0 $0x1;
	_ =	shalt  }
.Lfunc_end2:
_tile_overlayer_lowered:
.L_overlay_start_2:
0x10d: {  	(tag) =	ssettag $0x2  }
0x10e: {  	s0 =	rddreg [dreg:$0x0];
	s2 =	stileid.u32  }
0x10f: {  	s1 =	rddreg [dreg:$0x1];
	p0 =	sne.s32 s2, $0x0  }
0x110: {  	s3 =	rddreg [dreg:$0x2];
	[bflag:$0x3] =	sbarrier.arrive $0xFFFF;
	s2 =	simm.s32 @!p0 $0x1C03  }
0x111: {  	[timem:s3], [sflag:s2] =	dma.local @!p0 [hbm:s0], s1  }
0x112: {  	s0 =	simm.s32 @!p0 $0x3  }
0x113: {  	_ =	swait.ge @!p0 [sflag:s0], s1  }
0x114: {  	s1 =	ssub.s32 @!p0 $0x0, s1;
	[sflag:s0] =	ssyncset.done @!p0 $0x0  }
0x115: {  	[sflag:s0] =	ssyncadd.s32 @!p0 s1  }
0x116: {  	[bflag:$0x3] =	sbarrier.arrive $0xFFFF  }
0x117: {  	_ =	shalt  }

</sc_bundles>
